<compile_context>
chip_gen: v7x
topology: tpu7x:2x2x1
jax: 0.10.2.dev20260603
libtpu: 0.0.44.dev20260713+nightly
codegen_flags: <defaults>
</compile_context>

<pallas_src>
import functools

import jax
import jax.numpy as jnp
from jax import lax
from jax.experimental import pallas as pl
from jax.experimental.pallas import tpu as pltpu
from jax.experimental.pallas import tpu_sc as plsc

N = 10000
E_PP = 320000
F_IN = 128
F_OUT = 16
H = 4
FH = H * F_OUT
PK = 80
SEQ = 5
NP_ = N // SEQ
NOD = 500
ESEL = 8000

NCORES = 2
NSUB = 16
CHUNK = 128
CH_PER_TILE = 81
BLKCH = 9
EW = 16
E_PAD = NCORES * NSUB * CH_PER_TILE * CHUNK
NROW = 10240
RPT = NROW // NSUB


def _p1_body(emb_ref, w_ref, al_ref, ar_ref, packed_ref, er_ref):
    feat = jnp.dot(emb_ref[...], w_ref[...], preferred_element_type=jnp.float32)
    el = jnp.dot(feat, al_ref[...], preferred_element_type=jnp.float32)
    er = jnp.dot(feat, ar_ref[...], preferred_element_type=jnp.float32)
    z = jnp.zeros((feat.shape[0], PK - FH - H), jnp.float32)
    packed_ref[...] = jnp.concatenate([feat, el, z], axis=1)
    zr = jnp.zeros((feat.shape[0], EW - H), jnp.float32)
    er_ref[...] = jnp.concatenate([er, zr], axis=1)


def _p1(embedding, gat_W, Al, Ar):
    blk = 2000
    return pl.pallas_call(
        _p1_body,
        grid=(N // blk,),
        in_specs=[
            pl.BlockSpec((blk, F_IN), lambda i: (i, 0)),
            pl.BlockSpec((F_IN, FH), lambda i: (0, 0)),
            pl.BlockSpec((FH, H), lambda i: (0, 0)),
            pl.BlockSpec((FH, H), lambda i: (0, 0)),
        ],
        out_specs=[
            pl.BlockSpec((blk, PK), lambda i: (i, 0)),
            pl.BlockSpec((blk, EW), lambda i: (i, 0)),
        ],
        out_shape=[
            jax.ShapeDtypeStruct((N, PK), jnp.float32),
            jax.ShapeDtypeStruct((N, EW), jnp.float32),
        ],
    )(embedding, gat_W, Al, Ar)


def _p2_body(packed_hbm, er_hbm, src_hbm, dst_hbm, z64_hbm, z4_hbm,
             acc_out, exs_out,
             idx_sblk, idx_dblk, Ga, Gb, ERa, ERb,
             G64, EXR, acc_sh, exs_sh, sema, semb):
    cid = lax.axis_index("c")
    sid = lax.axis_index("s")

    pltpu.sync_copy(z64_hbm.at[pl.ds(sid * RPT, RPT), :],
                    acc_sh.at[pl.ds(sid * RPT, RPT), :])
    pltpu.sync_copy(z4_hbm.at[pl.ds(sid * RPT, RPT), :],
                    exs_sh.at[pl.ds(sid * RPT, RPT), :])

    def zr_body(r, carry):
        EXR[r, :] = jnp.zeros((EW,), jnp.float32)
        return carry

    lax.fori_loop(0, CHUNK, zr_body, 0)
    plsc.subcore_barrier()

    tile = cid * NSUB + sid
    row0 = tile * CH_PER_TILE
    lanes = lax.iota(jnp.int32, 16)

    def load_start(k, G, ER, sem):
        pltpu.async_copy(packed_hbm.at[idx_sblk.at[k]], G, sem)
        pltpu.async_copy(er_hbm.at[idx_dblk.at[k]], ER, sem)

    def wait_g(k, G, ER, sem):
        pltpu.make_async_copy(packed_hbm.at[idx_sblk.at[k]], G, sem).wait()
        pltpu.make_async_copy(er_hbm.at[idx_dblk.at[k]], ER, sem).wait()

    def compute_scatter(idx_d, G, ER):
        def grp_body(g, carry2):
            j = g * 16 + lanes
            for h in range(H):
                col = jnp.full((16,), FH + h, jnp.int32)
                elv = plsc.load_gather(G, [j, col])
                erv = plsc.load_gather(ER, [j, jnp.full((16,), h, jnp.int32)])
                s = elv + erv
                e = jnp.where(s > 0.0, s, 0.2 * s)
                ex = jnp.exp(e)
                plsc.store_scatter(EXR, [j, jnp.full((16,), h, jnp.int32)], ex)
                for cc in range(F_OUT):
                    fc = jnp.full((16,), h * F_OUT + cc, jnp.int32)
                    v = plsc.load_gather(G, [j, fc]) * ex
                    plsc.store_scatter(G64, [j, fc], v)
            return carry2

        lax.fori_loop(0, CHUNK // 16, grp_body, 0)
        pltpu.sync_copy(G64, acc_sh.at[idx_d], add=True)
        pltpu.sync_copy(EXR, exs_sh.at[idx_d], add=True)

    def blk_body(b, carry):
        pltpu.sync_copy(src_hbm.at[pl.ds(row0 + b * BLKCH, BLKCH), :], idx_sblk)
        pltpu.sync_copy(dst_hbm.at[pl.ds(row0 + b * BLKCH, BLKCH), :], idx_dblk)
        load_start(0, Ga, ERa, sema)

        def pair_body(p, carry2):
            c0 = 2 * p
            load_start(c0 + 1, Gb, ERb, semb)
            wait_g(c0, Ga, ERa, sema)
            compute_scatter(idx_dblk.at[c0], Ga, ERa)
            load_start(c0 + 2, Ga, ERa, sema)
            wait_g(c0 + 1, Gb, ERb, semb)
            compute_scatter(idx_dblk.at[c0 + 1], Gb, ERb)
            return carry2

        lax.fori_loop(0, (BLKCH - 1) // 2, pair_body, 0)
        wait_g(BLKCH - 1, Ga, ERa, sema)
        compute_scatter(idx_dblk.at[BLKCH - 1], Ga, ERa)
        return carry

    lax.fori_loop(0, CH_PER_TILE // BLKCH, blk_body, 0)
    plsc.subcore_barrier()
    pltpu.sync_copy(acc_sh.at[pl.ds(sid * RPT, RPT), :],
                    acc_out.at[cid, pl.ds(sid * RPT, RPT), :])
    pltpu.sync_copy(exs_sh.at[pl.ds(sid * RPT, RPT), :],
                    exs_out.at[cid, pl.ds(sid * RPT, RPT), :])


def _p2(packed, er, src_pad, dst_pad, zeros64, zeros4):
    mesh = plsc.VectorSubcoreMesh(core_axis_name="c", subcore_axis_name="s",
                                  num_cores=NCORES)
    kern = functools.partial(
        pl.kernel,
        mesh=mesh,
        compiler_params=pltpu.CompilerParams(needs_layout_passes=False,
                                              use_tc_tiling_on_sc=False),
        out_type=[
            jax.ShapeDtypeStruct((NCORES, NROW, FH), jnp.float32),
            jax.ShapeDtypeStruct((NCORES, NROW, EW), jnp.float32),
        ],
        scratch_types=[
            pltpu.VMEM((BLKCH, CHUNK), jnp.int32),
            pltpu.VMEM((BLKCH, CHUNK), jnp.int32),
            pltpu.VMEM((CHUNK, PK), jnp.float32),
            pltpu.VMEM((CHUNK, PK), jnp.float32),
            pltpu.VMEM((CHUNK, EW), jnp.float32),
            pltpu.VMEM((CHUNK, EW), jnp.float32),
            pltpu.VMEM((CHUNK, FH), jnp.float32),
            pltpu.VMEM((CHUNK, EW), jnp.float32),
            pltpu.VMEM_SHARED((NROW, FH), jnp.float32),
            pltpu.VMEM_SHARED((NROW, EW), jnp.float32),
            pltpu.SemaphoreType.DMA,
            pltpu.SemaphoreType.DMA,
        ],
    )(_p2_body)
    return kern(packed, er, src_pad.reshape(-1, CHUNK),
                dst_pad.reshape(-1, CHUNK), zeros64, zeros4)


def _p3_body(acc_ref, exs_ref, f_ref, bias_ref, rst_ref):
    a = jnp.sum(acc_ref[...], axis=0)
    s = jnp.sum(exs_ref[...], axis=0)
    d = jnp.dot(s, f_ref[...], preferred_element_type=jnp.float32)
    rst_ref[...] = a / d + bias_ref[...]


def _p3(acc2, exs2, Fexp, bias):
    blk = 2000
    return pl.pallas_call(
        _p3_body,
        grid=(N // blk,),
        in_specs=[
            pl.BlockSpec((NCORES, blk, FH), lambda i: (0, i, 0)),
            pl.BlockSpec((NCORES, blk, EW), lambda i: (0, i, 0)),
            pl.BlockSpec((EW, FH), lambda i: (0, 0)),
            pl.BlockSpec((1, FH), lambda i: (0, 0)),
        ],
        out_specs=pl.BlockSpec((blk, FH), lambda i: (i, 0)),
        out_shape=jax.ShapeDtypeStruct((N, FH), jnp.float32),
    )(acc2, exs2, Fexp, bias)


def _p4_body(gat_ref, ssc_ref, ssr_ref, sdc_ref, sdr_ref, od_ref,
             lt_ref, *wb_refs):
    mlp = wb_refs[:14]
    pf_ref, sp_ref = wb_refs[14], wb_refs[15]
    g = gat_ref[...]
    h = g
    for i in range(7):
        h = jnp.dot(h, mlp[2 * i][...], preferred_element_type=jnp.float32)
        h = h + mlp[2 * i + 1][...]
        if i < 6:
            h = jnp.maximum(h, 0.0)
    score = h + jnp.dot(g, lt_ref[...], preferred_element_type=jnp.float32)

    nch = 4
    ce = ESEL // nch
    exs = []
    s_od = jnp.zeros((NOD, 1), jnp.float32)
    for c in range(nch):
        sc = ssc_ref[pl.ds(c * ce, ce), :]
        oh_src = (jnp.broadcast_to(sc, (ce, NP_)) ==
                  lax.broadcasted_iota(jnp.int32, (ce, NP_), 1)).astype(jnp.float32)
        he = jnp.dot(oh_src, score, preferred_element_type=jnp.float32)
        ex = jnp.exp(he)
        exs.append(ex)
        dr = sdr_ref[:, pl.ds(c * ce, ce)]
        oh_odT = (lax.broadcasted_iota(jnp.int32, (NOD, ce), 0) ==
                  jnp.broadcast_to(dr, (NOD, ce))).astype(jnp.float32)
        s_od = s_od + jnp.dot(oh_odT, ex, preferred_element_type=jnp.float32)

    pf = jnp.zeros((NP_, 1), jnp.float32)
    for c in range(nch):
        dc = sdc_ref[pl.ds(c * ce, ce), :]
        oh_od = (jnp.broadcast_to(dc, (ce, NOD)) ==
                 lax.broadcasted_iota(jnp.int32, (ce, NOD), 1)).astype(jnp.float32)
        denom = jnp.dot(oh_od, s_od, preferred_element_type=jnp.float32)
        prob = exs[c] / denom
        sp_ref[pl.ds(c * ce, ce), :] = prob
        odn = jnp.dot(oh_od, od_ref[...], preferred_element_type=jnp.float32)
        sr = ssr_ref[:, pl.ds(c * ce, ce)]
        oh_srcT = (lax.broadcasted_iota(jnp.int32, (NP_, ce), 0) ==
                   jnp.broadcast_to(sr, (NP_, ce))).astype(jnp.float32)
        pf = pf + jnp.dot(oh_srcT, odn * prob, preferred_element_type=jnp.float32)
    pf_ref[...] = pf


def _p4(gatEmb, ssc, ssr, sdc, sdr, odNum, lt_W, mlp_wb):
    return pl.pallas_call(
        _p4_body,
        out_shape=[
            jax.ShapeDtypeStruct((NP_, 1), jnp.float32),
            jax.ShapeDtypeStruct((ESEL, 1), jnp.float32),
        ],
    )(gatEmb, ssc, ssr, sdc, sdr, odNum, lt_W, *mlp_wb)


@jax.jit
def kernel(embedding, edge_index, sel_src_path, sel_dst_od, odNum, gat_W,
           attn_l, attn_r, gat_bias, mlp_W0, mlp_b0, mlp_W1, mlp_b1, mlp_W2,
           mlp_b2, mlp_W3, mlp_b3, mlp_W4, mlp_b4, mlp_W5, mlp_b5, mlp_W6,
           mlp_b6, lt_W):
    f32 = jnp.float32
    hh = jnp.arange(FH, dtype=jnp.int32) // F_OUT
    sel = (hh[:, None] == jnp.arange(H, dtype=jnp.int32)[None, :]).astype(f32)
    Al = sel * attn_l.reshape(FH)[:, None]
    Ar = sel * attn_r.reshape(FH)[:, None]

    packed, er = _p1(embedding, gat_W, Al, Ar)
    er = jnp.concatenate([er, jnp.zeros((NROW - N, EW), f32)], axis=0)

    loop = jnp.arange(N, dtype=jnp.int32)
    npad = E_PAD - E_PP - N
    src_pad = jnp.concatenate([edge_index[0], loop, jnp.zeros((npad,), jnp.int32)])
    dst_pad = jnp.concatenate([edge_index[1], loop, jnp.full((npad,), N, jnp.int32)])
    zeros64 = jnp.zeros((NROW, FH), f32)
    zeros4 = jnp.zeros((NROW, EW), f32)

    acc2, exs2 = _p2(packed, er, src_pad, dst_pad, zeros64, zeros4)

    Fexp = (jnp.arange(EW, dtype=jnp.int32)[:, None] == hh[None, :]).astype(f32)
    rst = _p3(acc2, exs2, Fexp, gat_bias.reshape(1, FH))

    gatEmb = rst.reshape(NP_, FH * SEQ)
    mlp_wb = [mlp_W0, mlp_b0.reshape(1, -1), mlp_W1, mlp_b1.reshape(1, -1),
              mlp_W2, mlp_b2.reshape(1, -1), mlp_W3, mlp_b3.reshape(1, -1),
              mlp_W4, mlp_b4.reshape(1, -1), mlp_W5, mlp_b5.reshape(1, -1),
              mlp_W6, mlp_b6.reshape(1, -1)]
    predFlow, selectProb = _p4(
        gatEmb,
        sel_src_path.reshape(ESEL, 1), sel_src_path.reshape(1, ESEL),
        sel_dst_od.reshape(ESEL, 1), sel_dst_od.reshape(1, ESEL),
        odNum, lt_W, mlp_wb)
    return predFlow, selectProb

# --- scband reference (transcript-rebuilt; emitter-appended) ---
"""Pipeline reference for scband-route-learning-model-44306882625963 (READ-ONLY COPY).

The authoritative reference and input builder live on the scoring server;
editing this copy changes nothing except your own understanding.
"""

import jax, jax.numpy as jnp
import numpy as np

N_NODES = 10000
E_PP = 320000
IN_FEATS = 128
OUT_FEATS = 16
HEADS = 4
SEQ = 5
N_PATHS = N_NODES // SEQ
N_OD = 500
E_SEL = 8000
MLP_DIMS = [OUT_FEATS * HEADS * SEQ, 180, 150, 128, 80, 64, 32, 1]


def setup_inputs(seed: int = 0):
    key = jax.random.key(seed)
    ks = jax.random.split(key, 40)
    inp = {}
    inp['embedding'] = jax.random.normal(ks[0], (N_NODES, IN_FEATS), dtype=jnp.float32)
    inp['edge_index'] = jax.random.randint(ks[1], (2, E_PP), 0, N_NODES, dtype=jnp.int32)
    inp['sel_src_path'] = jax.random.randint(ks[2], (E_SEL,), 0, N_PATHS, dtype=jnp.int32)
    inp['sel_dst_od'] = jax.random.randint(ks[3], (E_SEL,), 0, N_OD, dtype=jnp.int32)
    inp['odNum'] = jax.random.uniform(ks[4], (N_OD, 1), dtype=jnp.float32)
    inp['gat_W'] = jax.random.normal(ks[5], (IN_FEATS, HEADS * OUT_FEATS), dtype=jnp.float32) * 0.05
    inp['attn_l'] = jax.random.normal(ks[6], (HEADS, OUT_FEATS), dtype=jnp.float32) * 0.05
    inp['attn_r'] = jax.random.normal(ks[7], (HEADS, OUT_FEATS), dtype=jnp.float32) * 0.05
    inp['gat_bias'] = jnp.zeros((HEADS * OUT_FEATS,), dtype=jnp.float32)
    for i in range(7):
        inp['mlp_W%d' % i] = jax.random.normal(ks[8 + i], (MLP_DIMS[i], MLP_DIMS[i + 1]), dtype=jnp.float32) * (1.0 / np.sqrt(MLP_DIMS[i]))
        inp['mlp_b%d' % i] = jnp.zeros((MLP_DIMS[i + 1],), dtype=jnp.float32)
    inp['lt_W'] = jax.random.normal(ks[20], (MLP_DIMS[0], 1), dtype=jnp.float32) * 0.05
    return inp


def _segment_softmax(e, seg, num):
    m = jax.ops.segment_max(e, seg, num_segments=num)
    m = jax.lax.stop_gradient(jnp.where(jnp.isfinite(m), m, 0.0))
    ex = jnp.exp(e - m[seg])
    s = jax.ops.segment_sum(ex, seg, num_segments=num)
    return ex / s[seg]


def _forward(embedding, odNum, gat_W, attn_l, attn_r, gat_bias, mlp_Ws, mlp_bs, lt_W, edge_index, sel_src_path, sel_dst_od):
    # dgl.add_self_loop on metapath-reachable homogeneous path-link graph
    loop = jnp.arange(N_NODES, dtype=edge_index.dtype)
    src = jnp.concatenate([edge_index[0], loop])
    dst = jnp.concatenate([edge_index[1], loop])
    # GATConv (allow_zero_in_degree): shared src/dst projection
    feat = (embedding @ gat_W).reshape(N_NODES, HEADS, OUT_FEATS)
    el = (feat * attn_l[None]).sum(-1)  # [N, H]
    er = (feat * attn_r[None]).sum(-1)  # [N, H]
    e = jax.nn.leaky_relu(el[src] + er[dst], negative_slope=0.2)  # [E, H]
    alpha = _segment_softmax(e, dst, N_NODES)  # edge_softmax over dst
    rst = jax.ops.segment_sum(feat[src] * alpha[..., None], dst, num_segments=N_NODES)
    rst = rst.reshape(N_NODES, HEADS * OUT_FEATS) + gat_bias[None, :]
    # view(-1, out_feats*num_heads*seq_max_len)
    gatEmb = rst.reshape(N_PATHS, HEADS * OUT_FEATS * SEQ)
    h = gatEmb
    for i in range(7):
        h = h @ mlp_Ws[i] + mlp_bs[i]
        if i < 6:
            h = jax.nn.relu(h)
    wx = gatEmb @ lt_W
    score = h + wx  # path node data 'gatEmb', shape [N_PATHS, 1]
    # od2PathNumModel: copy src path score onto select- edges, edge_softmax per od dst
    he = score[sel_src_path]  # [E_SEL, 1]
    selectProb = _segment_softmax(he, sel_dst_od, N_OD)  # [E_SEL, 1]
    # select+ edges (od -> path) are reverses of select-; u_mul_e(odNum, selectProb) then sum per path
    predFlow = jax.ops.segment_sum(odNum[sel_dst_od] * selectProb, sel_src_path, num_segments=N_PATHS)
    return predFlow, selectProb


def reference(embedding, edge_index, sel_src_path, sel_dst_od, odNum, gat_W, attn_l, attn_r, gat_bias, mlp_W0, mlp_b0, mlp_W1, mlp_b1, mlp_W2, mlp_b2, mlp_W3, mlp_b3, mlp_W4, mlp_b4, mlp_W5, mlp_b5, mlp_W6, mlp_b6, lt_W):
    mlp_Ws = [mlp_W0, mlp_W1, mlp_W2, mlp_W3, mlp_W4, mlp_W5, mlp_W6]
    mlp_bs = [mlp_b0, mlp_b1, mlp_b2, mlp_b3, mlp_b4, mlp_b5, mlp_b6]
    return _forward(embedding, odNum, gat_W, attn_l, attn_r, gat_bias, mlp_Ws, mlp_bs, lt_W, edge_index, sel_src_path, sel_dst_od)


if False:  # reference __main__ guard neutralized (emitter)
    out = reference(**setup_inputs())
    print(out[0].shape, out[1].shape)

if __name__ == "__main__":
    import jax
    _d = setup_inputs()
    print(jax.jit(kernel)(*tuple(_d.values())))

</pallas_src>

<mosaic_0001>
#map = affine_map<(d0, d1) -> (0, 0)>
#map1 = affine_map<(d0, d1) -> (0, 0, 0)>
module attributes {stable_mosaic.version = 14 : i64} {
  func.func @_p2_body(%arg0: i32, %arg1: i32, %arg2: memref<10000x80xf32, #tpu.memory_space<hbm>>, %arg3: memref<10240x16xf32, #tpu.memory_space<hbm>>, %arg4: memref<2592x128xi32, #tpu.memory_space<hbm>>, %arg5: memref<2592x128xi32, #tpu.memory_space<hbm>>, %arg6: memref<10240x64xf32, #tpu.memory_space<hbm>>, %arg7: memref<10240x16xf32, #tpu.memory_space<hbm>>, %arg8: memref<2x10240x64xf32, #tpu.memory_space<hbm>>, %arg9: memref<2x10240x16xf32, #tpu.memory_space<hbm>>, %arg10: memref<9x128xi32, #tpu.memory_space<vmem>>, %arg11: memref<9x128xi32, #tpu.memory_space<vmem>>, %arg12: memref<128x80xf32, #tpu.memory_space<vmem>>, %arg13: memref<128x80xf32, #tpu.memory_space<vmem>>, %arg14: memref<128x16xf32, #tpu.memory_space<vmem>>, %arg15: memref<128x16xf32, #tpu.memory_space<vmem>>, %arg16: memref<128x64xf32, #tpu.memory_space<vmem>>, %arg17: memref<128x16xf32, #tpu.memory_space<vmem>>, %arg18: memref<10240x64xf32, #tpu.memory_space<vmem_shared>>, %arg19: memref<10240x16xf32, #tpu.memory_space<vmem_shared>>, %arg20: memref<!tpu.dma_semaphore, #tpu.memory_space<semaphore_mem>>, %arg21: memref<!tpu.dma_semaphore, #tpu.memory_space<semaphore_mem>>) attributes {dimension_semantics = [#tpu.dimension_semantics<core_parallel>, #tpu.dimension_semantics<subcore_parallel>], iteration_bounds = array<i64: 2, 16>, scalar_prefetch = 0 : i64, scratch_operands = 12 : i64, tpu.core_type = #tpu.core_type<sc_vector_subcore>, window_params = [{transform_indices = #map}, {transform_indices = #map}, {transform_indices = #map}, {transform_indices = #map}, {transform_indices = #map}, {transform_indices = #map}, {transform_indices = #map1}, {transform_indices = #map1}]} {
    %mul3A = arith.constant 640 : i32
    %mul3A_0 = arith.muli %arg1, %mul3A : i32
    %mul3A_1 = arith.constant 640 : i32
    %mul3A_2 = arith.muli %arg1, %mul3A_1 : i32
    "tpu.region"() ({
      %run_scoped3A = tpu.sem_alloc : memref<!tpu.dma_semaphore, #tpu.memory_space<semaphore_mem>>
      %dma_start3A = arith.constant 0 : i32
      %dma_start3A_31 = tpu.memref_slice %arg18[%mul3A_2, %dma_start3A] : memref<10240x64xf32, #tpu.memory_space<vmem_shared>> -> memref<640x64xf32, #tpu.memory_space<vmem_shared>>
      %dma_start3A_32 = arith.constant 0 : i32
      %dma_start3A_33 = tpu.memref_slice %arg6[%mul3A_0, %dma_start3A_32] : memref<10240x64xf32, #tpu.memory_space<hbm>> -> memref<640x64xf32, #tpu.memory_space<hbm>>
      tpu.enqueue_dma source(%dma_start3A_33 : memref<640x64xf32, #tpu.memory_space<hbm>>) target(%dma_start3A_31 : memref<640x64xf32, #tpu.memory_space<vmem_shared>>) target_semaphore(%run_scoped3A : memref<!tpu.dma_semaphore, #tpu.memory_space<semaphore_mem>>)
      %dma_wait3A = arith.constant 0 : i32
      %dma_wait3A_34 = tpu.memref_slice %arg18[%mul3A_2, %dma_wait3A] : memref<10240x64xf32, #tpu.memory_space<vmem_shared>> -> memref<640x64xf32, #tpu.memory_space<vmem_shared>>
      %dma_wait3A_35 = arith.constant 0 : i32
      %dma_wait3A_36 = tpu.memref_slice %arg6[%mul3A_0, %dma_wait3A_35] : memref<10240x64xf32, #tpu.memory_space<hbm>> -> memref<640x64xf32, #tpu.memory_space<hbm>>
      tpu.wait_dma2 semaphore(%run_scoped3A : memref<!tpu.dma_semaphore, #tpu.memory_space<semaphore_mem>>) src(%dma_wait3A_36 : memref<640x64xf32, #tpu.memory_space<hbm>>) dst(%dma_wait3A_34 : memref<640x64xf32, #tpu.memory_space<vmem_shared>>)
      tpu.yield
    }) : () -> ()
    %mul3A_3 = arith.constant 640 : i32
    %mul3A_4 = arith.muli %arg1, %mul3A_3 : i32
    %mul3A_5 = arith.constant 640 : i32
    %mul3A_6 = arith.muli %arg1, %mul3A_5 : i32
    "tpu.region"() ({
      %run_scoped3A = tpu.sem_alloc : memref<!tpu.dma_semaphore, #tpu.memory_space<semaphore_mem>>
      %dma_start3A = arith.constant 0 : i32
      %dma_start3A_31 = tpu.memref_slice %arg19[%mul3A_6, %dma_start3A] : memref<10240x16xf32, #tpu.memory_space<vmem_shared>> -> memref<640x16xf32, #tpu.memory_space<vmem_shared>>
      %dma_start3A_32 = arith.constant 0 : i32
      %dma_start3A_33 = tpu.memref_slice %arg7[%mul3A_4, %dma_start3A_32] : memref<10240x16xf32, #tpu.memory_space<hbm>> -> memref<640x16xf32, #tpu.memory_space<hbm>>
      tpu.enqueue_dma source(%dma_start3A_33 : memref<640x16xf32, #tpu.memory_space<hbm>>) target(%dma_start3A_31 : memref<640x16xf32, #tpu.memory_space<vmem_shared>>) target_semaphore(%run_scoped3A : memref<!tpu.dma_semaphore, #tpu.memory_space<semaphore_mem>>)
      %dma_wait3A = arith.constant 0 : i32
      %dma_wait3A_34 = tpu.memref_slice %arg19[%mul3A_6, %dma_wait3A] : memref<10240x16xf32, #tpu.memory_space<vmem_shared>> -> memref<640x16xf32, #tpu.memory_space<vmem_shared>>
      %dma_wait3A_35 = arith.constant 0 : i32
      %dma_wait3A_36 = tpu.memref_slice %arg7[%mul3A_4, %dma_wait3A_35] : memref<10240x16xf32, #tpu.memory_space<hbm>> -> memref<640x16xf32, #tpu.memory_space<hbm>>
      tpu.wait_dma2 semaphore(%run_scoped3A : memref<!tpu.dma_semaphore, #tpu.memory_space<semaphore_mem>>) src(%dma_wait3A_36 : memref<640x16xf32, #tpu.memory_space<hbm>>) dst(%dma_wait3A_34 : memref<640x16xf32, #tpu.memory_space<vmem_shared>>)
      tpu.yield
    }) : () -> ()
    %scan3A = arith.constant 0 : i32
    %scan3A_7 = arith.constant 0 : i32
    %scan3A_8 = arith.constant 128 : i32
    %scan3A_9 = arith.addi %scan3A_7, %scan3A_8 : i32
    %scan3A_10 = arith.constant 1 : i32
    scf.for %scan3A_31 = %scan3A_7 to %scan3A_9 step %scan3A_10  : i32 {
      %broadcast_in_dim3A = arith.constant 0.000000e+00 : f32
      %broadcast_in_dim3A_32 = vector.broadcast %broadcast_in_dim3A : f32 to vector<16xf32>
      %swap3A = arith.index_cast %scan3A_31 : i32 to index
      %swap3A_33 = arith.constant 0 : index
      %swap3A_34 = tpu.vector_load %arg17[%swap3A, %swap3A_33] {strides = array<i32>} : memref<128x16xf32, #tpu.memory_space<vmem>>, vector<16xf32>,
      tpu.vector_store %arg17[%swap3A, %swap3A_33], %broadcast_in_dim3A_32 {strides = array<i32>} : memref<128x16xf32, #tpu.memory_space<vmem>>, vector<16xf32>,
    }
    %scan3A_11 = arith.constant 128 : i32
    %barrier3A = arith.constant 0 : index
    tpu.barrier barrier_id(%barrier3A)
    %mul3A_12 = arith.constant 16 : i32
    %mul3A_13 = arith.muli %arg0, %mul3A_12 : i32
    %add3A = arith.addi %mul3A_13, %arg1 : i32
    %mul3A_14 = arith.constant 81 : i32
    %mul3A_15 = arith.muli %add3A, %mul3A_14 : i32
    %iota3A = tpu.iota {dimensions = array<i32: 0>} : vector<16xi32>
    %scan3A_16 = arith.constant 0 : i32
    %scan3A_17 = arith.constant 0 : i32
    %scan3A_18 = arith.constant 9 : i32
    %scan3A_19 = arith.addi %scan3A_17, %scan3A_18 : i32
    %scan3A_20 = arith.constant 1 : i32
    scf.for %scan3A_31 = %scan3A_17 to %scan3A_19 step %scan3A_20  : i32 {
      %mul3A_32 = arith.constant 9 : i32
      %mul3A_33 = arith.muli %scan3A_31, %mul3A_32 : i32
      %add3A_34 = arith.addi %mul3A_15, %mul3A_33 : i32
      "tpu.region"() ({
        %run_scoped3A_77 = tpu.sem_alloc : memref<!tpu.dma_semaphore, #tpu.memory_space<semaphore_mem>>
        %dma_start3A_78 = arith.constant 0 : i32
        %dma_start3A_79 = tpu.memref_slice %arg4[%add3A_34, %dma_start3A_78] : memref<2592x128xi32, #tpu.memory_space<hbm>> -> memref<9x128xi32, #tpu.memory_space<hbm>>
        %dma_start3A_80 = arith.constant 0 : i32
        %dma_start3A_81 = tpu.memref_slice %arg4[%add3A_34, %dma_start3A_80] : memref<2592x128xi32, #tpu.memory_space<hbm>> -> memref<9x128xi32, #tpu.memory_space<hbm>>
        tpu.enqueue_dma source(%dma_start3A_81 : memref<9x128xi32, #tpu.memory_space<hbm>>) target(%arg10 : memref<9x128xi32, #tpu.memory_space<vmem>>) target_semaphore(%run_scoped3A_77 : memref<!tpu.dma_semaphore, #tpu.memory_space<semaphore_mem>>)
        %dma_wait3A_82 = arith.constant 0 : i32
        %dma_wait3A_83 = tpu.memref_slice %arg4[%add3A_34, %dma_wait3A_82] : memref<2592x128xi32, #tpu.memory_space<hbm>> -> memref<9x128xi32, #tpu.memory_space<hbm>>
        %dma_wait3A_84 = arith.constant 0 : i32
        %dma_wait3A_85 = tpu.memref_slice %arg4[%add3A_34, %dma_wait3A_84] : memref<2592x128xi32, #tpu.memory_space<hbm>> -> memref<9x128xi32, #tpu.memory_space<hbm>>
        tpu.wait_dma2 semaphore(%run_scoped3A_77 : memref<!tpu.dma_semaphore, #tpu.memory_space<semaphore_mem>>) src(%dma_wait3A_85 : memref<9x128xi32, #tpu.memory_space<hbm>>) dst(%arg10 : memref<9x128xi32, #tpu.memory_space<vmem>>)
        tpu.yield
      }) : () -> ()
      %mul3A_35 = arith.constant 9 : i32
      %mul3A_36 = arith.muli %scan3A_31, %mul3A_35 : i32
      %add3A_37 = arith.addi %mul3A_15, %mul3A_36 : i32
      "tpu.region"() ({
        %run_scoped3A_77 = tpu.sem_alloc : memref<!tpu.dma_semaphore, #tpu.memory_space<semaphore_mem>>
        %dma_start3A_78 = arith.constant 0 : i32
        %dma_start3A_79 = tpu.memref_slice %arg5[%add3A_37, %dma_start3A_78] : memref<2592x128xi32, #tpu.memory_space<hbm>> -> memref<9x128xi32, #tpu.memory_space<hbm>>
        %dma_start3A_80 = arith.constant 0 : i32
        %dma_start3A_81 = tpu.memref_slice %arg5[%add3A_37, %dma_start3A_80] : memref<2592x128xi32, #tpu.memory_space<hbm>> -> memref<9x128xi32, #tpu.memory_space<hbm>>
        tpu.enqueue_dma source(%dma_start3A_81 : memref<9x128xi32, #tpu.memory_space<hbm>>) target(%arg11 : memref<9x128xi32, #tpu.memory_space<vmem>>) target_semaphore(%run_scoped3A_77 : memref<!tpu.dma_semaphore, #tpu.memory_space<semaphore_mem>>)
        %dma_wait3A_82 = arith.constant 0 : i32
        %dma_wait3A_83 = tpu.memref_slice %arg5[%add3A_37, %dma_wait3A_82] : memref<2592x128xi32, #tpu.memory_space<hbm>> -> memref<9x128xi32, #tpu.memory_space<hbm>>
        %dma_wait3A_84 = arith.constant 0 : i32
        %dma_wait3A_85 = tpu.memref_slice %arg5[%add3A_37, %dma_wait3A_84] : memref<2592x128xi32, #tpu.memory_space<hbm>> -> memref<9x128xi32, #tpu.memory_space<hbm>>
        tpu.wait_dma2 semaphore(%run_scoped3A_77 : memref<!tpu.dma_semaphore, #tpu.memory_space<semaphore_mem>>) src(%dma_wait3A_85 : memref<9x128xi32, #tpu.memory_space<hbm>>) dst(%arg11 : memref<9x128xi32, #tpu.memory_space<vmem>>)
        tpu.yield
      }) : () -> ()
      %dma_start3A = arith.constant 0 : i32
      %dma_start3A_38 = arith.constant 0 : i32
      %dma_start3A_39 = tpu.memref_slice %arg10[%dma_start3A, %dma_start3A_38] : memref<9x128xi32, #tpu.memory_space<vmem>> -> memref<1x128xi32, #tpu.memory_space<vmem>>
      %dma_start3A_40 = tpu.memref_squeeze %dma_start3A_39 : memref<1x128xi32, #tpu.memory_space<vmem>> -> memref<128xi32, #tpu.memory_space<vmem>>
      %dma_start3A_41 = arith.constant 0 : i32
      %dma_start3A_42 = arith.constant 0 : i32
      %dma_start3A_43 = tpu.memref_slice %arg2[%dma_start3A_41, %dma_start3A_42] : memref<10000x80xf32, #tpu.memory_space<hbm>> -> memref<10000x80xf32, #tpu.memory_space<hbm>>
      tpu.enqueue_indirect_dma source(%dma_start3A_43 : memref<10000x80xf32, #tpu.memory_space<hbm>>) target(%arg12 : memref<128x80xf32, #tpu.memory_space<vmem>>) offsets(%dma_start3A_40 : memref<128xi32, #tpu.memory_space<vmem>>) semaphore(%arg20 : memref<!tpu.dma_semaphore, #tpu.memory_space<semaphore_mem>>)
      %dma_start3A_44 = arith.constant 0 : i32
      %dma_start3A_45 = arith.constant 0 : i32
      %dma_start3A_46 = tpu.memref_slice %arg11[%dma_start3A_44, %dma_start3A_45] : memref<9x128xi32, #tpu.memory_space<vmem>> -> memref<1x128xi32, #tpu.memory_space<vmem>>
      %dma_start3A_47 = tpu.memref_squeeze %dma_start3A_46 : memref<1x128xi32, #tpu.memory_space<vmem>> -> memref<128xi32, #tpu.memory_space<vmem>>
      %dma_start3A_48 = arith.constant 0 : i32
      %dma_start3A_49 = arith.constant 0 : i32
      %dma_start3A_50 = tpu.memref_slice %arg3[%dma_start3A_48, %dma_start3A_49] : memref<10240x16xf32, #tpu.memory_space<hbm>> -> memref<10240x16xf32, #tpu.memory_space<hbm>>
      tpu.enqueue_indirect_dma source(%dma_start3A_50 : memref<10240x16xf32, #tpu.memory_space<hbm>>) target(%arg14 : memref<128x16xf32, #tpu.memory_space<vmem>>) offsets(%dma_start3A_47 : memref<128xi32, #tpu.memory_space<vmem>>) semaphore(%arg20 : memref<!tpu.dma_semaphore, #tpu.memory_space<semaphore_mem>>)
      %scan3A_51 = arith.constant 0 : i32
      %scan3A_52 = arith.constant 0 : i32
      %scan3A_53 = arith.constant 4 : i32
      %scan3A_54 = arith.addi %scan3A_52, %scan3A_53 : i32
      %scan3A_55 = arith.constant 1 : i32
      scf.for %scan3A_77 = %scan3A_52 to %scan3A_54 step %scan3A_55  : i32 {
        %mul3A_78 = arith.constant 2 : i32
        %mul3A_79 = arith.muli %mul3A_78, %scan3A_77 : i32
        %add3A_80 = arith.constant 1 : i32
        %add3A_81 = arith.addi %mul3A_79, %add3A_80 : i32
        %dma_start3A_82 = arith.constant 0 : i32
        %dma_start3A_83 = tpu.memref_slice %arg10[%add3A_81, %dma_start3A_82] : memref<9x128xi32, #tpu.memory_space<vmem>> -> memref<1x128xi32, #tpu.memory_space<vmem>>
        %dma_start3A_84 = tpu.memref_squeeze %dma_start3A_83 : memref<1x128xi32, #tpu.memory_space<vmem>> -> memref<128xi32, #tpu.memory_space<vmem>>
        %dma_start3A_85 = arith.constant 0 : i32
        %dma_start3A_86 = arith.constant 0 : i32
        %dma_start3A_87 = tpu.memref_slice %arg2[%dma_start3A_85, %dma_start3A_86] : memref<10000x80xf32, #tpu.memory_space<hbm>> -> memref<10000x80xf32, #tpu.memory_space<hbm>>
        tpu.enqueue_indirect_dma source(%dma_start3A_87 : memref<10000x80xf32, #tpu.memory_space<hbm>>) target(%arg13 : memref<128x80xf32, #tpu.memory_space<vmem>>) offsets(%dma_start3A_84 : memref<128xi32, #tpu.memory_space<vmem>>) semaphore(%arg21 : memref<!tpu.dma_semaphore, #tpu.memory_space<semaphore_mem>>)
        %dma_start3A_88 = arith.constant 0 : i32
        %dma_start3A_89 = tpu.memref_slice %arg11[%add3A_81, %dma_start3A_88] : memref<9x128xi32, #tpu.memory_space<vmem>> -> memref<1x128xi32, #tpu.memory_space<vmem>>
        %dma_start3A_90 = tpu.memref_squeeze %dma_start3A_89 : memref<1x128xi32, #tpu.memory_space<vmem>> -> memref<128xi32, #tpu.memory_space<vmem>>
        %dma_start3A_91 = arith.constant 0 : i32
        %dma_start3A_92 = arith.constant 0 : i32
        %dma_start3A_93 = tpu.memref_slice %arg3[%dma_start3A_91, %dma_start3A_92] : memref<10240x16xf32, #tpu.memory_space<hbm>> -> memref<10240x16xf32, #tpu.memory_space<hbm>>
        tpu.enqueue_indirect_dma source(%dma_start3A_93 : memref<10240x16xf32, #tpu.memory_space<hbm>>) target(%arg15 : memref<128x16xf32, #tpu.memory_space<vmem>>) offsets(%dma_start3A_90 : memref<128xi32, #tpu.memory_space<vmem>>) semaphore(%arg21 : memref<!tpu.dma_semaphore, #tpu.memory_space<semaphore_mem>>)
        %dma_wait3A_94 = arith.constant 0 : i32
        %dma_wait3A_95 = tpu.memref_slice %arg10[%mul3A_79, %dma_wait3A_94] : memref<9x128xi32, #tpu.memory_space<vmem>> -> memref<1x128xi32, #tpu.memory_space<vmem>>
        %dma_wait3A_96 = tpu.memref_squeeze %dma_wait3A_95 : memref<1x128xi32, #tpu.memory_space<vmem>> -> memref<128xi32, #tpu.memory_space<vmem>>
        %dma_wait3A_97 = arith.constant 0 : i32
        %dma_wait3A_98 = arith.constant 0 : i32
        %dma_wait3A_99 = tpu.memref_slice %arg2[%dma_wait3A_97, %dma_wait3A_98] : memref<10000x80xf32, #tpu.memory_space<hbm>> -> memref<10000x80xf32, #tpu.memory_space<hbm>>
        tpu.wait_indirect_dma semaphore(%arg20 : memref<!tpu.dma_semaphore, #tpu.memory_space<semaphore_mem>>) src(%dma_wait3A_99 : memref<10000x80xf32, #tpu.memory_space<hbm>>) dst(%arg12 : memref<128x80xf32, #tpu.memory_space<vmem>>)
        %dma_wait3A_100 = arith.constant 0 : i32
        %dma_wait3A_101 = tpu.memref_slice %arg11[%mul3A_79, %dma_wait3A_100] : memref<9x128xi32, #tpu.memory_space<vmem>> -> memref<1x128xi32, #tpu.memory_space<vmem>>
        %dma_wait3A_102 = tpu.memref_squeeze %dma_wait3A_101 : memref<1x128xi32, #tpu.memory_space<vmem>> -> memref<128xi32, #tpu.memory_space<vmem>>
        %dma_wait3A_103 = arith.constant 0 : i32
        %dma_wait3A_104 = arith.constant 0 : i32
        %dma_wait3A_105 = tpu.memref_slice %arg3[%dma_wait3A_103, %dma_wait3A_104] : memref<10240x16xf32, #tpu.memory_space<hbm>> -> memref<10240x16xf32, #tpu.memory_space<hbm>>
        tpu.wait_indirect_dma semaphore(%arg20 : memref<!tpu.dma_semaphore, #tpu.memory_space<semaphore_mem>>) src(%dma_wait3A_105 : memref<10240x16xf32, #tpu.memory_space<hbm>>) dst(%arg14 : memref<128x16xf32, #tpu.memory_space<vmem>>)
        %scan3A_106 = arith.constant 0 : i32
        %scan3A_107 = arith.constant 0 : i32
        %scan3A_108 = arith.constant 8 : i32
        %scan3A_109 = arith.addi %scan3A_107, %scan3A_108 : i32
        %scan3A_110 = arith.constant 1 : i32
        scf.for %scan3A_148 = %scan3A_107 to %scan3A_109 step %scan3A_110  : i32 {
          %mul3A_149 = arith.constant 16 : i32
          %mul3A_150 = arith.muli %scan3A_148, %mul3A_149 : i32
          %add3A_151 = vector.broadcast %mul3A_150 : i32 to vector<16xi32>
          %add3A_152 = arith.addi %add3A_151, %iota3A : vector<16xi32>
          %broadcast_in_dim3A = arith.constant 64 : i32
          %broadcast_in_dim3A_153 = vector.broadcast %broadcast_in_dim3A : i32 to vector<16xi32>
          %gather3A = tpu.vector_load_idx %arg12[%add3A_152, %broadcast_in_dim3A_153] : memref<128x80xf32, #tpu.memory_space<vmem>>[vector<16xi32>, vector<16xi32>], vector<16xf32>,
          %broadcast_in_dim3A_154 = arith.constant 0 : i32
          %broadcast_in_dim3A_155 = vector.broadcast %broadcast_in_dim3A_154 : i32 to vector<16xi32>
          %gather3A_156 = tpu.vector_load_idx %arg14[%add3A_152, %broadcast_in_dim3A_155] : memref<128x16xf32, #tpu.memory_space<vmem>>[vector<16xi32>, vector<16xi32>], vector<16xf32>,
          %add3A_157 = arith.addf %gather3A, %gather3A_156 : vector<16xf32>
          %gt3A = arith.constant 0.000000e+00 : f32
          %gt3A_158 = vector.broadcast %gt3A : f32 to vector<16xf32>
          %gt3A_159 = arith.cmpf ogt, %add3A_157, %gt3A_158 : vector<16xf32>
          %mul3A_160 = arith.constant 2.000000e-01 : f32
          %mul3A_161 = vector.broadcast %mul3A_160 : f32 to vector<16xf32>
          %mul3A_162 = arith.mulf %mul3A_161, %add3A_157 : vector<16xf32>
          %select_n3A = arith.select %gt3A_159, %add3A_157, %mul3A_162 : vector<16xi1>, vector<16xf32>
          %exp3A = math.exp %select_n3A : vector<16xf32>
          %broadcast_in_dim3A_163 = arith.constant 0 : i32
          %broadcast_in_dim3A_164 = vector.broadcast %broadcast_in_dim3A_163 : i32 to vector<16xi32>
          tpu.vector_store_idx %arg17[%add3A_152, %broadcast_in_dim3A_164], %exp3A : memref<128x16xf32, #tpu.memory_space<vmem>>[vector<16xi32>, vector<16xi32>], vector<16xf32>,
          %broadcast_in_dim3A_165 = arith.constant 0 : i32
          %broadcast_in_dim3A_166 = vector.broadcast %broadcast_in_dim3A_165 : i32 to vector<16xi32>
          %gather3A_167 = tpu.vector_load_idx %arg12[%add3A_152, %broadcast_in_dim3A_166] : memref<128x80xf32, #tpu.memory_space<vmem>>[vector<16xi32>, vector<16xi32>], vector<16xf32>,
          %mul3A_168 = arith.mulf %gather3A_167, %exp3A : vector<16xf32>
          tpu.vector_store_idx %arg16[%add3A_152, %broadcast_in_dim3A_166], %mul3A_168 : memref<128x64xf32, #tpu.memory_space<vmem>>[vector<16xi32>, vector<16xi32>], vector<16xf32>,
          %broadcast_in_dim3A_169 = arith.constant 1 : i32
          %broadcast_in_dim3A_170 = vector.broadcast %broadcast_in_dim3A_169 : i32 to vector<16xi32>
          %gather3A_171 = tpu.vector_load_idx %arg12[%add3A_152, %broadcast_in_dim3A_170] : memref<128x80xf32, #tpu.memory_space<vmem>>[vector<16xi32>, vector<16xi32>], vector<16xf32>,
          %mul3A_172 = arith.mulf %gather3A_171, %exp3A : vector<16xf32>
          tpu.vector_store_idx %arg16[%add3A_152, %broadcast_in_dim3A_170], %mul3A_172 : memref<128x64xf32, #tpu.memory_space<vmem>>[vector<16xi32>, vector<16xi32>], vector<16xf32>,
          %broadcast_in_dim3A_173 = arith.constant 2 : i32
          %broadcast_in_dim3A_174 = vector.broadcast %broadcast_in_dim3A_173 : i32 to vector<16xi32>
          %gather3A_175 = tpu.vector_load_idx %arg12[%add3A_152, %broadcast_in_dim3A_174] : memref<128x80xf32, #tpu.memory_space<vmem>>[vector<16xi32>, vector<16xi32>], vector<16xf32>,
          %mul3A_176 = arith.mulf %gather3A_175, %exp3A : vector<16xf32>
          tpu.vector_store_idx %arg16[%add3A_152, %broadcast_in_dim3A_174], %mul3A_176 : memref<128x64xf32, #tpu.memory_space<vmem>>[vector<16xi32>, vector<16xi32>], vector<16xf32>,
          %broadcast_in_dim3A_177 = arith.constant 3 : i32
          %broadcast_in_dim3A_178 = vector.broadcast %broadcast_in_dim3A_177 : i32 to vector<16xi32>
          %gather3A_179 = tpu.vector_load_idx %arg12[%add3A_152, %broadcast_in_dim3A_178] : memref<128x80xf32, #tpu.memory_space<vmem>>[vector<16xi32>, vector<16xi32>], vector<16xf32>,
          %mul3A_180 = arith.mulf %gather3A_179, %exp3A : vector<16xf32>
          tpu.vector_store_idx %arg16[%add3A_152, %broadcast_in_dim3A_178], %mul3A_180 : memref<128x64xf32, #tpu.memory_space<vmem>>[vector<16xi32>, vector<16xi32>], vector<16xf32>,
          %broadcast_in_dim3A_181 = arith.constant 4 : i32
          %broadcast_in_dim3A_182 = vector.broadcast %broadcast_in_dim3A_181 : i32 to vector<16xi32>
          %gather3A_183 = tpu.vector_load_idx %arg12[%add3A_152, %broadcast_in_dim3A_182] : memref<128x80xf32, #tpu.memory_space<vmem>>[vector<16xi32>, vector<16xi32>], vector<16xf32>,
          %mul3A_184 = arith.mulf %gather3A_183, %exp3A : vector<16xf32>
          tpu.vector_store_idx %arg16[%add3A_152, %broadcast_in_dim3A_182], %mul3A_184 : memref<128x64xf32, #tpu.memory_space<vmem>>[vector<16xi32>, vector<16xi32>], vector<16xf32>,
          %broadcast_in_dim3A_185 = arith.constant 5 : i32
          %broadcast_in_dim3A_186 = vector.broadcast %broadcast_in_dim3A_185 : i32 to vector<16xi32>
          %gather3A_187 = tpu.vector_load_idx %arg12[%add3A_152, %broadcast_in_dim3A_186] : memref<128x80xf32, #tpu.memory_space<vmem>>[vector<16xi32>, vector<16xi32>], vector<16xf32>,
          %mul3A_188 = arith.mulf %gather3A_187, %exp3A : vector<16xf32>
          tpu.vector_store_idx %arg16[%add3A_152, %broadcast_in_dim3A_186], %mul3A_188 : memref<128x64xf32, #tpu.memory_space<vmem>>[vector<16xi32>, vector<16xi32>], vector<16xf32>,
          %broadcast_in_dim3A_189 = arith.constant 6 : i32
          %broadcast_in_dim3A_190 = vector.broadcast %broadcast_in_dim3A_189 : i32 to vector<16xi32>
          %gather3A_191 = tpu.vector_load_idx %arg12[%add3A_152, %broadcast_in_dim3A_190] : memref<128x80xf32, #tpu.memory_space<vmem>>[vector<16xi32>, vector<16xi32>], vector<16xf32>,
          %mul3A_192 = arith.mulf %gather3A_191, %exp3A : vector<16xf32>
          tpu.vector_store_idx %arg16[%add3A_152, %broadcast_in_dim3A_190], %mul3A_192 : memref<128x64xf32, #tpu.memory_space<vmem>>[vector<16xi32>, vector<16xi32>], vector<16xf32>,
          %broadcast_in_dim3A_193 = arith.constant 7 : i32
          %broadcast_in_dim3A_194 = vector.broadcast %broadcast_in_dim3A_193 : i32 to vector<16xi32>
          %gather3A_195 = tpu.vector_load_idx %arg12[%add3A_152, %broadcast_in_dim3A_194] : memref<128x80xf32, #tpu.memory_space<vmem>>[vector<16xi32>, vector<16xi32>], vector<16xf32>,
          %mul3A_196 = arith.mulf %gather3A_195, %exp3A : vector<16xf32>
          tpu.vector_store_idx %arg16[%add3A_152, %broadcast_in_dim3A_194], %mul3A_196 : memref<128x64xf32, #tpu.memory_space<vmem>>[vector<16xi32>, vector<16xi32>], vector<16xf32>,
          %broadcast_in_dim3A_197 = arith.constant 8 : i32
          %broadcast_in_dim3A_198 = vector.broadcast %broadcast_in_dim3A_197 : i32 to vector<16xi32>
          %gather3A_199 = tpu.vector_load_idx %arg12[%add3A_152, %broadcast_in_dim3A_198] : memref<128x80xf32, #tpu.memory_space<vmem>>[vector<16xi32>, vector<16xi32>], vector<16xf32>,
          %mul3A_200 = arith.mulf %gather3A_199, %exp3A : vector<16xf32>
          tpu.vector_store_idx %arg16[%add3A_152, %broadcast_in_dim3A_198], %mul3A_200 : memref<128x64xf32, #tpu.memory_space<vmem>>[vector<16xi32>, vector<16xi32>], vector<16xf32>,
          %broadcast_in_dim3A_201 = arith.constant 9 : i32
          %broadcast_in_dim3A_202 = vector.broadcast %broadcast_in_dim3A_201 : i32 to vector<16xi32>
          %gather3A_203 = tpu.vector_load_idx %arg12[%add3A_152, %broadcast_in_dim3A_202] : memref<128x80xf32, #tpu.memory_space<vmem>>[vector<16xi32>, vector<16xi32>], vector<16xf32>,
          %mul3A_204 = arith.mulf %gather3A_203, %exp3A : vector<16xf32>
          tpu.vector_store_idx %arg16[%add3A_152, %broadcast_in_dim3A_202], %mul3A_204 : memref<128x64xf32, #tpu.memory_space<vmem>>[vector<16xi32>, vector<16xi32>], vector<16xf32>,
          %broadcast_in_dim3A_205 = arith.constant 10 : i32
          %broadcast_in_dim3A_206 = vector.broadcast %broadcast_in_dim3A_205 : i32 to vector<16xi32>
          %gather3A_207 = tpu.vector_load_idx %arg12[%add3A_152, %broadcast_in_dim3A_206] : memref<128x80xf32, #tpu.memory_space<vmem>>[vector<16xi32>, vector<16xi32>], vector<16xf32>,
          %mul3A_208 = arith.mulf %gather3A_207, %exp3A : vector<16xf32>
          tpu.vector_store_idx %arg16[%add3A_152, %broadcast_in_dim3A_206], %mul3A_208 : memref<128x64xf32, #tpu.memory_space<vmem>>[vector<16xi32>, vector<16xi32>], vector<16xf32>,
          %broadcast_in_dim3A_209 = arith.constant 11 : i32
          %broadcast_in_dim3A_210 = vector.broadcast %broadcast_in_dim3A_209 : i32 to vector<16xi32>
          %gather3A_211 = tpu.vector_load_idx %arg12[%add3A_152, %broadcast_in_dim3A_210] : memref<128x80xf32, #tpu.memory_space<vmem>>[vector<16xi32>, vector<16xi32>], vector<16xf32>,
          %mul3A_212 = arith.mulf %gather3A_211, %exp3A : vector<16xf32>
          tpu.vector_store_idx %arg16[%add3A_152, %broadcast_in_dim3A_210], %mul3A_212 : memref<128x64xf32, #tpu.memory_space<vmem>>[vector<16xi32>, vector<16xi32>], vector<16xf32>,
          %broadcast_in_dim3A_213 = arith.constant 12 : i32
          %broadcast_in_dim3A_214 = vector.broadcast %broadcast_in_dim3A_213 : i32 to vector<16xi32>
          %gather3A_215 = tpu.vector_load_idx %arg12[%add3A_152, %broadcast_in_dim3A_214] : memref<128x80xf32, #tpu.memory_space<vmem>>[vector<16xi32>, vector<16xi32>], vector<16xf32>,
          %mul3A_216 = arith.mulf %gather3A_215, %exp3A : vector<16xf32>
          tpu.vector_store_idx %arg16[%add3A_152, %broadcast_in_dim3A_214], %mul3A_216 : memref<128x64xf32, #tpu.memory_space<vmem>>[vector<16xi32>, vector<16xi32>], vector<16xf32>,
          %broadcast_in_dim3A_217 = arith.constant 13 : i32
          %broadcast_in_dim3A_218 = vector.broadcast %broadcast_in_dim3A_217 : i32 to vector<16xi32>
          %gather3A_219 = tpu.vector_load_idx %arg12[%add3A_152, %broadcast_in_dim3A_218] : memref<128x80xf32, #tpu.memory_space<vmem>>[vector<16xi32>, vector<16xi32>], vector<16xf32>,
          %mul3A_220 = arith.mulf %gather3A_219, %exp3A : vector<16xf32>
          tpu.vector_store_idx %arg16[%add3A_152, %broadcast_in_dim3A_218], %mul3A_220 : memref<128x64xf32, #tpu.memory_space<vmem>>[vector<16xi32>, vector<16xi32>], vector<16xf32>,
          %broadcast_in_dim3A_221 = arith.constant 14 : i32
          %broadcast_in_dim3A_222 = vector.broadcast %broadcast_in_dim3A_221 : i32 to vector<16xi32>
          %gather3A_223 = tpu.vector_load_idx %arg12[%add3A_152, %broadcast_in_dim3A_222] : memref<128x80xf32, #tpu.memory_space<vmem>>[vector<16xi32>, vector<16xi32>], vector<16xf32>,
          %mul3A_224 = arith.mulf %gather3A_223, %exp3A : vector<16xf32>
          tpu.vector_store_idx %arg16[%add3A_152, %broadcast_in_dim3A_222], %mul3A_224 : memref<128x64xf32, #tpu.memory_space<vmem>>[vector<16xi32>, vector<16xi32>], vector<16xf32>,
          %broadcast_in_dim3A_225 = arith.constant 15 : i32
          %broadcast_in_dim3A_226 = vector.broadcast %broadcast_in_dim3A_225 : i32 to vector<16xi32>
          %gather3A_227 = tpu.vector_load_idx %arg12[%add3A_152, %broadcast_in_dim3A_226] : memref<128x80xf32, #tpu.memory_space<vmem>>[vector<16xi32>, vector<16xi32>], vector<16xf32>,
          %mul3A_228 = arith.mulf %gather3A_227, %exp3A : vector<16xf32>
          tpu.vector_store_idx %arg16[%add3A_152, %broadcast_in_dim3A_226], %mul3A_228 : memref<128x64xf32, #tpu.memory_space<vmem>>[vector<16xi32>, vector<16xi32>], vector<16xf32>,
          %broadcast_in_dim3A_229 = arith.constant 65 : i32
          %broadcast_in_dim3A_230 = vector.broadcast %broadcast_in_dim3A_229 : i32 to vector<16xi32>
          %gather3A_231 = tpu.vector_load_idx %arg12[%add3A_152, %broadcast_in_dim3A_230] : memref<128x80xf32, #tpu.memory_space<vmem>>[vector<16xi32>, vector<16xi32>], vector<16xf32>,
          %broadcast_in_dim3A_232 = arith.constant 1 : i32
          %broadcast_in_dim3A_233 = vector.broadcast %broadcast_in_dim3A_232 : i32 to vector<16xi32>
          %gather3A_234 = tpu.vector_load_idx %arg14[%add3A_152, %broadcast_in_dim3A_233] : memref<128x16xf32, #tpu.memory_space<vmem>>[vector<16xi32>, vector<16xi32>], vector<16xf32>,
          %add3A_235 = arith.addf %gather3A_231, %gather3A_234 : vector<16xf32>
          %gt3A_236 = arith.constant 0.000000e+00 : f32
          %gt3A_237 = vector.broadcast %gt3A_236 : f32 to vector<16xf32>
          %gt3A_238 = arith.cmpf ogt, %add3A_235, %gt3A_237 : vector<16xf32>
          %mul3A_239 = arith.constant 2.000000e-01 : f32
          %mul3A_240 = vector.broadcast %mul3A_239 : f32 to vector<16xf32>
          %mul3A_241 = arith.mulf %mul3A_240, %add3A_235 : vector<16xf32>
          %select_n3A_242 = arith.select %gt3A_238, %add3A_235, %mul3A_241 : vector<16xi1>, vector<16xf32>
          %exp3A_243 = math.exp %select_n3A_242 : vector<16xf32>
          %broadcast_in_dim3A_244 = arith.constant 1 : i32
          %broadcast_in_dim3A_245 = vector.broadcast %broadcast_in_dim3A_244 : i32 to vector<16xi32>
          tpu.vector_store_idx %arg17[%add3A_152, %broadcast_in_dim3A_245], %exp3A_243 : memref<128x16xf32, #tpu.memory_space<vmem>>[vector<16xi32>, vector<16xi32>], vector<16xf32>,
          %broadcast_in_dim3A_246 = arith.constant 16 : i32
          %broadcast_in_dim3A_247 = vector.broadcast %broadcast_in_dim3A_246 : i32 to vector<16xi32>
          %gather3A_248 = tpu.vector_load_idx %arg12[%add3A_152, %broadcast_in_dim3A_247] : memref<128x80xf32, #tpu.memory_space<vmem>>[vector<16xi32>, vector<16xi32>], vector<16xf32>,
          %mul3A_249 = arith.mulf %gather3A_248, %exp3A_243 : vector<16xf32>
          tpu.vector_store_idx %arg16[%add3A_152, %broadcast_in_dim3A_247], %mul3A_249 : memref<128x64xf32, #tpu.memory_space<vmem>>[vector<16xi32>, vector<16xi32>], vector<16xf32>,
          %broadcast_in_dim3A_250 = arith.constant 17 : i32
          %broadcast_in_dim3A_251 = vector.broadcast %broadcast_in_dim3A_250 : i32 to vector<16xi32>
          %gather3A_252 = tpu.vector_load_idx %arg12[%add3A_152, %broadcast_in_dim3A_251] : memref<128x80xf32, #tpu.memory_space<vmem>>[vector<16xi32>, vector<16xi32>], vector<16xf32>,
          %mul3A_253 = arith.mulf %gather3A_252, %exp3A_243 : vector<16xf32>
          tpu.vector_store_idx %arg16[%add3A_152, %broadcast_in_dim3A_251], %mul3A_253 : memref<128x64xf32, #tpu.memory_space<vmem>>[vector<16xi32>, vector<16xi32>], vector<16xf32>,
          %broadcast_in_dim3A_254 = arith.constant 18 : i32
          %broadcast_in_dim3A_255 = vector.broadcast %broadcast_in_dim3A_254 : i32 to vector<16xi32>
          %gather3A_256 = tpu.vector_load_idx %arg12[%add3A_152, %broadcast_in_dim3A_255] : memref<128x80xf32, #tpu.memory_space<vmem>>[vector<16xi32>, vector<16xi32>], vector<16xf32>,
          %mul3A_257 = arith.mulf %gather3A_256, %exp3A_243 : vector<16xf32>
          tpu.vector_store_idx %arg16[%add3A_152, %broadcast_in_dim3A_255], %mul3A_257 : memref<128x64xf32, #tpu.memory_space<vmem>>[vector<16xi32>, vector<16xi32>], vector<16xf32>,
          %broadcast_in_dim3A_258 = arith.constant 19 : i32
          %broadcast_in_dim3A_259 = vector.broadcast %broadcast_in_dim3A_258 : i32 to vector<16xi32>
          %gather3A_260 = tpu.vector_load_idx %arg12[%add3A_152, %broadcast_in_dim3A_259] : memref<128x80xf32, #tpu.memory_space<vmem>>[vector<16xi32>, vector<16xi32>], vector<16xf32>,
          %mul3A_261 = arith.mulf %gather3A_260, %exp3A_243 : vector<16xf32>
          tpu.vector_store_idx %arg16[%add3A_152, %broadcast_in_dim3A_259], %mul3A_261 : memref<128x64xf32, #tpu.memory_space<vmem>>[vector<16xi32>, vector<16xi32>], vector<16xf32>,
          %broadcast_in_dim3A_262 = arith.constant 20 : i32
          %broadcast_in_dim3A_263 = vector.broadcast %broadcast_in_dim3A_262 : i32 to vector<16xi32>
          %gather3A_264 = tpu.vector_load_idx %arg12[%add3A_152, %broadcast_in_dim3A_263] : memref<128x80xf32, #tpu.memory_space<vmem>>[vector<16xi32>, vector<16xi32>], vector<16xf32>,
          %mul3A_265 = arith.mulf %gather3A_264, %exp3A_243 : vector<16xf32>
          tpu.vector_store_idx %arg16[%add3A_152, %broadcast_in_dim3A_263], %mul3A_265 : memref<128x64xf32, #tpu.memory_space<vmem>>[vector<16xi32>, vector<16xi32>], vector<16xf32>,
          %broadcast_in_dim3A_266 = arith.constant 21 : i32
          %broadcast_in_dim3A_267 = vector.broadcast %broadcast_in_dim3A_266 : i32 to vector<16xi32>
          %gather3A_268 = tpu.vector_load_idx %arg12[%add3A_152, %broadcast_in_dim3A_267] : memref<128x80xf32, #tpu.memory_space<vmem>>[vector<16xi32>, vector<16xi32>], vector<16xf32>,
          %mul3A_269 = arith.mulf %gather3A_268, %exp3A_243 : vector<16xf32>
          tpu.vector_store_idx %arg16[%add3A_152, %broadcast_in_dim3A_267], %mul3A_269 : memref<128x64xf32, #tpu.memory_space<vmem>>[vector<16xi32>, vector<16xi32>], vector<16xf32>,
          %broadcast_in_dim3A_270 = arith.constant 22 : i32
          %broadcast_in_dim3A_271 = vector.broadcast %broadcast_in_dim3A_270 : i32 to vector<16xi32>
          %gather3A_272 = tpu.vector_load_idx %arg12[%add3A_152, %broadcast_in_dim3A_271] : memref<128x80xf32, #tpu.memory_space<vmem>>[vector<16xi32>, vector<16xi32>], vector<16xf32>,
          %mul3A_273 = arith.mulf %gather3A_272, %exp3A_243 : vector<16xf32>
          tpu.vector_store_idx %arg16[%add3A_152, %broadcast_in_dim3A_271], %mul3A_273 : memref<128x64xf32, #tpu.memory_space<vmem>>[vector<16xi32>, vector<16xi32>], vector<16xf32>,
          %broadcast_in_dim3A_274 = arith.constant 23 : i32
          %broadcast_in_dim3A_275 = vector.broadcast %broadcast_in_dim3A_274 : i32 to vector<16xi32>
          %gather3A_276 = tpu.vector_load_idx %arg12[%add3A_152, %broadcast_in_dim3A_275] : memref<128x80xf32, #tpu.memory_space<vmem>>[vector<16xi32>, vector<16xi32>], vector<16xf32>,
          %mul3A_277 = arith.mulf %gather3A_276, %exp3A_243 : vector<16xf32>
          tpu.vector_store_idx %arg16[%add3A_152, %broadcast_in_dim3A_275], %mul3A_277 : memref<128x64xf32, #tpu.memory_space<vmem>>[vector<16xi32>, vector<16xi32>], vector<16xf32>,
          %broadcast_in_dim3A_278 = arith.constant 24 : i32
          %broadcast_in_dim3A_279 = vector.broadcast %broadcast_in_dim3A_278 : i32 to vector<16xi32>
          %gather3A_280 = tpu.vector_load_idx %arg12[%add3A_152, %broadcast_in_dim3A_279] : memref<128x80xf32, #tpu.memory_space<vmem>>[vector<16xi32>, vector<16xi32>], vector<16xf32>,
          %mul3A_281 = arith.mulf %gather3A_280, %exp3A_243 : vector<16xf32>
          tpu.vector_store_idx %arg16[%add3A_152, %broadcast_in_dim3A_279], %mul3A_281 : memref<128x64xf32, #tpu.memory_space<vmem>>[vector<16xi32>, vector<16xi32>], vector<16xf32>,
          %broadcast_in_dim3A_282 = arith.constant 25 : i32
          %broadcast_in_dim3A_283 = vector.broadcast %broadcast_in_dim3A_282 : i32 to vector<16xi32>
          %gather3A_284 = tpu.vector_load_idx %arg12[%add3A_152, %broadcast_in_dim3A_283] : memref<128x80xf32, #tpu.memory_space<vmem>>[vector<16xi32>, vector<16xi32>], vector<16xf32>,
          %mul3A_285 = arith.mulf %gather3A_284, %exp3A_243 : vector<16xf32>
          tpu.vector_store_idx %arg16[%add3A_152, %broadcast_in_dim3A_283], %mul3A_285 : memref<128x64xf32, #tpu.memory_space<vmem>>[vector<16xi32>, vector<16xi32>], vector<16xf32>,
          %broadcast_in_dim3A_286 = arith.constant 26 : i32
          %broadcast_in_dim3A_287 = vector.broadcast %broadcast_in_dim3A_286 : i32 to vector<16xi32>
          %gather3A_288 = tpu.vector_load_idx %arg12[%add3A_152, %broadcast_in_dim3A_287] : memref<128x80xf32, #tpu.memory_space<vmem>>[vector<16xi32>, vector<16xi32>], vector<16xf32>,
          %mul3A_289 = arith.mulf %gather3A_288, %exp3A_243 : vector<16xf32>
          tpu.vector_store_idx %arg16[%add3A_152, %broadcast_in_dim3A_287], %mul3A_289 : memref<128x64xf32, #tpu.memory_space<vmem>>[vector<16xi32>, vector<16xi32>], vector<16xf32>,
          %broadcast_in_dim3A_290 = arith.constant 27 : i32
          %broadcast_in_dim3A_291 = vector.broadcast %broadcast_in_dim3A_290 : i32 to vector<16xi32>
          %gather3A_292 = tpu.vector_load_idx %arg12[%add3A_152, %broadcast_in_dim3A_291] : memref<128x80xf32, #tpu.memory_space<vmem>>[vector<16xi32>, vector<16xi32>], vector<16xf32>,
          %mul3A_293 = arith.mulf %gather3A_292, %exp3A_243 : vector<16xf32>
          tpu.vector_store_idx %arg16[%add3A_152, %broadcast_in_dim3A_291], %mul3A_293 : memref<128x64xf32, #tpu.memory_space<vmem>>[vector<16xi32>, vector<16xi32>], vector<16xf32>,
          %broadcast_in_dim3A_294 = arith.constant 28 : i32
          %broadcast_in_dim3A_295 = vector.broadcast %broadcast_in_dim3A_294 : i32 to vector<16xi32>
          %gather3A_296 = tpu.vector_load_idx %arg12[%add3A_152, %broadcast_in_dim3A_295] : memref<128x80xf32, #tpu.memory_space<vmem>>[vector<16xi32>, vector<16xi32>], vector<16xf32>,
          %mul3A_297 = arith.mulf %gather3A_296, %exp3A_243 : vector<16xf32>
          tpu.vector_store_idx %arg16[%add3A_152, %broadcast_in_dim3A_295], %mul3A_297 : memref<128x64xf32, #tpu.memory_space<vmem>>[vector<16xi32>, vector<16xi32>], vector<16xf32>,
          %broadcast_in_dim3A_298 = arith.constant 29 : i32
          %broadcast_in_dim3A_299 = vector.broadcast %broadcast_in_dim3A_298 : i32 to vector<16xi32>
          %gather3A_300 = tpu.vector_load_idx %arg12[%add3A_152, %broadcast_in_dim3A_299] : memref<128x80xf32, #tpu.memory_space<vmem>>[vector<16xi32>, vector<16xi32>], vector<16xf32>,
          %mul3A_301 = arith.mulf %gather3A_300, %exp3A_243 : vector<16xf32>
          tpu.vector_store_idx %arg16[%add3A_152, %broadcast_in_dim3A_299], %mul3A_301 : memref<128x64xf32, #tpu.memory_space<vmem>>[vector<16xi32>, vector<16xi32>], vector<16xf32>,
          %broadcast_in_dim3A_302 = arith.constant 30 : i32
          %broadcast_in_dim3A_303 = vector.broadcast %broadcast_in_dim3A_302 : i32 to vector<16xi32>
          %gather3A_304 = tpu.vector_load_idx %arg12[%add3A_152, %broadcast_in_dim3A_303] : memref<128x80xf32, #tpu.memory_space<vmem>>[vector<16xi32>, vector<16xi32>], vector<16xf32>,
          %mul3A_305 = arith.mulf %gather3A_304, %exp3A_243 : vector<16xf32>
          tpu.vector_store_idx %arg16[%add3A_152, %broadcast_in_dim3A_303], %mul3A_305 : memref<128x64xf32, #tpu.memory_space<vmem>>[vector<16xi32>, vector<16xi32>], vector<16xf32>,
          %broadcast_in_dim3A_306 = arith.constant 31 : i32
          %broadcast_in_dim3A_307 = vector.broadcast %broadcast_in_dim3A_306 : i32 to vector<16xi32>
          %gather3A_308 = tpu.vector_load_idx %arg12[%add3A_152, %broadcast_in_dim3A_307] : memref<128x80xf32, #tpu.memory_space<vmem>>[vector<16xi32>, vector<16xi32>], vector<16xf32>,
          %mul3A_309 = arith.mulf %gather3A_308, %exp3A_243 : vector<16xf32>
          tpu.vector_store_idx %arg16[%add3A_152, %broadcast_in_dim3A_307], %mul3A_309 : memref<128x64xf32, #tpu.memory_space<vmem>>[vector<16xi32>, vector<16xi32>], vector<16xf32>,
          %broadcast_in_dim3A_310 = arith.constant 66 : i32
          %broadcast_in_dim3A_311 = vector.broadcast %broadcast_in_dim3A_310 : i32 to vector<16xi32>
          %gather3A_312 = tpu.vector_load_idx %arg12[%add3A_152, %broadcast_in_dim3A_311] : memref<128x80xf32, #tpu.memory_space<vmem>>[vector<16xi32>, vector<16xi32>], vector<16xf32>,
          %broadcast_in_dim3A_313 = arith.constant 2 : i32
          %broadcast_in_dim3A_314 = vector.broadcast %broadcast_in_dim3A_313 : i32 to vector<16xi32>
          %gather3A_315 = tpu.vector_load_idx %arg14[%add3A_152, %broadcast_in_dim3A_314] : memref<128x16xf32, #tpu.memory_space<vmem>>[vector<16xi32>, vector<16xi32>], vector<16xf32>,
          %add3A_316 = arith.addf %gather3A_312, %gather3A_315 : vector<16xf32>
          %gt3A_317 = arith.constant 0.000000e+00 : f32
          %gt3A_318 = vector.broadcast %gt3A_317 : f32 to vector<16xf32>
          %gt3A_319 = arith.cmpf ogt, %add3A_316, %gt3A_318 : vector<16xf32>
          %mul3A_320 = arith.constant 2.000000e-01 : f32
          %mul3A_321 = vector.broadcast %mul3A_320 : f32 to vector<16xf32>
          %mul3A_322 = arith.mulf %mul3A_321, %add3A_316 : vector<16xf32>
          %select_n3A_323 = arith.select %gt3A_319, %add3A_316, %mul3A_322 : vector<16xi1>, vector<16xf32>
          %exp3A_324 = math.exp %select_n3A_323 : vector<16xf32>
          %broadcast_in_dim3A_325 = arith.constant 2 : i32
          %broadcast_in_dim3A_326 = vector.broadcast %broadcast_in_dim3A_325 : i32 to vector<16xi32>
          tpu.vector_store_idx %arg17[%add3A_152, %broadcast_in_dim3A_326], %exp3A_324 : memref<128x16xf32, #tpu.memory_space<vmem>>[vector<16xi32>, vector<16xi32>], vector<16xf32>,
          %broadcast_in_dim3A_327 = arith.constant 32 : i32
          %broadcast_in_dim3A_328 = vector.broadcast %broadcast_in_dim3A_327 : i32 to vector<16xi32>
          %gather3A_329 = tpu.vector_load_idx %arg12[%add3A_152, %broadcast_in_dim3A_328] : memref<128x80xf32, #tpu.memory_space<vmem>>[vector<16xi32>, vector<16xi32>], vector<16xf32>,
          %mul3A_330 = arith.mulf %gather3A_329, %exp3A_324 : vector<16xf32>
          tpu.vector_store_idx %arg16[%add3A_152, %broadcast_in_dim3A_328], %mul3A_330 : memref<128x64xf32, #tpu.memory_space<vmem>>[vector<16xi32>, vector<16xi32>], vector<16xf32>,
          %broadcast_in_dim3A_331 = arith.constant 33 : i32
          %broadcast_in_dim3A_332 = vector.broadcast %broadcast_in_dim3A_331 : i32 to vector<16xi32>
          %gather3A_333 = tpu.vector_load_idx %arg12[%add3A_152, %broadcast_in_dim3A_332] : memref<128x80xf32, #tpu.memory_space<vmem>>[vector<16xi32>, vector<16xi32>], vector<16xf32>,
          %mul3A_334 = arith.mulf %gather3A_333, %exp3A_324 : vector<16xf32>
          tpu.vector_store_idx %arg16[%add3A_152, %broadcast_in_dim3A_332], %mul3A_334 : memref<128x64xf32, #tpu.memory_space<vmem>>[vector<16xi32>, vector<16xi32>], vector<16xf32>,
          %broadcast_in_dim3A_335 = arith.constant 34 : i32
          %broadcast_in_dim3A_336 = vector.broadcast %broadcast_in_dim3A_335 : i32 to vector<16xi32>
          %gather3A_337 = tpu.vector_load_idx %arg12[%add3A_152, %broadcast_in_dim3A_336] : memref<128x80xf32, #tpu.memory_space<vmem>>[vector<16xi32>, vector<16xi32>], vector<16xf32>,
          %mul3A_338 = arith.mulf %gather3A_337, %exp3A_324 : vector<16xf32>
          tpu.vector_store_idx %arg16[%add3A_152, %broadcast_in_dim3A_336], %mul3A_338 : memref<128x64xf32, #tpu.memory_space<vmem>>[vector<16xi32>, vector<16xi32>], vector<16xf32>,
          %broadcast_in_dim3A_339 = arith.constant 35 : i32
          %broadcast_in_dim3A_340 = vector.broadcast %broadcast_in_dim3A_339 : i32 to vector<16xi32>
          %gather3A_341 = tpu.vector_load_idx %arg12[%add3A_152, %broadcast_in_dim3A_340] : memref<128x80xf32, #tpu.memory_space<vmem>>[vector<16xi32>, vector<16xi32>], vector<16xf32>,
          %mul3A_342 = arith.mulf %gather3A_341, %exp3A_324 : vector<16xf32>
          tpu.vector_store_idx %arg16[%add3A_152, %broadcast_in_dim3A_340], %mul3A_342 : memref<128x64xf32, #tpu.memory_space<vmem>>[vector<16xi32>, vector<16xi32>], vector<16xf32>,
          %broadcast_in_dim3A_343 = arith.constant 36 : i32
          %broadcast_in_dim3A_344 = vector.broadcast %broadcast_in_dim3A_343 : i32 to vector<16xi32>
          %gather3A_345 = tpu.vector_load_idx %arg12[%add3A_152, %broadcast_in_dim3A_344] : memref<128x80xf32, #tpu.memory_space<vmem>>[vector<16xi32>, vector<16xi32>], vector<16xf32>,
          %mul3A_346 = arith.mulf %gather3A_345, %exp3A_324 : vector<16xf32>
          tpu.vector_store_idx %arg16[%add3A_152, %broadcast_in_dim3A_344], %mul3A_346 : memref<128x64xf32, #tpu.memory_space<vmem>>[vector<16xi32>, vector<16xi32>], vector<16xf32>,
          %broadcast_in_dim3A_347 = arith.constant 37 : i32
          %broadcast_in_dim3A_348 = vector.broadcast %broadcast_in_dim3A_347 : i32 to vector<16xi32>
          %gather3A_349 = tpu.vector_load_idx %arg12[%add3A_152, %broadcast_in_dim3A_348] : memref<128x80xf32, #tpu.memory_space<vmem>>[vector<16xi32>, vector<16xi32>], vector<16xf32>,
          %mul3A_350 = arith.mulf %gather3A_349, %exp3A_324 : vector<16xf32>
          tpu.vector_store_idx %arg16[%add3A_152, %broadcast_in_dim3A_348], %mul3A_350 : memref<128x64xf32, #tpu.memory_space<vmem>>[vector<16xi32>, vector<16xi32>], vector<16xf32>,
          %broadcast_in_dim3A_351 = arith.constant 38 : i32
          %broadcast_in_dim3A_352 = vector.broadcast %broadcast_in_dim3A_351 : i32 to vector<16xi32>
          %gather3A_353 = tpu.vector_load_idx %arg12[%add3A_152, %broadcast_in_dim3A_352] : memref<128x80xf32, #tpu.memory_space<vmem>>[vector<16xi32>, vector<16xi32>], vector<16xf32>,
          %mul3A_354 = arith.mulf %gather3A_353, %exp3A_324 : vector<16xf32>
          tpu.vector_store_idx %arg16[%add3A_152, %broadcast_in_dim3A_352], %mul3A_354 : memref<128x64xf32, #tpu.memory_space<vmem>>[vector<16xi32>, vector<16xi32>], vector<16xf32>,
          %broadcast_in_dim3A_355 = arith.constant 39 : i32
          %broadcast_in_dim3A_356 = vector.broadcast %broadcast_in_dim3A_355 : i32 to vector<16xi32>
          %gather3A_357 = tpu.vector_load_idx %arg12[%add3A_152, %broadcast_in_dim3A_356] : memref<128x80xf32, #tpu.memory_space<vmem>>[vector<16xi32>, vector<16xi32>], vector<16xf32>,
          %mul3A_358 = arith.mulf %gather3A_357, %exp3A_324 : vector<16xf32>
          tpu.vector_store_idx %arg16[%add3A_152, %broadcast_in_dim3A_356], %mul3A_358 : memref<128x64xf32, #tpu.memory_space<vmem>>[vector<16xi32>, vector<16xi32>], vector<16xf32>,
          %broadcast_in_dim3A_359 = arith.constant 40 : i32
          %broadcast_in_dim3A_360 = vector.broadcast %broadcast_in_dim3A_359 : i32 to vector<16xi32>
          %gather3A_361 = tpu.vector_load_idx %arg12[%add3A_152, %broadcast_in_dim3A_360] : memref<128x80xf32, #tpu.memory_space<vmem>>[vector<16xi32>, vector<16xi32>], vector<16xf32>,
          %mul3A_362 = arith.mulf %gather3A_361, %exp3A_324 : vector<16xf32>
          tpu.vector_store_idx %arg16[%add3A_152, %broadcast_in_dim3A_360], %mul3A_362 : memref<128x64xf32, #tpu.memory_space<vmem>>[vector<16xi32>, vector<16xi32>], vector<16xf32>,
          %broadcast_in_dim3A_363 = arith.constant 41 : i32
          %broadcast_in_dim3A_364 = vector.broadcast %broadcast_in_dim3A_363 : i32 to vector<16xi32>
          %gather3A_365 = tpu.vector_load_idx %arg12[%add3A_152, %broadcast_in_dim3A_364] : memref<128x80xf32, #tpu.memory_space<vmem>>[vector<16xi32>, vector<16xi32>], vector<16xf32>,
          %mul3A_366 = arith.mulf %gather3A_365, %exp3A_324 : vector<16xf32>
          tpu.vector_store_idx %arg16[%add3A_152, %broadcast_in_dim3A_364], %mul3A_366 : memref<128x64xf32, #tpu.memory_space<vmem>>[vector<16xi32>, vector<16xi32>], vector<16xf32>,
          %broadcast_in_dim3A_367 = arith.constant 42 : i32
          %broadcast_in_dim3A_368 = vector.broadcast %broadcast_in_dim3A_367 : i32 to vector<16xi32>
          %gather3A_369 = tpu.vector_load_idx %arg12[%add3A_152, %broadcast_in_dim3A_368] : memref<128x80xf32, #tpu.memory_space<vmem>>[vector<16xi32>, vector<16xi32>], vector<16xf32>,
          %mul3A_370 = arith.mulf %gather3A_369, %exp3A_324 : vector<16xf32>
          tpu.vector_store_idx %arg16[%add3A_152, %broadcast_in_dim3A_368], %mul3A_370 : memref<128x64xf32, #tpu.memory_space<vmem>>[vector<16xi32>, vector<16xi32>], vector<16xf32>,
          %broadcast_in_dim3A_371 = arith.constant 43 : i32
          %broadcast_in_dim3A_372 = vector.broadcast %broadcast_in_dim3A_371 : i32 to vector<16xi32>
          %gather3A_373 = tpu.vector_load_idx %arg12[%add3A_152, %broadcast_in_dim3A_372] : memref<128x80xf32, #tpu.memory_space<vmem>>[vector<16xi32>, vector<16xi32>], vector<16xf32>,
          %mul3A_374 = arith.mulf %gather3A_373, %exp3A_324 : vector<16xf32>
          tpu.vector_store_idx %arg16[%add3A_152, %broadcast_in_dim3A_372], %mul3A_374 : memref<128x64xf32, #tpu.memory_space<vmem>>[vector<16xi32>, vector<16xi32>], vector<16xf32>,
          %broadcast_in_dim3A_375 = arith.constant 44 : i32
          %broadcast_in_dim3A_376 = vector.broadcast %broadcast_in_dim3A_375 : i32 to vector<16xi32>
          %gather3A_377 = tpu.vector_load_idx %arg12[%add3A_152, %broadcast_in_dim3A_376] : memref<128x80xf32, #tpu.memory_space<vmem>>[vector<16xi32>, vector<16xi32>], vector<16xf32>,
          %mul3A_378 = arith.mulf %gather3A_377, %exp3A_324 : vector<16xf32>
          tpu.vector_store_idx %arg16[%add3A_152, %broadcast_in_dim3A_376], %mul3A_378 : memref<128x64xf32, #tpu.memory_space<vmem>>[vector<16xi32>, vector<16xi32>], vector<16xf32>,
          %broadcast_in_dim3A_379 = arith.constant 45 : i32
          %broadcast_in_dim3A_380 = vector.broadcast %broadcast_in_dim3A_379 : i32 to vector<16xi32>
          %gather3A_381 = tpu.vector_load_idx %arg12[%add3A_152, %broadcast_in_dim3A_380] : memref<128x80xf32, #tpu.memory_space<vmem>>[vector<16xi32>, vector<16xi32>], vector<16xf32>,
          %mul3A_382 = arith.mulf %gather3A_381, %exp3A_324 : vector<16xf32>
          tpu.vector_store_idx %arg16[%add3A_152, %broadcast_in_dim3A_380], %mul3A_382 : memref<128x64xf32, #tpu.memory_space<vmem>>[vector<16xi32>, vector<16xi32>], vector<16xf32>,
          %broadcast_in_dim3A_383 = arith.constant 46 : i32
          %broadcast_in_dim3A_384 = vector.broadcast %broadcast_in_dim3A_383 : i32 to vector<16xi32>
          %gather3A_385 = tpu.vector_load_idx %arg12[%add3A_152, %broadcast_in_dim3A_384] : memref<128x80xf32, #tpu.memory_space<vmem>>[vector<16xi32>, vector<16xi32>], vector<16xf32>,
          %mul3A_386 = arith.mulf %gather3A_385, %exp3A_324 : vector<16xf32>
          tpu.vector_store_idx %arg16[%add3A_152, %broadcast_in_dim3A_384], %mul3A_386 : memref<128x64xf32, #tpu.memory_space<vmem>>[vector<16xi32>, vector<16xi32>], vector<16xf32>,
          %broadcast_in_dim3A_387 = arith.constant 47 : i32
          %broadcast_in_dim3A_388 = vector.broadcast %broadcast_in_dim3A_387 : i32 to vector<16xi32>
          %gather3A_389 = tpu.vector_load_idx %arg12[%add3A_152, %broadcast_in_dim3A_388] : memref<128x80xf32, #tpu.memory_space<vmem>>[vector<16xi32>, vector<16xi32>], vector<16xf32>,
          %mul3A_390 = arith.mulf %gather3A_389, %exp3A_324 : vector<16xf32>
          tpu.vector_store_idx %arg16[%add3A_152, %broadcast_in_dim3A_388], %mul3A_390 : memref<128x64xf32, #tpu.memory_space<vmem>>[vector<16xi32>, vector<16xi32>], vector<16xf32>,
          %broadcast_in_dim3A_391 = arith.constant 67 : i32
          %broadcast_in_dim3A_392 = vector.broadcast %broadcast_in_dim3A_391 : i32 to vector<16xi32>
          %gather3A_393 = tpu.vector_load_idx %arg12[%add3A_152, %broadcast_in_dim3A_392] : memref<128x80xf32, #tpu.memory_space<vmem>>[vector<16xi32>, vector<16xi32>], vector<16xf32>,
          %broadcast_in_dim3A_394 = arith.constant 3 : i32
          %broadcast_in_dim3A_395 = vector.broadcast %broadcast_in_dim3A_394 : i32 to vector<16xi32>
          %gather3A_396 = tpu.vector_load_idx %arg14[%add3A_152, %broadcast_in_dim3A_395] : memref<128x16xf32, #tpu.memory_space<vmem>>[vector<16xi32>, vector<16xi32>], vector<16xf32>,
          %add3A_397 = arith.addf %gather3A_393, %gather3A_396 : vector<16xf32>
          %gt3A_398 = arith.constant 0.000000e+00 : f32
          %gt3A_399 = vector.broadcast %gt3A_398 : f32 to vector<16xf32>
          %gt3A_400 = arith.cmpf ogt, %add3A_397, %gt3A_399 : vector<16xf32>
          %mul3A_401 = arith.constant 2.000000e-01 : f32
          %mul3A_402 = vector.broadcast %mul3A_401 : f32 to vector<16xf32>
          %mul3A_403 = arith.mulf %mul3A_402, %add3A_397 : vector<16xf32>
          %select_n3A_404 = arith.select %gt3A_400, %add3A_397, %mul3A_403 : vector<16xi1>, vector<16xf32>
          %exp3A_405 = math.exp %select_n3A_404 : vector<16xf32>
          %broadcast_in_dim3A_406 = arith.constant 3 : i32
          %broadcast_in_dim3A_407 = vector.broadcast %broadcast_in_dim3A_406 : i32 to vector<16xi32>
          tpu.vector_store_idx %arg17[%add3A_152, %broadcast_in_dim3A_407], %exp3A_405 : memref<128x16xf32, #tpu.memory_space<vmem>>[vector<16xi32>, vector<16xi32>], vector<16xf32>,
          %broadcast_in_dim3A_408 = arith.constant 48 : i32
          %broadcast_in_dim3A_409 = vector.broadcast %broadcast_in_dim3A_408 : i32 to vector<16xi32>
          %gather3A_410 = tpu.vector_load_idx %arg12[%add3A_152, %broadcast_in_dim3A_409] : memref<128x80xf32, #tpu.memory_space<vmem>>[vector<16xi32>, vector<16xi32>], vector<16xf32>,
          %mul3A_411 = arith.mulf %gather3A_410, %exp3A_405 : vector<16xf32>
          tpu.vector_store_idx %arg16[%add3A_152, %broadcast_in_dim3A_409], %mul3A_411 : memref<128x64xf32, #tpu.memory_space<vmem>>[vector<16xi32>, vector<16xi32>], vector<16xf32>,
          %broadcast_in_dim3A_412 = arith.constant 49 : i32
          %broadcast_in_dim3A_413 = vector.broadcast %broadcast_in_dim3A_412 : i32 to vector<16xi32>
          %gather3A_414 = tpu.vector_load_idx %arg12[%add3A_152, %broadcast_in_dim3A_413] : memref<128x80xf32, #tpu.memory_space<vmem>>[vector<16xi32>, vector<16xi32>], vector<16xf32>,
          %mul3A_415 = arith.mulf %gather3A_414, %exp3A_405 : vector<16xf32>
          tpu.vector_store_idx %arg16[%add3A_152, %broadcast_in_dim3A_413], %mul3A_415 : memref<128x64xf32, #tpu.memory_space<vmem>>[vector<16xi32>, vector<16xi32>], vector<16xf32>,
          %broadcast_in_dim3A_416 = arith.constant 50 : i32
          %broadcast_in_dim3A_417 = vector.broadcast %broadcast_in_dim3A_416 : i32 to vector<16xi32>
          %gather3A_418 = tpu.vector_load_idx %arg12[%add3A_152, %broadcast_in_dim3A_417] : memref<128x80xf32, #tpu.memory_space<vmem>>[vector<16xi32>, vector<16xi32>], vector<16xf32>,
          %mul3A_419 = arith.mulf %gather3A_418, %exp3A_405 : vector<16xf32>
          tpu.vector_store_idx %arg16[%add3A_152, %broadcast_in_dim3A_417], %mul3A_419 : memref<128x64xf32, #tpu.memory_space<vmem>>[vector<16xi32>, vector<16xi32>], vector<16xf32>,
          %broadcast_in_dim3A_420 = arith.constant 51 : i32
          %broadcast_in_dim3A_421 = vector.broadcast %broadcast_in_dim3A_420 : i32 to vector<16xi32>
          %gather3A_422 = tpu.vector_load_idx %arg12[%add3A_152, %broadcast_in_dim3A_421] : memref<128x80xf32, #tpu.memory_space<vmem>>[vector<16xi32>, vector<16xi32>], vector<16xf32>,
          %mul3A_423 = arith.mulf %gather3A_422, %exp3A_405 : vector<16xf32>
          tpu.vector_store_idx %arg16[%add3A_152, %broadcast_in_dim3A_421], %mul3A_423 : memref<128x64xf32, #tpu.memory_space<vmem>>[vector<16xi32>, vector<16xi32>], vector<16xf32>,
          %broadcast_in_dim3A_424 = arith.constant 52 : i32
          %broadcast_in_dim3A_425 = vector.broadcast %broadcast_in_dim3A_424 : i32 to vector<16xi32>
          %gather3A_426 = tpu.vector_load_idx %arg12[%add3A_152, %broadcast_in_dim3A_425] : memref<128x80xf32, #tpu.memory_space<vmem>>[vector<16xi32>, vector<16xi32>], vector<16xf32>,
          %mul3A_427 = arith.mulf %gather3A_426, %exp3A_405 : vector<16xf32>
          tpu.vector_store_idx %arg16[%add3A_152, %broadcast_in_dim3A_425], %mul3A_427 : memref<128x64xf32, #tpu.memory_space<vmem>>[vector<16xi32>, vector<16xi32>], vector<16xf32>,
          %broadcast_in_dim3A_428 = arith.constant 53 : i32
          %broadcast_in_dim3A_429 = vector.broadcast %broadcast_in_dim3A_428 : i32 to vector<16xi32>
          %gather3A_430 = tpu.vector_load_idx %arg12[%add3A_152, %broadcast_in_dim3A_429] : memref<128x80xf32, #tpu.memory_space<vmem>>[vector<16xi32>, vector<16xi32>], vector<16xf32>,
          %mul3A_431 = arith.mulf %gather3A_430, %exp3A_405 : vector<16xf32>
          tpu.vector_store_idx %arg16[%add3A_152, %broadcast_in_dim3A_429], %mul3A_431 : memref<128x64xf32, #tpu.memory_space<vmem>>[vector<16xi32>, vector<16xi32>], vector<16xf32>,
          %broadcast_in_dim3A_432 = arith.constant 54 : i32
          %broadcast_in_dim3A_433 = vector.broadcast %broadcast_in_dim3A_432 : i32 to vector<16xi32>
          %gather3A_434 = tpu.vector_load_idx %arg12[%add3A_152, %broadcast_in_dim3A_433] : memref<128x80xf32, #tpu.memory_space<vmem>>[vector<16xi32>, vector<16xi32>], vector<16xf32>,
          %mul3A_435 = arith.mulf %gather3A_434, %exp3A_405 : vector<16xf32>
          tpu.vector_store_idx %arg16[%add3A_152, %broadcast_in_dim3A_433], %mul3A_435 : memref<128x64xf32, #tpu.memory_space<vmem>>[vector<16xi32>, vector<16xi32>], vector<16xf32>,
          %broadcast_in_dim3A_436 = arith.constant 55 : i32
          %broadcast_in_dim3A_437 = vector.broadcast %broadcast_in_dim3A_436 : i32 to vector<16xi32>
          %gather3A_438 = tpu.vector_load_idx %arg12[%add3A_152, %broadcast_in_dim3A_437] : memref<128x80xf32, #tpu.memory_space<vmem>>[vector<16xi32>, vector<16xi32>], vector<16xf32>,
          %mul3A_439 = arith.mulf %gather3A_438, %exp3A_405 : vector<16xf32>
          tpu.vector_store_idx %arg16[%add3A_152, %broadcast_in_dim3A_437], %mul3A_439 : memref<128x64xf32, #tpu.memory_space<vmem>>[vector<16xi32>, vector<16xi32>], vector<16xf32>,
          %broadcast_in_dim3A_440 = arith.constant 56 : i32
          %broadcast_in_dim3A_441 = vector.broadcast %broadcast_in_dim3A_440 : i32 to vector<16xi32>
          %gather3A_442 = tpu.vector_load_idx %arg12[%add3A_152, %broadcast_in_dim3A_441] : memref<128x80xf32, #tpu.memory_space<vmem>>[vector<16xi32>, vector<16xi32>], vector<16xf32>,
          %mul3A_443 = arith.mulf %gather3A_442, %exp3A_405 : vector<16xf32>
          tpu.vector_store_idx %arg16[%add3A_152, %broadcast_in_dim3A_441], %mul3A_443 : memref<128x64xf32, #tpu.memory_space<vmem>>[vector<16xi32>, vector<16xi32>], vector<16xf32>,
          %broadcast_in_dim3A_444 = arith.constant 57 : i32
          %broadcast_in_dim3A_445 = vector.broadcast %broadcast_in_dim3A_444 : i32 to vector<16xi32>
          %gather3A_446 = tpu.vector_load_idx %arg12[%add3A_152, %broadcast_in_dim3A_445] : memref<128x80xf32, #tpu.memory_space<vmem>>[vector<16xi32>, vector<16xi32>], vector<16xf32>,
          %mul3A_447 = arith.mulf %gather3A_446, %exp3A_405 : vector<16xf32>
          tpu.vector_store_idx %arg16[%add3A_152, %broadcast_in_dim3A_445], %mul3A_447 : memref<128x64xf32, #tpu.memory_space<vmem>>[vector<16xi32>, vector<16xi32>], vector<16xf32>,
          %broadcast_in_dim3A_448 = arith.constant 58 : i32
          %broadcast_in_dim3A_449 = vector.broadcast %broadcast_in_dim3A_448 : i32 to vector<16xi32>
          %gather3A_450 = tpu.vector_load_idx %arg12[%add3A_152, %broadcast_in_dim3A_449] : memref<128x80xf32, #tpu.memory_space<vmem>>[vector<16xi32>, vector<16xi32>], vector<16xf32>,
          %mul3A_451 = arith.mulf %gather3A_450, %exp3A_405 : vector<16xf32>
          tpu.vector_store_idx %arg16[%add3A_152, %broadcast_in_dim3A_449], %mul3A_451 : memref<128x64xf32, #tpu.memory_space<vmem>>[vector<16xi32>, vector<16xi32>], vector<16xf32>,
          %broadcast_in_dim3A_452 = arith.constant 59 : i32
          %broadcast_in_dim3A_453 = vector.broadcast %broadcast_in_dim3A_452 : i32 to vector<16xi32>
          %gather3A_454 = tpu.vector_load_idx %arg12[%add3A_152, %broadcast_in_dim3A_453] : memref<128x80xf32, #tpu.memory_space<vmem>>[vector<16xi32>, vector<16xi32>], vector<16xf32>,
          %mul3A_455 = arith.mulf %gather3A_454, %exp3A_405 : vector<16xf32>
          tpu.vector_store_idx %arg16[%add3A_152, %broadcast_in_dim3A_453], %mul3A_455 : memref<128x64xf32, #tpu.memory_space<vmem>>[vector<16xi32>, vector<16xi32>], vector<16xf32>,
          %broadcast_in_dim3A_456 = arith.constant 60 : i32
          %broadcast_in_dim3A_457 = vector.broadcast %broadcast_in_dim3A_456 : i32 to vector<16xi32>
          %gather3A_458 = tpu.vector_load_idx %arg12[%add3A_152, %broadcast_in_dim3A_457] : memref<128x80xf32, #tpu.memory_space<vmem>>[vector<16xi32>, vector<16xi32>], vector<16xf32>,
          %mul3A_459 = arith.mulf %gather3A_458, %exp3A_405 : vector<16xf32>
          tpu.vector_store_idx %arg16[%add3A_152, %broadcast_in_dim3A_457], %mul3A_459 : memref<128x64xf32, #tpu.memory_space<vmem>>[vector<16xi32>, vector<16xi32>], vector<16xf32>,
          %broadcast_in_dim3A_460 = arith.constant 61 : i32
          %broadcast_in_dim3A_461 = vector.broadcast %broadcast_in_dim3A_460 : i32 to vector<16xi32>
          %gather3A_462 = tpu.vector_load_idx %arg12[%add3A_152, %broadcast_in_dim3A_461] : memref<128x80xf32, #tpu.memory_space<vmem>>[vector<16xi32>, vector<16xi32>], vector<16xf32>,
          %mul3A_463 = arith.mulf %gather3A_462, %exp3A_405 : vector<16xf32>
          tpu.vector_store_idx %arg16[%add3A_152, %broadcast_in_dim3A_461], %mul3A_463 : memref<128x64xf32, #tpu.memory_space<vmem>>[vector<16xi32>, vector<16xi32>], vector<16xf32>,
          %broadcast_in_dim3A_464 = arith.constant 62 : i32
          %broadcast_in_dim3A_465 = vector.broadcast %broadcast_in_dim3A_464 : i32 to vector<16xi32>
          %gather3A_466 = tpu.vector_load_idx %arg12[%add3A_152, %broadcast_in_dim3A_465] : memref<128x80xf32, #tpu.memory_space<vmem>>[vector<16xi32>, vector<16xi32>], vector<16xf32>,
          %mul3A_467 = arith.mulf %gather3A_466, %exp3A_405 : vector<16xf32>
          tpu.vector_store_idx %arg16[%add3A_152, %broadcast_in_dim3A_465], %mul3A_467 : memref<128x64xf32, #tpu.memory_space<vmem>>[vector<16xi32>, vector<16xi32>], vector<16xf32>,
          %broadcast_in_dim3A_468 = arith.constant 63 : i32
          %broadcast_in_dim3A_469 = vector.broadcast %broadcast_in_dim3A_468 : i32 to vector<16xi32>
          %gather3A_470 = tpu.vector_load_idx %arg12[%add3A_152, %broadcast_in_dim3A_469] : memref<128x80xf32, #tpu.memory_space<vmem>>[vector<16xi32>, vector<16xi32>], vector<16xf32>,
          %mul3A_471 = arith.mulf %gather3A_470, %exp3A_405 : vector<16xf32>
          tpu.vector_store_idx %arg16[%add3A_152, %broadcast_in_dim3A_469], %mul3A_471 : memref<128x64xf32, #tpu.memory_space<vmem>>[vector<16xi32>, vector<16xi32>], vector<16xf32>,
        }
        %scan3A_111 = arith.constant 8 : i32
        "tpu.region"() ({
          %run_scoped3A_148 = tpu.sem_alloc : memref<!tpu.dma_semaphore, #tpu.memory_space<semaphore_mem>>
          %dma_start3A_149 = arith.constant 0 : i32
          %dma_start3A_150 = tpu.memref_slice %arg11[%mul3A_79, %dma_start3A_149] : memref<9x128xi32, #tpu.memory_space<vmem>> -> memref<1x128xi32, #tpu.memory_space<vmem>>
          %dma_start3A_151 = tpu.memref_squeeze %dma_start3A_150 : memref<1x128xi32, #tpu.memory_space<vmem>> -> memref<128xi32, #tpu.memory_space<vmem>>
          %dma_start3A_152 = arith.constant 0 : i32
          %dma_start3A_153 = arith.constant 0 : i32
          %dma_start3A_154 = tpu.memref_slice %arg18[%dma_start3A_152, %dma_start3A_153] : memref<10240x64xf32, #tpu.memory_space<vmem_shared>> -> memref<10240x64xf32, #tpu.memory_space<vmem_shared>>
          tpu.enqueue_indirect_dma source(%arg16 : memref<128x64xf32, #tpu.memory_space<vmem>>) target(%dma_start3A_154 : memref<10240x64xf32, #tpu.memory_space<vmem_shared>>) offsets(%dma_start3A_151 : memref<128xi32, #tpu.memory_space<vmem>>) semaphore(%run_scoped3A_148 : memref<!tpu.dma_semaphore, #tpu.memory_space<semaphore_mem>>) {add = true}
          %dma_wait3A_155 = arith.constant 0 : i32
          %dma_wait3A_156 = tpu.memref_slice %arg11[%mul3A_79, %dma_wait3A_155] : memref<9x128xi32, #tpu.memory_space<vmem>> -> memref<1x128xi32, #tpu.memory_space<vmem>>
          %dma_wait3A_157 = tpu.memref_squeeze %dma_wait3A_156 : memref<1x128xi32, #tpu.memory_space<vmem>> -> memref<128xi32, #tpu.memory_space<vmem>>
          %dma_wait3A_158 = arith.constant 0 : i32
          %dma_wait3A_159 = arith.constant 0 : i32
          %dma_wait3A_160 = tpu.memref_slice %arg18[%dma_wait3A_158, %dma_wait3A_159] : memref<10240x64xf32, #tpu.memory_space<vmem_shared>> -> memref<10240x64xf32, #tpu.memory_space<vmem_shared>>
          tpu.wait_indirect_dma semaphore(%run_scoped3A_148 : memref<!tpu.dma_semaphore, #tpu.memory_space<semaphore_mem>>) src(%arg16 : memref<128x64xf32, #tpu.memory_space<vmem>>) dst(%dma_wait3A_160 : memref<10240x64xf32, #tpu.memory_space<vmem_shared>>)
          tpu.yield
        }) : () -> ()
        "tpu.region"() ({
          %run_scoped3A_148 = tpu.sem_alloc : memref<!tpu.dma_semaphore, #tpu.memory_space<semaphore_mem>>
          %dma_start3A_149 = arith.constant 0 : i32
          %dma_start3A_150 = tpu.memref_slice %arg11[%mul3A_79, %dma_start3A_149] : memref<9x128xi32, #tpu.memory_space<vmem>> -> memref<1x128xi32, #tpu.memory_space<vmem>>
          %dma_start3A_151 = tpu.memref_squeeze %dma_start3A_150 : memref<1x128xi32, #tpu.memory_space<vmem>> -> memref<128xi32, #tpu.memory_space<vmem>>
          %dma_start3A_152 = arith.constant 0 : i32
          %dma_start3A_153 = arith.constant 0 : i32
          %dma_start3A_154 = tpu.memref_slice %arg19[%dma_start3A_152, %dma_start3A_153] : memref<10240x16xf32, #tpu.memory_space<vmem_shared>> -> memref<10240x16xf32, #tpu.memory_space<vmem_shared>>
          tpu.enqueue_indirect_dma source(%arg17 : memref<128x16xf32, #tpu.memory_space<vmem>>) target(%dma_start3A_154 : memref<10240x16xf32, #tpu.memory_space<vmem_shared>>) offsets(%dma_start3A_151 : memref<128xi32, #tpu.memory_space<vmem>>) semaphore(%run_scoped3A_148 : memref<!tpu.dma_semaphore, #tpu.memory_space<semaphore_mem>>) {add = true}
          %dma_wait3A_155 = arith.constant 0 : i32
          %dma_wait3A_156 = tpu.memref_slice %arg11[%mul3A_79, %dma_wait3A_155] : memref<9x128xi32, #tpu.memory_space<vmem>> -> memref<1x128xi32, #tpu.memory_space<vmem>>
          %dma_wait3A_157 = tpu.memref_squeeze %dma_wait3A_156 : memref<1x128xi32, #tpu.memory_space<vmem>> -> memref<128xi32, #tpu.memory_space<vmem>>
          %dma_wait3A_158 = arith.constant 0 : i32
          %dma_wait3A_159 = arith.constant 0 : i32
          %dma_wait3A_160 = tpu.memref_slice %arg19[%dma_wait3A_158, %dma_wait3A_159] : memref<10240x16xf32, #tpu.memory_space<vmem_shared>> -> memref<10240x16xf32, #tpu.memory_space<vmem_shared>>
          tpu.wait_indirect_dma semaphore(%run_scoped3A_148 : memref<!tpu.dma_semaphore, #tpu.memory_space<semaphore_mem>>) src(%arg17 : memref<128x16xf32, #tpu.memory_space<vmem>>) dst(%dma_wait3A_160 : memref<10240x16xf32, #tpu.memory_space<vmem_shared>>)
          tpu.yield
        }) : () -> ()
        %add3A_112 = arith.constant 2 : i32
        %add3A_113 = arith.addi %mul3A_79, %add3A_112 : i32
        %dma_start3A_114 = arith.constant 0 : i32
        %dma_start3A_115 = tpu.memref_slice %arg10[%add3A_113, %dma_start3A_114] : memref<9x128xi32, #tpu.memory_space<vmem>> -> memref<1x128xi32, #tpu.memory_space<vmem>>
        %dma_start3A_116 = tpu.memref_squeeze %dma_start3A_115 : memref<1x128xi32, #tpu.memory_space<vmem>> -> memref<128xi32, #tpu.memory_space<vmem>>
        %dma_start3A_117 = arith.constant 0 : i32
        %dma_start3A_118 = arith.constant 0 : i32
        %dma_start3A_119 = tpu.memref_slice %arg2[%dma_start3A_117, %dma_start3A_118] : memref<10000x80xf32, #tpu.memory_space<hbm>> -> memref<10000x80xf32, #tpu.memory_space<hbm>>
        tpu.enqueue_indirect_dma source(%dma_start3A_119 : memref<10000x80xf32, #tpu.memory_space<hbm>>) target(%arg12 : memref<128x80xf32, #tpu.memory_space<vmem>>) offsets(%dma_start3A_116 : memref<128xi32, #tpu.memory_space<vmem>>) semaphore(%arg20 : memref<!tpu.dma_semaphore, #tpu.memory_space<semaphore_mem>>)
        %dma_start3A_120 = arith.constant 0 : i32
        %dma_start3A_121 = tpu.memref_slice %arg11[%add3A_113, %dma_start3A_120] : memref<9x128xi32, #tpu.memory_space<vmem>> -> memref<1x128xi32, #tpu.memory_space<vmem>>
        %dma_start3A_122 = tpu.memref_squeeze %dma_start3A_121 : memref<1x128xi32, #tpu.memory_space<vmem>> -> memref<128xi32, #tpu.memory_space<vmem>>
        %dma_start3A_123 = arith.constant 0 : i32
        %dma_start3A_124 = arith.constant 0 : i32
        %dma_start3A_125 = tpu.memref_slice %arg3[%dma_start3A_123, %dma_start3A_124] : memref<10240x16xf32, #tpu.memory_space<hbm>> -> memref<10240x16xf32, #tpu.memory_space<hbm>>
        tpu.enqueue_indirect_dma source(%dma_start3A_125 : memref<10240x16xf32, #tpu.memory_space<hbm>>) target(%arg14 : memref<128x16xf32, #tpu.memory_space<vmem>>) offsets(%dma_start3A_122 : memref<128xi32, #tpu.memory_space<vmem>>) semaphore(%arg20 : memref<!tpu.dma_semaphore, #tpu.memory_space<semaphore_mem>>)
        %add3A_126 = arith.constant 1 : i32
        %add3A_127 = arith.addi %mul3A_79, %add3A_126 : i32
        %dma_wait3A_128 = arith.constant 0 : i32
        %dma_wait3A_129 = tpu.memref_slice %arg10[%add3A_127, %dma_wait3A_128] : memref<9x128xi32, #tpu.memory_space<vmem>> -> memref<1x128xi32, #tpu.memory_space<vmem>>
        %dma_wait3A_130 = tpu.memref_squeeze %dma_wait3A_129 : memref<1x128xi32, #tpu.memory_space<vmem>> -> memref<128xi32, #tpu.memory_space<vmem>>
        %dma_wait3A_131 = arith.constant 0 : i32
        %dma_wait3A_132 = arith.constant 0 : i32
        %dma_wait3A_133 = tpu.memref_slice %arg2[%dma_wait3A_131, %dma_wait3A_132] : memref<10000x80xf32, #tpu.memory_space<hbm>> -> memref<10000x80xf32, #tpu.memory_space<hbm>>
        tpu.wait_indirect_dma semaphore(%arg21 : memref<!tpu.dma_semaphore, #tpu.memory_space<semaphore_mem>>) src(%dma_wait3A_133 : memref<10000x80xf32, #tpu.memory_space<hbm>>) dst(%arg13 : memref<128x80xf32, #tpu.memory_space<vmem>>)
        %dma_wait3A_134 = arith.constant 0 : i32
        %dma_wait3A_135 = tpu.memref_slice %arg11[%add3A_127, %dma_wait3A_134] : memref<9x128xi32, #tpu.memory_space<vmem>> -> memref<1x128xi32, #tpu.memory_space<vmem>>
        %dma_wait3A_136 = tpu.memref_squeeze %dma_wait3A_135 : memref<1x128xi32, #tpu.memory_space<vmem>> -> memref<128xi32, #tpu.memory_space<vmem>>
        %dma_wait3A_137 = arith.constant 0 : i32
        %dma_wait3A_138 = arith.constant 0 : i32
        %dma_wait3A_139 = tpu.memref_slice %arg3[%dma_wait3A_137, %dma_wait3A_138] : memref<10240x16xf32, #tpu.memory_space<hbm>> -> memref<10240x16xf32, #tpu.memory_space<hbm>>
        tpu.wait_indirect_dma semaphore(%arg21 : memref<!tpu.dma_semaphore, #tpu.memory_space<semaphore_mem>>) src(%dma_wait3A_139 : memref<10240x16xf32, #tpu.memory_space<hbm>>) dst(%arg15 : memref<128x16xf32, #tpu.memory_space<vmem>>)
        %add3A_140 = arith.constant 1 : i32
        %add3A_141 = arith.addi %mul3A_79, %add3A_140 : i32
        %scan3A_142 = arith.constant 0 : i32
        %scan3A_143 = arith.constant 0 : i32
        %scan3A_144 = arith.constant 8 : i32
        %scan3A_145 = arith.addi %scan3A_143, %scan3A_144 : i32
        %scan3A_146 = arith.constant 1 : i32
        scf.for %scan3A_148 = %scan3A_143 to %scan3A_145 step %scan3A_146  : i32 {
          %mul3A_149 = arith.constant 16 : i32
          %mul3A_150 = arith.muli %scan3A_148, %mul3A_149 : i32
          %add3A_151 = vector.broadcast %mul3A_150 : i32 to vector<16xi32>
          %add3A_152 = arith.addi %add3A_151, %iota3A : vector<16xi32>
          %broadcast_in_dim3A = arith.constant 64 : i32
          %broadcast_in_dim3A_153 = vector.broadcast %broadcast_in_dim3A : i32 to vector<16xi32>
          %gather3A = tpu.vector_load_idx %arg13[%add3A_152, %broadcast_in_dim3A_153] : memref<128x80xf32, #tpu.memory_space<vmem>>[vector<16xi32>, vector<16xi32>], vector<16xf32>,
          %broadcast_in_dim3A_154 = arith.constant 0 : i32
          %broadcast_in_dim3A_155 = vector.broadcast %broadcast_in_dim3A_154 : i32 to vector<16xi32>
          %gather3A_156 = tpu.vector_load_idx %arg15[%add3A_152, %broadcast_in_dim3A_155] : memref<128x16xf32, #tpu.memory_space<vmem>>[vector<16xi32>, vector<16xi32>], vector<16xf32>,
          %add3A_157 = arith.addf %gather3A, %gather3A_156 : vector<16xf32>
          %gt3A = arith.constant 0.000000e+00 : f32
          %gt3A_158 = vector.broadcast %gt3A : f32 to vector<16xf32>
          %gt3A_159 = arith.cmpf ogt, %add3A_157, %gt3A_158 : vector<16xf32>
          %mul3A_160 = arith.constant 2.000000e-01 : f32
          %mul3A_161 = vector.broadcast %mul3A_160 : f32 to vector<16xf32>
          %mul3A_162 = arith.mulf %mul3A_161, %add3A_157 : vector<16xf32>
          %select_n3A = arith.select %gt3A_159, %add3A_157, %mul3A_162 : vector<16xi1>, vector<16xf32>
          %exp3A = math.exp %select_n3A : vector<16xf32>
          %broadcast_in_dim3A_163 = arith.constant 0 : i32
          %broadcast_in_dim3A_164 = vector.broadcast %broadcast_in_dim3A_163 : i32 to vector<16xi32>
          tpu.vector_store_idx %arg17[%add3A_152, %broadcast_in_dim3A_164], %exp3A : memref<128x16xf32, #tpu.memory_space<vmem>>[vector<16xi32>, vector<16xi32>], vector<16xf32>,
          %broadcast_in_dim3A_165 = arith.constant 0 : i32
          %broadcast_in_dim3A_166 = vector.broadcast %broadcast_in_dim3A_165 : i32 to vector<16xi32>
          %gather3A_167 = tpu.vector_load_idx %arg13[%add3A_152, %broadcast_in_dim3A_166] : memref<128x80xf32, #tpu.memory_space<vmem>>[vector<16xi32>, vector<16xi32>], vector<16xf32>,
          %mul3A_168 = arith.mulf %gather3A_167, %exp3A : vector<16xf32>
          tpu.vector_store_idx %arg16[%add3A_152, %broadcast_in_dim3A_166], %mul3A_168 : memref<128x64xf32, #tpu.memory_space<vmem>>[vector<16xi32>, vector<16xi32>], vector<16xf32>,
          %broadcast_in_dim3A_169 = arith.constant 1 : i32
          %broadcast_in_dim3A_170 = vector.broadcast %broadcast_in_dim3A_169 : i32 to vector<16xi32>
          %gather3A_171 = tpu.vector_load_idx %arg13[%add3A_152, %broadcast_in_dim3A_170] : memref<128x80xf32, #tpu.memory_space<vmem>>[vector<16xi32>, vector<16xi32>], vector<16xf32>,
          %mul3A_172 = arith.mulf %gather3A_171, %exp3A : vector<16xf32>
          tpu.vector_store_idx %arg16[%add3A_152, %broadcast_in_dim3A_170], %mul3A_172 : memref<128x64xf32, #tpu.memory_space<vmem>>[vector<16xi32>, vector<16xi32>], vector<16xf32>,
          %broadcast_in_dim3A_173 = arith.constant 2 : i32
          %broadcast_in_dim3A_174 = vector.broadcast %broadcast_in_dim3A_173 : i32 to vector<16xi32>
          %gather3A_175 = tpu.vector_load_idx %arg13[%add3A_152, %broadcast_in_dim3A_174] : memref<128x80xf32, #tpu.memory_space<vmem>>[vector<16xi32>, vector<16xi32>], vector<16xf32>,
          %mul3A_176 = arith.mulf %gather3A_175, %exp3A : vector<16xf32>
          tpu.vector_store_idx %arg16[%add3A_152, %broadcast_in_dim3A_174], %mul3A_176 : memref<128x64xf32, #tpu.memory_space<vmem>>[vector<16xi32>, vector<16xi32>], vector<16xf32>,
          %broadcast_in_dim3A_177 = arith.constant 3 : i32
          %broadcast_in_dim3A_178 = vector.broadcast %broadcast_in_dim3A_177 : i32 to vector<16xi32>
          %gather3A_179 = tpu.vector_load_idx %arg13[%add3A_152, %broadcast_in_dim3A_178] : memref<128x80xf32, #tpu.memory_space<vmem>>[vector<16xi32>, vector<16xi32>], vector<16xf32>,
          %mul3A_180 = arith.mulf %gather3A_179, %exp3A : vector<16xf32>
          tpu.vector_store_idx %arg16[%add3A_152, %broadcast_in_dim3A_178], %mul3A_180 : memref<128x64xf32, #tpu.memory_space<vmem>>[vector<16xi32>, vector<16xi32>], vector<16xf32>,
          %broadcast_in_dim3A_181 = arith.constant 4 : i32
          %broadcast_in_dim3A_182 = vector.broadcast %broadcast_in_dim3A_181 : i32 to vector<16xi32>
          %gather3A_183 = tpu.vector_load_idx %arg13[%add3A_152, %broadcast_in_dim3A_182] : memref<128x80xf32, #tpu.memory_space<vmem>>[vector<16xi32>, vector<16xi32>], vector<16xf32>,
          %mul3A_184 = arith.mulf %gather3A_183, %exp3A : vector<16xf32>
          tpu.vector_store_idx %arg16[%add3A_152, %broadcast_in_dim3A_182], %mul3A_184 : memref<128x64xf32, #tpu.memory_space<vmem>>[vector<16xi32>, vector<16xi32>], vector<16xf32>,
          %broadcast_in_dim3A_185 = arith.constant 5 : i32
          %broadcast_in_dim3A_186 = vector.broadcast %broadcast_in_dim3A_185 : i32 to vector<16xi32>
          %gather3A_187 = tpu.vector_load_idx %arg13[%add3A_152, %broadcast_in_dim3A_186] : memref<128x80xf32, #tpu.memory_space<vmem>>[vector<16xi32>, vector<16xi32>], vector<16xf32>,
          %mul3A_188 = arith.mulf %gather3A_187, %exp3A : vector<16xf32>
          tpu.vector_store_idx %arg16[%add3A_152, %broadcast_in_dim3A_186], %mul3A_188 : memref<128x64xf32, #tpu.memory_space<vmem>>[vector<16xi32>, vector<16xi32>], vector<16xf32>,
          %broadcast_in_dim3A_189 = arith.constant 6 : i32
          %broadcast_in_dim3A_190 = vector.broadcast %broadcast_in_dim3A_189 : i32 to vector<16xi32>
          %gather3A_191 = tpu.vector_load_idx %arg13[%add3A_152, %broadcast_in_dim3A_190] : memref<128x80xf32, #tpu.memory_space<vmem>>[vector<16xi32>, vector<16xi32>], vector<16xf32>,
          %mul3A_192 = arith.mulf %gather3A_191, %exp3A : vector<16xf32>
          tpu.vector_store_idx %arg16[%add3A_152, %broadcast_in_dim3A_190], %mul3A_192 : memref<128x64xf32, #tpu.memory_space<vmem>>[vector<16xi32>, vector<16xi32>], vector<16xf32>,
          %broadcast_in_dim3A_193 = arith.constant 7 : i32
          %broadcast_in_dim3A_194 = vector.broadcast %broadcast_in_dim3A_193 : i32 to vector<16xi32>
          %gather3A_195 = tpu.vector_load_idx %arg13[%add3A_152, %broadcast_in_dim3A_194] : memref<128x80xf32, #tpu.memory_space<vmem>>[vector<16xi32>, vector<16xi32>], vector<16xf32>,
          %mul3A_196 = arith.mulf %gather3A_195, %exp3A : vector<16xf32>
          tpu.vector_store_idx %arg16[%add3A_152, %broadcast_in_dim3A_194], %mul3A_196 : memref<128x64xf32, #tpu.memory_space<vmem>>[vector<16xi32>, vector<16xi32>], vector<16xf32>,
          %broadcast_in_dim3A_197 = arith.constant 8 : i32
          %broadcast_in_dim3A_198 = vector.broadcast %broadcast_in_dim3A_197 : i32 to vector<16xi32>
          %gather3A_199 = tpu.vector_load_idx %arg13[%add3A_152, %broadcast_in_dim3A_198] : memref<128x80xf32, #tpu.memory_space<vmem>>[vector<16xi32>, vector<16xi32>], vector<16xf32>,
          %mul3A_200 = arith.mulf %gather3A_199, %exp3A : vector<16xf32>
          tpu.vector_store_idx %arg16[%add3A_152, %broadcast_in_dim3A_198], %mul3A_200 : memref<128x64xf32, #tpu.memory_space<vmem>>[vector<16xi32>, vector<16xi32>], vector<16xf32>,
          %broadcast_in_dim3A_201 = arith.constant 9 : i32
          %broadcast_in_dim3A_202 = vector.broadcast %broadcast_in_dim3A_201 : i32 to vector<16xi32>
          %gather3A_203 = tpu.vector_load_idx %arg13[%add3A_152, %broadcast_in_dim3A_202] : memref<128x80xf32, #tpu.memory_space<vmem>>[vector<16xi32>, vector<16xi32>], vector<16xf32>,
          %mul3A_204 = arith.mulf %gather3A_203, %exp3A : vector<16xf32>
          tpu.vector_store_idx %arg16[%add3A_152, %broadcast_in_dim3A_202], %mul3A_204 : memref<128x64xf32, #tpu.memory_space<vmem>>[vector<16xi32>, vector<16xi32>], vector<16xf32>,
          %broadcast_in_dim3A_205 = arith.constant 10 : i32
          %broadcast_in_dim3A_206 = vector.broadcast %broadcast_in_dim3A_205 : i32 to vector<16xi32>
          %gather3A_207 = tpu.vector_load_idx %arg13[%add3A_152, %broadcast_in_dim3A_206] : memref<128x80xf32, #tpu.memory_space<vmem>>[vector<16xi32>, vector<16xi32>], vector<16xf32>,
          %mul3A_208 = arith.mulf %gather3A_207, %exp3A : vector<16xf32>
          tpu.vector_store_idx %arg16[%add3A_152, %broadcast_in_dim3A_206], %mul3A_208 : memref<128x64xf32, #tpu.memory_space<vmem>>[vector<16xi32>, vector<16xi32>], vector<16xf32>,
          %broadcast_in_dim3A_209 = arith.constant 11 : i32
          %broadcast_in_dim3A_210 = vector.broadcast %broadcast_in_dim3A_209 : i32 to vector<16xi32>
          %gather3A_211 = tpu.vector_load_idx %arg13[%add3A_152, %broadcast_in_dim3A_210] : memref<128x80xf32, #tpu.memory_space<vmem>>[vector<16xi32>, vector<16xi32>], vector<16xf32>,
          %mul3A_212 = arith.mulf %gather3A_211, %exp3A : vector<16xf32>
          tpu.vector_store_idx %arg16[%add3A_152, %broadcast_in_dim3A_210], %mul3A_212 : memref<128x64xf32, #tpu.memory_space<vmem>>[vector<16xi32>, vector<16xi32>], vector<16xf32>,
          %broadcast_in_dim3A_213 = arith.constant 12 : i32
          %broadcast_in_dim3A_214 = vector.broadcast %broadcast_in_dim3A_213 : i32 to vector<16xi32>
          %gather3A_215 = tpu.vector_load_idx %arg13[%add3A_152, %broadcast_in_dim3A_214] : memref<128x80xf32, #tpu.memory_space<vmem>>[vector<16xi32>, vector<16xi32>], vector<16xf32>,
          %mul3A_216 = arith.mulf %gather3A_215, %exp3A : vector<16xf32>
          tpu.vector_store_idx %arg16[%add3A_152, %broadcast_in_dim3A_214], %mul3A_216 : memref<128x64xf32, #tpu.memory_space<vmem>>[vector<16xi32>, vector<16xi32>], vector<16xf32>,
          %broadcast_in_dim3A_217 = arith.constant 13 : i32
          %broadcast_in_dim3A_218 = vector.broadcast %broadcast_in_dim3A_217 : i32 to vector<16xi32>
          %gather3A_219 = tpu.vector_load_idx %arg13[%add3A_152, %broadcast_in_dim3A_218] : memref<128x80xf32, #tpu.memory_space<vmem>>[vector<16xi32>, vector<16xi32>], vector<16xf32>,
          %mul3A_220 = arith.mulf %gather3A_219, %exp3A : vector<16xf32>
          tpu.vector_store_idx %arg16[%add3A_152, %broadcast_in_dim3A_218], %mul3A_220 : memref<128x64xf32, #tpu.memory_space<vmem>>[vector<16xi32>, vector<16xi32>], vector<16xf32>,
          %broadcast_in_dim3A_221 = arith.constant 14 : i32
          %broadcast_in_dim3A_222 = vector.broadcast %broadcast_in_dim3A_221 : i32 to vector<16xi32>
          %gather3A_223 = tpu.vector_load_idx %arg13[%add3A_152, %broadcast_in_dim3A_222] : memref<128x80xf32, #tpu.memory_space<vmem>>[vector<16xi32>, vector<16xi32>], vector<16xf32>,
          %mul3A_224 = arith.mulf %gather3A_223, %exp3A : vector<16xf32>
          tpu.vector_store_idx %arg16[%add3A_152, %broadcast_in_dim3A_222], %mul3A_224 : memref<128x64xf32, #tpu.memory_space<vmem>>[vector<16xi32>, vector<16xi32>], vector<16xf32>,
          %broadcast_in_dim3A_225 = arith.constant 15 : i32
          %broadcast_in_dim3A_226 = vector.broadcast %broadcast_in_dim3A_225 : i32 to vector<16xi32>
          %gather3A_227 = tpu.vector_load_idx %arg13[%add3A_152, %broadcast_in_dim3A_226] : memref<128x80xf32, #tpu.memory_space<vmem>>[vector<16xi32>, vector<16xi32>], vector<16xf32>,
          %mul3A_228 = arith.mulf %gather3A_227, %exp3A : vector<16xf32>
          tpu.vector_store_idx %arg16[%add3A_152, %broadcast_in_dim3A_226], %mul3A_228 : memref<128x64xf32, #tpu.memory_space<vmem>>[vector<16xi32>, vector<16xi32>], vector<16xf32>,
          %broadcast_in_dim3A_229 = arith.constant 65 : i32
          %broadcast_in_dim3A_230 = vector.broadcast %broadcast_in_dim3A_229 : i32 to vector<16xi32>
          %gather3A_231 = tpu.vector_load_idx %arg13[%add3A_152, %broadcast_in_dim3A_230] : memref<128x80xf32, #tpu.memory_space<vmem>>[vector<16xi32>, vector<16xi32>], vector<16xf32>,
          %broadcast_in_dim3A_232 = arith.constant 1 : i32
          %broadcast_in_dim3A_233 = vector.broadcast %broadcast_in_dim3A_232 : i32 to vector<16xi32>
          %gather3A_234 = tpu.vector_load_idx %arg15[%add3A_152, %broadcast_in_dim3A_233] : memref<128x16xf32, #tpu.memory_space<vmem>>[vector<16xi32>, vector<16xi32>], vector<16xf32>,
          %add3A_235 = arith.addf %gather3A_231, %gather3A_234 : vector<16xf32>
          %gt3A_236 = arith.constant 0.000000e+00 : f32
          %gt3A_237 = vector.broadcast %gt3A_236 : f32 to vector<16xf32>
          %gt3A_238 = arith.cmpf ogt, %add3A_235, %gt3A_237 : vector<16xf32>
          %mul3A_239 = arith.constant 2.000000e-01 : f32
          %mul3A_240 = vector.broadcast %mul3A_239 : f32 to vector<16xf32>
          %mul3A_241 = arith.mulf %mul3A_240, %add3A_235 : vector<16xf32>
          %select_n3A_242 = arith.select %gt3A_238, %add3A_235, %mul3A_241 : vector<16xi1>, vector<16xf32>
          %exp3A_243 = math.exp %select_n3A_242 : vector<16xf32>
          %broadcast_in_dim3A_244 = arith.constant 1 : i32
          %broadcast_in_dim3A_245 = vector.broadcast %broadcast_in_dim3A_244 : i32 to vector<16xi32>
          tpu.vector_store_idx %arg17[%add3A_152, %broadcast_in_dim3A_245], %exp3A_243 : memref<128x16xf32, #tpu.memory_space<vmem>>[vector<16xi32>, vector<16xi32>], vector<16xf32>,
          %broadcast_in_dim3A_246 = arith.constant 16 : i32
          %broadcast_in_dim3A_247 = vector.broadcast %broadcast_in_dim3A_246 : i32 to vector<16xi32>
          %gather3A_248 = tpu.vector_load_idx %arg13[%add3A_152, %broadcast_in_dim3A_247] : memref<128x80xf32, #tpu.memory_space<vmem>>[vector<16xi32>, vector<16xi32>], vector<16xf32>,
          %mul3A_249 = arith.mulf %gather3A_248, %exp3A_243 : vector<16xf32>
          tpu.vector_store_idx %arg16[%add3A_152, %broadcast_in_dim3A_247], %mul3A_249 : memref<128x64xf32, #tpu.memory_space<vmem>>[vector<16xi32>, vector<16xi32>], vector<16xf32>,
          %broadcast_in_dim3A_250 = arith.constant 17 : i32
          %broadcast_in_dim3A_251 = vector.broadcast %broadcast_in_dim3A_250 : i32 to vector<16xi32>
          %gather3A_252 = tpu.vector_load_idx %arg13[%add3A_152, %broadcast_in_dim3A_251] : memref<128x80xf32, #tpu.memory_space<vmem>>[vector<16xi32>, vector<16xi32>], vector<16xf32>,
          %mul3A_253 = arith.mulf %gather3A_252, %exp3A_243 : vector<16xf32>
          tpu.vector_store_idx %arg16[%add3A_152, %broadcast_in_dim3A_251], %mul3A_253 : memref<128x64xf32, #tpu.memory_space<vmem>>[vector<16xi32>, vector<16xi32>], vector<16xf32>,
          %broadcast_in_dim3A_254 = arith.constant 18 : i32
          %broadcast_in_dim3A_255 = vector.broadcast %broadcast_in_dim3A_254 : i32 to vector<16xi32>
          %gather3A_256 = tpu.vector_load_idx %arg13[%add3A_152, %broadcast_in_dim3A_255] : memref<128x80xf32, #tpu.memory_space<vmem>>[vector<16xi32>, vector<16xi32>], vector<16xf32>,
          %mul3A_257 = arith.mulf %gather3A_256, %exp3A_243 : vector<16xf32>
          tpu.vector_store_idx %arg16[%add3A_152, %broadcast_in_dim3A_255], %mul3A_257 : memref<128x64xf32, #tpu.memory_space<vmem>>[vector<16xi32>, vector<16xi32>], vector<16xf32>,
          %broadcast_in_dim3A_258 = arith.constant 19 : i32
          %broadcast_in_dim3A_259 = vector.broadcast %broadcast_in_dim3A_258 : i32 to vector<16xi32>
          %gather3A_260 = tpu.vector_load_idx %arg13[%add3A_152, %broadcast_in_dim3A_259] : memref<128x80xf32, #tpu.memory_space<vmem>>[vector<16xi32>, vector<16xi32>], vector<16xf32>,
          %mul3A_261 = arith.mulf %gather3A_260, %exp3A_243 : vector<16xf32>
          tpu.vector_store_idx %arg16[%add3A_152, %broadcast_in_dim3A_259], %mul3A_261 : memref<128x64xf32, #tpu.memory_space<vmem>>[vector<16xi32>, vector<16xi32>], vector<16xf32>,
          %broadcast_in_dim3A_262 = arith.constant 20 : i32
          %broadcast_in_dim3A_263 = vector.broadcast %broadcast_in_dim3A_262 : i32 to vector<16xi32>
          %gather3A_264 = tpu.vector_load_idx %arg13[%add3A_152, %broadcast_in_dim3A_263] : memref<128x80xf32, #tpu.memory_space<vmem>>[vector<16xi32>, vector<16xi32>], vector<16xf32>,
          %mul3A_265 = arith.mulf %gather3A_264, %exp3A_243 : vector<16xf32>
          tpu.vector_store_idx %arg16[%add3A_152, %broadcast_in_dim3A_263], %mul3A_265 : memref<128x64xf32, #tpu.memory_space<vmem>>[vector<16xi32>, vector<16xi32>], vector<16xf32>,
          %broadcast_in_dim3A_266 = arith.constant 21 : i32
          %broadcast_in_dim3A_267 = vector.broadcast %broadcast_in_dim3A_266 : i32 to vector<16xi32>
          %gather3A_268 = tpu.vector_load_idx %arg13[%add3A_152, %broadcast_in_dim3A_267] : memref<128x80xf32, #tpu.memory_space<vmem>>[vector<16xi32>, vector<16xi32>], vector<16xf32>,
          %mul3A_269 = arith.mulf %gather3A_268, %exp3A_243 : vector<16xf32>
          tpu.vector_store_idx %arg16[%add3A_152, %broadcast_in_dim3A_267], %mul3A_269 : memref<128x64xf32, #tpu.memory_space<vmem>>[vector<16xi32>, vector<16xi32>], vector<16xf32>,
          %broadcast_in_dim3A_270 = arith.constant 22 : i32
          %broadcast_in_dim3A_271 = vector.broadcast %broadcast_in_dim3A_270 : i32 to vector<16xi32>
          %gather3A_272 = tpu.vector_load_idx %arg13[%add3A_152, %broadcast_in_dim3A_271] : memref<128x80xf32, #tpu.memory_space<vmem>>[vector<16xi32>, vector<16xi32>], vector<16xf32>,
          %mul3A_273 = arith.mulf %gather3A_272, %exp3A_243 : vector<16xf32>
          tpu.vector_store_idx %arg16[%add3A_152, %broadcast_in_dim3A_271], %mul3A_273 : memref<128x64xf32, #tpu.memory_space<vmem>>[vector<16xi32>, vector<16xi32>], vector<16xf32>,
          %broadcast_in_dim3A_274 = arith.constant 23 : i32
          %broadcast_in_dim3A_275 = vector.broadcast %broadcast_in_dim3A_274 : i32 to vector<16xi32>
          %gather3A_276 = tpu.vector_load_idx %arg13[%add3A_152, %broadcast_in_dim3A_275] : memref<128x80xf32, #tpu.memory_space<vmem>>[vector<16xi32>, vector<16xi32>], vector<16xf32>,
          %mul3A_277 = arith.mulf %gather3A_276, %exp3A_243 : vector<16xf32>
          tpu.vector_store_idx %arg16[%add3A_152, %broadcast_in_dim3A_275], %mul3A_277 : memref<128x64xf32, #tpu.memory_space<vmem>>[vector<16xi32>, vector<16xi32>], vector<16xf32>,
          %broadcast_in_dim3A_278 = arith.constant 24 : i32
          %broadcast_in_dim3A_279 = vector.broadcast %broadcast_in_dim3A_278 : i32 to vector<16xi32>
          %gather3A_280 = tpu.vector_load_idx %arg13[%add3A_152, %broadcast_in_dim3A_279] : memref<128x80xf32, #tpu.memory_space<vmem>>[vector<16xi32>, vector<16xi32>], vector<16xf32>,
          %mul3A_281 = arith.mulf %gather3A_280, %exp3A_243 : vector<16xf32>
          tpu.vector_store_idx %arg16[%add3A_152, %broadcast_in_dim3A_279], %mul3A_281 : memref<128x64xf32, #tpu.memory_space<vmem>>[vector<16xi32>, vector<16xi32>], vector<16xf32>,
          %broadcast_in_dim3A_282 = arith.constant 25 : i32
          %broadcast_in_dim3A_283 = vector.broadcast %broadcast_in_dim3A_282 : i32 to vector<16xi32>
          %gather3A_284 = tpu.vector_load_idx %arg13[%add3A_152, %broadcast_in_dim3A_283] : memref<128x80xf32, #tpu.memory_space<vmem>>[vector<16xi32>, vector<16xi32>], vector<16xf32>,
          %mul3A_285 = arith.mulf %gather3A_284, %exp3A_243 : vector<16xf32>
          tpu.vector_store_idx %arg16[%add3A_152, %broadcast_in_dim3A_283], %mul3A_285 : memref<128x64xf32, #tpu.memory_space<vmem>>[vector<16xi32>, vector<16xi32>], vector<16xf32>,
          %broadcast_in_dim3A_286 = arith.constant 26 : i32
          %broadcast_in_dim3A_287 = vector.broadcast %broadcast_in_dim3A_286 : i32 to vector<16xi32>
          %gather3A_288 = tpu.vector_load_idx %arg13[%add3A_152, %broadcast_in_dim3A_287] : memref<128x80xf32, #tpu.memory_space<vmem>>[vector<16xi32>, vector<16xi32>], vector<16xf32>,
          %mul3A_289 = arith.mulf %gather3A_288, %exp3A_243 : vector<16xf32>
          tpu.vector_store_idx %arg16[%add3A_152, %broadcast_in_dim3A_287], %mul3A_289 : memref<128x64xf32, #tpu.memory_space<vmem>>[vector<16xi32>, vector<16xi32>], vector<16xf32>,
          %broadcast_in_dim3A_290 = arith.constant 27 : i32
          %broadcast_in_dim3A_291 = vector.broadcast %broadcast_in_dim3A_290 : i32 to vector<16xi32>
          %gather3A_292 = tpu.vector_load_idx %arg13[%add3A_152, %broadcast_in_dim3A_291] : memref<128x80xf32, #tpu.memory_space<vmem>>[vector<16xi32>, vector<16xi32>], vector<16xf32>,
          %mul3A_293 = arith.mulf %gather3A_292, %exp3A_243 : vector<16xf32>
          tpu.vector_store_idx %arg16[%add3A_152, %broadcast_in_dim3A_291], %mul3A_293 : memref<128x64xf32, #tpu.memory_space<vmem>>[vector<16xi32>, vector<16xi32>], vector<16xf32>,
          %broadcast_in_dim3A_294 = arith.constant 28 : i32
          %broadcast_in_dim3A_295 = vector.broadcast %broadcast_in_dim3A_294 : i32 to vector<16xi32>
          %gather3A_296 = tpu.vector_load_idx %arg13[%add3A_152, %broadcast_in_dim3A_295] : memref<128x80xf32, #tpu.memory_space<vmem>>[vector<16xi32>, vector<16xi32>], vector<16xf32>,
          %mul3A_297 = arith.mulf %gather3A_296, %exp3A_243 : vector<16xf32>
          tpu.vector_store_idx %arg16[%add3A_152, %broadcast_in_dim3A_295], %mul3A_297 : memref<128x64xf32, #tpu.memory_space<vmem>>[vector<16xi32>, vector<16xi32>], vector<16xf32>,
          %broadcast_in_dim3A_298 = arith.constant 29 : i32
          %broadcast_in_dim3A_299 = vector.broadcast %broadcast_in_dim3A_298 : i32 to vector<16xi32>
          %gather3A_300 = tpu.vector_load_idx %arg13[%add3A_152, %broadcast_in_dim3A_299] : memref<128x80xf32, #tpu.memory_space<vmem>>[vector<16xi32>, vector<16xi32>], vector<16xf32>,
          %mul3A_301 = arith.mulf %gather3A_300, %exp3A_243 : vector<16xf32>
          tpu.vector_store_idx %arg16[%add3A_152, %broadcast_in_dim3A_299], %mul3A_301 : memref<128x64xf32, #tpu.memory_space<vmem>>[vector<16xi32>, vector<16xi32>], vector<16xf32>,
          %broadcast_in_dim3A_302 = arith.constant 30 : i32
          %broadcast_in_dim3A_303 = vector.broadcast %broadcast_in_dim3A_302 : i32 to vector<16xi32>
          %gather3A_304 = tpu.vector_load_idx %arg13[%add3A_152, %broadcast_in_dim3A_303] : memref<128x80xf32, #tpu.memory_space<vmem>>[vector<16xi32>, vector<16xi32>], vector<16xf32>,
          %mul3A_305 = arith.mulf %gather3A_304, %exp3A_243 : vector<16xf32>
          tpu.vector_store_idx %arg16[%add3A_152, %broadcast_in_dim3A_303], %mul3A_305 : memref<128x64xf32, #tpu.memory_space<vmem>>[vector<16xi32>, vector<16xi32>], vector<16xf32>,
          %broadcast_in_dim3A_306 = arith.constant 31 : i32
          %broadcast_in_dim3A_307 = vector.broadcast %broadcast_in_dim3A_306 : i32 to vector<16xi32>
          %gather3A_308 = tpu.vector_load_idx %arg13[%add3A_152, %broadcast_in_dim3A_307] : memref<128x80xf32, #tpu.memory_space<vmem>>[vector<16xi32>, vector<16xi32>], vector<16xf32>,
          %mul3A_309 = arith.mulf %gather3A_308, %exp3A_243 : vector<16xf32>
          tpu.vector_store_idx %arg16[%add3A_152, %broadcast_in_dim3A_307], %mul3A_309 : memref<128x64xf32, #tpu.memory_space<vmem>>[vector<16xi32>, vector<16xi32>], vector<16xf32>,
          %broadcast_in_dim3A_310 = arith.constant 66 : i32
          %broadcast_in_dim3A_311 = vector.broadcast %broadcast_in_dim3A_310 : i32 to vector<16xi32>
          %gather3A_312 = tpu.vector_load_idx %arg13[%add3A_152, %broadcast_in_dim3A_311] : memref<128x80xf32, #tpu.memory_space<vmem>>[vector<16xi32>, vector<16xi32>], vector<16xf32>,
          %broadcast_in_dim3A_313 = arith.constant 2 : i32
          %broadcast_in_dim3A_314 = vector.broadcast %broadcast_in_dim3A_313 : i32 to vector<16xi32>
          %gather3A_315 = tpu.vector_load_idx %arg15[%add3A_152, %broadcast_in_dim3A_314] : memref<128x16xf32, #tpu.memory_space<vmem>>[vector<16xi32>, vector<16xi32>], vector<16xf32>,
          %add3A_316 = arith.addf %gather3A_312, %gather3A_315 : vector<16xf32>
          %gt3A_317 = arith.constant 0.000000e+00 : f32
          %gt3A_318 = vector.broadcast %gt3A_317 : f32 to vector<16xf32>
          %gt3A_319 = arith.cmpf ogt, %add3A_316, %gt3A_318 : vector<16xf32>
          %mul3A_320 = arith.constant 2.000000e-01 : f32
          %mul3A_321 = vector.broadcast %mul3A_320 : f32 to vector<16xf32>
          %mul3A_322 = arith.mulf %mul3A_321, %add3A_316 : vector<16xf32>
          %select_n3A_323 = arith.select %gt3A_319, %add3A_316, %mul3A_322 : vector<16xi1>, vector<16xf32>
          %exp3A_324 = math.exp %select_n3A_323 : vector<16xf32>
          %broadcast_in_dim3A_325 = arith.constant 2 : i32
          %broadcast_in_dim3A_326 = vector.broadcast %broadcast_in_dim3A_325 : i32 to vector<16xi32>
          tpu.vector_store_idx %arg17[%add3A_152, %broadcast_in_dim3A_326], %exp3A_324 : memref<128x16xf32, #tpu.memory_space<vmem>>[vector<16xi32>, vector<16xi32>], vector<16xf32>,
          %broadcast_in_dim3A_327 = arith.constant 32 : i32
          %broadcast_in_dim3A_328 = vector.broadcast %broadcast_in_dim3A_327 : i32 to vector<16xi32>
          %gather3A_329 = tpu.vector_load_idx %arg13[%add3A_152, %broadcast_in_dim3A_328] : memref<128x80xf32, #tpu.memory_space<vmem>>[vector<16xi32>, vector<16xi32>], vector<16xf32>,
          %mul3A_330 = arith.mulf %gather3A_329, %exp3A_324 : vector<16xf32>
          tpu.vector_store_idx %arg16[%add3A_152, %broadcast_in_dim3A_328], %mul3A_330 : memref<128x64xf32, #tpu.memory_space<vmem>>[vector<16xi32>, vector<16xi32>], vector<16xf32>,
          %broadcast_in_dim3A_331 = arith.constant 33 : i32
          %broadcast_in_dim3A_332 = vector.broadcast %broadcast_in_dim3A_331 : i32 to vector<16xi32>
          %gather3A_333 = tpu.vector_load_idx %arg13[%add3A_152, %broadcast_in_dim3A_332] : memref<128x80xf32, #tpu.memory_space<vmem>>[vector<16xi32>, vector<16xi32>], vector<16xf32>,
          %mul3A_334 = arith.mulf %gather3A_333, %exp3A_324 : vector<16xf32>
          tpu.vector_store_idx %arg16[%add3A_152, %broadcast_in_dim3A_332], %mul3A_334 : memref<128x64xf32, #tpu.memory_space<vmem>>[vector<16xi32>, vector<16xi32>], vector<16xf32>,
          %broadcast_in_dim3A_335 = arith.constant 34 : i32
          %broadcast_in_dim3A_336 = vector.broadcast %broadcast_in_dim3A_335 : i32 to vector<16xi32>
          %gather3A_337 = tpu.vector_load_idx %arg13[%add3A_152, %broadcast_in_dim3A_336] : memref<128x80xf32, #tpu.memory_space<vmem>>[vector<16xi32>, vector<16xi32>], vector<16xf32>,
          %mul3A_338 = arith.mulf %gather3A_337, %exp3A_324 : vector<16xf32>
          tpu.vector_store_idx %arg16[%add3A_152, %broadcast_in_dim3A_336], %mul3A_338 : memref<128x64xf32, #tpu.memory_space<vmem>>[vector<16xi32>, vector<16xi32>], vector<16xf32>,
          %broadcast_in_dim3A_339 = arith.constant 35 : i32
          %broadcast_in_dim3A_340 = vector.broadcast %broadcast_in_dim3A_339 : i32 to vector<16xi32>
          %gather3A_341 = tpu.vector_load_idx %arg13[%add3A_152, %broadcast_in_dim3A_340] : memref<128x80xf32, #tpu.memory_space<vmem>>[vector<16xi32>, vector<16xi32>], vector<16xf32>,
          %mul3A_342 = arith.mulf %gather3A_341, %exp3A_324 : vector<16xf32>
          tpu.vector_store_idx %arg16[%add3A_152, %broadcast_in_dim3A_340], %mul3A_342 : memref<128x64xf32, #tpu.memory_space<vmem>>[vector<16xi32>, vector<16xi32>], vector<16xf32>,
          %broadcast_in_dim3A_343 = arith.constant 36 : i32
          %broadcast_in_dim3A_344 = vector.broadcast %broadcast_in_dim3A_343 : i32 to vector<16xi32>
          %gather3A_345 = tpu.vector_load_idx %arg13[%add3A_152, %broadcast_in_dim3A_344] : memref<128x80xf32, #tpu.memory_space<vmem>>[vector<16xi32>, vector<16xi32>], vector<16xf32>,
          %mul3A_346 = arith.mulf %gather3A_345, %exp3A_324 : vector<16xf32>
          tpu.vector_store_idx %arg16[%add3A_152, %broadcast_in_dim3A_344], %mul3A_346 : memref<128x64xf32, #tpu.memory_space<vmem>>[vector<16xi32>, vector<16xi32>], vector<16xf32>,
          %broadcast_in_dim3A_347 = arith.constant 37 : i32
          %broadcast_in_dim3A_348 = vector.broadcast %broadcast_in_dim3A_347 : i32 to vector<16xi32>
          %gather3A_349 = tpu.vector_load_idx %arg13[%add3A_152, %broadcast_in_dim3A_348] : memref<128x80xf32, #tpu.memory_space<vmem>>[vector<16xi32>, vector<16xi32>], vector<16xf32>,
          %mul3A_350 = arith.mulf %gather3A_349, %exp3A_324 : vector<16xf32>
          tpu.vector_store_idx %arg16[%add3A_152, %broadcast_in_dim3A_348], %mul3A_350 : memref<128x64xf32, #tpu.memory_space<vmem>>[vector<16xi32>, vector<16xi32>], vector<16xf32>,
          %broadcast_in_dim3A_351 = arith.constant 38 : i32
          %broadcast_in_dim3A_352 = vector.broadcast %broadcast_in_dim3A_351 : i32 to vector<16xi32>
          %gather3A_353 = tpu.vector_load_idx %arg13[%add3A_152, %broadcast_in_dim3A_352] : memref<128x80xf32, #tpu.memory_space<vmem>>[vector<16xi32>, vector<16xi32>], vector<16xf32>,
          %mul3A_354 = arith.mulf %gather3A_353, %exp3A_324 : vector<16xf32>
          tpu.vector_store_idx %arg16[%add3A_152, %broadcast_in_dim3A_352], %mul3A_354 : memref<128x64xf32, #tpu.memory_space<vmem>>[vector<16xi32>, vector<16xi32>], vector<16xf32>,
          %broadcast_in_dim3A_355 = arith.constant 39 : i32
          %broadcast_in_dim3A_356 = vector.broadcast %broadcast_in_dim3A_355 : i32 to vector<16xi32>
          %gather3A_357 = tpu.vector_load_idx %arg13[%add3A_152, %broadcast_in_dim3A_356] : memref<128x80xf32, #tpu.memory_space<vmem>>[vector<16xi32>, vector<16xi32>], vector<16xf32>,
          %mul3A_358 = arith.mulf %gather3A_357, %exp3A_324 : vector<16xf32>
          tpu.vector_store_idx %arg16[%add3A_152, %broadcast_in_dim3A_356], %mul3A_358 : memref<128x64xf32, #tpu.memory_space<vmem>>[vector<16xi32>, vector<16xi32>], vector<16xf32>,
          %broadcast_in_dim3A_359 = arith.constant 40 : i32
          %broadcast_in_dim3A_360 = vector.broadcast %broadcast_in_dim3A_359 : i32 to vector<16xi32>
          %gather3A_361 = tpu.vector_load_idx %arg13[%add3A_152, %broadcast_in_dim3A_360] : memref<128x80xf32, #tpu.memory_space<vmem>>[vector<16xi32>, vector<16xi32>], vector<16xf32>,
          %mul3A_362 = arith.mulf %gather3A_361, %exp3A_324 : vector<16xf32>
          tpu.vector_store_idx %arg16[%add3A_152, %broadcast_in_dim3A_360], %mul3A_362 : memref<128x64xf32, #tpu.memory_space<vmem>>[vector<16xi32>, vector<16xi32>], vector<16xf32>,
          %broadcast_in_dim3A_363 = arith.constant 41 : i32
          %broadcast_in_dim3A_364 = vector.broadcast %broadcast_in_dim3A_363 : i32 to vector<16xi32>
          %gather3A_365 = tpu.vector_load_idx %arg13[%add3A_152, %broadcast_in_dim3A_364] : memref<128x80xf32, #tpu.memory_space<vmem>>[vector<16xi32>, vector<16xi32>], vector<16xf32>,
          %mul3A_366 = arith.mulf %gather3A_365, %exp3A_324 : vector<16xf32>
          tpu.vector_store_idx %arg16[%add3A_152, %broadcast_in_dim3A_364], %mul3A_366 : memref<128x64xf32, #tpu.memory_space<vmem>>[vector<16xi32>, vector<16xi32>], vector<16xf32>,
          %broadcast_in_dim3A_367 = arith.constant 42 : i32
          %broadcast_in_dim3A_368 = vector.broadcast %broadcast_in_dim3A_367 : i32 to vector<16xi32>
          %gather3A_369 = tpu.vector_load_idx %arg13[%add3A_152, %broadcast_in_dim3A_368] : memref<128x80xf32, #tpu.memory_space<vmem>>[vector<16xi32>, vector<16xi32>], vector<16xf32>,
          %mul3A_370 = arith.mulf %gather3A_369, %exp3A_324 : vector<16xf32>
          tpu.vector_store_idx %arg16[%add3A_152, %broadcast_in_dim3A_368], %mul3A_370 : memref<128x64xf32, #tpu.memory_space<vmem>>[vector<16xi32>, vector<16xi32>], vector<16xf32>,
          %broadcast_in_dim3A_371 = arith.constant 43 : i32
          %broadcast_in_dim3A_372 = vector.broadcast %broadcast_in_dim3A_371 : i32 to vector<16xi32>
          %gather3A_373 = tpu.vector_load_idx %arg13[%add3A_152, %broadcast_in_dim3A_372] : memref<128x80xf32, #tpu.memory_space<vmem>>[vector<16xi32>, vector<16xi32>], vector<16xf32>,
          %mul3A_374 = arith.mulf %gather3A_373, %exp3A_324 : vector<16xf32>
          tpu.vector_store_idx %arg16[%add3A_152, %broadcast_in_dim3A_372], %mul3A_374 : memref<128x64xf32, #tpu.memory_space<vmem>>[vector<16xi32>, vector<16xi32>], vector<16xf32>,
          %broadcast_in_dim3A_375 = arith.constant 44 : i32
          %broadcast_in_dim3A_376 = vector.broadcast %broadcast_in_dim3A_375 : i32 to vector<16xi32>
          %gather3A_377 = tpu.vector_load_idx %arg13[%add3A_152, %broadcast_in_dim3A_376] : memref<128x80xf32, #tpu.memory_space<vmem>>[vector<16xi32>, vector<16xi32>], vector<16xf32>,
          %mul3A_378 = arith.mulf %gather3A_377, %exp3A_324 : vector<16xf32>
          tpu.vector_store_idx %arg16[%add3A_152, %broadcast_in_dim3A_376], %mul3A_378 : memref<128x64xf32, #tpu.memory_space<vmem>>[vector<16xi32>, vector<16xi32>], vector<16xf32>,
          %broadcast_in_dim3A_379 = arith.constant 45 : i32
          %broadcast_in_dim3A_380 = vector.broadcast %broadcast_in_dim3A_379 : i32 to vector<16xi32>
          %gather3A_381 = tpu.vector_load_idx %arg13[%add3A_152, %broadcast_in_dim3A_380] : memref<128x80xf32, #tpu.memory_space<vmem>>[vector<16xi32>, vector<16xi32>], vector<16xf32>,
          %mul3A_382 = arith.mulf %gather3A_381, %exp3A_324 : vector<16xf32>
          tpu.vector_store_idx %arg16[%add3A_152, %broadcast_in_dim3A_380], %mul3A_382 : memref<128x64xf32, #tpu.memory_space<vmem>>[vector<16xi32>, vector<16xi32>], vector<16xf32>,
          %broadcast_in_dim3A_383 = arith.constant 46 : i32
          %broadcast_in_dim3A_384 = vector.broadcast %broadcast_in_dim3A_383 : i32 to vector<16xi32>
          %gather3A_385 = tpu.vector_load_idx %arg13[%add3A_152, %broadcast_in_dim3A_384] : memref<128x80xf32, #tpu.memory_space<vmem>>[vector<16xi32>, vector<16xi32>], vector<16xf32>,
          %mul3A_386 = arith.mulf %gather3A_385, %exp3A_324 : vector<16xf32>
          tpu.vector_store_idx %arg16[%add3A_152, %broadcast_in_dim3A_384], %mul3A_386 : memref<128x64xf32, #tpu.memory_space<vmem>>[vector<16xi32>, vector<16xi32>], vector<16xf32>,
          %broadcast_in_dim3A_387 = arith.constant 47 : i32
          %broadcast_in_dim3A_388 = vector.broadcast %broadcast_in_dim3A_387 : i32 to vector<16xi32>
          %gather3A_389 = tpu.vector_load_idx %arg13[%add3A_152, %broadcast_in_dim3A_388] : memref<128x80xf32, #tpu.memory_space<vmem>>[vector<16xi32>, vector<16xi32>], vector<16xf32>,
          %mul3A_390 = arith.mulf %gather3A_389, %exp3A_324 : vector<16xf32>
          tpu.vector_store_idx %arg16[%add3A_152, %broadcast_in_dim3A_388], %mul3A_390 : memref<128x64xf32, #tpu.memory_space<vmem>>[vector<16xi32>, vector<16xi32>], vector<16xf32>,
          %broadcast_in_dim3A_391 = arith.constant 67 : i32
          %broadcast_in_dim3A_392 = vector.broadcast %broadcast_in_dim3A_391 : i32 to vector<16xi32>
          %gather3A_393 = tpu.vector_load_idx %arg13[%add3A_152, %broadcast_in_dim3A_392] : memref<128x80xf32, #tpu.memory_space<vmem>>[vector<16xi32>, vector<16xi32>], vector<16xf32>,
          %broadcast_in_dim3A_394 = arith.constant 3 : i32
          %broadcast_in_dim3A_395 = vector.broadcast %broadcast_in_dim3A_394 : i32 to vector<16xi32>
          %gather3A_396 = tpu.vector_load_idx %arg15[%add3A_152, %broadcast_in_dim3A_395] : memref<128x16xf32, #tpu.memory_space<vmem>>[vector<16xi32>, vector<16xi32>], vector<16xf32>,
          %add3A_397 = arith.addf %gather3A_393, %gather3A_396 : vector<16xf32>
          %gt3A_398 = arith.constant 0.000000e+00 : f32
          %gt3A_399 = vector.broadcast %gt3A_398 : f32 to vector<16xf32>
          %gt3A_400 = arith.cmpf ogt, %add3A_397, %gt3A_399 : vector<16xf32>
          %mul3A_401 = arith.constant 2.000000e-01 : f32
          %mul3A_402 = vector.broadcast %mul3A_401 : f32 to vector<16xf32>
          %mul3A_403 = arith.mulf %mul3A_402, %add3A_397 : vector<16xf32>
          %select_n3A_404 = arith.select %gt3A_400, %add3A_397, %mul3A_403 : vector<16xi1>, vector<16xf32>
          %exp3A_405 = math.exp %select_n3A_404 : vector<16xf32>
          %broadcast_in_dim3A_406 = arith.constant 3 : i32
          %broadcast_in_dim3A_407 = vector.broadcast %broadcast_in_dim3A_406 : i32 to vector<16xi32>
          tpu.vector_store_idx %arg17[%add3A_152, %broadcast_in_dim3A_407], %exp3A_405 : memref<128x16xf32, #tpu.memory_space<vmem>>[vector<16xi32>, vector<16xi32>], vector<16xf32>,
          %broadcast_in_dim3A_408 = arith.constant 48 : i32
          %broadcast_in_dim3A_409 = vector.broadcast %broadcast_in_dim3A_408 : i32 to vector<16xi32>
          %gather3A_410 = tpu.vector_load_idx %arg13[%add3A_152, %broadcast_in_dim3A_409] : memref<128x80xf32, #tpu.memory_space<vmem>>[vector<16xi32>, vector<16xi32>], vector<16xf32>,
          %mul3A_411 = arith.mulf %gather3A_410, %exp3A_405 : vector<16xf32>
          tpu.vector_store_idx %arg16[%add3A_152, %broadcast_in_dim3A_409], %mul3A_411 : memref<128x64xf32, #tpu.memory_space<vmem>>[vector<16xi32>, vector<16xi32>], vector<16xf32>,
          %broadcast_in_dim3A_412 = arith.constant 49 : i32
          %broadcast_in_dim3A_413 = vector.broadcast %broadcast_in_dim3A_412 : i32 to vector<16xi32>
          %gather3A_414 = tpu.vector_load_idx %arg13[%add3A_152, %broadcast_in_dim3A_413] : memref<128x80xf32, #tpu.memory_space<vmem>>[vector<16xi32>, vector<16xi32>], vector<16xf32>,
          %mul3A_415 = arith.mulf %gather3A_414, %exp3A_405 : vector<16xf32>
          tpu.vector_store_idx %arg16[%add3A_152, %broadcast_in_dim3A_413], %mul3A_415 : memref<128x64xf32, #tpu.memory_space<vmem>>[vector<16xi32>, vector<16xi32>], vector<16xf32>,
          %broadcast_in_dim3A_416 = arith.constant 50 : i32
          %broadcast_in_dim3A_417 = vector.broadcast %broadcast_in_dim3A_416 : i32 to vector<16xi32>
          %gather3A_418 = tpu.vector_load_idx %arg13[%add3A_152, %broadcast_in_dim3A_417] : memref<128x80xf32, #tpu.memory_space<vmem>>[vector<16xi32>, vector<16xi32>], vector<16xf32>,
          %mul3A_419 = arith.mulf %gather3A_418, %exp3A_405 : vector<16xf32>
          tpu.vector_store_idx %arg16[%add3A_152, %broadcast_in_dim3A_417], %mul3A_419 : memref<128x64xf32, #tpu.memory_space<vmem>>[vector<16xi32>, vector<16xi32>], vector<16xf32>,
          %broadcast_in_dim3A_420 = arith.constant 51 : i32
          %broadcast_in_dim3A_421 = vector.broadcast %broadcast_in_dim3A_420 : i32 to vector<16xi32>
          %gather3A_422 = tpu.vector_load_idx %arg13[%add3A_152, %broadcast_in_dim3A_421] : memref<128x80xf32, #tpu.memory_space<vmem>>[vector<16xi32>, vector<16xi32>], vector<16xf32>,
          %mul3A_423 = arith.mulf %gather3A_422, %exp3A_405 : vector<16xf32>
          tpu.vector_store_idx %arg16[%add3A_152, %broadcast_in_dim3A_421], %mul3A_423 : memref<128x64xf32, #tpu.memory_space<vmem>>[vector<16xi32>, vector<16xi32>], vector<16xf32>,
          %broadcast_in_dim3A_424 = arith.constant 52 : i32
          %broadcast_in_dim3A_425 = vector.broadcast %broadcast_in_dim3A_424 : i32 to vector<16xi32>
          %gather3A_426 = tpu.vector_load_idx %arg13[%add3A_152, %broadcast_in_dim3A_425] : memref<128x80xf32, #tpu.memory_space<vmem>>[vector<16xi32>, vector<16xi32>], vector<16xf32>,
          %mul3A_427 = arith.mulf %gather3A_426, %exp3A_405 : vector<16xf32>
          tpu.vector_store_idx %arg16[%add3A_152, %broadcast_in_dim3A_425], %mul3A_427 : memref<128x64xf32, #tpu.memory_space<vmem>>[vector<16xi32>, vector<16xi32>], vector<16xf32>,
          %broadcast_in_dim3A_428 = arith.constant 53 : i32
          %broadcast_in_dim3A_429 = vector.broadcast %broadcast_in_dim3A_428 : i32 to vector<16xi32>
          %gather3A_430 = tpu.vector_load_idx %arg13[%add3A_152, %broadcast_in_dim3A_429] : memref<128x80xf32, #tpu.memory_space<vmem>>[vector<16xi32>, vector<16xi32>], vector<16xf32>,
          %mul3A_431 = arith.mulf %gather3A_430, %exp3A_405 : vector<16xf32>
          tpu.vector_store_idx %arg16[%add3A_152, %broadcast_in_dim3A_429], %mul3A_431 : memref<128x64xf32, #tpu.memory_space<vmem>>[vector<16xi32>, vector<16xi32>], vector<16xf32>,
          %broadcast_in_dim3A_432 = arith.constant 54 : i32
          %broadcast_in_dim3A_433 = vector.broadcast %broadcast_in_dim3A_432 : i32 to vector<16xi32>
          %gather3A_434 = tpu.vector_load_idx %arg13[%add3A_152, %broadcast_in_dim3A_433] : memref<128x80xf32, #tpu.memory_space<vmem>>[vector<16xi32>, vector<16xi32>], vector<16xf32>,
          %mul3A_435 = arith.mulf %gather3A_434, %exp3A_405 : vector<16xf32>
          tpu.vector_store_idx %arg16[%add3A_152, %broadcast_in_dim3A_433], %mul3A_435 : memref<128x64xf32, #tpu.memory_space<vmem>>[vector<16xi32>, vector<16xi32>], vector<16xf32>,
          %broadcast_in_dim3A_436 = arith.constant 55 : i32
          %broadcast_in_dim3A_437 = vector.broadcast %broadcast_in_dim3A_436 : i32 to vector<16xi32>
          %gather3A_438 = tpu.vector_load_idx %arg13[%add3A_152, %broadcast_in_dim3A_437] : memref<128x80xf32, #tpu.memory_space<vmem>>[vector<16xi32>, vector<16xi32>], vector<16xf32>,
          %mul3A_439 = arith.mulf %gather3A_438, %exp3A_405 : vector<16xf32>
          tpu.vector_store_idx %arg16[%add3A_152, %broadcast_in_dim3A_437], %mul3A_439 : memref<128x64xf32, #tpu.memory_space<vmem>>[vector<16xi32>, vector<16xi32>], vector<16xf32>,
          %broadcast_in_dim3A_440 = arith.constant 56 : i32
          %broadcast_in_dim3A_441 = vector.broadcast %broadcast_in_dim3A_440 : i32 to vector<16xi32>
          %gather3A_442 = tpu.vector_load_idx %arg13[%add3A_152, %broadcast_in_dim3A_441] : memref<128x80xf32, #tpu.memory_space<vmem>>[vector<16xi32>, vector<16xi32>], vector<16xf32>,
          %mul3A_443 = arith.mulf %gather3A_442, %exp3A_405 : vector<16xf32>
          tpu.vector_store_idx %arg16[%add3A_152, %broadcast_in_dim3A_441], %mul3A_443 : memref<128x64xf32, #tpu.memory_space<vmem>>[vector<16xi32>, vector<16xi32>], vector<16xf32>,
          %broadcast_in_dim3A_444 = arith.constant 57 : i32
          %broadcast_in_dim3A_445 = vector.broadcast %broadcast_in_dim3A_444 : i32 to vector<16xi32>
          %gather3A_446 = tpu.vector_load_idx %arg13[%add3A_152, %broadcast_in_dim3A_445] : memref<128x80xf32, #tpu.memory_space<vmem>>[vector<16xi32>, vector<16xi32>], vector<16xf32>,
          %mul3A_447 = arith.mulf %gather3A_446, %exp3A_405 : vector<16xf32>
          tpu.vector_store_idx %arg16[%add3A_152, %broadcast_in_dim3A_445], %mul3A_447 : memref<128x64xf32, #tpu.memory_space<vmem>>[vector<16xi32>, vector<16xi32>], vector<16xf32>,
          %broadcast_in_dim3A_448 = arith.constant 58 : i32
          %broadcast_in_dim3A_449 = vector.broadcast %broadcast_in_dim3A_448 : i32 to vector<16xi32>
          %gather3A_450 = tpu.vector_load_idx %arg13[%add3A_152, %broadcast_in_dim3A_449] : memref<128x80xf32, #tpu.memory_space<vmem>>[vector<16xi32>, vector<16xi32>], vector<16xf32>,
          %mul3A_451 = arith.mulf %gather3A_450, %exp3A_405 : vector<16xf32>
          tpu.vector_store_idx %arg16[%add3A_152, %broadcast_in_dim3A_449], %mul3A_451 : memref<128x64xf32, #tpu.memory_space<vmem>>[vector<16xi32>, vector<16xi32>], vector<16xf32>,
          %broadcast_in_dim3A_452 = arith.constant 59 : i32
          %broadcast_in_dim3A_453 = vector.broadcast %broadcast_in_dim3A_452 : i32 to vector<16xi32>
          %gather3A_454 = tpu.vector_load_idx %arg13[%add3A_152, %broadcast_in_dim3A_453] : memref<128x80xf32, #tpu.memory_space<vmem>>[vector<16xi32>, vector<16xi32>], vector<16xf32>,
          %mul3A_455 = arith.mulf %gather3A_454, %exp3A_405 : vector<16xf32>
          tpu.vector_store_idx %arg16[%add3A_152, %broadcast_in_dim3A_453], %mul3A_455 : memref<128x64xf32, #tpu.memory_space<vmem>>[vector<16xi32>, vector<16xi32>], vector<16xf32>,
          %broadcast_in_dim3A_456 = arith.constant 60 : i32
          %broadcast_in_dim3A_457 = vector.broadcast %broadcast_in_dim3A_456 : i32 to vector<16xi32>
          %gather3A_458 = tpu.vector_load_idx %arg13[%add3A_152, %broadcast_in_dim3A_457] : memref<128x80xf32, #tpu.memory_space<vmem>>[vector<16xi32>, vector<16xi32>], vector<16xf32>,
          %mul3A_459 = arith.mulf %gather3A_458, %exp3A_405 : vector<16xf32>
          tpu.vector_store_idx %arg16[%add3A_152, %broadcast_in_dim3A_457], %mul3A_459 : memref<128x64xf32, #tpu.memory_space<vmem>>[vector<16xi32>, vector<16xi32>], vector<16xf32>,
          %broadcast_in_dim3A_460 = arith.constant 61 : i32
          %broadcast_in_dim3A_461 = vector.broadcast %broadcast_in_dim3A_460 : i32 to vector<16xi32>
          %gather3A_462 = tpu.vector_load_idx %arg13[%add3A_152, %broadcast_in_dim3A_461] : memref<128x80xf32, #tpu.memory_space<vmem>>[vector<16xi32>, vector<16xi32>], vector<16xf32>,
          %mul3A_463 = arith.mulf %gather3A_462, %exp3A_405 : vector<16xf32>
          tpu.vector_store_idx %arg16[%add3A_152, %broadcast_in_dim3A_461], %mul3A_463 : memref<128x64xf32, #tpu.memory_space<vmem>>[vector<16xi32>, vector<16xi32>], vector<16xf32>,
          %broadcast_in_dim3A_464 = arith.constant 62 : i32
          %broadcast_in_dim3A_465 = vector.broadcast %broadcast_in_dim3A_464 : i32 to vector<16xi32>
          %gather3A_466 = tpu.vector_load_idx %arg13[%add3A_152, %broadcast_in_dim3A_465] : memref<128x80xf32, #tpu.memory_space<vmem>>[vector<16xi32>, vector<16xi32>], vector<16xf32>,
          %mul3A_467 = arith.mulf %gather3A_466, %exp3A_405 : vector<16xf32>
          tpu.vector_store_idx %arg16[%add3A_152, %broadcast_in_dim3A_465], %mul3A_467 : memref<128x64xf32, #tpu.memory_space<vmem>>[vector<16xi32>, vector<16xi32>], vector<16xf32>,
          %broadcast_in_dim3A_468 = arith.constant 63 : i32
          %broadcast_in_dim3A_469 = vector.broadcast %broadcast_in_dim3A_468 : i32 to vector<16xi32>
          %gather3A_470 = tpu.vector_load_idx %arg13[%add3A_152, %broadcast_in_dim3A_469] : memref<128x80xf32, #tpu.memory_space<vmem>>[vector<16xi32>, vector<16xi32>], vector<16xf32>,
          %mul3A_471 = arith.mulf %gather3A_470, %exp3A_405 : vector<16xf32>
          tpu.vector_store_idx %arg16[%add3A_152, %broadcast_in_dim3A_469], %mul3A_471 : memref<128x64xf32, #tpu.memory_space<vmem>>[vector<16xi32>, vector<16xi32>], vector<16xf32>,
        }
        %scan3A_147 = arith.constant 8 : i32
        "tpu.region"() ({
          %run_scoped3A_148 = tpu.sem_alloc : memref<!tpu.dma_semaphore, #tpu.memory_space<semaphore_mem>>
          %dma_start3A_149 = arith.constant 0 : i32
          %dma_start3A_150 = tpu.memref_slice %arg11[%add3A_141, %dma_start3A_149] : memref<9x128xi32, #tpu.memory_space<vmem>> -> memref<1x128xi32, #tpu.memory_space<vmem>>
          %dma_start3A_151 = tpu.memref_squeeze %dma_start3A_150 : memref<1x128xi32, #tpu.memory_space<vmem>> -> memref<128xi32, #tpu.memory_space<vmem>>
          %dma_start3A_152 = arith.constant 0 : i32
          %dma_start3A_153 = arith.constant 0 : i32
          %dma_start3A_154 = tpu.memref_slice %arg18[%dma_start3A_152, %dma_start3A_153] : memref<10240x64xf32, #tpu.memory_space<vmem_shared>> -> memref<10240x64xf32, #tpu.memory_space<vmem_shared>>
          tpu.enqueue_indirect_dma source(%arg16 : memref<128x64xf32, #tpu.memory_space<vmem>>) target(%dma_start3A_154 : memref<10240x64xf32, #tpu.memory_space<vmem_shared>>) offsets(%dma_start3A_151 : memref<128xi32, #tpu.memory_space<vmem>>) semaphore(%run_scoped3A_148 : memref<!tpu.dma_semaphore, #tpu.memory_space<semaphore_mem>>) {add = true}
          %dma_wait3A_155 = arith.constant 0 : i32
          %dma_wait3A_156 = tpu.memref_slice %arg11[%add3A_141, %dma_wait3A_155] : memref<9x128xi32, #tpu.memory_space<vmem>> -> memref<1x128xi32, #tpu.memory_space<vmem>>
          %dma_wait3A_157 = tpu.memref_squeeze %dma_wait3A_156 : memref<1x128xi32, #tpu.memory_space<vmem>> -> memref<128xi32, #tpu.memory_space<vmem>>
          %dma_wait3A_158 = arith.constant 0 : i32
          %dma_wait3A_159 = arith.constant 0 : i32
          %dma_wait3A_160 = tpu.memref_slice %arg18[%dma_wait3A_158, %dma_wait3A_159] : memref<10240x64xf32, #tpu.memory_space<vmem_shared>> -> memref<10240x64xf32, #tpu.memory_space<vmem_shared>>
          tpu.wait_indirect_dma semaphore(%run_scoped3A_148 : memref<!tpu.dma_semaphore, #tpu.memory_space<semaphore_mem>>) src(%arg16 : memref<128x64xf32, #tpu.memory_space<vmem>>) dst(%dma_wait3A_160 : memref<10240x64xf32, #tpu.memory_space<vmem_shared>>)
          tpu.yield
        }) : () -> ()
        "tpu.region"() ({
          %run_scoped3A_148 = tpu.sem_alloc : memref<!tpu.dma_semaphore, #tpu.memory_space<semaphore_mem>>
          %dma_start3A_149 = arith.constant 0 : i32
          %dma_start3A_150 = tpu.memref_slice %arg11[%add3A_141, %dma_start3A_149] : memref<9x128xi32, #tpu.memory_space<vmem>> -> memref<1x128xi32, #tpu.memory_space<vmem>>
          %dma_start3A_151 = tpu.memref_squeeze %dma_start3A_150 : memref<1x128xi32, #tpu.memory_space<vmem>> -> memref<128xi32, #tpu.memory_space<vmem>>
          %dma_start3A_152 = arith.constant 0 : i32
          %dma_start3A_153 = arith.constant 0 : i32
          %dma_start3A_154 = tpu.memref_slice %arg19[%dma_start3A_152, %dma_start3A_153] : memref<10240x16xf32, #tpu.memory_space<vmem_shared>> -> memref<10240x16xf32, #tpu.memory_space<vmem_shared>>
          tpu.enqueue_indirect_dma source(%arg17 : memref<128x16xf32, #tpu.memory_space<vmem>>) target(%dma_start3A_154 : memref<10240x16xf32, #tpu.memory_space<vmem_shared>>) offsets(%dma_start3A_151 : memref<128xi32, #tpu.memory_space<vmem>>) semaphore(%run_scoped3A_148 : memref<!tpu.dma_semaphore, #tpu.memory_space<semaphore_mem>>) {add = true}
          %dma_wait3A_155 = arith.constant 0 : i32
          %dma_wait3A_156 = tpu.memref_slice %arg11[%add3A_141, %dma_wait3A_155] : memref<9x128xi32, #tpu.memory_space<vmem>> -> memref<1x128xi32, #tpu.memory_space<vmem>>
          %dma_wait3A_157 = tpu.memref_squeeze %dma_wait3A_156 : memref<1x128xi32, #tpu.memory_space<vmem>> -> memref<128xi32, #tpu.memory_space<vmem>>
          %dma_wait3A_158 = arith.constant 0 : i32
          %dma_wait3A_159 = arith.constant 0 : i32
          %dma_wait3A_160 = tpu.memref_slice %arg19[%dma_wait3A_158, %dma_wait3A_159] : memref<10240x16xf32, #tpu.memory_space<vmem_shared>> -> memref<10240x16xf32, #tpu.memory_space<vmem_shared>>
          tpu.wait_indirect_dma semaphore(%run_scoped3A_148 : memref<!tpu.dma_semaphore, #tpu.memory_space<semaphore_mem>>) src(%arg17 : memref<128x16xf32, #tpu.memory_space<vmem>>) dst(%dma_wait3A_160 : memref<10240x16xf32, #tpu.memory_space<vmem_shared>>)
          tpu.yield
        }) : () -> ()
      }
      %scan3A_56 = arith.constant 4 : i32
      %dma_wait3A = arith.constant 8 : i32
      %dma_wait3A_57 = arith.constant 0 : i32
      %dma_wait3A_58 = tpu.memref_slice %arg10[%dma_wait3A, %dma_wait3A_57] : memref<9x128xi32, #tpu.memory_space<vmem>> -> memref<1x128xi32, #tpu.memory_space<vmem>>
      %dma_wait3A_59 = tpu.memref_squeeze %dma_wait3A_58 : memref<1x128xi32, #tpu.memory_space<vmem>> -> memref<128xi32, #tpu.memory_space<vmem>>
      %dma_wait3A_60 = arith.constant 0 : i32
      %dma_wait3A_61 = arith.constant 0 : i32
      %dma_wait3A_62 = tpu.memref_slice %arg2[%dma_wait3A_60, %dma_wait3A_61] : memref<10000x80xf32, #tpu.memory_space<hbm>> -> memref<10000x80xf32, #tpu.memory_space<hbm>>
      tpu.wait_indirect_dma semaphore(%arg20 : memref<!tpu.dma_semaphore, #tpu.memory_space<semaphore_mem>>) src(%dma_wait3A_62 : memref<10000x80xf32, #tpu.memory_space<hbm>>) dst(%arg12 : memref<128x80xf32, #tpu.memory_space<vmem>>)
      %dma_wait3A_63 = arith.constant 8 : i32
      %dma_wait3A_64 = arith.constant 0 : i32
      %dma_wait3A_65 = tpu.memref_slice %arg11[%dma_wait3A_63, %dma_wait3A_64] : memref<9x128xi32, #tpu.memory_space<vmem>> -> memref<1x128xi32, #tpu.memory_space<vmem>>
      %dma_wait3A_66 = tpu.memref_squeeze %dma_wait3A_65 : memref<1x128xi32, #tpu.memory_space<vmem>> -> memref<128xi32, #tpu.memory_space<vmem>>
      %dma_wait3A_67 = arith.constant 0 : i32
      %dma_wait3A_68 = arith.constant 0 : i32
      %dma_wait3A_69 = tpu.memref_slice %arg3[%dma_wait3A_67, %dma_wait3A_68] : memref<10240x16xf32, #tpu.memory_space<hbm>> -> memref<10240x16xf32, #tpu.memory_space<hbm>>
      tpu.wait_indirect_dma semaphore(%arg20 : memref<!tpu.dma_semaphore, #tpu.memory_space<semaphore_mem>>) src(%dma_wait3A_69 : memref<10240x16xf32, #tpu.memory_space<hbm>>) dst(%arg14 : memref<128x16xf32, #tpu.memory_space<vmem>>)
      %scan3A_70 = arith.constant 0 : i32
      %scan3A_71 = arith.constant 0 : i32
      %scan3A_72 = arith.constant 8 : i32
      %scan3A_73 = arith.addi %scan3A_71, %scan3A_72 : i32
      %scan3A_74 = arith.constant 1 : i32
      scf.for %scan3A_77 = %scan3A_71 to %scan3A_73 step %scan3A_74  : i32 {
        %mul3A_78 = arith.constant 16 : i32
        %mul3A_79 = arith.muli %scan3A_77, %mul3A_78 : i32
        %add3A_80 = vector.broadcast %mul3A_79 : i32 to vector<16xi32>
        %add3A_81 = arith.addi %add3A_80, %iota3A : vector<16xi32>
        %broadcast_in_dim3A = arith.constant 64 : i32
        %broadcast_in_dim3A_82 = vector.broadcast %broadcast_in_dim3A : i32 to vector<16xi32>
        %gather3A = tpu.vector_load_idx %arg12[%add3A_81, %broadcast_in_dim3A_82] : memref<128x80xf32, #tpu.memory_space<vmem>>[vector<16xi32>, vector<16xi32>], vector<16xf32>,
        %broadcast_in_dim3A_83 = arith.constant 0 : i32
        %broadcast_in_dim3A_84 = vector.broadcast %broadcast_in_dim3A_83 : i32 to vector<16xi32>
        %gather3A_85 = tpu.vector_load_idx %arg14[%add3A_81, %broadcast_in_dim3A_84] : memref<128x16xf32, #tpu.memory_space<vmem>>[vector<16xi32>, vector<16xi32>], vector<16xf32>,
        %add3A_86 = arith.addf %gather3A, %gather3A_85 : vector<16xf32>
        %gt3A = arith.constant 0.000000e+00 : f32
        %gt3A_87 = vector.broadcast %gt3A : f32 to vector<16xf32>
        %gt3A_88 = arith.cmpf ogt, %add3A_86, %gt3A_87 : vector<16xf32>
        %mul3A_89 = arith.constant 2.000000e-01 : f32
        %mul3A_90 = vector.broadcast %mul3A_89 : f32 to vector<16xf32>
        %mul3A_91 = arith.mulf %mul3A_90, %add3A_86 : vector<16xf32>
        %select_n3A = arith.select %gt3A_88, %add3A_86, %mul3A_91 : vector<16xi1>, vector<16xf32>
        %exp3A = math.exp %select_n3A : vector<16xf32>
        %broadcast_in_dim3A_92 = arith.constant 0 : i32
        %broadcast_in_dim3A_93 = vector.broadcast %broadcast_in_dim3A_92 : i32 to vector<16xi32>
        tpu.vector_store_idx %arg17[%add3A_81, %broadcast_in_dim3A_93], %exp3A : memref<128x16xf32, #tpu.memory_space<vmem>>[vector<16xi32>, vector<16xi32>], vector<16xf32>,
        %broadcast_in_dim3A_94 = arith.constant 0 : i32
        %broadcast_in_dim3A_95 = vector.broadcast %broadcast_in_dim3A_94 : i32 to vector<16xi32>
        %gather3A_96 = tpu.vector_load_idx %arg12[%add3A_81, %broadcast_in_dim3A_95] : memref<128x80xf32, #tpu.memory_space<vmem>>[vector<16xi32>, vector<16xi32>], vector<16xf32>,
        %mul3A_97 = arith.mulf %gather3A_96, %exp3A : vector<16xf32>
        tpu.vector_store_idx %arg16[%add3A_81, %broadcast_in_dim3A_95], %mul3A_97 : memref<128x64xf32, #tpu.memory_space<vmem>>[vector<16xi32>, vector<16xi32>], vector<16xf32>,
        %broadcast_in_dim3A_98 = arith.constant 1 : i32
        %broadcast_in_dim3A_99 = vector.broadcast %broadcast_in_dim3A_98 : i32 to vector<16xi32>
        %gather3A_100 = tpu.vector_load_idx %arg12[%add3A_81, %broadcast_in_dim3A_99] : memref<128x80xf32, #tpu.memory_space<vmem>>[vector<16xi32>, vector<16xi32>], vector<16xf32>,
        %mul3A_101 = arith.mulf %gather3A_100, %exp3A : vector<16xf32>
        tpu.vector_store_idx %arg16[%add3A_81, %broadcast_in_dim3A_99], %mul3A_101 : memref<128x64xf32, #tpu.memory_space<vmem>>[vector<16xi32>, vector<16xi32>], vector<16xf32>,
        %broadcast_in_dim3A_102 = arith.constant 2 : i32
        %broadcast_in_dim3A_103 = vector.broadcast %broadcast_in_dim3A_102 : i32 to vector<16xi32>
        %gather3A_104 = tpu.vector_load_idx %arg12[%add3A_81, %broadcast_in_dim3A_103] : memref<128x80xf32, #tpu.memory_space<vmem>>[vector<16xi32>, vector<16xi32>], vector<16xf32>,
        %mul3A_105 = arith.mulf %gather3A_104, %exp3A : vector<16xf32>
        tpu.vector_store_idx %arg16[%add3A_81, %broadcast_in_dim3A_103], %mul3A_105 : memref<128x64xf32, #tpu.memory_space<vmem>>[vector<16xi32>, vector<16xi32>], vector<16xf32>,
        %broadcast_in_dim3A_106 = arith.constant 3 : i32
        %broadcast_in_dim3A_107 = vector.broadcast %broadcast_in_dim3A_106 : i32 to vector<16xi32>
        %gather3A_108 = tpu.vector_load_idx %arg12[%add3A_81, %broadcast_in_dim3A_107] : memref<128x80xf32, #tpu.memory_space<vmem>>[vector<16xi32>, vector<16xi32>], vector<16xf32>,
        %mul3A_109 = arith.mulf %gather3A_108, %exp3A : vector<16xf32>
        tpu.vector_store_idx %arg16[%add3A_81, %broadcast_in_dim3A_107], %mul3A_109 : memref<128x64xf32, #tpu.memory_space<vmem>>[vector<16xi32>, vector<16xi32>], vector<16xf32>,
        %broadcast_in_dim3A_110 = arith.constant 4 : i32
        %broadcast_in_dim3A_111 = vector.broadcast %broadcast_in_dim3A_110 : i32 to vector<16xi32>
        %gather3A_112 = tpu.vector_load_idx %arg12[%add3A_81, %broadcast_in_dim3A_111] : memref<128x80xf32, #tpu.memory_space<vmem>>[vector<16xi32>, vector<16xi32>], vector<16xf32>,
        %mul3A_113 = arith.mulf %gather3A_112, %exp3A : vector<16xf32>
        tpu.vector_store_idx %arg16[%add3A_81, %broadcast_in_dim3A_111], %mul3A_113 : memref<128x64xf32, #tpu.memory_space<vmem>>[vector<16xi32>, vector<16xi32>], vector<16xf32>,
        %broadcast_in_dim3A_114 = arith.constant 5 : i32
        %broadcast_in_dim3A_115 = vector.broadcast %broadcast_in_dim3A_114 : i32 to vector<16xi32>
        %gather3A_116 = tpu.vector_load_idx %arg12[%add3A_81, %broadcast_in_dim3A_115] : memref<128x80xf32, #tpu.memory_space<vmem>>[vector<16xi32>, vector<16xi32>], vector<16xf32>,
        %mul3A_117 = arith.mulf %gather3A_116, %exp3A : vector<16xf32>
        tpu.vector_store_idx %arg16[%add3A_81, %broadcast_in_dim3A_115], %mul3A_117 : memref<128x64xf32, #tpu.memory_space<vmem>>[vector<16xi32>, vector<16xi32>], vector<16xf32>,
        %broadcast_in_dim3A_118 = arith.constant 6 : i32
        %broadcast_in_dim3A_119 = vector.broadcast %broadcast_in_dim3A_118 : i32 to vector<16xi32>
        %gather3A_120 = tpu.vector_load_idx %arg12[%add3A_81, %broadcast_in_dim3A_119] : memref<128x80xf32, #tpu.memory_space<vmem>>[vector<16xi32>, vector<16xi32>], vector<16xf32>,
        %mul3A_121 = arith.mulf %gather3A_120, %exp3A : vector<16xf32>
        tpu.vector_store_idx %arg16[%add3A_81, %broadcast_in_dim3A_119], %mul3A_121 : memref<128x64xf32, #tpu.memory_space<vmem>>[vector<16xi32>, vector<16xi32>], vector<16xf32>,
        %broadcast_in_dim3A_122 = arith.constant 7 : i32
        %broadcast_in_dim3A_123 = vector.broadcast %broadcast_in_dim3A_122 : i32 to vector<16xi32>
        %gather3A_124 = tpu.vector_load_idx %arg12[%add3A_81, %broadcast_in_dim3A_123] : memref<128x80xf32, #tpu.memory_space<vmem>>[vector<16xi32>, vector<16xi32>], vector<16xf32>,
        %mul3A_125 = arith.mulf %gather3A_124, %exp3A : vector<16xf32>
        tpu.vector_store_idx %arg16[%add3A_81, %broadcast_in_dim3A_123], %mul3A_125 : memref<128x64xf32, #tpu.memory_space<vmem>>[vector<16xi32>, vector<16xi32>], vector<16xf32>,
        %broadcast_in_dim3A_126 = arith.constant 8 : i32
        %broadcast_in_dim3A_127 = vector.broadcast %broadcast_in_dim3A_126 : i32 to vector<16xi32>
        %gather3A_128 = tpu.vector_load_idx %arg12[%add3A_81, %broadcast_in_dim3A_127] : memref<128x80xf32, #tpu.memory_space<vmem>>[vector<16xi32>, vector<16xi32>], vector<16xf32>,
        %mul3A_129 = arith.mulf %gather3A_128, %exp3A : vector<16xf32>
        tpu.vector_store_idx %arg16[%add3A_81, %broadcast_in_dim3A_127], %mul3A_129 : memref<128x64xf32, #tpu.memory_space<vmem>>[vector<16xi32>, vector<16xi32>], vector<16xf32>,
        %broadcast_in_dim3A_130 = arith.constant 9 : i32
        %broadcast_in_dim3A_131 = vector.broadcast %broadcast_in_dim3A_130 : i32 to vector<16xi32>
        %gather3A_132 = tpu.vector_load_idx %arg12[%add3A_81, %broadcast_in_dim3A_131] : memref<128x80xf32, #tpu.memory_space<vmem>>[vector<16xi32>, vector<16xi32>], vector<16xf32>,
        %mul3A_133 = arith.mulf %gather3A_132, %exp3A : vector<16xf32>
        tpu.vector_store_idx %arg16[%add3A_81, %broadcast_in_dim3A_131], %mul3A_133 : memref<128x64xf32, #tpu.memory_space<vmem>>[vector<16xi32>, vector<16xi32>], vector<16xf32>,
        %broadcast_in_dim3A_134 = arith.constant 10 : i32
        %broadcast_in_dim3A_135 = vector.broadcast %broadcast_in_dim3A_134 : i32 to vector<16xi32>
        %gather3A_136 = tpu.vector_load_idx %arg12[%add3A_81, %broadcast_in_dim3A_135] : memref<128x80xf32, #tpu.memory_space<vmem>>[vector<16xi32>, vector<16xi32>], vector<16xf32>,
        %mul3A_137 = arith.mulf %gather3A_136, %exp3A : vector<16xf32>
        tpu.vector_store_idx %arg16[%add3A_81, %broadcast_in_dim3A_135], %mul3A_137 : memref<128x64xf32, #tpu.memory_space<vmem>>[vector<16xi32>, vector<16xi32>], vector<16xf32>,
        %broadcast_in_dim3A_138 = arith.constant 11 : i32
        %broadcast_in_dim3A_139 = vector.broadcast %broadcast_in_dim3A_138 : i32 to vector<16xi32>
        %gather3A_140 = tpu.vector_load_idx %arg12[%add3A_81, %broadcast_in_dim3A_139] : memref<128x80xf32, #tpu.memory_space<vmem>>[vector<16xi32>, vector<16xi32>], vector<16xf32>,
        %mul3A_141 = arith.mulf %gather3A_140, %exp3A : vector<16xf32>
        tpu.vector_store_idx %arg16[%add3A_81, %broadcast_in_dim3A_139], %mul3A_141 : memref<128x64xf32, #tpu.memory_space<vmem>>[vector<16xi32>, vector<16xi32>], vector<16xf32>,
        %broadcast_in_dim3A_142 = arith.constant 12 : i32
        %broadcast_in_dim3A_143 = vector.broadcast %broadcast_in_dim3A_142 : i32 to vector<16xi32>
        %gather3A_144 = tpu.vector_load_idx %arg12[%add3A_81, %broadcast_in_dim3A_143] : memref<128x80xf32, #tpu.memory_space<vmem>>[vector<16xi32>, vector<16xi32>], vector<16xf32>,
        %mul3A_145 = arith.mulf %gather3A_144, %exp3A : vector<16xf32>
        tpu.vector_store_idx %arg16[%add3A_81, %broadcast_in_dim3A_143], %mul3A_145 : memref<128x64xf32, #tpu.memory_space<vmem>>[vector<16xi32>, vector<16xi32>], vector<16xf32>,
        %broadcast_in_dim3A_146 = arith.constant 13 : i32
        %broadcast_in_dim3A_147 = vector.broadcast %broadcast_in_dim3A_146 : i32 to vector<16xi32>
        %gather3A_148 = tpu.vector_load_idx %arg12[%add3A_81, %broadcast_in_dim3A_147] : memref<128x80xf32, #tpu.memory_space<vmem>>[vector<16xi32>, vector<16xi32>], vector<16xf32>,
        %mul3A_149 = arith.mulf %gather3A_148, %exp3A : vector<16xf32>
        tpu.vector_store_idx %arg16[%add3A_81, %broadcast_in_dim3A_147], %mul3A_149 : memref<128x64xf32, #tpu.memory_space<vmem>>[vector<16xi32>, vector<16xi32>], vector<16xf32>,
        %broadcast_in_dim3A_150 = arith.constant 14 : i32
        %broadcast_in_dim3A_151 = vector.broadcast %broadcast_in_dim3A_150 : i32 to vector<16xi32>
        %gather3A_152 = tpu.vector_load_idx %arg12[%add3A_81, %broadcast_in_dim3A_151] : memref<128x80xf32, #tpu.memory_space<vmem>>[vector<16xi32>, vector<16xi32>], vector<16xf32>,
        %mul3A_153 = arith.mulf %gather3A_152, %exp3A : vector<16xf32>
        tpu.vector_store_idx %arg16[%add3A_81, %broadcast_in_dim3A_151], %mul3A_153 : memref<128x64xf32, #tpu.memory_space<vmem>>[vector<16xi32>, vector<16xi32>], vector<16xf32>,
        %broadcast_in_dim3A_154 = arith.constant 15 : i32
        %broadcast_in_dim3A_155 = vector.broadcast %broadcast_in_dim3A_154 : i32 to vector<16xi32>
        %gather3A_156 = tpu.vector_load_idx %arg12[%add3A_81, %broadcast_in_dim3A_155] : memref<128x80xf32, #tpu.memory_space<vmem>>[vector<16xi32>, vector<16xi32>], vector<16xf32>,
        %mul3A_157 = arith.mulf %gather3A_156, %exp3A : vector<16xf32>
        tpu.vector_store_idx %arg16[%add3A_81, %broadcast_in_dim3A_155], %mul3A_157 : memref<128x64xf32, #tpu.memory_space<vmem>>[vector<16xi32>, vector<16xi32>], vector<16xf32>,
        %broadcast_in_dim3A_158 = arith.constant 65 : i32
        %broadcast_in_dim3A_159 = vector.broadcast %broadcast_in_dim3A_158 : i32 to vector<16xi32>
        %gather3A_160 = tpu.vector_load_idx %arg12[%add3A_81, %broadcast_in_dim3A_159] : memref<128x80xf32, #tpu.memory_space<vmem>>[vector<16xi32>, vector<16xi32>], vector<16xf32>,
        %broadcast_in_dim3A_161 = arith.constant 1 : i32
        %broadcast_in_dim3A_162 = vector.broadcast %broadcast_in_dim3A_161 : i32 to vector<16xi32>
        %gather3A_163 = tpu.vector_load_idx %arg14[%add3A_81, %broadcast_in_dim3A_162] : memref<128x16xf32, #tpu.memory_space<vmem>>[vector<16xi32>, vector<16xi32>], vector<16xf32>,
        %add3A_164 = arith.addf %gather3A_160, %gather3A_163 : vector<16xf32>
        %gt3A_165 = arith.constant 0.000000e+00 : f32
        %gt3A_166 = vector.broadcast %gt3A_165 : f32 to vector<16xf32>
        %gt3A_167 = arith.cmpf ogt, %add3A_164, %gt3A_166 : vector<16xf32>
        %mul3A_168 = arith.constant 2.000000e-01 : f32
        %mul3A_169 = vector.broadcast %mul3A_168 : f32 to vector<16xf32>
        %mul3A_170 = arith.mulf %mul3A_169, %add3A_164 : vector<16xf32>
        %select_n3A_171 = arith.select %gt3A_167, %add3A_164, %mul3A_170 : vector<16xi1>, vector<16xf32>
        %exp3A_172 = math.exp %select_n3A_171 : vector<16xf32>
        %broadcast_in_dim3A_173 = arith.constant 1 : i32
        %broadcast_in_dim3A_174 = vector.broadcast %broadcast_in_dim3A_173 : i32 to vector<16xi32>
        tpu.vector_store_idx %arg17[%add3A_81, %broadcast_in_dim3A_174], %exp3A_172 : memref<128x16xf32, #tpu.memory_space<vmem>>[vector<16xi32>, vector<16xi32>], vector<16xf32>,
        %broadcast_in_dim3A_175 = arith.constant 16 : i32
        %broadcast_in_dim3A_176 = vector.broadcast %broadcast_in_dim3A_175 : i32 to vector<16xi32>
        %gather3A_177 = tpu.vector_load_idx %arg12[%add3A_81, %broadcast_in_dim3A_176] : memref<128x80xf32, #tpu.memory_space<vmem>>[vector<16xi32>, vector<16xi32>], vector<16xf32>,
        %mul3A_178 = arith.mulf %gather3A_177, %exp3A_172 : vector<16xf32>
        tpu.vector_store_idx %arg16[%add3A_81, %broadcast_in_dim3A_176], %mul3A_178 : memref<128x64xf32, #tpu.memory_space<vmem>>[vector<16xi32>, vector<16xi32>], vector<16xf32>,
        %broadcast_in_dim3A_179 = arith.constant 17 : i32
        %broadcast_in_dim3A_180 = vector.broadcast %broadcast_in_dim3A_179 : i32 to vector<16xi32>
        %gather3A_181 = tpu.vector_load_idx %arg12[%add3A_81, %broadcast_in_dim3A_180] : memref<128x80xf32, #tpu.memory_space<vmem>>[vector<16xi32>, vector<16xi32>], vector<16xf32>,
        %mul3A_182 = arith.mulf %gather3A_181, %exp3A_172 : vector<16xf32>
        tpu.vector_store_idx %arg16[%add3A_81, %broadcast_in_dim3A_180], %mul3A_182 : memref<128x64xf32, #tpu.memory_space<vmem>>[vector<16xi32>, vector<16xi32>], vector<16xf32>,
        %broadcast_in_dim3A_183 = arith.constant 18 : i32
        %broadcast_in_dim3A_184 = vector.broadcast %broadcast_in_dim3A_183 : i32 to vector<16xi32>
        %gather3A_185 = tpu.vector_load_idx %arg12[%add3A_81, %broadcast_in_dim3A_184] : memref<128x80xf32, #tpu.memory_space<vmem>>[vector<16xi32>, vector<16xi32>], vector<16xf32>,
        %mul3A_186 = arith.mulf %gather3A_185, %exp3A_172 : vector<16xf32>
        tpu.vector_store_idx %arg16[%add3A_81, %broadcast_in_dim3A_184], %mul3A_186 : memref<128x64xf32, #tpu.memory_space<vmem>>[vector<16xi32>, vector<16xi32>], vector<16xf32>,
        %broadcast_in_dim3A_187 = arith.constant 19 : i32
        %broadcast_in_dim3A_188 = vector.broadcast %broadcast_in_dim3A_187 : i32 to vector<16xi32>
        %gather3A_189 = tpu.vector_load_idx %arg12[%add3A_81, %broadcast_in_dim3A_188] : memref<128x80xf32, #tpu.memory_space<vmem>>[vector<16xi32>, vector<16xi32>], vector<16xf32>,
        %mul3A_190 = arith.mulf %gather3A_189, %exp3A_172 : vector<16xf32>
        tpu.vector_store_idx %arg16[%add3A_81, %broadcast_in_dim3A_188], %mul3A_190 : memref<128x64xf32, #tpu.memory_space<vmem>>[vector<16xi32>, vector<16xi32>], vector<16xf32>,
        %broadcast_in_dim3A_191 = arith.constant 20 : i32
        %broadcast_in_dim3A_192 = vector.broadcast %broadcast_in_dim3A_191 : i32 to vector<16xi32>
        %gather3A_193 = tpu.vector_load_idx %arg12[%add3A_81, %broadcast_in_dim3A_192] : memref<128x80xf32, #tpu.memory_space<vmem>>[vector<16xi32>, vector<16xi32>], vector<16xf32>,
        %mul3A_194 = arith.mulf %gather3A_193, %exp3A_172 : vector<16xf32>
        tpu.vector_store_idx %arg16[%add3A_81, %broadcast_in_dim3A_192], %mul3A_194 : memref<128x64xf32, #tpu.memory_space<vmem>>[vector<16xi32>, vector<16xi32>], vector<16xf32>,
        %broadcast_in_dim3A_195 = arith.constant 21 : i32
        %broadcast_in_dim3A_196 = vector.broadcast %broadcast_in_dim3A_195 : i32 to vector<16xi32>
        %gather3A_197 = tpu.vector_load_idx %arg12[%add3A_81, %broadcast_in_dim3A_196] : memref<128x80xf32, #tpu.memory_space<vmem>>[vector<16xi32>, vector<16xi32>], vector<16xf32>,
        %mul3A_198 = arith.mulf %gather3A_197, %exp3A_172 : vector<16xf32>
        tpu.vector_store_idx %arg16[%add3A_81, %broadcast_in_dim3A_196], %mul3A_198 : memref<128x64xf32, #tpu.memory_space<vmem>>[vector<16xi32>, vector<16xi32>], vector<16xf32>,
        %broadcast_in_dim3A_199 = arith.constant 22 : i32
        %broadcast_in_dim3A_200 = vector.broadcast %broadcast_in_dim3A_199 : i32 to vector<16xi32>
        %gather3A_201 = tpu.vector_load_idx %arg12[%add3A_81, %broadcast_in_dim3A_200] : memref<128x80xf32, #tpu.memory_space<vmem>>[vector<16xi32>, vector<16xi32>], vector<16xf32>,
        %mul3A_202 = arith.mulf %gather3A_201, %exp3A_172 : vector<16xf32>
        tpu.vector_store_idx %arg16[%add3A_81, %broadcast_in_dim3A_200], %mul3A_202 : memref<128x64xf32, #tpu.memory_space<vmem>>[vector<16xi32>, vector<16xi32>], vector<16xf32>,
        %broadcast_in_dim3A_203 = arith.constant 23 : i32
        %broadcast_in_dim3A_204 = vector.broadcast %broadcast_in_dim3A_203 : i32 to vector<16xi32>
        %gather3A_205 = tpu.vector_load_idx %arg12[%add3A_81, %broadcast_in_dim3A_204] : memref<128x80xf32, #tpu.memory_space<vmem>>[vector<16xi32>, vector<16xi32>], vector<16xf32>,
        %mul3A_206 = arith.mulf %gather3A_205, %exp3A_172 : vector<16xf32>
        tpu.vector_store_idx %arg16[%add3A_81, %broadcast_in_dim3A_204], %mul3A_206 : memref<128x64xf32, #tpu.memory_space<vmem>>[vector<16xi32>, vector<16xi32>], vector<16xf32>,
        %broadcast_in_dim3A_207 = arith.constant 24 : i32
        %broadcast_in_dim3A_208 = vector.broadcast %broadcast_in_dim3A_207 : i32 to vector<16xi32>
        %gather3A_209 = tpu.vector_load_idx %arg12[%add3A_81, %broadcast_in_dim3A_208] : memref<128x80xf32, #tpu.memory_space<vmem>>[vector<16xi32>, vector<16xi32>], vector<16xf32>,
        %mul3A_210 = arith.mulf %gather3A_209, %exp3A_172 : vector<16xf32>
        tpu.vector_store_idx %arg16[%add3A_81, %broadcast_in_dim3A_208], %mul3A_210 : memref<128x64xf32, #tpu.memory_space<vmem>>[vector<16xi32>, vector<16xi32>], vector<16xf32>,
        %broadcast_in_dim3A_211 = arith.constant 25 : i32
        %broadcast_in_dim3A_212 = vector.broadcast %broadcast_in_dim3A_211 : i32 to vector<16xi32>
        %gather3A_213 = tpu.vector_load_idx %arg12[%add3A_81, %broadcast_in_dim3A_212] : memref<128x80xf32, #tpu.memory_space<vmem>>[vector<16xi32>, vector<16xi32>], vector<16xf32>,
        %mul3A_214 = arith.mulf %gather3A_213, %exp3A_172 : vector<16xf32>
        tpu.vector_store_idx %arg16[%add3A_81, %broadcast_in_dim3A_212], %mul3A_214 : memref<128x64xf32, #tpu.memory_space<vmem>>[vector<16xi32>, vector<16xi32>], vector<16xf32>,
        %broadcast_in_dim3A_215 = arith.constant 26 : i32
        %broadcast_in_dim3A_216 = vector.broadcast %broadcast_in_dim3A_215 : i32 to vector<16xi32>
        %gather3A_217 = tpu.vector_load_idx %arg12[%add3A_81, %broadcast_in_dim3A_216] : memref<128x80xf32, #tpu.memory_space<vmem>>[vector<16xi32>, vector<16xi32>], vector<16xf32>,
        %mul3A_218 = arith.mulf %gather3A_217, %exp3A_172 : vector<16xf32>
        tpu.vector_store_idx %arg16[%add3A_81, %broadcast_in_dim3A_216], %mul3A_218 : memref<128x64xf32, #tpu.memory_space<vmem>>[vector<16xi32>, vector<16xi32>], vector<16xf32>,
        %broadcast_in_dim3A_219 = arith.constant 27 : i32
        %broadcast_in_dim3A_220 = vector.broadcast %broadcast_in_dim3A_219 : i32 to vector<16xi32>
        %gather3A_221 = tpu.vector_load_idx %arg12[%add3A_81, %broadcast_in_dim3A_220] : memref<128x80xf32, #tpu.memory_space<vmem>>[vector<16xi32>, vector<16xi32>], vector<16xf32>,
        %mul3A_222 = arith.mulf %gather3A_221, %exp3A_172 : vector<16xf32>
        tpu.vector_store_idx %arg16[%add3A_81, %broadcast_in_dim3A_220], %mul3A_222 : memref<128x64xf32, #tpu.memory_space<vmem>>[vector<16xi32>, vector<16xi32>], vector<16xf32>,
        %broadcast_in_dim3A_223 = arith.constant 28 : i32
        %broadcast_in_dim3A_224 = vector.broadcast %broadcast_in_dim3A_223 : i32 to vector<16xi32>
        %gather3A_225 = tpu.vector_load_idx %arg12[%add3A_81, %broadcast_in_dim3A_224] : memref<128x80xf32, #tpu.memory_space<vmem>>[vector<16xi32>, vector<16xi32>], vector<16xf32>,
        %mul3A_226 = arith.mulf %gather3A_225, %exp3A_172 : vector<16xf32>
        tpu.vector_store_idx %arg16[%add3A_81, %broadcast_in_dim3A_224], %mul3A_226 : memref<128x64xf32, #tpu.memory_space<vmem>>[vector<16xi32>, vector<16xi32>], vector<16xf32>,
        %broadcast_in_dim3A_227 = arith.constant 29 : i32
        %broadcast_in_dim3A_228 = vector.broadcast %broadcast_in_dim3A_227 : i32 to vector<16xi32>
        %gather3A_229 = tpu.vector_load_idx %arg12[%add3A_81, %broadcast_in_dim3A_228] : memref<128x80xf32, #tpu.memory_space<vmem>>[vector<16xi32>, vector<16xi32>], vector<16xf32>,
        %mul3A_230 = arith.mulf %gather3A_229, %exp3A_172 : vector<16xf32>
        tpu.vector_store_idx %arg16[%add3A_81, %broadcast_in_dim3A_228], %mul3A_230 : memref<128x64xf32, #tpu.memory_space<vmem>>[vector<16xi32>, vector<16xi32>], vector<16xf32>,
        %broadcast_in_dim3A_231 = arith.constant 30 : i32
        %broadcast_in_dim3A_232 = vector.broadcast %broadcast_in_dim3A_231 : i32 to vector<16xi32>
        %gather3A_233 = tpu.vector_load_idx %arg12[%add3A_81, %broadcast_in_dim3A_232] : memref<128x80xf32, #tpu.memory_space<vmem>>[vector<16xi32>, vector<16xi32>], vector<16xf32>,
        %mul3A_234 = arith.mulf %gather3A_233, %exp3A_172 : vector<16xf32>
        tpu.vector_store_idx %arg16[%add3A_81, %broadcast_in_dim3A_232], %mul3A_234 : memref<128x64xf32, #tpu.memory_space<vmem>>[vector<16xi32>, vector<16xi32>], vector<16xf32>,
        %broadcast_in_dim3A_235 = arith.constant 31 : i32
        %broadcast_in_dim3A_236 = vector.broadcast %broadcast_in_dim3A_235 : i32 to vector<16xi32>
        %gather3A_237 = tpu.vector_load_idx %arg12[%add3A_81, %broadcast_in_dim3A_236] : memref<128x80xf32, #tpu.memory_space<vmem>>[vector<16xi32>, vector<16xi32>], vector<16xf32>,
        %mul3A_238 = arith.mulf %gather3A_237, %exp3A_172 : vector<16xf32>
        tpu.vector_store_idx %arg16[%add3A_81, %broadcast_in_dim3A_236], %mul3A_238 : memref<128x64xf32, #tpu.memory_space<vmem>>[vector<16xi32>, vector<16xi32>], vector<16xf32>,
        %broadcast_in_dim3A_239 = arith.constant 66 : i32
        %broadcast_in_dim3A_240 = vector.broadcast %broadcast_in_dim3A_239 : i32 to vector<16xi32>
        %gather3A_241 = tpu.vector_load_idx %arg12[%add3A_81, %broadcast_in_dim3A_240] : memref<128x80xf32, #tpu.memory_space<vmem>>[vector<16xi32>, vector<16xi32>], vector<16xf32>,
        %broadcast_in_dim3A_242 = arith.constant 2 : i32
        %broadcast_in_dim3A_243 = vector.broadcast %broadcast_in_dim3A_242 : i32 to vector<16xi32>
        %gather3A_244 = tpu.vector_load_idx %arg14[%add3A_81, %broadcast_in_dim3A_243] : memref<128x16xf32, #tpu.memory_space<vmem>>[vector<16xi32>, vector<16xi32>], vector<16xf32>,
        %add3A_245 = arith.addf %gather3A_241, %gather3A_244 : vector<16xf32>
        %gt3A_246 = arith.constant 0.000000e+00 : f32
        %gt3A_247 = vector.broadcast %gt3A_246 : f32 to vector<16xf32>
        %gt3A_248 = arith.cmpf ogt, %add3A_245, %gt3A_247 : vector<16xf32>
        %mul3A_249 = arith.constant 2.000000e-01 : f32
        %mul3A_250 = vector.broadcast %mul3A_249 : f32 to vector<16xf32>
        %mul3A_251 = arith.mulf %mul3A_250, %add3A_245 : vector<16xf32>
        %select_n3A_252 = arith.select %gt3A_248, %add3A_245, %mul3A_251 : vector<16xi1>, vector<16xf32>
        %exp3A_253 = math.exp %select_n3A_252 : vector<16xf32>
        %broadcast_in_dim3A_254 = arith.constant 2 : i32
        %broadcast_in_dim3A_255 = vector.broadcast %broadcast_in_dim3A_254 : i32 to vector<16xi32>
        tpu.vector_store_idx %arg17[%add3A_81, %broadcast_in_dim3A_255], %exp3A_253 : memref<128x16xf32, #tpu.memory_space<vmem>>[vector<16xi32>, vector<16xi32>], vector<16xf32>,
        %broadcast_in_dim3A_256 = arith.constant 32 : i32
        %broadcast_in_dim3A_257 = vector.broadcast %broadcast_in_dim3A_256 : i32 to vector<16xi32>
        %gather3A_258 = tpu.vector_load_idx %arg12[%add3A_81, %broadcast_in_dim3A_257] : memref<128x80xf32, #tpu.memory_space<vmem>>[vector<16xi32>, vector<16xi32>], vector<16xf32>,
        %mul3A_259 = arith.mulf %gather3A_258, %exp3A_253 : vector<16xf32>
        tpu.vector_store_idx %arg16[%add3A_81, %broadcast_in_dim3A_257], %mul3A_259 : memref<128x64xf32, #tpu.memory_space<vmem>>[vector<16xi32>, vector<16xi32>], vector<16xf32>,
        %broadcast_in_dim3A_260 = arith.constant 33 : i32
        %broadcast_in_dim3A_261 = vector.broadcast %broadcast_in_dim3A_260 : i32 to vector<16xi32>
        %gather3A_262 = tpu.vector_load_idx %arg12[%add3A_81, %broadcast_in_dim3A_261] : memref<128x80xf32, #tpu.memory_space<vmem>>[vector<16xi32>, vector<16xi32>], vector<16xf32>,
        %mul3A_263 = arith.mulf %gather3A_262, %exp3A_253 : vector<16xf32>
        tpu.vector_store_idx %arg16[%add3A_81, %broadcast_in_dim3A_261], %mul3A_263 : memref<128x64xf32, #tpu.memory_space<vmem>>[vector<16xi32>, vector<16xi32>], vector<16xf32>,
        %broadcast_in_dim3A_264 = arith.constant 34 : i32
        %broadcast_in_dim3A_265 = vector.broadcast %broadcast_in_dim3A_264 : i32 to vector<16xi32>
        %gather3A_266 = tpu.vector_load_idx %arg12[%add3A_81, %broadcast_in_dim3A_265] : memref<128x80xf32, #tpu.memory_space<vmem>>[vector<16xi32>, vector<16xi32>], vector<16xf32>,
        %mul3A_267 = arith.mulf %gather3A_266, %exp3A_253 : vector<16xf32>
        tpu.vector_store_idx %arg16[%add3A_81, %broadcast_in_dim3A_265], %mul3A_267 : memref<128x64xf32, #tpu.memory_space<vmem>>[vector<16xi32>, vector<16xi32>], vector<16xf32>,
        %broadcast_in_dim3A_268 = arith.constant 35 : i32
        %broadcast_in_dim3A_269 = vector.broadcast %broadcast_in_dim3A_268 : i32 to vector<16xi32>
        %gather3A_270 = tpu.vector_load_idx %arg12[%add3A_81, %broadcast_in_dim3A_269] : memref<128x80xf32, #tpu.memory_space<vmem>>[vector<16xi32>, vector<16xi32>], vector<16xf32>,
        %mul3A_271 = arith.mulf %gather3A_270, %exp3A_253 : vector<16xf32>
        tpu.vector_store_idx %arg16[%add3A_81, %broadcast_in_dim3A_269], %mul3A_271 : memref<128x64xf32, #tpu.memory_space<vmem>>[vector<16xi32>, vector<16xi32>], vector<16xf32>,
        %broadcast_in_dim3A_272 = arith.constant 36 : i32
        %broadcast_in_dim3A_273 = vector.broadcast %broadcast_in_dim3A_272 : i32 to vector<16xi32>
        %gather3A_274 = tpu.vector_load_idx %arg12[%add3A_81, %broadcast_in_dim3A_273] : memref<128x80xf32, #tpu.memory_space<vmem>>[vector<16xi32>, vector<16xi32>], vector<16xf32>,
        %mul3A_275 = arith.mulf %gather3A_274, %exp3A_253 : vector<16xf32>
        tpu.vector_store_idx %arg16[%add3A_81, %broadcast_in_dim3A_273], %mul3A_275 : memref<128x64xf32, #tpu.memory_space<vmem>>[vector<16xi32>, vector<16xi32>], vector<16xf32>,
        %broadcast_in_dim3A_276 = arith.constant 37 : i32
        %broadcast_in_dim3A_277 = vector.broadcast %broadcast_in_dim3A_276 : i32 to vector<16xi32>
        %gather3A_278 = tpu.vector_load_idx %arg12[%add3A_81, %broadcast_in_dim3A_277] : memref<128x80xf32, #tpu.memory_space<vmem>>[vector<16xi32>, vector<16xi32>], vector<16xf32>,
        %mul3A_279 = arith.mulf %gather3A_278, %exp3A_253 : vector<16xf32>
        tpu.vector_store_idx %arg16[%add3A_81, %broadcast_in_dim3A_277], %mul3A_279 : memref<128x64xf32, #tpu.memory_space<vmem>>[vector<16xi32>, vector<16xi32>], vector<16xf32>,
        %broadcast_in_dim3A_280 = arith.constant 38 : i32
        %broadcast_in_dim3A_281 = vector.broadcast %broadcast_in_dim3A_280 : i32 to vector<16xi32>
        %gather3A_282 = tpu.vector_load_idx %arg12[%add3A_81, %broadcast_in_dim3A_281] : memref<128x80xf32, #tpu.memory_space<vmem>>[vector<16xi32>, vector<16xi32>], vector<16xf32>,
        %mul3A_283 = arith.mulf %gather3A_282, %exp3A_253 : vector<16xf32>
        tpu.vector_store_idx %arg16[%add3A_81, %broadcast_in_dim3A_281], %mul3A_283 : memref<128x64xf32, #tpu.memory_space<vmem>>[vector<16xi32>, vector<16xi32>], vector<16xf32>,
        %broadcast_in_dim3A_284 = arith.constant 39 : i32
        %broadcast_in_dim3A_285 = vector.broadcast %broadcast_in_dim3A_284 : i32 to vector<16xi32>
        %gather3A_286 = tpu.vector_load_idx %arg12[%add3A_81, %broadcast_in_dim3A_285] : memref<128x80xf32, #tpu.memory_space<vmem>>[vector<16xi32>, vector<16xi32>], vector<16xf32>,
        %mul3A_287 = arith.mulf %gather3A_286, %exp3A_253 : vector<16xf32>
        tpu.vector_store_idx %arg16[%add3A_81, %broadcast_in_dim3A_285], %mul3A_287 : memref<128x64xf32, #tpu.memory_space<vmem>>[vector<16xi32>, vector<16xi32>], vector<16xf32>,
        %broadcast_in_dim3A_288 = arith.constant 40 : i32
        %broadcast_in_dim3A_289 = vector.broadcast %broadcast_in_dim3A_288 : i32 to vector<16xi32>
        %gather3A_290 = tpu.vector_load_idx %arg12[%add3A_81, %broadcast_in_dim3A_289] : memref<128x80xf32, #tpu.memory_space<vmem>>[vector<16xi32>, vector<16xi32>], vector<16xf32>,
        %mul3A_291 = arith.mulf %gather3A_290, %exp3A_253 : vector<16xf32>
        tpu.vector_store_idx %arg16[%add3A_81, %broadcast_in_dim3A_289], %mul3A_291 : memref<128x64xf32, #tpu.memory_space<vmem>>[vector<16xi32>, vector<16xi32>], vector<16xf32>,
        %broadcast_in_dim3A_292 = arith.constant 41 : i32
        %broadcast_in_dim3A_293 = vector.broadcast %broadcast_in_dim3A_292 : i32 to vector<16xi32>
        %gather3A_294 = tpu.vector_load_idx %arg12[%add3A_81, %broadcast_in_dim3A_293] : memref<128x80xf32, #tpu.memory_space<vmem>>[vector<16xi32>, vector<16xi32>], vector<16xf32>,
        %mul3A_295 = arith.mulf %gather3A_294, %exp3A_253 : vector<16xf32>
        tpu.vector_store_idx %arg16[%add3A_81, %broadcast_in_dim3A_293], %mul3A_295 : memref<128x64xf32, #tpu.memory_space<vmem>>[vector<16xi32>, vector<16xi32>], vector<16xf32>,
        %broadcast_in_dim3A_296 = arith.constant 42 : i32
        %broadcast_in_dim3A_297 = vector.broadcast %broadcast_in_dim3A_296 : i32 to vector<16xi32>
        %gather3A_298 = tpu.vector_load_idx %arg12[%add3A_81, %broadcast_in_dim3A_297] : memref<128x80xf32, #tpu.memory_space<vmem>>[vector<16xi32>, vector<16xi32>], vector<16xf32>,
        %mul3A_299 = arith.mulf %gather3A_298, %exp3A_253 : vector<16xf32>
        tpu.vector_store_idx %arg16[%add3A_81, %broadcast_in_dim3A_297], %mul3A_299 : memref<128x64xf32, #tpu.memory_space<vmem>>[vector<16xi32>, vector<16xi32>], vector<16xf32>,
        %broadcast_in_dim3A_300 = arith.constant 43 : i32
        %broadcast_in_dim3A_301 = vector.broadcast %broadcast_in_dim3A_300 : i32 to vector<16xi32>
        %gather3A_302 = tpu.vector_load_idx %arg12[%add3A_81, %broadcast_in_dim3A_301] : memref<128x80xf32, #tpu.memory_space<vmem>>[vector<16xi32>, vector<16xi32>], vector<16xf32>,
        %mul3A_303 = arith.mulf %gather3A_302, %exp3A_253 : vector<16xf32>
        tpu.vector_store_idx %arg16[%add3A_81, %broadcast_in_dim3A_301], %mul3A_303 : memref<128x64xf32, #tpu.memory_space<vmem>>[vector<16xi32>, vector<16xi32>], vector<16xf32>,
        %broadcast_in_dim3A_304 = arith.constant 44 : i32
        %broadcast_in_dim3A_305 = vector.broadcast %broadcast_in_dim3A_304 : i32 to vector<16xi32>
        %gather3A_306 = tpu.vector_load_idx %arg12[%add3A_81, %broadcast_in_dim3A_305] : memref<128x80xf32, #tpu.memory_space<vmem>>[vector<16xi32>, vector<16xi32>], vector<16xf32>,
        %mul3A_307 = arith.mulf %gather3A_306, %exp3A_253 : vector<16xf32>
        tpu.vector_store_idx %arg16[%add3A_81, %broadcast_in_dim3A_305], %mul3A_307 : memref<128x64xf32, #tpu.memory_space<vmem>>[vector<16xi32>, vector<16xi32>], vector<16xf32>,
        %broadcast_in_dim3A_308 = arith.constant 45 : i32
        %broadcast_in_dim3A_309 = vector.broadcast %broadcast_in_dim3A_308 : i32 to vector<16xi32>
        %gather3A_310 = tpu.vector_load_idx %arg12[%add3A_81, %broadcast_in_dim3A_309] : memref<128x80xf32, #tpu.memory_space<vmem>>[vector<16xi32>, vector<16xi32>], vector<16xf32>,
        %mul3A_311 = arith.mulf %gather3A_310, %exp3A_253 : vector<16xf32>
        tpu.vector_store_idx %arg16[%add3A_81, %broadcast_in_dim3A_309], %mul3A_311 : memref<128x64xf32, #tpu.memory_space<vmem>>[vector<16xi32>, vector<16xi32>], vector<16xf32>,
        %broadcast_in_dim3A_312 = arith.constant 46 : i32
        %broadcast_in_dim3A_313 = vector.broadcast %broadcast_in_dim3A_312 : i32 to vector<16xi32>
        %gather3A_314 = tpu.vector_load_idx %arg12[%add3A_81, %broadcast_in_dim3A_313] : memref<128x80xf32, #tpu.memory_space<vmem>>[vector<16xi32>, vector<16xi32>], vector<16xf32>,
        %mul3A_315 = arith.mulf %gather3A_314, %exp3A_253 : vector<16xf32>
        tpu.vector_store_idx %arg16[%add3A_81, %broadcast_in_dim3A_313], %mul3A_315 : memref<128x64xf32, #tpu.memory_space<vmem>>[vector<16xi32>, vector<16xi32>], vector<16xf32>,
        %broadcast_in_dim3A_316 = arith.constant 47 : i32
        %broadcast_in_dim3A_317 = vector.broadcast %broadcast_in_dim3A_316 : i32 to vector<16xi32>
        %gather3A_318 = tpu.vector_load_idx %arg12[%add3A_81, %broadcast_in_dim3A_317] : memref<128x80xf32, #tpu.memory_space<vmem>>[vector<16xi32>, vector<16xi32>], vector<16xf32>,
        %mul3A_319 = arith.mulf %gather3A_318, %exp3A_253 : vector<16xf32>
        tpu.vector_store_idx %arg16[%add3A_81, %broadcast_in_dim3A_317], %mul3A_319 : memref<128x64xf32, #tpu.memory_space<vmem>>[vector<16xi32>, vector<16xi32>], vector<16xf32>,
        %broadcast_in_dim3A_320 = arith.constant 67 : i32
        %broadcast_in_dim3A_321 = vector.broadcast %broadcast_in_dim3A_320 : i32 to vector<16xi32>
        %gather3A_322 = tpu.vector_load_idx %arg12[%add3A_81, %broadcast_in_dim3A_321] : memref<128x80xf32, #tpu.memory_space<vmem>>[vector<16xi32>, vector<16xi32>], vector<16xf32>,
        %broadcast_in_dim3A_323 = arith.constant 3 : i32
        %broadcast_in_dim3A_324 = vector.broadcast %broadcast_in_dim3A_323 : i32 to vector<16xi32>
        %gather3A_325 = tpu.vector_load_idx %arg14[%add3A_81, %broadcast_in_dim3A_324] : memref<128x16xf32, #tpu.memory_space<vmem>>[vector<16xi32>, vector<16xi32>], vector<16xf32>,
        %add3A_326 = arith.addf %gather3A_322, %gather3A_325 : vector<16xf32>
        %gt3A_327 = arith.constant 0.000000e+00 : f32
        %gt3A_328 = vector.broadcast %gt3A_327 : f32 to vector<16xf32>
        %gt3A_329 = arith.cmpf ogt, %add3A_326, %gt3A_328 : vector<16xf32>
        %mul3A_330 = arith.constant 2.000000e-01 : f32
        %mul3A_331 = vector.broadcast %mul3A_330 : f32 to vector<16xf32>
        %mul3A_332 = arith.mulf %mul3A_331, %add3A_326 : vector<16xf32>
        %select_n3A_333 = arith.select %gt3A_329, %add3A_326, %mul3A_332 : vector<16xi1>, vector<16xf32>
        %exp3A_334 = math.exp %select_n3A_333 : vector<16xf32>
        %broadcast_in_dim3A_335 = arith.constant 3 : i32
        %broadcast_in_dim3A_336 = vector.broadcast %broadcast_in_dim3A_335 : i32 to vector<16xi32>
        tpu.vector_store_idx %arg17[%add3A_81, %broadcast_in_dim3A_336], %exp3A_334 : memref<128x16xf32, #tpu.memory_space<vmem>>[vector<16xi32>, vector<16xi32>], vector<16xf32>,
        %broadcast_in_dim3A_337 = arith.constant 48 : i32
        %broadcast_in_dim3A_338 = vector.broadcast %broadcast_in_dim3A_337 : i32 to vector<16xi32>
        %gather3A_339 = tpu.vector_load_idx %arg12[%add3A_81, %broadcast_in_dim3A_338] : memref<128x80xf32, #tpu.memory_space<vmem>>[vector<16xi32>, vector<16xi32>], vector<16xf32>,
        %mul3A_340 = arith.mulf %gather3A_339, %exp3A_334 : vector<16xf32>
        tpu.vector_store_idx %arg16[%add3A_81, %broadcast_in_dim3A_338], %mul3A_340 : memref<128x64xf32, #tpu.memory_space<vmem>>[vector<16xi32>, vector<16xi32>], vector<16xf32>,
        %broadcast_in_dim3A_341 = arith.constant 49 : i32
        %broadcast_in_dim3A_342 = vector.broadcast %broadcast_in_dim3A_341 : i32 to vector<16xi32>
        %gather3A_343 = tpu.vector_load_idx %arg12[%add3A_81, %broadcast_in_dim3A_342] : memref<128x80xf32, #tpu.memory_space<vmem>>[vector<16xi32>, vector<16xi32>], vector<16xf32>,
        %mul3A_344 = arith.mulf %gather3A_343, %exp3A_334 : vector<16xf32>
        tpu.vector_store_idx %arg16[%add3A_81, %broadcast_in_dim3A_342], %mul3A_344 : memref<128x64xf32, #tpu.memory_space<vmem>>[vector<16xi32>, vector<16xi32>], vector<16xf32>,
        %broadcast_in_dim3A_345 = arith.constant 50 : i32
        %broadcast_in_dim3A_346 = vector.broadcast %broadcast_in_dim3A_345 : i32 to vector<16xi32>
        %gather3A_347 = tpu.vector_load_idx %arg12[%add3A_81, %broadcast_in_dim3A_346] : memref<128x80xf32, #tpu.memory_space<vmem>>[vector<16xi32>, vector<16xi32>], vector<16xf32>,
        %mul3A_348 = arith.mulf %gather3A_347, %exp3A_334 : vector<16xf32>
        tpu.vector_store_idx %arg16[%add3A_81, %broadcast_in_dim3A_346], %mul3A_348 : memref<128x64xf32, #tpu.memory_space<vmem>>[vector<16xi32>, vector<16xi32>], vector<16xf32>,
        %broadcast_in_dim3A_349 = arith.constant 51 : i32
        %broadcast_in_dim3A_350 = vector.broadcast %broadcast_in_dim3A_349 : i32 to vector<16xi32>
        %gather3A_351 = tpu.vector_load_idx %arg12[%add3A_81, %broadcast_in_dim3A_350] : memref<128x80xf32, #tpu.memory_space<vmem>>[vector<16xi32>, vector<16xi32>], vector<16xf32>,
        %mul3A_352 = arith.mulf %gather3A_351, %exp3A_334 : vector<16xf32>
        tpu.vector_store_idx %arg16[%add3A_81, %broadcast_in_dim3A_350], %mul3A_352 : memref<128x64xf32, #tpu.memory_space<vmem>>[vector<16xi32>, vector<16xi32>], vector<16xf32>,
        %broadcast_in_dim3A_353 = arith.constant 52 : i32
        %broadcast_in_dim3A_354 = vector.broadcast %broadcast_in_dim3A_353 : i32 to vector<16xi32>
        %gather3A_355 = tpu.vector_load_idx %arg12[%add3A_81, %broadcast_in_dim3A_354] : memref<128x80xf32, #tpu.memory_space<vmem>>[vector<16xi32>, vector<16xi32>], vector<16xf32>,
        %mul3A_356 = arith.mulf %gather3A_355, %exp3A_334 : vector<16xf32>
        tpu.vector_store_idx %arg16[%add3A_81, %broadcast_in_dim3A_354], %mul3A_356 : memref<128x64xf32, #tpu.memory_space<vmem>>[vector<16xi32>, vector<16xi32>], vector<16xf32>,
        %broadcast_in_dim3A_357 = arith.constant 53 : i32
        %broadcast_in_dim3A_358 = vector.broadcast %broadcast_in_dim3A_357 : i32 to vector<16xi32>
        %gather3A_359 = tpu.vector_load_idx %arg12[%add3A_81, %broadcast_in_dim3A_358] : memref<128x80xf32, #tpu.memory_space<vmem>>[vector<16xi32>, vector<16xi32>], vector<16xf32>,
        %mul3A_360 = arith.mulf %gather3A_359, %exp3A_334 : vector<16xf32>
        tpu.vector_store_idx %arg16[%add3A_81, %broadcast_in_dim3A_358], %mul3A_360 : memref<128x64xf32, #tpu.memory_space<vmem>>[vector<16xi32>, vector<16xi32>], vector<16xf32>,
        %broadcast_in_dim3A_361 = arith.constant 54 : i32
        %broadcast_in_dim3A_362 = vector.broadcast %broadcast_in_dim3A_361 : i32 to vector<16xi32>
        %gather3A_363 = tpu.vector_load_idx %arg12[%add3A_81, %broadcast_in_dim3A_362] : memref<128x80xf32, #tpu.memory_space<vmem>>[vector<16xi32>, vector<16xi32>], vector<16xf32>,
        %mul3A_364 = arith.mulf %gather3A_363, %exp3A_334 : vector<16xf32>
        tpu.vector_store_idx %arg16[%add3A_81, %broadcast_in_dim3A_362], %mul3A_364 : memref<128x64xf32, #tpu.memory_space<vmem>>[vector<16xi32>, vector<16xi32>], vector<16xf32>,
        %broadcast_in_dim3A_365 = arith.constant 55 : i32
        %broadcast_in_dim3A_366 = vector.broadcast %broadcast_in_dim3A_365 : i32 to vector<16xi32>
        %gather3A_367 = tpu.vector_load_idx %arg12[%add3A_81, %broadcast_in_dim3A_366] : memref<128x80xf32, #tpu.memory_space<vmem>>[vector<16xi32>, vector<16xi32>], vector<16xf32>,
        %mul3A_368 = arith.mulf %gather3A_367, %exp3A_334 : vector<16xf32>
        tpu.vector_store_idx %arg16[%add3A_81, %broadcast_in_dim3A_366], %mul3A_368 : memref<128x64xf32, #tpu.memory_space<vmem>>[vector<16xi32>, vector<16xi32>], vector<16xf32>,
        %broadcast_in_dim3A_369 = arith.constant 56 : i32
        %broadcast_in_dim3A_370 = vector.broadcast %broadcast_in_dim3A_369 : i32 to vector<16xi32>
        %gather3A_371 = tpu.vector_load_idx %arg12[%add3A_81, %broadcast_in_dim3A_370] : memref<128x80xf32, #tpu.memory_space<vmem>>[vector<16xi32>, vector<16xi32>], vector<16xf32>,
        %mul3A_372 = arith.mulf %gather3A_371, %exp3A_334 : vector<16xf32>
        tpu.vector_store_idx %arg16[%add3A_81, %broadcast_in_dim3A_370], %mul3A_372 : memref<128x64xf32, #tpu.memory_space<vmem>>[vector<16xi32>, vector<16xi32>], vector<16xf32>,
        %broadcast_in_dim3A_373 = arith.constant 57 : i32
        %broadcast_in_dim3A_374 = vector.broadcast %broadcast_in_dim3A_373 : i32 to vector<16xi32>
        %gather3A_375 = tpu.vector_load_idx %arg12[%add3A_81, %broadcast_in_dim3A_374] : memref<128x80xf32, #tpu.memory_space<vmem>>[vector<16xi32>, vector<16xi32>], vector<16xf32>,
        %mul3A_376 = arith.mulf %gather3A_375, %exp3A_334 : vector<16xf32>
        tpu.vector_store_idx %arg16[%add3A_81, %broadcast_in_dim3A_374], %mul3A_376 : memref<128x64xf32, #tpu.memory_space<vmem>>[vector<16xi32>, vector<16xi32>], vector<16xf32>,
        %broadcast_in_dim3A_377 = arith.constant 58 : i32
        %broadcast_in_dim3A_378 = vector.broadcast %broadcast_in_dim3A_377 : i32 to vector<16xi32>
        %gather3A_379 = tpu.vector_load_idx %arg12[%add3A_81, %broadcast_in_dim3A_378] : memref<128x80xf32, #tpu.memory_space<vmem>>[vector<16xi32>, vector<16xi32>], vector<16xf32>,
        %mul3A_380 = arith.mulf %gather3A_379, %exp3A_334 : vector<16xf32>
        tpu.vector_store_idx %arg16[%add3A_81, %broadcast_in_dim3A_378], %mul3A_380 : memref<128x64xf32, #tpu.memory_space<vmem>>[vector<16xi32>, vector<16xi32>], vector<16xf32>,
        %broadcast_in_dim3A_381 = arith.constant 59 : i32
        %broadcast_in_dim3A_382 = vector.broadcast %broadcast_in_dim3A_381 : i32 to vector<16xi32>
        %gather3A_383 = tpu.vector_load_idx %arg12[%add3A_81, %broadcast_in_dim3A_382] : memref<128x80xf32, #tpu.memory_space<vmem>>[vector<16xi32>, vector<16xi32>], vector<16xf32>,
        %mul3A_384 = arith.mulf %gather3A_383, %exp3A_334 : vector<16xf32>
        tpu.vector_store_idx %arg16[%add3A_81, %broadcast_in_dim3A_382], %mul3A_384 : memref<128x64xf32, #tpu.memory_space<vmem>>[vector<16xi32>, vector<16xi32>], vector<16xf32>,
        %broadcast_in_dim3A_385 = arith.constant 60 : i32
        %broadcast_in_dim3A_386 = vector.broadcast %broadcast_in_dim3A_385 : i32 to vector<16xi32>
        %gather3A_387 = tpu.vector_load_idx %arg12[%add3A_81, %broadcast_in_dim3A_386] : memref<128x80xf32, #tpu.memory_space<vmem>>[vector<16xi32>, vector<16xi32>], vector<16xf32>,
        %mul3A_388 = arith.mulf %gather3A_387, %exp3A_334 : vector<16xf32>
        tpu.vector_store_idx %arg16[%add3A_81, %broadcast_in_dim3A_386], %mul3A_388 : memref<128x64xf32, #tpu.memory_space<vmem>>[vector<16xi32>, vector<16xi32>], vector<16xf32>,
        %broadcast_in_dim3A_389 = arith.constant 61 : i32
        %broadcast_in_dim3A_390 = vector.broadcast %broadcast_in_dim3A_389 : i32 to vector<16xi32>
        %gather3A_391 = tpu.vector_load_idx %arg12[%add3A_81, %broadcast_in_dim3A_390] : memref<128x80xf32, #tpu.memory_space<vmem>>[vector<16xi32>, vector<16xi32>], vector<16xf32>,
        %mul3A_392 = arith.mulf %gather3A_391, %exp3A_334 : vector<16xf32>
        tpu.vector_store_idx %arg16[%add3A_81, %broadcast_in_dim3A_390], %mul3A_392 : memref<128x64xf32, #tpu.memory_space<vmem>>[vector<16xi32>, vector<16xi32>], vector<16xf32>,
        %broadcast_in_dim3A_393 = arith.constant 62 : i32
        %broadcast_in_dim3A_394 = vector.broadcast %broadcast_in_dim3A_393 : i32 to vector<16xi32>
        %gather3A_395 = tpu.vector_load_idx %arg12[%add3A_81, %broadcast_in_dim3A_394] : memref<128x80xf32, #tpu.memory_space<vmem>>[vector<16xi32>, vector<16xi32>], vector<16xf32>,
        %mul3A_396 = arith.mulf %gather3A_395, %exp3A_334 : vector<16xf32>
        tpu.vector_store_idx %arg16[%add3A_81, %broadcast_in_dim3A_394], %mul3A_396 : memref<128x64xf32, #tpu.memory_space<vmem>>[vector<16xi32>, vector<16xi32>], vector<16xf32>,
        %broadcast_in_dim3A_397 = arith.constant 63 : i32
        %broadcast_in_dim3A_398 = vector.broadcast %broadcast_in_dim3A_397 : i32 to vector<16xi32>
        %gather3A_399 = tpu.vector_load_idx %arg12[%add3A_81, %broadcast_in_dim3A_398] : memref<128x80xf32, #tpu.memory_space<vmem>>[vector<16xi32>, vector<16xi32>], vector<16xf32>,
        %mul3A_400 = arith.mulf %gather3A_399, %exp3A_334 : vector<16xf32>
        tpu.vector_store_idx %arg16[%add3A_81, %broadcast_in_dim3A_398], %mul3A_400 : memref<128x64xf32, #tpu.memory_space<vmem>>[vector<16xi32>, vector<16xi32>], vector<16xf32>,
      }
      %scan3A_75 = arith.constant 8 : i32
      %run_scoped3A = arith.constant 8 : i32
      "tpu.region"() ({
        %run_scoped3A_77 = tpu.sem_alloc : memref<!tpu.dma_semaphore, #tpu.memory_space<semaphore_mem>>
        %dma_start3A_78 = arith.constant 0 : i32
        %dma_start3A_79 = tpu.memref_slice %arg11[%run_scoped3A, %dma_start3A_78] : memref<9x128xi32, #tpu.memory_space<vmem>> -> memref<1x128xi32, #tpu.memory_space<vmem>>
        %dma_start3A_80 = tpu.memref_squeeze %dma_start3A_79 : memref<1x128xi32, #tpu.memory_space<vmem>> -> memref<128xi32, #tpu.memory_space<vmem>>
        %dma_start3A_81 = arith.constant 0 : i32
        %dma_start3A_82 = arith.constant 0 : i32
        %dma_start3A_83 = tpu.memref_slice %arg18[%dma_start3A_81, %dma_start3A_82] : memref<10240x64xf32, #tpu.memory_space<vmem_shared>> -> memref<10240x64xf32, #tpu.memory_space<vmem_shared>>
        tpu.enqueue_indirect_dma source(%arg16 : memref<128x64xf32, #tpu.memory_space<vmem>>) target(%dma_start3A_83 : memref<10240x64xf32, #tpu.memory_space<vmem_shared>>) offsets(%dma_start3A_80 : memref<128xi32, #tpu.memory_space<vmem>>) semaphore(%run_scoped3A_77 : memref<!tpu.dma_semaphore, #tpu.memory_space<semaphore_mem>>) {add = true}
        %dma_wait3A_84 = arith.constant 0 : i32
        %dma_wait3A_85 = tpu.memref_slice %arg11[%run_scoped3A, %dma_wait3A_84] : memref<9x128xi32, #tpu.memory_space<vmem>> -> memref<1x128xi32, #tpu.memory_space<vmem>>
        %dma_wait3A_86 = tpu.memref_squeeze %dma_wait3A_85 : memref<1x128xi32, #tpu.memory_space<vmem>> -> memref<128xi32, #tpu.memory_space<vmem>>
        %dma_wait3A_87 = arith.constant 0 : i32
        %dma_wait3A_88 = arith.constant 0 : i32
        %dma_wait3A_89 = tpu.memref_slice %arg18[%dma_wait3A_87, %dma_wait3A_88] : memref<10240x64xf32, #tpu.memory_space<vmem_shared>> -> memref<10240x64xf32, #tpu.memory_space<vmem_shared>>
        tpu.wait_indirect_dma semaphore(%run_scoped3A_77 : memref<!tpu.dma_semaphore, #tpu.memory_space<semaphore_mem>>) src(%arg16 : memref<128x64xf32, #tpu.memory_space<vmem>>) dst(%dma_wait3A_89 : memref<10240x64xf32, #tpu.memory_space<vmem_shared>>)
        tpu.yield
      }) : () -> ()
      %run_scoped3A_76 = arith.constant 8 : i32
      "tpu.region"() ({
        %run_scoped3A_77 = tpu.sem_alloc : memref<!tpu.dma_semaphore, #tpu.memory_space<semaphore_mem>>
        %dma_start3A_78 = arith.constant 0 : i32
        %dma_start3A_79 = tpu.memref_slice %arg11[%run_scoped3A_76, %dma_start3A_78] : memref<9x128xi32, #tpu.memory_space<vmem>> -> memref<1x128xi32, #tpu.memory_space<vmem>>
        %dma_start3A_80 = tpu.memref_squeeze %dma_start3A_79 : memref<1x128xi32, #tpu.memory_space<vmem>> -> memref<128xi32, #tpu.memory_space<vmem>>
        %dma_start3A_81 = arith.constant 0 : i32
        %dma_start3A_82 = arith.constant 0 : i32
        %dma_start3A_83 = tpu.memref_slice %arg19[%dma_start3A_81, %dma_start3A_82] : memref<10240x16xf32, #tpu.memory_space<vmem_shared>> -> memref<10240x16xf32, #tpu.memory_space<vmem_shared>>
        tpu.enqueue_indirect_dma source(%arg17 : memref<128x16xf32, #tpu.memory_space<vmem>>) target(%dma_start3A_83 : memref<10240x16xf32, #tpu.memory_space<vmem_shared>>) offsets(%dma_start3A_80 : memref<128xi32, #tpu.memory_space<vmem>>) semaphore(%run_scoped3A_77 : memref<!tpu.dma_semaphore, #tpu.memory_space<semaphore_mem>>) {add = true}
        %dma_wait3A_84 = arith.constant 0 : i32
        %dma_wait3A_85 = tpu.memref_slice %arg11[%run_scoped3A_76, %dma_wait3A_84] : memref<9x128xi32, #tpu.memory_space<vmem>> -> memref<1x128xi32, #tpu.memory_space<vmem>>
        %dma_wait3A_86 = tpu.memref_squeeze %dma_wait3A_85 : memref<1x128xi32, #tpu.memory_space<vmem>> -> memref<128xi32, #tpu.memory_space<vmem>>
        %dma_wait3A_87 = arith.constant 0 : i32
        %dma_wait3A_88 = arith.constant 0 : i32
        %dma_wait3A_89 = tpu.memref_slice %arg19[%dma_wait3A_87, %dma_wait3A_88] : memref<10240x16xf32, #tpu.memory_space<vmem_shared>> -> memref<10240x16xf32, #tpu.memory_space<vmem_shared>>
        tpu.wait_indirect_dma semaphore(%run_scoped3A_77 : memref<!tpu.dma_semaphore, #tpu.memory_space<semaphore_mem>>) src(%arg17 : memref<128x16xf32, #tpu.memory_space<vmem>>) dst(%dma_wait3A_89 : memref<10240x16xf32, #tpu.memory_space<vmem_shared>>)
        tpu.yield
      }) : () -> ()
    }
    %scan3A_21 = arith.constant 9 : i32
    %barrier3A_22 = arith.constant 0 : index
    tpu.barrier barrier_id(%barrier3A_22)
    %mul3A_23 = arith.constant 640 : i32
    %mul3A_24 = arith.muli %arg1, %mul3A_23 : i32
    %mul3A_25 = arith.constant 640 : i32
    %mul3A_26 = arith.muli %arg1, %mul3A_25 : i32
    "tpu.region"() ({
      %run_scoped3A = tpu.sem_alloc : memref<!tpu.dma_semaphore, #tpu.memory_space<semaphore_mem>>
      %dma_start3A = arith.constant 0 : i32
      %dma_start3A_31 = tpu.memref_slice %arg8[%arg0, %mul3A_26, %dma_start3A] : memref<2x10240x64xf32, #tpu.memory_space<hbm>> -> memref<1x640x64xf32, #tpu.memory_space<hbm>>
      %dma_start3A_32 = tpu.memref_squeeze %dma_start3A_31 : memref<1x640x64xf32, #tpu.memory_space<hbm>> -> memref<640x64xf32, #tpu.memory_space<hbm>>
      %dma_start3A_33 = arith.constant 0 : i32
      %dma_start3A_34 = tpu.memref_slice %arg18[%mul3A_24, %dma_start3A_33] : memref<10240x64xf32, #tpu.memory_space<vmem_shared>> -> memref<640x64xf32, #tpu.memory_space<vmem_shared>>
      tpu.enqueue_dma source(%dma_start3A_34 : memref<640x64xf32, #tpu.memory_space<vmem_shared>>) target(%dma_start3A_32 : memref<640x64xf32, #tpu.memory_space<hbm>>) target_semaphore(%run_scoped3A : memref<!tpu.dma_semaphore, #tpu.memory_space<semaphore_mem>>)
      %dma_wait3A = arith.constant 0 : i32
      %dma_wait3A_35 = tpu.memref_slice %arg8[%arg0, %mul3A_26, %dma_wait3A] : memref<2x10240x64xf32, #tpu.memory_space<hbm>> -> memref<1x640x64xf32, #tpu.memory_space<hbm>>
      %dma_wait3A_36 = tpu.memref_squeeze %dma_wait3A_35 : memref<1x640x64xf32, #tpu.memory_space<hbm>> -> memref<640x64xf32, #tpu.memory_space<hbm>>
      %dma_wait3A_37 = arith.constant 0 : i32
      %dma_wait3A_38 = tpu.memref_slice %arg18[%mul3A_24, %dma_wait3A_37] : memref<10240x64xf32, #tpu.memory_space<vmem_shared>> -> memref<640x64xf32, #tpu.memory_space<vmem_shared>>
      tpu.wait_dma2 semaphore(%run_scoped3A : memref<!tpu.dma_semaphore, #tpu.memory_space<semaphore_mem>>) src(%dma_wait3A_38 : memref<640x64xf32, #tpu.memory_space<vmem_shared>>) dst(%dma_wait3A_36 : memref<640x64xf32, #tpu.memory_space<hbm>>)
      tpu.yield
    }) : () -> ()
    %mul3A_27 = arith.constant 640 : i32
    %mul3A_28 = arith.muli %arg1, %mul3A_27 : i32
    %mul3A_29 = arith.constant 640 : i32
    %mul3A_30 = arith.muli %arg1, %mul3A_29 : i32
    "tpu.region"() ({
      %run_scoped3A = tpu.sem_alloc : memref<!tpu.dma_semaphore, #tpu.memory_space<semaphore_mem>>
      %dma_start3A = arith.constant 0 : i32
      %dma_start3A_31 = tpu.memref_slice %arg9[%arg0, %mul3A_30, %dma_start3A] : memref<2x10240x16xf32, #tpu.memory_space<hbm>> -> memref<1x640x16xf32, #tpu.memory_space<hbm>>
      %dma_start3A_32 = tpu.memref_squeeze %dma_start3A_31 : memref<1x640x16xf32, #tpu.memory_space<hbm>> -> memref<640x16xf32, #tpu.memory_space<hbm>>
      %dma_start3A_33 = arith.constant 0 : i32
      %dma_start3A_34 = tpu.memref_slice %arg19[%mul3A_28, %dma_start3A_33] : memref<10240x16xf32, #tpu.memory_space<vmem_shared>> -> memref<640x16xf32, #tpu.memory_space<vmem_shared>>
      tpu.enqueue_dma source(%dma_start3A_34 : memref<640x16xf32, #tpu.memory_space<vmem_shared>>) target(%dma_start3A_32 : memref<640x16xf32, #tpu.memory_space<hbm>>) target_semaphore(%run_scoped3A : memref<!tpu.dma_semaphore, #tpu.memory_space<semaphore_mem>>)
      %dma_wait3A = arith.constant 0 : i32
      %dma_wait3A_35 = tpu.memref_slice %arg9[%arg0, %mul3A_30, %dma_wait3A] : memref<2x10240x16xf32, #tpu.memory_space<hbm>> -> memref<1x640x16xf32, #tpu.memory_space<hbm>>
      %dma_wait3A_36 = tpu.memref_squeeze %dma_wait3A_35 : memref<1x640x16xf32, #tpu.memory_space<hbm>> -> memref<640x16xf32, #tpu.memory_space<hbm>>
      %dma_wait3A_37 = arith.constant 0 : i32
      %dma_wait3A_38 = tpu.memref_slice %arg19[%mul3A_28, %dma_wait3A_37] : memref<10240x16xf32, #tpu.memory_space<vmem_shared>> -> memref<640x16xf32, #tpu.memory_space<vmem_shared>>
      tpu.wait_dma2 semaphore(%run_scoped3A : memref<!tpu.dma_semaphore, #tpu.memory_space<semaphore_mem>>) src(%dma_wait3A_38 : memref<640x16xf32, #tpu.memory_space<vmem_shared>>) dst(%dma_wait3A_36 : memref<640x16xf32, #tpu.memory_space<hbm>>)
      tpu.yield
    }) : () -> ()
    return
  }
}

module attributes {stable_mosaic.version = 14 : i64} {
  func.func @_p1_body(%arg0: i32, %arg1: memref<2000x128xf32, #tpu.memory_space<vmem>>, %arg2: memref<128x64xf32, #tpu.memory_space<vmem>>, %arg3: memref<64x4xf32, #tpu.memory_space<vmem>>, %arg4: memref<64x4xf32, #tpu.memory_space<vmem>>, %arg5: memref<2000x80xf32, #tpu.memory_space<vmem>>, %arg6: memref<2000x16xf32, #tpu.memory_space<vmem>>) attributes {dimension_semantics = [#tpu.dimension_semantics<arbitrary>], iteration_bounds = array<i64: 5>, scalar_prefetch = 0 : i64, scratch_operands = 0 : i64, tpu.core_type = #tpu.core_type<tc>, window_params = [{transform_indices = @transform_0, window_bounds = array<i64: 2000, 128>}, {pipeline_mode = #tpu.pipeline_mode<synchronous>, transform_indices = @transform_1, window_bounds = array<i64: 128, 64>}, {pipeline_mode = #tpu.pipeline_mode<synchronous>, transform_indices = @transform_2, window_bounds = array<i64: 64, 4>}, {pipeline_mode = #tpu.pipeline_mode<synchronous>, transform_indices = @transform_3, window_bounds = array<i64: 64, 4>}, {transform_indices = @transform_4, window_bounds = array<i64: 2000, 80>}, {transform_indices = @transform_5, window_bounds = array<i64: 2000, 16>}]} {
    %get3A = arith.constant 0 : index
    %get3A_0 = arith.constant 0 : index
    %get3A_1 = vector.load %arg1[%get3A, %get3A_0] : memref<2000x128xf32, #tpu.memory_space<vmem>>, vector<2000x128xf32>
    %get3A_2 = arith.constant 0 : index
    %get3A_3 = arith.constant 0 : index
    %get3A_4 = vector.load %arg2[%get3A_2, %get3A_3] : memref<128x64xf32, #tpu.memory_space<vmem>>, vector<128x64xf32>
    %dot_general3A = arith.constant dense<0.000000e+00> : vector<2000x64xf32>
    %dot_general3A_5 = tpu.matmul %get3A_1, %get3A_4, %dot_general3A {dimension_numbers = #tpu.dot_dimension_numbers<[1], [0], [0], [1], [0, 0, 1, 1], [], []>, transpose_lhs_hint = false} : vector<2000x128xf32>, vector<128x64xf32>, vector<2000x64xf32> -> vector<2000x64xf32>
    %get3A_6 = arith.constant 0 : index
    %get3A_7 = arith.constant 0 : index
    %get3A_8 = vector.load %arg3[%get3A_6, %get3A_7] : memref<64x4xf32, #tpu.memory_space<vmem>>, vector<64x4xf32>
    %dot_general3A_9 = arith.constant dense<0.000000e+00> : vector<2000x4xf32>
    %dot_general3A_10 = tpu.matmul %dot_general3A_5, %get3A_8, %dot_general3A_9 {dimension_numbers = #tpu.dot_dimension_numbers<[1], [0], [0], [1], [0, 0, 1, 1], [], []>, transpose_lhs_hint = false} : vector<2000x64xf32>, vector<64x4xf32>, vector<2000x4xf32> -> vector<2000x4xf32>
    %get3A_11 = arith.constant 0 : index
    %get3A_12 = arith.constant 0 : index
    %get3A_13 = vector.load %arg4[%get3A_11, %get3A_12] : memref<64x4xf32, #tpu.memory_space<vmem>>, vector<64x4xf32>
    %dot_general3A_14 = arith.constant dense<0.000000e+00> : vector<2000x4xf32>
    %dot_general3A_15 = tpu.matmul %dot_general3A_5, %get3A_13, %dot_general3A_14 {dimension_numbers = #tpu.dot_dimension_numbers<[1], [0], [0], [1], [0, 0, 1, 1], [], []>, transpose_lhs_hint = false} : vector<2000x64xf32>, vector<64x4xf32>, vector<2000x4xf32> -> vector<2000x4xf32>
    %broadcast_in_dim3A = arith.constant 0.000000e+00 : f32
    %broadcast_in_dim3A_16 = vector.broadcast %broadcast_in_dim3A : f32 to vector<2000x12xf32>
    %concatenate3A = tpu.concatenate %dot_general3A_5, %dot_general3A_10, %broadcast_in_dim3A_16 in 1 : vector<2000x64xf32>, vector<2000x4xf32>, vector<2000x12xf32> -> vector<2000x80xf32>
    %swap3A = arith.constant 0 : index
    %swap3A_17 = arith.constant 0 : index
    %swap3A_18 = vector.load %arg5[%swap3A, %swap3A_17] : memref<2000x80xf32, #tpu.memory_space<vmem>>, vector<2000x80xf32>
    tpu.vector_store %arg5[%swap3A, %swap3A_17], %concatenate3A {strides = array<i32>} : memref<2000x80xf32, #tpu.memory_space<vmem>>, vector<2000x80xf32>,
    %broadcast_in_dim3A_19 = arith.constant 0.000000e+00 : f32
    %broadcast_in_dim3A_20 = vector.broadcast %broadcast_in_dim3A_19 : f32 to vector<2000x12xf32>
    %concatenate3A_21 = tpu.concatenate %dot_general3A_15, %broadcast_in_dim3A_20 in 1 : vector<2000x4xf32>, vector<2000x12xf32> -> vector<2000x16xf32>
    %swap3A_22 = arith.constant 0 : index
    %swap3A_23 = arith.constant 0 : index
    %swap3A_24 = vector.load %arg6[%swap3A_22, %swap3A_23] : memref<2000x16xf32, #tpu.memory_space<vmem>>, vector<2000x16xf32>
    tpu.vector_store %arg6[%swap3A_22, %swap3A_23], %concatenate3A_21 {strides = array<i32>} : memref<2000x16xf32, #tpu.memory_space<vmem>>, vector<2000x16xf32>,
    return
  }
  func.func @transform_0(%arg0: i32) -> (i32, i32) {
    %c0_i32 = arith.constant 0 : i32
    %c0_i32_0 = arith.constant 0 : i32
    return %arg0, %c0_i32 : i32, i32
  }
  func.func @transform_1(%arg0: i32) -> (i32, i32) {
    %c0_i32 = arith.constant 0 : i32
    %c0_i32_0 = arith.constant 0 : i32
    %c0_i32_1 = arith.constant 0 : i32
    return %c0_i32, %c0_i32_0 : i32, i32
  }
  func.func @transform_2(%arg0: i32) -> (i32, i32) {
    %c0_i32 = arith.constant 0 : i32
    %c0_i32_0 = arith.constant 0 : i32
    %c0_i32_1 = arith.constant 0 : i32
    return %c0_i32, %c0_i32_0 : i32, i32
  }
  func.func @transform_3(%arg0: i32) -> (i32, i32) {
    %c0_i32 = arith.constant 0 : i32
    %c0_i32_0 = arith.constant 0 : i32
    %c0_i32_1 = arith.constant 0 : i32
    return %c0_i32, %c0_i32_0 : i32, i32
  }
  func.func @transform_4(%arg0: i32) -> (i32, i32) {
    %c0_i32 = arith.constant 0 : i32
    %c0_i32_0 = arith.constant 0 : i32
    return %arg0, %c0_i32 : i32, i32
  }
  func.func @transform_5(%arg0: i32) -> (i32, i32) {
    %c0_i32 = arith.constant 0 : i32
    %c0_i32_0 = arith.constant 0 : i32
    return %arg0, %c0_i32 : i32, i32
  }
}

module attributes {stable_mosaic.version = 14 : i64} {
  func.func @_p3_body(%arg0: i32, %arg1: memref<2x2000x64xf32, #tpu.memory_space<vmem>>, %arg2: memref<2x2000x16xf32, #tpu.memory_space<vmem>>, %arg3: memref<16x64xf32, #tpu.memory_space<vmem>>, %arg4: memref<1x64xf32, #tpu.memory_space<vmem>>, %arg5: memref<2000x64xf32, #tpu.memory_space<vmem>>) attributes {dimension_semantics = [#tpu.dimension_semantics<arbitrary>], iteration_bounds = array<i64: 5>, scalar_prefetch = 0 : i64, scratch_operands = 0 : i64, tpu.core_type = #tpu.core_type<tc>, window_params = [{transform_indices = @transform_0, window_bounds = array<i64: 2, 2000, 64>}, {transform_indices = @transform_1, window_bounds = array<i64: 2, 2000, 16>}, {pipeline_mode = #tpu.pipeline_mode<synchronous>, transform_indices = @transform_2, window_bounds = array<i64: 16, 64>}, {pipeline_mode = #tpu.pipeline_mode<synchronous>, transform_indices = @transform_3, window_bounds = array<i64: 1, 64>}, {transform_indices = @transform_4, window_bounds = array<i64: 2000, 64>}]} {
    %get3A = arith.constant 0 : index
    %get3A_0 = arith.constant 0 : index
    %get3A_1 = arith.constant 0 : index
    %get3A_2 = vector.load %arg1[%get3A, %get3A_0, %get3A_1] : memref<2x2000x64xf32, #tpu.memory_space<vmem>>, vector<2x2000x64xf32>
    %reduce_sum3A = arith.constant dense<0.000000e+00> : vector<2000x64xf32>
    %reduce_sum3A_3 = vector.multi_reduction <add>, %get3A_2, %reduce_sum3A [0] : vector<2x2000x64xf32> to vector<2000x64xf32>
    %get3A_4 = arith.constant 0 : index
    %get3A_5 = arith.constant 0 : index
    %get3A_6 = arith.constant 0 : index
    %get3A_7 = vector.load %arg2[%get3A_4, %get3A_5, %get3A_6] : memref<2x2000x16xf32, #tpu.memory_space<vmem>>, vector<2x2000x16xf32>
    %reduce_sum3A_8 = arith.constant dense<0.000000e+00> : vector<2000x16xf32>
    %reduce_sum3A_9 = vector.multi_reduction <add>, %get3A_7, %reduce_sum3A_8 [0] : vector<2x2000x16xf32> to vector<2000x16xf32>
    %get3A_10 = arith.constant 0 : index
    %get3A_11 = arith.constant 0 : index
    %get3A_12 = vector.load %arg3[%get3A_10, %get3A_11] : memref<16x64xf32, #tpu.memory_space<vmem>>, vector<16x64xf32>
    %dot_general3A = arith.constant dense<0.000000e+00> : vector<2000x64xf32>
    %dot_general3A_13 = tpu.matmul %reduce_sum3A_9, %get3A_12, %dot_general3A {dimension_numbers = #tpu.dot_dimension_numbers<[1], [0], [0], [1], [0, 0, 1, 1], [], []>, transpose_lhs_hint = false} : vector<2000x16xf32>, vector<16x64xf32>, vector<2000x64xf32> -> vector<2000x64xf32>
    %div3A = arith.divf %reduce_sum3A_3, %dot_general3A_13 : vector<2000x64xf32>
    %get3A_14 = arith.constant 0 : index
    %get3A_15 = arith.constant 0 : index
    %get3A_16 = vector.load %arg4[%get3A_14, %get3A_15] : memref<1x64xf32, #tpu.memory_space<vmem>>, vector<1x64xf32>
    %add3A = vector.broadcast %get3A_16 : vector<1x64xf32> to vector<2000x64xf32>
    %add3A_17 = arith.addf %div3A, %add3A : vector<2000x64xf32>
    %swap3A = arith.constant 0 : index
    %swap3A_18 = arith.constant 0 : index
    %swap3A_19 = vector.load %arg5[%swap3A, %swap3A_18] : memref<2000x64xf32, #tpu.memory_space<vmem>>, vector<2000x64xf32>
    tpu.vector_store %arg5[%swap3A, %swap3A_18], %add3A_17 {strides = array<i32>} : memref<2000x64xf32, #tpu.memory_space<vmem>>, vector<2000x64xf32>,
    return
  }
  func.func @transform_0(%arg0: i32) -> (i32, i32, i32) {
    %c0_i32 = arith.constant 0 : i32
    %c0_i32_0 = arith.constant 0 : i32
    %c0_i32_1 = arith.constant 0 : i32
    return %c0_i32, %arg0, %c0_i32_0 : i32, i32, i32
  }
  func.func @transform_1(%arg0: i32) -> (i32, i32, i32) {
    %c0_i32 = arith.constant 0 : i32
    %c0_i32_0 = arith.constant 0 : i32
    %c0_i32_1 = arith.constant 0 : i32
    return %c0_i32, %arg0, %c0_i32_0 : i32, i32, i32
  }
  func.func @transform_2(%arg0: i32) -> (i32, i32) {
    %c0_i32 = arith.constant 0 : i32
    %c0_i32_0 = arith.constant 0 : i32
    %c0_i32_1 = arith.constant 0 : i32
    return %c0_i32, %c0_i32_0 : i32, i32
  }
  func.func @transform_3(%arg0: i32) -> (i32, i32) {
    %c0_i32 = arith.constant 0 : i32
    %c0_i32_0 = arith.constant 0 : i32
    %c0_i32_1 = arith.constant 0 : i32
    return %c0_i32, %c0_i32_0 : i32, i32
  }
  func.func @transform_4(%arg0: i32) -> (i32, i32) {
    %c0_i32 = arith.constant 0 : i32
    %c0_i32_0 = arith.constant 0 : i32
    return %arg0, %c0_i32 : i32, i32
  }
}

module attributes {stable_mosaic.version = 14 : i64} {
  func.func @_p4_body(%arg0: memref<2000x320xf32, #tpu.memory_space<vmem>>, %arg1: memref<8000x1xi32, #tpu.memory_space<vmem>>, %arg2: memref<1x8000xi32, #tpu.memory_space<vmem>>, %arg3: memref<8000x1xi32, #tpu.memory_space<vmem>>, %arg4: memref<1x8000xi32, #tpu.memory_space<vmem>>, %arg5: memref<500x1xf32, #tpu.memory_space<vmem>>, %arg6: memref<320x1xf32, #tpu.memory_space<vmem>>, %arg7: memref<320x180xf32, #tpu.memory_space<vmem>>, %arg8: memref<1x180xf32, #tpu.memory_space<vmem>>, %arg9: memref<180x150xf32, #tpu.memory_space<vmem>>, %arg10: memref<1x150xf32, #tpu.memory_space<vmem>>, %arg11: memref<150x128xf32, #tpu.memory_space<vmem>>, %arg12: memref<1x128xf32, #tpu.memory_space<vmem>>, %arg13: memref<128x80xf32, #tpu.memory_space<vmem>>, %arg14: memref<1x80xf32, #tpu.memory_space<vmem>>, %arg15: memref<80x64xf32, #tpu.memory_space<vmem>>, %arg16: memref<1x64xf32, #tpu.memory_space<vmem>>, %arg17: memref<64x32xf32, #tpu.memory_space<vmem>>, %arg18: memref<1x32xf32, #tpu.memory_space<vmem>>, %arg19: memref<32x1xf32, #tpu.memory_space<vmem>>, %arg20: memref<1x1xf32, #tpu.memory_space<vmem>>, %arg21: memref<2000x1xf32, #tpu.memory_space<vmem>>, %arg22: memref<8000x1xf32, #tpu.memory_space<vmem>>) attributes {dimension_semantics = [], scalar_prefetch = 0 : i64, scratch_operands = 0 : i64, tpu.core_type = #tpu.core_type<tc>} {
    %get3A = arith.constant 0 : index
    %get3A_0 = arith.constant 0 : index
    %get3A_1 = vector.load %arg0[%get3A, %get3A_0] : memref<2000x320xf32, #tpu.memory_space<vmem>>, vector<2000x320xf32>
    %get3A_2 = arith.constant 0 : index
    %get3A_3 = arith.constant 0 : index
    %get3A_4 = vector.load %arg7[%get3A_2, %get3A_3] : memref<320x180xf32, #tpu.memory_space<vmem>>, vector<320x180xf32>
    %dot_general3A = arith.constant dense<0.000000e+00> : vector<2000x180xf32>
    %dot_general3A_5 = tpu.matmul %get3A_1, %get3A_4, %dot_general3A {dimension_numbers = #tpu.dot_dimension_numbers<[1], [0], [0], [1], [0, 0, 1, 1], [], []>, transpose_lhs_hint = false} : vector<2000x320xf32>, vector<320x180xf32>, vector<2000x180xf32> -> vector<2000x180xf32>
    %get3A_6 = arith.constant 0 : index
    %get3A_7 = arith.constant 0 : index
    %get3A_8 = vector.load %arg8[%get3A_6, %get3A_7] : memref<1x180xf32, #tpu.memory_space<vmem>>, vector<1x180xf32>
    %add3A = vector.broadcast %get3A_8 : vector<1x180xf32> to vector<2000x180xf32>
    %add3A_9 = arith.addf %dot_general3A_5, %add3A : vector<2000x180xf32>
    %max3A = arith.constant 0.000000e+00 : f32
    %max3A_10 = vector.broadcast %max3A : f32 to vector<2000x180xf32>
    %max3A_11 = arith.maximumf %add3A_9, %max3A_10 : vector<2000x180xf32>
    %get3A_12 = arith.constant 0 : index
    %get3A_13 = arith.constant 0 : index
    %get3A_14 = vector.load %arg9[%get3A_12, %get3A_13] : memref<180x150xf32, #tpu.memory_space<vmem>>, vector<180x150xf32>
    %dot_general3A_15 = arith.constant dense<0.000000e+00> : vector<2000x150xf32>
    %dot_general3A_16 = tpu.matmul %max3A_11, %get3A_14, %dot_general3A_15 {dimension_numbers = #tpu.dot_dimension_numbers<[1], [0], [0], [1], [0, 0, 1, 1], [], []>, transpose_lhs_hint = false} : vector<2000x180xf32>, vector<180x150xf32>, vector<2000x150xf32> -> vector<2000x150xf32>
    %get3A_17 = arith.constant 0 : index
    %get3A_18 = arith.constant 0 : index
    %get3A_19 = vector.load %arg10[%get3A_17, %get3A_18] : memref<1x150xf32, #tpu.memory_space<vmem>>, vector<1x150xf32>
    %add3A_20 = vector.broadcast %get3A_19 : vector<1x150xf32> to vector<2000x150xf32>
    %add3A_21 = arith.addf %dot_general3A_16, %add3A_20 : vector<2000x150xf32>
    %max3A_22 = arith.constant 0.000000e+00 : f32
    %max3A_23 = vector.broadcast %max3A_22 : f32 to vector<2000x150xf32>
    %max3A_24 = arith.maximumf %add3A_21, %max3A_23 : vector<2000x150xf32>
    %get3A_25 = arith.constant 0 : index
    %get3A_26 = arith.constant 0 : index
    %get3A_27 = vector.load %arg11[%get3A_25, %get3A_26] : memref<150x128xf32, #tpu.memory_space<vmem>>, vector<150x128xf32>
    %dot_general3A_28 = arith.constant dense<0.000000e+00> : vector<2000x128xf32>
    %dot_general3A_29 = tpu.matmul %max3A_24, %get3A_27, %dot_general3A_28 {dimension_numbers = #tpu.dot_dimension_numbers<[1], [0], [0], [1], [0, 0, 1, 1], [], []>, transpose_lhs_hint = false} : vector<2000x150xf32>, vector<150x128xf32>, vector<2000x128xf32> -> vector<2000x128xf32>
    %get3A_30 = arith.constant 0 : index
    %get3A_31 = arith.constant 0 : index
    %get3A_32 = vector.load %arg12[%get3A_30, %get3A_31] : memref<1x128xf32, #tpu.memory_space<vmem>>, vector<1x128xf32>
    %add3A_33 = vector.broadcast %get3A_32 : vector<1x128xf32> to vector<2000x128xf32>
    %add3A_34 = arith.addf %dot_general3A_29, %add3A_33 : vector<2000x128xf32>
    %max3A_35 = arith.constant 0.000000e+00 : f32
    %max3A_36 = vector.broadcast %max3A_35 : f32 to vector<2000x128xf32>
    %max3A_37 = arith.maximumf %add3A_34, %max3A_36 : vector<2000x128xf32>
    %get3A_38 = arith.constant 0 : index
    %get3A_39 = arith.constant 0 : index
    %get3A_40 = vector.load %arg13[%get3A_38, %get3A_39] : memref<128x80xf32, #tpu.memory_space<vmem>>, vector<128x80xf32>
    %dot_general3A_41 = arith.constant dense<0.000000e+00> : vector<2000x80xf32>
    %dot_general3A_42 = tpu.matmul %max3A_37, %get3A_40, %dot_general3A_41 {dimension_numbers = #tpu.dot_dimension_numbers<[1], [0], [0], [1], [0, 0, 1, 1], [], []>, transpose_lhs_hint = false} : vector<2000x128xf32>, vector<128x80xf32>, vector<2000x80xf32> -> vector<2000x80xf32>
    %get3A_43 = arith.constant 0 : index
    %get3A_44 = arith.constant 0 : index
    %get3A_45 = vector.load %arg14[%get3A_43, %get3A_44] : memref<1x80xf32, #tpu.memory_space<vmem>>, vector<1x80xf32>
    %add3A_46 = vector.broadcast %get3A_45 : vector<1x80xf32> to vector<2000x80xf32>
    %add3A_47 = arith.addf %dot_general3A_42, %add3A_46 : vector<2000x80xf32>
    %max3A_48 = arith.constant 0.000000e+00 : f32
    %max3A_49 = vector.broadcast %max3A_48 : f32 to vector<2000x80xf32>
    %max3A_50 = arith.maximumf %add3A_47, %max3A_49 : vector<2000x80xf32>
    %get3A_51 = arith.constant 0 : index
    %get3A_52 = arith.constant 0 : index
    %get3A_53 = vector.load %arg15[%get3A_51, %get3A_52] : memref<80x64xf32, #tpu.memory_space<vmem>>, vector<80x64xf32>
    %dot_general3A_54 = arith.constant dense<0.000000e+00> : vector<2000x64xf32>
    %dot_general3A_55 = tpu.matmul %max3A_50, %get3A_53, %dot_general3A_54 {dimension_numbers = #tpu.dot_dimension_numbers<[1], [0], [0], [1], [0, 0, 1, 1], [], []>, transpose_lhs_hint = false} : vector<2000x80xf32>, vector<80x64xf32>, vector<2000x64xf32> -> vector<2000x64xf32>
    %get3A_56 = arith.constant 0 : index
    %get3A_57 = arith.constant 0 : index
    %get3A_58 = vector.load %arg16[%get3A_56, %get3A_57] : memref<1x64xf32, #tpu.memory_space<vmem>>, vector<1x64xf32>
    %add3A_59 = vector.broadcast %get3A_58 : vector<1x64xf32> to vector<2000x64xf32>
    %add3A_60 = arith.addf %dot_general3A_55, %add3A_59 : vector<2000x64xf32>
    %max3A_61 = arith.constant 0.000000e+00 : f32
    %max3A_62 = vector.broadcast %max3A_61 : f32 to vector<2000x64xf32>
    %max3A_63 = arith.maximumf %add3A_60, %max3A_62 : vector<2000x64xf32>
    %get3A_64 = arith.constant 0 : index
    %get3A_65 = arith.constant 0 : index
    %get3A_66 = vector.load %arg17[%get3A_64, %get3A_65] : memref<64x32xf32, #tpu.memory_space<vmem>>, vector<64x32xf32>
    %dot_general3A_67 = arith.constant dense<0.000000e+00> : vector<2000x32xf32>
    %dot_general3A_68 = tpu.matmul %max3A_63, %get3A_66, %dot_general3A_67 {dimension_numbers = #tpu.dot_dimension_numbers<[1], [0], [0], [1], [0, 0, 1, 1], [], []>, transpose_lhs_hint = false} : vector<2000x64xf32>, vector<64x32xf32>, vector<2000x32xf32> -> vector<2000x32xf32>
    %get3A_69 = arith.constant 0 : index
    %get3A_70 = arith.constant 0 : index
    %get3A_71 = vector.load %arg18[%get3A_69, %get3A_70] : memref<1x32xf32, #tpu.memory_space<vmem>>, vector<1x32xf32>
    %add3A_72 = vector.broadcast %get3A_71 : vector<1x32xf32> to vector<2000x32xf32>
    %add3A_73 = arith.addf %dot_general3A_68, %add3A_72 : vector<2000x32xf32>
    %max3A_74 = arith.constant 0.000000e+00 : f32
    %max3A_75 = vector.broadcast %max3A_74 : f32 to vector<2000x32xf32>
    %max3A_76 = arith.maximumf %add3A_73, %max3A_75 : vector<2000x32xf32>
    %get3A_77 = arith.constant 0 : index
    %get3A_78 = arith.constant 0 : index
    %get3A_79 = vector.load %arg19[%get3A_77, %get3A_78] : memref<32x1xf32, #tpu.memory_space<vmem>>, vector<32x1xf32>
    %dot_general3A_80 = arith.constant dense<0.000000e+00> : vector<2000x1xf32>
    %dot_general3A_81 = tpu.matmul %max3A_76, %get3A_79, %dot_general3A_80 {dimension_numbers = #tpu.dot_dimension_numbers<[1], [0], [0], [1], [0, 0, 1, 1], [], []>, transpose_lhs_hint = false} : vector<2000x32xf32>, vector<32x1xf32>, vector<2000x1xf32> -> vector<2000x1xf32>
    %get3A_82 = arith.constant 0 : index
    %get3A_83 = arith.constant 0 : index
    %get3A_84 = vector.load %arg20[%get3A_82, %get3A_83] : memref<1x1xf32, #tpu.memory_space<vmem>>, vector<1x1xf32>
    %add3A_85 = vector.broadcast %get3A_84 : vector<1x1xf32> to vector<2000x1xf32>
    %add3A_86 = arith.addf %dot_general3A_81, %add3A_85 : vector<2000x1xf32>
    %get3A_87 = arith.constant 0 : index
    %get3A_88 = arith.constant 0 : index
    %get3A_89 = vector.load %arg6[%get3A_87, %get3A_88] : memref<320x1xf32, #tpu.memory_space<vmem>>, vector<320x1xf32>
    %dot_general3A_90 = arith.constant dense<0.000000e+00> : vector<2000x1xf32>
    %dot_general3A_91 = tpu.matmul %get3A_1, %get3A_89, %dot_general3A_90 {dimension_numbers = #tpu.dot_dimension_numbers<[1], [0], [0], [1], [0, 0, 1, 1], [], []>, transpose_lhs_hint = false} : vector<2000x320xf32>, vector<320x1xf32>, vector<2000x1xf32> -> vector<2000x1xf32>
    %add3A_92 = arith.addf %add3A_86, %dot_general3A_91 : vector<2000x1xf32>
    %broadcast_in_dim3A = arith.constant 0.000000e+00 : f32
    %broadcast_in_dim3A_93 = vector.broadcast %broadcast_in_dim3A : f32 to vector<500x1xf32>
    %get3A_94 = arith.constant 0 : index
    %get3A_95 = arith.constant 0 : index
    %get3A_96 = vector.load %arg1[%get3A_94, %get3A_95] : memref<8000x1xi32, #tpu.memory_space<vmem>>, vector<2000x1xi32>
    %broadcast_in_dim3A_97 = vector.shape_cast %get3A_96 : vector<2000x1xi32> to vector<2000x1xi32>
    %broadcast_in_dim3A_98 = vector.broadcast %broadcast_in_dim3A_97 : vector<2000x1xi32> to vector<2000x2000xi32>
    %iota3A = tpu.iota {dimensions = array<i32: 1>} : vector<2000x2000xi32>
    %eq3A = arith.cmpi eq, %broadcast_in_dim3A_98, %iota3A : vector<2000x2000xi32>
    %convert_element_type3A = arith.extui %eq3A : vector<2000x2000xi1> to vector<2000x2000xi32>
    %convert_element_type3A_99 = arith.sitofp %convert_element_type3A : vector<2000x2000xi32> to vector<2000x2000xf32>
    %dot_general3A_100 = arith.constant dense<0.000000e+00> : vector<2000x1xf32>
    %dot_general3A_101 = tpu.matmul %convert_element_type3A_99, %add3A_92, %dot_general3A_100 {dimension_numbers = #tpu.dot_dimension_numbers<[1], [0], [0], [1], [0, 0, 1, 1], [], []>, transpose_lhs_hint = false} : vector<2000x2000xf32>, vector<2000x1xf32>, vector<2000x1xf32> -> vector<2000x1xf32>
    %exp3A = math.exp %dot_general3A_101 : vector<2000x1xf32>
    %get3A_102 = arith.constant 0 : index
    %get3A_103 = arith.constant 0 : index
    %get3A_104 = vector.load %arg4[%get3A_102, %get3A_103] : memref<1x8000xi32, #tpu.memory_space<vmem>>, vector<1x2000xi32>
    %iota3A_105 = tpu.iota {dimensions = array<i32: 0>} : vector<500x2000xi32>
    %broadcast_in_dim3A_106 = vector.shape_cast %get3A_104 : vector<1x2000xi32> to vector<1x2000xi32>
    %broadcast_in_dim3A_107 = vector.broadcast %broadcast_in_dim3A_106 : vector<1x2000xi32> to vector<500x2000xi32>
    %eq3A_108 = arith.cmpi eq, %iota3A_105, %broadcast_in_dim3A_107 : vector<500x2000xi32>
    %convert_element_type3A_109 = arith.extui %eq3A_108 : vector<500x2000xi1> to vector<500x2000xi32>
    %convert_element_type3A_110 = arith.sitofp %convert_element_type3A_109 : vector<500x2000xi32> to vector<500x2000xf32>
    %dot_general3A_111 = arith.constant dense<0.000000e+00> : vector<500x1xf32>
    %dot_general3A_112 = tpu.matmul %convert_element_type3A_110, %exp3A, %dot_general3A_111 {dimension_numbers = #tpu.dot_dimension_numbers<[1], [0], [0], [1], [0, 0, 1, 1], [], []>, transpose_lhs_hint = false} : vector<500x2000xf32>, vector<2000x1xf32>, vector<500x1xf32> -> vector<500x1xf32>
    %add3A_113 = arith.addf %broadcast_in_dim3A_93, %dot_general3A_112 : vector<500x1xf32>
    %get3A_114 = arith.constant 2000 : index
    %get3A_115 = arith.constant 0 : index
    %get3A_116 = vector.load %arg1[%get3A_114, %get3A_115] : memref<8000x1xi32, #tpu.memory_space<vmem>>, vector<2000x1xi32>
    %broadcast_in_dim3A_117 = vector.shape_cast %get3A_116 : vector<2000x1xi32> to vector<2000x1xi32>
    %broadcast_in_dim3A_118 = vector.broadcast %broadcast_in_dim3A_117 : vector<2000x1xi32> to vector<2000x2000xi32>
    %iota3A_119 = tpu.iota {dimensions = array<i32: 1>} : vector<2000x2000xi32>
    %eq3A_120 = arith.cmpi eq, %broadcast_in_dim3A_118, %iota3A_119 : vector<2000x2000xi32>
    %convert_element_type3A_121 = arith.extui %eq3A_120 : vector<2000x2000xi1> to vector<2000x2000xi32>
    %convert_element_type3A_122 = arith.sitofp %convert_element_type3A_121 : vector<2000x2000xi32> to vector<2000x2000xf32>
    %dot_general3A_123 = arith.constant dense<0.000000e+00> : vector<2000x1xf32>
    %dot_general3A_124 = tpu.matmul %convert_element_type3A_122, %add3A_92, %dot_general3A_123 {dimension_numbers = #tpu.dot_dimension_numbers<[1], [0], [0], [1], [0, 0, 1, 1], [], []>, transpose_lhs_hint = false} : vector<2000x2000xf32>, vector<2000x1xf32>, vector<2000x1xf32> -> vector<2000x1xf32>
    %exp3A_125 = math.exp %dot_general3A_124 : vector<2000x1xf32>
    %get3A_126 = arith.constant 0 : index
    %get3A_127 = arith.constant 2000 : index
    %get3A_128 = vector.load %arg4[%get3A_126, %get3A_127] : memref<1x8000xi32, #tpu.memory_space<vmem>>, vector<1x2000xi32>
    %iota3A_129 = tpu.iota {dimensions = array<i32: 0>} : vector<500x2000xi32>
    %broadcast_in_dim3A_130 = vector.shape_cast %get3A_128 : vector<1x2000xi32> to vector<1x2000xi32>
    %broadcast_in_dim3A_131 = vector.broadcast %broadcast_in_dim3A_130 : vector<1x2000xi32> to vector<500x2000xi32>
    %eq3A_132 = arith.cmpi eq, %iota3A_129, %broadcast_in_dim3A_131 : vector<500x2000xi32>
    %convert_element_type3A_133 = arith.extui %eq3A_132 : vector<500x2000xi1> to vector<500x2000xi32>
    %convert_element_type3A_134 = arith.sitofp %convert_element_type3A_133 : vector<500x2000xi32> to vector<500x2000xf32>
    %dot_general3A_135 = arith.constant dense<0.000000e+00> : vector<500x1xf32>
    %dot_general3A_136 = tpu.matmul %convert_element_type3A_134, %exp3A_125, %dot_general3A_135 {dimension_numbers = #tpu.dot_dimension_numbers<[1], [0], [0], [1], [0, 0, 1, 1], [], []>, transpose_lhs_hint = false} : vector<500x2000xf32>, vector<2000x1xf32>, vector<500x1xf32> -> vector<500x1xf32>
    %add3A_137 = arith.addf %add3A_113, %dot_general3A_136 : vector<500x1xf32>
    %get3A_138 = arith.constant 4000 : index
    %get3A_139 = arith.constant 0 : index
    %get3A_140 = vector.load %arg1[%get3A_138, %get3A_139] : memref<8000x1xi32, #tpu.memory_space<vmem>>, vector<2000x1xi32>
    %broadcast_in_dim3A_141 = vector.shape_cast %get3A_140 : vector<2000x1xi32> to vector<2000x1xi32>
    %broadcast_in_dim3A_142 = vector.broadcast %broadcast_in_dim3A_141 : vector<2000x1xi32> to vector<2000x2000xi32>
    %iota3A_143 = tpu.iota {dimensions = array<i32: 1>} : vector<2000x2000xi32>
    %eq3A_144 = arith.cmpi eq, %broadcast_in_dim3A_142, %iota3A_143 : vector<2000x2000xi32>
    %convert_element_type3A_145 = arith.extui %eq3A_144 : vector<2000x2000xi1> to vector<2000x2000xi32>
    %convert_element_type3A_146 = arith.sitofp %convert_element_type3A_145 : vector<2000x2000xi32> to vector<2000x2000xf32>
    %dot_general3A_147 = arith.constant dense<0.000000e+00> : vector<2000x1xf32>
    %dot_general3A_148 = tpu.matmul %convert_element_type3A_146, %add3A_92, %dot_general3A_147 {dimension_numbers = #tpu.dot_dimension_numbers<[1], [0], [0], [1], [0, 0, 1, 1], [], []>, transpose_lhs_hint = false} : vector<2000x2000xf32>, vector<2000x1xf32>, vector<2000x1xf32> -> vector<2000x1xf32>
    %exp3A_149 = math.exp %dot_general3A_148 : vector<2000x1xf32>
    %get3A_150 = arith.constant 0 : index
    %get3A_151 = arith.constant 4000 : index
    %get3A_152 = vector.load %arg4[%get3A_150, %get3A_151] : memref<1x8000xi32, #tpu.memory_space<vmem>>, vector<1x2000xi32>
    %iota3A_153 = tpu.iota {dimensions = array<i32: 0>} : vector<500x2000xi32>
    %broadcast_in_dim3A_154 = vector.shape_cast %get3A_152 : vector<1x2000xi32> to vector<1x2000xi32>
    %broadcast_in_dim3A_155 = vector.broadcast %broadcast_in_dim3A_154 : vector<1x2000xi32> to vector<500x2000xi32>
    %eq3A_156 = arith.cmpi eq, %iota3A_153, %broadcast_in_dim3A_155 : vector<500x2000xi32>
    %convert_element_type3A_157 = arith.extui %eq3A_156 : vector<500x2000xi1> to vector<500x2000xi32>
    %convert_element_type3A_158 = arith.sitofp %convert_element_type3A_157 : vector<500x2000xi32> to vector<500x2000xf32>
    %dot_general3A_159 = arith.constant dense<0.000000e+00> : vector<500x1xf32>
    %dot_general3A_160 = tpu.matmul %convert_element_type3A_158, %exp3A_149, %dot_general3A_159 {dimension_numbers = #tpu.dot_dimension_numbers<[1], [0], [0], [1], [0, 0, 1, 1], [], []>, transpose_lhs_hint = false} : vector<500x2000xf32>, vector<2000x1xf32>, vector<500x1xf32> -> vector<500x1xf32>
    %add3A_161 = arith.addf %add3A_137, %dot_general3A_160 : vector<500x1xf32>
    %get3A_162 = arith.constant 6000 : index
    %get3A_163 = arith.constant 0 : index
    %get3A_164 = vector.load %arg1[%get3A_162, %get3A_163] : memref<8000x1xi32, #tpu.memory_space<vmem>>, vector<2000x1xi32>
    %broadcast_in_dim3A_165 = vector.shape_cast %get3A_164 : vector<2000x1xi32> to vector<2000x1xi32>
    %broadcast_in_dim3A_166 = vector.broadcast %broadcast_in_dim3A_165 : vector<2000x1xi32> to vector<2000x2000xi32>
    %iota3A_167 = tpu.iota {dimensions = array<i32: 1>} : vector<2000x2000xi32>
    %eq3A_168 = arith.cmpi eq, %broadcast_in_dim3A_166, %iota3A_167 : vector<2000x2000xi32>
    %convert_element_type3A_169 = arith.extui %eq3A_168 : vector<2000x2000xi1> to vector<2000x2000xi32>
    %convert_element_type3A_170 = arith.sitofp %convert_element_type3A_169 : vector<2000x2000xi32> to vector<2000x2000xf32>
    %dot_general3A_171 = arith.constant dense<0.000000e+00> : vector<2000x1xf32>
    %dot_general3A_172 = tpu.matmul %convert_element_type3A_170, %add3A_92, %dot_general3A_171 {dimension_numbers = #tpu.dot_dimension_numbers<[1], [0], [0], [1], [0, 0, 1, 1], [], []>, transpose_lhs_hint = false} : vector<2000x2000xf32>, vector<2000x1xf32>, vector<2000x1xf32> -> vector<2000x1xf32>
    %exp3A_173 = math.exp %dot_general3A_172 : vector<2000x1xf32>
    %get3A_174 = arith.constant 0 : index
    %get3A_175 = arith.constant 6000 : index
    %get3A_176 = vector.load %arg4[%get3A_174, %get3A_175] : memref<1x8000xi32, #tpu.memory_space<vmem>>, vector<1x2000xi32>
    %iota3A_177 = tpu.iota {dimensions = array<i32: 0>} : vector<500x2000xi32>
    %broadcast_in_dim3A_178 = vector.shape_cast %get3A_176 : vector<1x2000xi32> to vector<1x2000xi32>
    %broadcast_in_dim3A_179 = vector.broadcast %broadcast_in_dim3A_178 : vector<1x2000xi32> to vector<500x2000xi32>
    %eq3A_180 = arith.cmpi eq, %iota3A_177, %broadcast_in_dim3A_179 : vector<500x2000xi32>
    %convert_element_type3A_181 = arith.extui %eq3A_180 : vector<500x2000xi1> to vector<500x2000xi32>
    %convert_element_type3A_182 = arith.sitofp %convert_element_type3A_181 : vector<500x2000xi32> to vector<500x2000xf32>
    %dot_general3A_183 = arith.constant dense<0.000000e+00> : vector<500x1xf32>
    %dot_general3A_184 = tpu.matmul %convert_element_type3A_182, %exp3A_173, %dot_general3A_183 {dimension_numbers = #tpu.dot_dimension_numbers<[1], [0], [0], [1], [0, 0, 1, 1], [], []>, transpose_lhs_hint = false} : vector<500x2000xf32>, vector<2000x1xf32>, vector<500x1xf32> -> vector<500x1xf32>
    %add3A_185 = arith.addf %add3A_161, %dot_general3A_184 : vector<500x1xf32>
    %broadcast_in_dim3A_186 = arith.constant 0.000000e+00 : f32
    %broadcast_in_dim3A_187 = vector.broadcast %broadcast_in_dim3A_186 : f32 to vector<2000x1xf32>
    %get3A_188 = arith.constant 0 : index
    %get3A_189 = arith.constant 0 : index
    %get3A_190 = vector.load %arg3[%get3A_188, %get3A_189] : memref<8000x1xi32, #tpu.memory_space<vmem>>, vector<2000x1xi32>
    %broadcast_in_dim3A_191 = vector.shape_cast %get3A_190 : vector<2000x1xi32> to vector<2000x1xi32>
    %broadcast_in_dim3A_192 = vector.broadcast %broadcast_in_dim3A_191 : vector<2000x1xi32> to vector<2000x500xi32>
    %iota3A_193 = tpu.iota {dimensions = array<i32: 1>} : vector<2000x500xi32>
    %eq3A_194 = arith.cmpi eq, %broadcast_in_dim3A_192, %iota3A_193 : vector<2000x500xi32>
    %convert_element_type3A_195 = arith.extui %eq3A_194 : vector<2000x500xi1> to vector<2000x500xi32>
    %convert_element_type3A_196 = arith.sitofp %convert_element_type3A_195 : vector<2000x500xi32> to vector<2000x500xf32>
    %dot_general3A_197 = arith.constant dense<0.000000e+00> : vector<2000x1xf32>
    %dot_general3A_198 = tpu.matmul %convert_element_type3A_196, %add3A_185, %dot_general3A_197 {dimension_numbers = #tpu.dot_dimension_numbers<[1], [0], [0], [1], [0, 0, 1, 1], [], []>, transpose_lhs_hint = false} : vector<2000x500xf32>, vector<500x1xf32>, vector<2000x1xf32> -> vector<2000x1xf32>
    %div3A = arith.divf %exp3A, %dot_general3A_198 : vector<2000x1xf32>
    %swap3A = arith.constant 0 : index
    %swap3A_199 = arith.constant 0 : index
    %swap3A_200 = vector.load %arg22[%swap3A, %swap3A_199] : memref<8000x1xf32, #tpu.memory_space<vmem>>, vector<2000x1xf32>
    tpu.vector_store %arg22[%swap3A, %swap3A_199], %div3A {strides = array<i32>} : memref<8000x1xf32, #tpu.memory_space<vmem>>, vector<2000x1xf32>,
    %get3A_201 = arith.constant 0 : index
    %get3A_202 = arith.constant 0 : index
    %get3A_203 = vector.load %arg5[%get3A_201, %get3A_202] : memref<500x1xf32, #tpu.memory_space<vmem>>, vector<500x1xf32>
    %dot_general3A_204 = arith.constant dense<0.000000e+00> : vector<2000x1xf32>
    %dot_general3A_205 = tpu.matmul %convert_element_type3A_196, %get3A_203, %dot_general3A_204 {dimension_numbers = #tpu.dot_dimension_numbers<[1], [0], [0], [1], [0, 0, 1, 1], [], []>, transpose_lhs_hint = false} : vector<2000x500xf32>, vector<500x1xf32>, vector<2000x1xf32> -> vector<2000x1xf32>
    %get3A_206 = arith.constant 0 : index
    %get3A_207 = arith.constant 0 : index
    %get3A_208 = vector.load %arg2[%get3A_206, %get3A_207] : memref<1x8000xi32, #tpu.memory_space<vmem>>, vector<1x2000xi32>
    %iota3A_209 = tpu.iota {dimensions = array<i32: 0>} : vector<2000x2000xi32>
    %broadcast_in_dim3A_210 = vector.shape_cast %get3A_208 : vector<1x2000xi32> to vector<1x2000xi32>
    %broadcast_in_dim3A_211 = vector.broadcast %broadcast_in_dim3A_210 : vector<1x2000xi32> to vector<2000x2000xi32>
    %eq3A_212 = arith.cmpi eq, %iota3A_209, %broadcast_in_dim3A_211 : vector<2000x2000xi32>
    %convert_element_type3A_213 = arith.extui %eq3A_212 : vector<2000x2000xi1> to vector<2000x2000xi32>
    %convert_element_type3A_214 = arith.sitofp %convert_element_type3A_213 : vector<2000x2000xi32> to vector<2000x2000xf32>
    %mul3A = arith.mulf %dot_general3A_205, %div3A : vector<2000x1xf32>
    %dot_general3A_215 = arith.constant dense<0.000000e+00> : vector<2000x1xf32>
    %dot_general3A_216 = tpu.matmul %convert_element_type3A_214, %mul3A, %dot_general3A_215 {dimension_numbers = #tpu.dot_dimension_numbers<[1], [0], [0], [1], [0, 0, 1, 1], [], []>, transpose_lhs_hint = false} : vector<2000x2000xf32>, vector<2000x1xf32>, vector<2000x1xf32> -> vector<2000x1xf32>
    %add3A_217 = arith.addf %broadcast_in_dim3A_187, %dot_general3A_216 : vector<2000x1xf32>
    %get3A_218 = arith.constant 2000 : index
    %get3A_219 = arith.constant 0 : index
    %get3A_220 = vector.load %arg3[%get3A_218, %get3A_219] : memref<8000x1xi32, #tpu.memory_space<vmem>>, vector<2000x1xi32>
    %broadcast_in_dim3A_221 = vector.shape_cast %get3A_220 : vector<2000x1xi32> to vector<2000x1xi32>
    %broadcast_in_dim3A_222 = vector.broadcast %broadcast_in_dim3A_221 : vector<2000x1xi32> to vector<2000x500xi32>
    %iota3A_223 = tpu.iota {dimensions = array<i32: 1>} : vector<2000x500xi32>
    %eq3A_224 = arith.cmpi eq, %broadcast_in_dim3A_222, %iota3A_223 : vector<2000x500xi32>
    %convert_element_type3A_225 = arith.extui %eq3A_224 : vector<2000x500xi1> to vector<2000x500xi32>
    %convert_element_type3A_226 = arith.sitofp %convert_element_type3A_225 : vector<2000x500xi32> to vector<2000x500xf32>
    %dot_general3A_227 = arith.constant dense<0.000000e+00> : vector<2000x1xf32>
    %dot_general3A_228 = tpu.matmul %convert_element_type3A_226, %add3A_185, %dot_general3A_227 {dimension_numbers = #tpu.dot_dimension_numbers<[1], [0], [0], [1], [0, 0, 1, 1], [], []>, transpose_lhs_hint = false} : vector<2000x500xf32>, vector<500x1xf32>, vector<2000x1xf32> -> vector<2000x1xf32>
    %div3A_229 = arith.divf %exp3A_125, %dot_general3A_228 : vector<2000x1xf32>
    %swap3A_230 = arith.constant 2000 : index
    %swap3A_231 = arith.constant 0 : index
    %swap3A_232 = vector.load %arg22[%swap3A_230, %swap3A_231] : memref<8000x1xf32, #tpu.memory_space<vmem>>, vector<2000x1xf32>
    tpu.vector_store %arg22[%swap3A_230, %swap3A_231], %div3A_229 {strides = array<i32>} : memref<8000x1xf32, #tpu.memory_space<vmem>>, vector<2000x1xf32>,
    %get3A_233 = arith.constant 0 : index
    %get3A_234 = arith.constant 0 : index
    %get3A_235 = vector.load %arg5[%get3A_233, %get3A_234] : memref<500x1xf32, #tpu.memory_space<vmem>>, vector<500x1xf32>
    %dot_general3A_236 = arith.constant dense<0.000000e+00> : vector<2000x1xf32>
    %dot_general3A_237 = tpu.matmul %convert_element_type3A_226, %get3A_235, %dot_general3A_236 {dimension_numbers = #tpu.dot_dimension_numbers<[1], [0], [0], [1], [0, 0, 1, 1], [], []>, transpose_lhs_hint = false} : vector<2000x500xf32>, vector<500x1xf32>, vector<2000x1xf32> -> vector<2000x1xf32>
    %get3A_238 = arith.constant 0 : index
    %get3A_239 = arith.constant 2000 : index
    %get3A_240 = vector.load %arg2[%get3A_238, %get3A_239] : memref<1x8000xi32, #tpu.memory_space<vmem>>, vector<1x2000xi32>
    %iota3A_241 = tpu.iota {dimensions = array<i32: 0>} : vector<2000x2000xi32>
    %broadcast_in_dim3A_242 = vector.shape_cast %get3A_240 : vector<1x2000xi32> to vector<1x2000xi32>
    %broadcast_in_dim3A_243 = vector.broadcast %broadcast_in_dim3A_242 : vector<1x2000xi32> to vector<2000x2000xi32>
    %eq3A_244 = arith.cmpi eq, %iota3A_241, %broadcast_in_dim3A_243 : vector<2000x2000xi32>
    %convert_element_type3A_245 = arith.extui %eq3A_244 : vector<2000x2000xi1> to vector<2000x2000xi32>
    %convert_element_type3A_246 = arith.sitofp %convert_element_type3A_245 : vector<2000x2000xi32> to vector<2000x2000xf32>
    %mul3A_247 = arith.mulf %dot_general3A_237, %div3A_229 : vector<2000x1xf32>
    %dot_general3A_248 = arith.constant dense<0.000000e+00> : vector<2000x1xf32>
    %dot_general3A_249 = tpu.matmul %convert_element_type3A_246, %mul3A_247, %dot_general3A_248 {dimension_numbers = #tpu.dot_dimension_numbers<[1], [0], [0], [1], [0, 0, 1, 1], [], []>, transpose_lhs_hint = false} : vector<2000x2000xf32>, vector<2000x1xf32>, vector<2000x1xf32> -> vector<2000x1xf32>
    %add3A_250 = arith.addf %add3A_217, %dot_general3A_249 : vector<2000x1xf32>
    %get3A_251 = arith.constant 4000 : index
    %get3A_252 = arith.constant 0 : index
    %get3A_253 = vector.load %arg3[%get3A_251, %get3A_252] : memref<8000x1xi32, #tpu.memory_space<vmem>>, vector<2000x1xi32>
    %broadcast_in_dim3A_254 = vector.shape_cast %get3A_253 : vector<2000x1xi32> to vector<2000x1xi32>
    %broadcast_in_dim3A_255 = vector.broadcast %broadcast_in_dim3A_254 : vector<2000x1xi32> to vector<2000x500xi32>
    %iota3A_256 = tpu.iota {dimensions = array<i32: 1>} : vector<2000x500xi32>
    %eq3A_257 = arith.cmpi eq, %broadcast_in_dim3A_255, %iota3A_256 : vector<2000x500xi32>
    %convert_element_type3A_258 = arith.extui %eq3A_257 : vector<2000x500xi1> to vector<2000x500xi32>
    %convert_element_type3A_259 = arith.sitofp %convert_element_type3A_258 : vector<2000x500xi32> to vector<2000x500xf32>
    %dot_general3A_260 = arith.constant dense<0.000000e+00> : vector<2000x1xf32>
    %dot_general3A_261 = tpu.matmul %convert_element_type3A_259, %add3A_185, %dot_general3A_260 {dimension_numbers = #tpu.dot_dimension_numbers<[1], [0], [0], [1], [0, 0, 1, 1], [], []>, transpose_lhs_hint = false} : vector<2000x500xf32>, vector<500x1xf32>, vector<2000x1xf32> -> vector<2000x1xf32>
    %div3A_262 = arith.divf %exp3A_149, %dot_general3A_261 : vector<2000x1xf32>
    %swap3A_263 = arith.constant 4000 : index
    %swap3A_264 = arith.constant 0 : index
    %swap3A_265 = vector.load %arg22[%swap3A_263, %swap3A_264] : memref<8000x1xf32, #tpu.memory_space<vmem>>, vector<2000x1xf32>
    tpu.vector_store %arg22[%swap3A_263, %swap3A_264], %div3A_262 {strides = array<i32>} : memref<8000x1xf32, #tpu.memory_space<vmem>>, vector<2000x1xf32>,
    %get3A_266 = arith.constant 0 : index
    %get3A_267 = arith.constant 0 : index
    %get3A_268 = vector.load %arg5[%get3A_266, %get3A_267] : memref<500x1xf32, #tpu.memory_space<vmem>>, vector<500x1xf32>
    %dot_general3A_269 = arith.constant dense<0.000000e+00> : vector<2000x1xf32>
    %dot_general3A_270 = tpu.matmul %convert_element_type3A_259, %get3A_268, %dot_general3A_269 {dimension_numbers = #tpu.dot_dimension_numbers<[1], [0], [0], [1], [0, 0, 1, 1], [], []>, transpose_lhs_hint = false} : vector<2000x500xf32>, vector<500x1xf32>, vector<2000x1xf32> -> vector<2000x1xf32>
    %get3A_271 = arith.constant 0 : index
    %get3A_272 = arith.constant 4000 : index
    %get3A_273 = vector.load %arg2[%get3A_271, %get3A_272] : memref<1x8000xi32, #tpu.memory_space<vmem>>, vector<1x2000xi32>
    %iota3A_274 = tpu.iota {dimensions = array<i32: 0>} : vector<2000x2000xi32>
    %broadcast_in_dim3A_275 = vector.shape_cast %get3A_273 : vector<1x2000xi32> to vector<1x2000xi32>
    %broadcast_in_dim3A_276 = vector.broadcast %broadcast_in_dim3A_275 : vector<1x2000xi32> to vector<2000x2000xi32>
    %eq3A_277 = arith.cmpi eq, %iota3A_274, %broadcast_in_dim3A_276 : vector<2000x2000xi32>
    %convert_element_type3A_278 = arith.extui %eq3A_277 : vector<2000x2000xi1> to vector<2000x2000xi32>
    %convert_element_type3A_279 = arith.sitofp %convert_element_type3A_278 : vector<2000x2000xi32> to vector<2000x2000xf32>
    %mul3A_280 = arith.mulf %dot_general3A_270, %div3A_262 : vector<2000x1xf32>
    %dot_general3A_281 = arith.constant dense<0.000000e+00> : vector<2000x1xf32>
    %dot_general3A_282 = tpu.matmul %convert_element_type3A_279, %mul3A_280, %dot_general3A_281 {dimension_numbers = #tpu.dot_dimension_numbers<[1], [0], [0], [1], [0, 0, 1, 1], [], []>, transpose_lhs_hint = false} : vector<2000x2000xf32>, vector<2000x1xf32>, vector<2000x1xf32> -> vector<2000x1xf32>
    %add3A_283 = arith.addf %add3A_250, %dot_general3A_282 : vector<2000x1xf32>
    %get3A_284 = arith.constant 6000 : index
    %get3A_285 = arith.constant 0 : index
    %get3A_286 = vector.load %arg3[%get3A_284, %get3A_285] : memref<8000x1xi32, #tpu.memory_space<vmem>>, vector<2000x1xi32>
    %broadcast_in_dim3A_287 = vector.shape_cast %get3A_286 : vector<2000x1xi32> to vector<2000x1xi32>
    %broadcast_in_dim3A_288 = vector.broadcast %broadcast_in_dim3A_287 : vector<2000x1xi32> to vector<2000x500xi32>
    %iota3A_289 = tpu.iota {dimensions = array<i32: 1>} : vector<2000x500xi32>
    %eq3A_290 = arith.cmpi eq, %broadcast_in_dim3A_288, %iota3A_289 : vector<2000x500xi32>
    %convert_element_type3A_291 = arith.extui %eq3A_290 : vector<2000x500xi1> to vector<2000x500xi32>
    %convert_element_type3A_292 = arith.sitofp %convert_element_type3A_291 : vector<2000x500xi32> to vector<2000x500xf32>
    %dot_general3A_293 = arith.constant dense<0.000000e+00> : vector<2000x1xf32>
    %dot_general3A_294 = tpu.matmul %convert_element_type3A_292, %add3A_185, %dot_general3A_293 {dimension_numbers = #tpu.dot_dimension_numbers<[1], [0], [0], [1], [0, 0, 1, 1], [], []>, transpose_lhs_hint = false} : vector<2000x500xf32>, vector<500x1xf32>, vector<2000x1xf32> -> vector<2000x1xf32>
    %div3A_295 = arith.divf %exp3A_173, %dot_general3A_294 : vector<2000x1xf32>
    %swap3A_296 = arith.constant 6000 : index
    %swap3A_297 = arith.constant 0 : index
    %swap3A_298 = vector.load %arg22[%swap3A_296, %swap3A_297] : memref<8000x1xf32, #tpu.memory_space<vmem>>, vector<2000x1xf32>
    tpu.vector_store %arg22[%swap3A_296, %swap3A_297], %div3A_295 {strides = array<i32>} : memref<8000x1xf32, #tpu.memory_space<vmem>>, vector<2000x1xf32>,
    %get3A_299 = arith.constant 0 : index
    %get3A_300 = arith.constant 0 : index
    %get3A_301 = vector.load %arg5[%get3A_299, %get3A_300] : memref<500x1xf32, #tpu.memory_space<vmem>>, vector<500x1xf32>
    %dot_general3A_302 = arith.constant dense<0.000000e+00> : vector<2000x1xf32>
    %dot_general3A_303 = tpu.matmul %convert_element_type3A_292, %get3A_301, %dot_general3A_302 {dimension_numbers = #tpu.dot_dimension_numbers<[1], [0], [0], [1], [0, 0, 1, 1], [], []>, transpose_lhs_hint = false} : vector<2000x500xf32>, vector<500x1xf32>, vector<2000x1xf32> -> vector<2000x1xf32>
    %get3A_304 = arith.constant 0 : index
    %get3A_305 = arith.constant 6000 : index
    %get3A_306 = vector.load %arg2[%get3A_304, %get3A_305] : memref<1x8000xi32, #tpu.memory_space<vmem>>, vector<1x2000xi32>
    %iota3A_307 = tpu.iota {dimensions = array<i32: 0>} : vector<2000x2000xi32>
    %broadcast_in_dim3A_308 = vector.shape_cast %get3A_306 : vector<1x2000xi32> to vector<1x2000xi32>
    %broadcast_in_dim3A_309 = vector.broadcast %broadcast_in_dim3A_308 : vector<1x2000xi32> to vector<2000x2000xi32>
    %eq3A_310 = arith.cmpi eq, %iota3A_307, %broadcast_in_dim3A_309 : vector<2000x2000xi32>
    %convert_element_type3A_311 = arith.extui %eq3A_310 : vector<2000x2000xi1> to vector<2000x2000xi32>
    %convert_element_type3A_312 = arith.sitofp %convert_element_type3A_311 : vector<2000x2000xi32> to vector<2000x2000xf32>
    %mul3A_313 = arith.mulf %dot_general3A_303, %div3A_295 : vector<2000x1xf32>
    %dot_general3A_314 = arith.constant dense<0.000000e+00> : vector<2000x1xf32>
    %dot_general3A_315 = tpu.matmul %convert_element_type3A_312, %mul3A_313, %dot_general3A_314 {dimension_numbers = #tpu.dot_dimension_numbers<[1], [0], [0], [1], [0, 0, 1, 1], [], []>, transpose_lhs_hint = false} : vector<2000x2000xf32>, vector<2000x1xf32>, vector<2000x1xf32> -> vector<2000x1xf32>
    %add3A_316 = arith.addf %add3A_283, %dot_general3A_315 : vector<2000x1xf32>
    %swap3A_317 = arith.constant 0 : index
    %swap3A_318 = arith.constant 0 : index
    %swap3A_319 = vector.load %arg21[%swap3A_317, %swap3A_318] : memref<2000x1xf32, #tpu.memory_space<vmem>>, vector<2000x1xf32>
    tpu.vector_store %arg21[%swap3A_317, %swap3A_318], %add3A_316 {strides = array<i32>} : memref<2000x1xf32, #tpu.memory_space<vmem>>, vector<2000x1xf32>,
    return
  }
}

</mosaic_0001>

<sc_bundles>
// kernel: kernel.6.cloned.1.call-start
scs
__scs_entry_jumppad:
0x0: {  	(pc) =	sbr.rel $0x88, $3  }
0x1: {  	(tag) =	ssettag $0x0;
	lr =	simm.s32 $0x1  }
0x2: {  	[smem:$0x3F89] =	sst lr;
	_ =	strace $0xD0000000  }
0x3: {  	_ = 	snop  }
0x4: {  	_ = 	snop  }
0x5: {  	_ = 	snop  }
0x6: {  	_ = 	snop  }
0x7: {  	_ = 	snop  }
__scs_overlays_trampoline_lowered:
0x8: {  	[smem:$0x3F98] =	sst s0  }
0x9: {  	[smem:$0x3F99] =	sst s1  }
0xa: {  	[smem:$0x3F9A] =	sst s2  }
0xb: {  	[smem:$0x3F9B] =	sst s3  }
0xc: {  	[smem:$0x3F9C] =	sst s4  }
0xd: {  	[smem:$0x3F9D] =	sst s5  }
0xe: {  	[smem:$0x3F9E] =	sst s6  }
0xf: {  	[smem:$0x3F9F] =	sst s7  }
0x10: {  	[smem:$0x3FA0] =	sst s8  }
0x11: {  	[smem:$0x3FA1] =	sst s9;
	s0 =	simm.s32 @!p0 $0x0  }
0x12: {  	s1 =	sld [smem:$0x3F87];
	s0 =	simm.s32 @p0 $0x1  }
0x13: {  	[smem:$0x3FA2] =	sst s0;
	s0 =	simm.s32 @!p1 $0x0  }
0x14: {  	s2 =	sld [smem:$0x3F86];
	s0 =	simm.s32 @p1 $0x1  }
0x15: {  	[smem:$0x3FA3] =	sst s0;
	s0 =	simm.s32 @!p2 $0x0  }
0x16: {  	s3 =	sld [smem:$0x3FDB];
	s0 =	simm.s32 @p2 $0x1  }
0x17: {  	s4 =	simm.s32 $0x1BF5;
	[smem:$0x3FA5] =	sst s0  }
0x18: {  	s0 =	sld [smem:$0x3F88];
	_ =	swait.ge [sflag:s4], $0x0  }
0x19: {  	s7 =	sld [smem:$0x3F89]  }
0x1a: {  	s8 =	sadd.s32 $0xFFFFE003, lr  }
0x1b: {  	s9 =	sadd.s32 $0xFFFFFEF7, lr;
	s5 =	simm.s32 $0xFFFFFFFF;
	p2 =	slt.u32 s8, $0xFFFFF086  }
0x1c: {  	p1 =	slt.u32 s9, $0xF7A;
	s5 =	simm.s32 @!p2 $0x0  }
0x1d: {  	s5 =	simm.s32 @p1 $0x1;
	p0 =	seq.s32 s7, s2  }
0x1e: {  	s7 =	smul.u32 @!p0 $0xF7A, s2;
	p2 =	seq.s32 @!p0 s5, $0x0  }
0x1f: {  	s9 =	smul.u32 $0xF7A, s1;
	s8 =	simm.s32 @!p0 $0x1BF5;
	p2 =	por !p2, p0  }
0x20: {  	[sflag:s8] =	ssyncset.s32 @!p0 $0xFFFFF086;
	s6 =	sadd.s32 @!p0 s3, s7;
	s7 =	simm.s32 @!p0 $0x108  }
0x21: {  	s3 =	sadd.s32 s3, s9;
	s6 =	sadd.s32 @!p0 $0x88, s6;
	s7 =	simm.s32 @p2 $0x1082  }
0x22: {  	[simem:s7], [sflag:s8] =	dma.local @!p0 [hbm:s6], $0xF7A  }
0x23: {  	s9 =	sor.u32 $0xD0000000, s2;
	s6 =	simm.s32 $0x108;
	_ =	swait.ge @!p0 [sflag:s8], $0x0  }
0x24: {  	s3 =	sadd.s32 $0x88, s3;
	s6 =	simm.s32 @!p1 $0x1082;
	[sflag:s4] =	ssyncset.s32 $0xFFFFF086  }
0x25: {  	[simem:s6], [sflag:s4] =	dma.local [hbm:s3], $0xF7A  }
0x26: {  	[smem:$0x3F89] =	sst s1;
	(tag) =	ssettag s2;
	_ =	strace s9  }
0x27: {  	s1 =	sld [smem:$0x3F99]  }
0x28: {  	s2 =	sld [smem:$0x3F9A]  }
0x29: {  	s4 =	sld [smem:$0x3F9C]  }
0x2a: {  	p0 =	seq.s32 s5, $0x0;
	s5 =	sld [smem:$0x3F9D]  }
0x2b: {  	s6 =	sld [smem:$0x3F9E]  }
0x2c: {  	s7 =	sld [smem:$0x3F9F]  }
0x2d: {  	s3 =	simm.s32 $0x108;
	s8 =	sld [smem:$0x3FA0]  }
0x2e: {  	s3 =	simm.s32 @!p0 $0x1082;
	s9 =	sld [smem:$0x3FA1]  }
0x2f: {  	lr =	sadd.s32 s0, s3;
	s0 =	sld [smem:$0x3F98]  }
0x30: {  	s3 =	sld [smem:$0x3F9B]  }
0x31: {  	[smem:$0x3FA4] =	sst s10  }
0x32: {  	s10 =	sld [smem:$0x3FA2];
	_ =	sdelay $0x3  }
0x33: {  	p0 =	seq.s32 s10, $0x1;
	s10 =	sld [smem:$0x3FA4];
	_ =	sdelay $0x3  }
0x34: {  	[smem:$0x3FA4] =	sst s10  }
0x35: {  	s10 =	sld [smem:$0x3FA3];
	_ =	sdelay $0x3  }
0x36: {  	p1 =	seq.s32 s10, $0x1;
	s10 =	sld [smem:$0x3FA4];
	_ =	sdelay $0x3  }
0x37: {  	[smem:$0x3FA4] =	sst s10  }
0x38: {  	s10 =	sld [smem:$0x3FA5]  }
0x39: {  	_ = 	snop;
	(pc) =	sbr.ind lr, $3  }
0x3a: {  	_ = 	snop  }
0x3b: {  	_ = 	snop  }
0x3c: {  	p2 =	seq.s32 s10, $0x1;
	s10 =	sld [smem:$0x3FA4]  }
0x3d: {  	_ =	shalt  }
0x3e: {  	_ =	shalt  }
0x3f: {  	_ =	shalt  }
0x40: {  	_ =	shalt  }
0x41: {  	_ =	shalt  }
0x42: {  	_ =	shalt  }
0x43: {  	_ =	shalt  }
0x44: {  	_ =	shalt  }
0x45: {  	_ =	shalt  }
0x46: {  	_ =	shalt  }
0x47: {  	_ =	shalt  }
0x48: {  	_ =	shalt  }
0x49: {  	_ =	shalt  }
0x4a: {  	_ =	shalt  }
0x4b: {  	_ =	shalt  }
0x4c: {  	_ =	shalt  }
0x4d: {  	_ =	shalt  }
0x4e: {  	_ =	shalt  }
0x4f: {  	_ =	shalt  }
0x50: {  	_ =	shalt  }
0x51: {  	_ =	shalt  }
0x52: {  	_ =	shalt  }
0x53: {  	_ =	shalt  }
0x54: {  	_ =	shalt  }
0x55: {  	_ =	shalt  }
0x56: {  	_ =	shalt  }
0x57: {  	_ =	shalt  }
0x58: {  	_ =	shalt  }
0x59: {  	_ =	shalt  }
0x5a: {  	_ =	shalt  }
0x5b: {  	_ =	shalt  }
0x5c: {  	_ =	shalt  }
0x5d: {  	_ =	shalt  }
0x5e: {  	_ =	shalt  }
0x5f: {  	_ =	shalt  }
0x60: {  	_ =	shalt  }
0x61: {  	_ =	shalt  }
0x62: {  	_ =	shalt  }
0x63: {  	_ =	shalt  }
0x64: {  	_ =	shalt  }
0x65: {  	_ =	shalt  }
0x66: {  	_ =	shalt  }
0x67: {  	_ =	shalt  }
0x68: {  	_ =	shalt  }
0x69: {  	_ =	shalt  }
0x6a: {  	_ =	shalt  }
0x6b: {  	_ =	shalt  }
0x6c: {  	_ =	shalt  }
0x6d: {  	_ =	shalt  }
0x6e: {  	_ =	shalt  }
0x6f: {  	_ =	shalt  }
0x70: {  	_ =	shalt  }
0x71: {  	_ =	shalt  }
0x72: {  	_ =	shalt  }
0x73: {  	_ =	shalt  }
0x74: {  	_ =	shalt  }
0x75: {  	_ =	shalt  }
0x76: {  	_ =	shalt  }
0x77: {  	_ =	shalt  }
0x78: {  	_ =	shalt  }
0x79: {  	_ =	shalt  }
0x7a: {  	_ =	shalt  }
0x7b: {  	_ =	shalt  }
0x7c: {  	_ =	shalt  }
0x7d: {  	_ =	shalt  }
0x7e: {  	_ =	shalt  }
0x7f: {  	_ =	shalt  }
0x80: {  	_ =	shalt  }
0x81: {  	_ =	shalt  }
0x82: {  	_ =	shalt  }
0x83: {  	_ =	shalt  }
0x84: {  	_ =	shalt  }
0x85: {  	_ =	shalt  }
0x86: {  	_ =	shalt  }
0x87: {  	_ =	shalt  }
.Lfunc_end0:
.L_simem_size_0:
called_computation_lowered:
.L_overlay_start_0:
0x88: {  	s2 =	sld [smem:$0x3FD9]  }
0x89: {  	s3 =	sld [smem:$0x3FFE];
	_ =	sdelay $0x1  }
0x8a: {  	s1 =	srdreg.scid  }
0x8b: {  	s0 =	sand.u32 $0x1, s1  }
0x8c: {  	s16 =	sshll.u32 s0, $0xA;
	s2 =	sadd.s32 s3, s2  }
0x8d: {  	s2 =	sadd.s32 s2, s16  }
0x8e: {  	[smem:$0x3FB0] =	sst s2  }
0x8f: {  	_ = 	snop  }
0x90: {  	(tm) =	ssettm $0x1  }
0x91: {  	s17 =	sld [smem:$0x3FFB];
	_ =	sdelay $0x3  }
0x92: {  	_ =	strace s17  }
0x93: {  	s2 =	sld [smem:$0x3FFC];
	_ =	sdelay $0x3  }
0x94: {  	_ =	strace s2  }
0x95: {  	s2 =	sld [smem:$0x3FFD];
	_ =	sdelay $0x3  }
0x96: {  	_ =	strace s2  }
0x97: {  	_ =	strace $0x8FFFFFFF  }
0x98: {  	s18 =	sld [smem:$0x3FDB];
	_ =	sdelay $0x1  }
0x99: {  	s19 =	simm.s32 $_scs_section_size  }
0x9a: {  	s4 =	simm.s32 $_size__tile_overlayer_lowered;
	s5 =	simm.s32 $_tile_overlayer_lowered  }
0x9b: {  	s22 =	simm.s32 $0x1BFF;
	s21 =	sshll.u32 s5, $0x1;
	s2 =	sadd.s32 s19, s18  }
0x9c: {  	s6 =	simm.s32 $0x0;
	s20 =	sshll.u32 s4, $0x1;
	s4 =	sadd.s32 s21, s2  }
0x9d: {  	[timem:s6], [sflag:s22] =	dma.local [hbm:s4], s20  }
0x9e: {  	_ =	swait.ge [sflag:s22], s20  }
0x9f: {  	s3 =	ssub.s32 $0x0, s20;
	[sflag:s22] =	ssyncset.done $0x0  }
0xa0: {  	[sflag:s22] =	ssyncadd.s32 s3;
	_ =	sdelay $0x1  }
0xa1: {  	s23 =	simm.s32 $0x1B8B  }
0xa2: {  	_ =	swait.ge [sflag:s23], $0x1  }
0xa3: {  	[sflag:s23] =	ssyncset.done $0x0  }
0xa4: {  	s25 =	simm.s32 $0x1B8E;
	s24 =	sld [smem:$0x3FFE];
	[sflag:s23] =	ssyncadd.s32 $0xFFFFFFFF  }
0xa5: {  	s26 =	simm.s32 $execute0_lowered;
	[smem:$0x3FD2] =	sst s25  }
0xa6: {  	s4 =	sshll.u32 s26, $0x1;
	_ =	strace $0x80000046;
	[dreg:$0x1] =	wrdreg $0xFFFFFFFF  }
0xa7: {  	s28 =	simm.s32 $_size_execute0_lowered;
	s2 =	sadd.s32 s2, s4;
	[dreg:$0x0] =	wrdreg $0x0  }
0xa8: {  	s4 =	sshll.u32 s28, $0x1;
	[dreg:$0x2] =	wrdreg s2  }
0xa9: {  	[dreg:$0x3] =	wrdreg s4  }
0xaa: {  	[dreg:$0x4] =	wrdreg $0xC0  }
0xab: {  	_ =	task [dreg:s6], $0x5FFFF  }
0xac: {  	[dreg:$0x1] =	wrdreg $0xFFFFFFFF  }
0xad: {  	[dreg:$0x0] =	wrdreg $0x60  }
0xae: {  	[dreg:$0x2] =	wrdreg s24  }
0xaf: {  	[dreg:$0x3] =	wrdreg $0x91000  }
0xb0: {  	[dreg:$0x4] =	wrdreg $0x131000  }
0xb1: {  	[dreg:$0x5] =	wrdreg $0x9  }
0xb2: {  	_ =	task.clear_ibuf [dreg:s6], $0x6FFFF;
	_ =	strace $0x90000046  }
0xb3: {  	s29 =	simm.s32 $0x9;
	_ =	strace $0x80000048  }
0xb4: {  	_ =	swait.ge [sflag:s29], $0x1  }
0xb5: {  	[sflag:s29] =	ssyncadd.s32 $0xFFFFFFFF  }
0xb6: {  	_ =	strace $0x90000048  }
0xb7: {  	_ =	sfence  }
0xb8: {  	s30 =	sld [smem:$0x0];
	_ =	sdelay $0x2  }
0xb9: {  	s31 =	sshll.u32 s1, $0xD;
	s1 =	sshrl.u32 s1, $0x2  }
0xba: {  	s3 =	sand.u32 $0x4000, s31;
	s1 =	sadd.s32 s1, s30  }
0xbb: {  	s0 =	sor.u32 s3, s0;
	s1 =	sshll.u32 s1, $0x11  }
0xbc: {  	s0 =	sor.u32 s1, s0  }
0xbd: {  	s0 =	sadd.s32 $0x8F2B, s0  }
0xbe: {  	[sflag:s0] =	ssyncadd.remote.s32 $0x1  }
0xbf: {  	_ =	sfence.sel $0xFFFF  }
0xc0: {  	[dreg:$0x0] =	wrdreg $0xFFFFFFFF;
	(pc) =	sbr.abs _section_cstart, $3  }
0xc1: {  	[dreg:$0x1] =	wrdreg $0xFFFFFFFF  }
0xc2: {  	_ =	task.clear_ibuf [dreg:s6], $0x2FFFF;
	_ =	strace $0x9FFFFFFF  }
0xc3: {  	(tm) =	ssettm $0x7FFFFFFF  }
tec
execute0_lowered:
.L_overlay_start_1:
0x0: {  	(tag) =	ssettag $0x1  }
0x1: {  	s0 =	rddreg [dreg:$0x0]  }
0x2: {  	s1 =	rddreg [dreg:$0x1]  }
0x3: {  	s3 =	rddreg [dreg:$0x2]  }
0x4: {  	s4 =	simm.s32 $0x0;
	s17 =	stileid.u32;
	s5 =	srdreg.scid  }
0x5: {  	s19 =	simm.s32 $0x480;
	s20 =	simm.s32 $0x80;
	s21 =	simm.s32 $0x900  }
0x6: {  	s28 =	simm.s32 $0x6900;
	s29 =	simm.s32 $0x2;
	s30 =	simm.s32 $0x880  }
0x7: {  	s31 =	simm.s32 $0x0;
	[smem:$0x7FF] =	sst s4;
	s2 =	smul.u32 $0xA000, s17  }
0x8: {  	s9 =	smul.u32 $0x2800, s17;
	s11 =	sand.u32 $0x1, s5;
	s5 =	sadd.s32 $0x3000, s0  }
0x9: {  	s6 =	sadd.s32 $0x1B800, s0;
	s7 =	sadd.s32 $0x20800, s0;
	s8 =	sadd.s32 $0x2AA00, s0  }
0xa: {  	s24 =	sshll.u32 s17, $0x6;
	_ =	strace $0x80000047;
	s10 =	smul.u32 $0xA0000, s11  }
0xb: {  	s13 =	smul.u32 $0x28000, s11;
	s15 =	ssub.s32 $0x2, s11;
	s11 =	sshll.u32 s11, $0x4  }
0xc: {  	s12 =	sshrl.u32 s2, $0x3;
	s14 =	sshrl.u32 s9, $0x3;
	s22 =	sshrl.u32 s15, $0x1  }
0xd: {  	s11 =	sor.u32 s17, s11;
	s17 =	simm.s32 $0x3;
	s12 =	sadd.s32 s12, s0  }
0xe: {  	s14 =	sadd.s32 s14, s0;
	s10 =	sadd.s32 s2, s10;
	s13 =	sadd.s32 s9, s13  }
0xf: {  	s23 =	ssub.s32 s15, s22;
	s2 =	sadd.s32 s2, s1;
	s9 =	sadd.s32 s9, s3  }
0x10: {  	s22 =	simm.s32 $0x5900;
	s10 =	sshrl.u32 s10, $0x3;
	s13 =	sshrl.u32 s13, $0x3  }
0x11: {  	s12 =	sadd.s32 $0x34C00, s12;
	s25 =	sadd.s32 $0x48C00, s14;
	s15 =	smax.u32 s23, $0x1  }
0x12: {  	s18 =	sshrl.u32 s9, $0x3;
	s23 =	simm.s32 $0x3100;
	s16 =	sadd.s32 s10, s0  }
0x13: {  	s0 =	sadd.s32 s13, s0;
	[dreg:$0x4] =	wrdreg s12;
	s10 =	sor.u32 $0x1C03, s24  }
0x14: {  	[dreg:$0x5] =	wrdreg s25;
	s12 =	smul.u32 $0x51, s11;
	s24 =	simm.s32 $0x6100  }
0x15: {  	s25 =	simm.s32 $0x1;
	s26 =	sadd.s32 $0x4DC00, s16;
	s14 =	sadd.s32 $0x75C00, s0  }
0x16: {  	v0 =	vimm.f32 $0.0e+00;
	v1 =	vlaneseq.u32;
	s16 =	sshrl.u32 s2, $0x3;
	[dreg:$0x6] =	wrdreg s26;
	s26 =	simm.s32 $0x8900  }
.LBB2_1:
0x17: {  	s0 =	rddreg [dreg:$0x4]  }
0x18: {  	[spmem:s16], [sflag:s10] =	dma.local [hbm:s0], $0x1400  }
0x19: {  	_ =	swait.ge [sflag:s17], $0x1400  }
0x1a: {  	[sflag:s17] =	ssyncset.done $0x0  }
0x1b: {  	s13 =	rddreg [dreg:$0x5];
	[sflag:s17] =	ssyncadd.s32 $0xFFFFEC00  }
0x1c: {  	[spmem:s18], [sflag:s10] =	dma.local [hbm:s13], $0x500  }
0x1d: {  	_ =	swait.ge [sflag:s17], $0x500  }
0x1e: {  	[sflag:s17] =	ssyncset.done $0x0  }
0x1f: {  	s2 =	simm.s32 $0x0;
	s0 =	simm.s32 $0x40;
	[sflag:s17] =	ssyncadd.s32 $0xFFFFFB00  }
.LBB2_2:
0x20: {  	p0 =	sne.s32 s0, $0x1FC0;
	[tilespmem:s2+$0x8900] =	vst v0;
	s2 =	smov.u32 s0;
	s0 =	sadd.s32 $0x40, s0  }
.Ltmp0:
0x21: {  	(pc) =	sbr.rel @p0 .LBB2_2-.Ltmp0, $2  }
0x22: {  	_ =	sdelay $0x2  }
0x23: {  	s2 =	sshra.s32 s2, $0x2  }
0x24: {  	[tilespmem:s2+$0x8900] =	vst v0  }
0x25: {  	s0 =	simm.s32 $0x0;
	[bflag:$0x0] =	sbarrier.arrive $0xFFFF  }
.LBB2_4:
0x26: {  	s2 =	smul.u32 $0x9, s0;
	_ =	sdelay $0x1  }
0x27: {  	s2 =	sadd.s32 s12, s2  }
0x28: {  	s2 =	sshll.u32 s2, $0x4  }
0x29: {  	s9 =	sadd.s32 s7, s2  }
0x2a: {  	[tilespmem:s31], [sflag:$0x3] =	stream.linear.gather [hbm4b:s9+s31], $0x480, $0x38;
	[tilespmem:$0x15900] =	vst v63  }
0x2b: {  	_ =	swait.ge [sflag:s17], $0x480  }
0x2c: {  	[sflag:s17] =	ssyncset.done $0x0  }
0x2d: {  	s2 =	sadd.s32 s8, s2;
	[sflag:s17] =	ssyncadd.s32 $0xFFFFFB80  }
0x2e: {  	[tilespmem:s19], [sflag:$0x3] =	stream.linear.gather [hbm4b:s2+s31], $0x480, $0x38;
	[tilespmem:$0x15900] =	vst v63  }
0x2f: {  	_ =	swait.ge [sflag:s17], $0x480  }
0x30: {  	[sflag:s17] =	ssyncset.done $0x0  }
0x31: {  	[sflag:s17] =	ssyncadd.s32 $0xFFFFFB80  }
0x32: {  	[tilespmem:s21], [sflag:$0x1] =	stream.indirect.gather [hbm4b:s5+s20], $0x50, s31, s20, $0xb8;
	[tilespmem:$0x15900] =	vst v63  }
0x33: {  	s2 =	simm.s32 $0x0  }
0x34: {  	[tilespmem:s22], [sflag:$0x1] =	stream.indirect.gather [hbm4b:s6+s20], $0x10, s19, s20, $0xb8;
	[tilespmem:$0x15900] =	vst v63  }
.LBB2_5:
0x35: {  	s11 =	sshll.u32 s2, $0x8  }
0x36: {  	s9 =	sor.u32 $0x80, s11  }
0x37: {  	[tilespmem:s23], [sflag:$0x2] =	stream.indirect.gather [hbm4b:s5+s20], $0x50, s9, s20, $0xb8;
	[tilespmem:$0x15900] =	vst v63  }
0x38: {  	s9 =	sadd.s32 $0x500, s11  }
0x39: {  	[tilespmem:s24], [sflag:$0x2] =	stream.indirect.gather [hbm4b:s6+s20], $0x10, s9, s20, $0xb8;
	[tilespmem:$0x15900] =	vst v63  }
0x3a: {  	_ =	swait.ge [sflag:s25], $0x2800  }
0x3b: {  	[sflag:s25] =	ssyncset.done $0x0  }
0x3c: {  	[sflag:s25] =	ssyncadd.s32 $0xFFFFD800  }
0x3d: {  	_ =	swait.ge [sflag:s25], $0x800  }
0x3e: {  	[sflag:s25] =	ssyncset.done $0x0  }
0x3f: {  	s13 =	simm.s32 $0x0;
	[sflag:s25] =	ssyncadd.s32 $0xFFFFF800  }
.LBB2_6:
0x40: {  	v3 =	vor.u32 s13, v1  }
0x41: {  	v2 =	vmul.u32 $0x50, v3  }
0x42: {  	v4 =	vshll.u32 v3, $0x4  }
0x43: {  	v5 =	vadd.s32 $0x40, v2;
	_ =	sdelay $0x3  }
0x44: {  	v6 =	vld.idx.msk [tilespmem:v4+s22+$0x0], $0xffff  }
0x45: {  	v5 =	vld.idx.msk [tilespmem:v5+s21+$0x0], $0xffff;
	_ =	sdelay $0x4  }
0x46: {  	v5 =	vadd.f32 v6, v5;
	_ =	sdelay $0x1  }
0x47: {  	v6 =	vmul.f32 $2.000000030e-01, v5  }
0x48: {  	vm0 =	vgt.f32 v5, $0.0e+00  }
0x49: {  	v5 =	vsel vm0, v5, v6  }
0x4a: {  	v5 =	vmul.f32 $1.442695020e+00, v5;
	_ =	sdelay $0x1  }
0x4b: {  	(erf) = vpow2.f32 v5;
	_ =	sdelay $0x8  }
0x4c: {  	v5 =	vpop (erf)  }
0x4d: {  	[tilespmem:v4+s26+$0x0] =	vst.idx.msk $0xffff, v5  }
0x4e: {  	v35 =	vld.idx.msk [tilespmem:v2+s21+$0x0], $0xffff;
	_ =	sdelay $0x1  }
0x4f: {  	v3 =	vshll.u32 v3, $0x6  }
0x50: {  	v7 =	vor.u32 $0x1, v2;
	_ =	sdelay $0x1  }
0x51: {  	v6 =	vmul.f32 v5, v35;
	_ =	sdelay $0x1  }
0x52: {  	[tilespmem:v3+s28+$0x0] =	vst.idx.msk $0xffff, v6  }
0x53: {  	v6 =	vld.idx.msk [tilespmem:v7+s21+$0x0], $0xffff;
	_ =	sdelay $0x1  }
0x54: {  	v36 =	vor.u32 $0x1, v3  }
0x55: {  	v8 =	vor.u32 $0x2, v2;
	_ =	sdelay $0x1  }
0x56: {  	v6 =	vmul.f32 v5, v6;
	_ =	sdelay $0x1  }
0x57: {  	[tilespmem:v36+s28+$0x0] =	vst.idx.msk $0xffff, v6  }
0x58: {  	v6 =	vld.idx.msk [tilespmem:v8+s21+$0x0], $0xffff;
	_ =	sdelay $0x1  }
0x59: {  	v37 =	vor.u32 $0x2, v3  }
0x5a: {  	v38 =	vor.u32 $0x3, v2;
	_ =	sdelay $0x1  }
0x5b: {  	v6 =	vmul.f32 v6, v5;
	_ =	sdelay $0x1  }
0x5c: {  	[tilespmem:v37+s28+$0x0] =	vst.idx.msk $0xffff, v6  }
0x5d: {  	v6 =	vld.idx.msk [tilespmem:v38+s21+$0x0], $0xffff;
	_ =	sdelay $0x1  }
0x5e: {  	v39 =	vor.u32 $0x3, v3  }
0x5f: {  	v40 =	vor.u32 $0x4, v2;
	_ =	sdelay $0x1  }
0x60: {  	v6 =	vmul.f32 v6, v5;
	_ =	sdelay $0x1  }
0x61: {  	[tilespmem:v39+s28+$0x0] =	vst.idx.msk $0xffff, v6  }
0x62: {  	v6 =	vld.idx.msk [tilespmem:v40+s21+$0x0], $0xffff;
	_ =	sdelay $0x1  }
0x63: {  	v41 =	vor.u32 $0x4, v3  }
0x64: {  	v42 =	vor.u32 $0x5, v2;
	_ =	sdelay $0x1  }
0x65: {  	v6 =	vmul.f32 v6, v5;
	_ =	sdelay $0x1  }
0x66: {  	[tilespmem:v41+s28+$0x0] =	vst.idx.msk $0xffff, v6  }
0x67: {  	v6 =	vld.idx.msk [tilespmem:v42+s21+$0x0], $0xffff;
	_ =	sdelay $0x1  }
0x68: {  	v43 =	vor.u32 $0x5, v3  }
0x69: {  	v44 =	vor.u32 $0x6, v2;
	_ =	sdelay $0x1  }
0x6a: {  	v6 =	vmul.f32 v6, v5;
	_ =	sdelay $0x1  }
0x6b: {  	[tilespmem:v43+s28+$0x0] =	vst.idx.msk $0xffff, v6  }
0x6c: {  	v6 =	vld.idx.msk [tilespmem:v44+s21+$0x0], $0xffff;
	_ =	sdelay $0x1  }
0x6d: {  	v45 =	vor.u32 $0x6, v3  }
0x6e: {  	v46 =	vor.u32 $0x7, v2;
	_ =	sdelay $0x1  }
0x6f: {  	v6 =	vmul.f32 v6, v5;
	_ =	sdelay $0x1  }
0x70: {  	[tilespmem:v45+s28+$0x0] =	vst.idx.msk $0xffff, v6  }
0x71: {  	v6 =	vld.idx.msk [tilespmem:v46+s21+$0x0], $0xffff;
	_ =	sdelay $0x1  }
0x72: {  	v47 =	vor.u32 $0x7, v3  }
0x73: {  	v48 =	vor.u32 $0x8, v2;
	_ =	sdelay $0x1  }
0x74: {  	v6 =	vmul.f32 v6, v5;
	_ =	sdelay $0x1  }
0x75: {  	[tilespmem:v47+s28+$0x0] =	vst.idx.msk $0xffff, v6  }
0x76: {  	v6 =	vld.idx.msk [tilespmem:v48+s21+$0x0], $0xffff;
	_ =	sdelay $0x1  }
0x77: {  	v49 =	vor.u32 $0x8, v3  }
0x78: {  	v50 =	vor.u32 $0x9, v2;
	_ =	sdelay $0x1  }
0x79: {  	v6 =	vmul.f32 v6, v5;
	_ =	sdelay $0x1  }
0x7a: {  	[tilespmem:v49+s28+$0x0] =	vst.idx.msk $0xffff, v6  }
0x7b: {  	v6 =	vld.idx.msk [tilespmem:v50+s21+$0x0], $0xffff;
	_ =	sdelay $0x1  }
0x7c: {  	v51 =	vor.u32 $0x9, v3  }
0x7d: {  	v52 =	vor.u32 $0xA, v2;
	_ =	sdelay $0x1  }
0x7e: {  	v6 =	vmul.f32 v6, v5;
	_ =	sdelay $0x1  }
0x7f: {  	[tilespmem:v51+s28+$0x0] =	vst.idx.msk $0xffff, v6  }
0x80: {  	v6 =	vld.idx.msk [tilespmem:v52+s21+$0x0], $0xffff;
	_ =	sdelay $0x1  }
0x81: {  	v53 =	vor.u32 $0xA, v3  }
0x82: {  	v54 =	vor.u32 $0xB, v2;
	_ =	sdelay $0x1  }
0x83: {  	v6 =	vmul.f32 v6, v5;
	_ =	sdelay $0x1  }
0x84: {  	[tilespmem:v53+s28+$0x0] =	vst.idx.msk $0xffff, v6  }
0x85: {  	v6 =	vld.idx.msk [tilespmem:v54+s21+$0x0], $0xffff;
	_ =	sdelay $0x1  }
0x86: {  	v55 =	vor.u32 $0xB, v3  }
0x87: {  	v56 =	vor.u32 $0xC, v2;
	_ =	sdelay $0x1  }
0x88: {  	v6 =	vmul.f32 v6, v5;
	_ =	sdelay $0x1  }
0x89: {  	[tilespmem:v55+s28+$0x0] =	vst.idx.msk $0xffff, v6  }
0x8a: {  	v6 =	vld.idx.msk [tilespmem:v56+s21+$0x0], $0xffff;
	_ =	sdelay $0x1  }
0x8b: {  	v57 =	vor.u32 $0xC, v3  }
0x8c: {  	v58 =	vor.u32 $0xD, v2;
	_ =	sdelay $0x1  }
0x8d: {  	v6 =	vmul.f32 v6, v5;
	_ =	sdelay $0x1  }
0x8e: {  	[tilespmem:v57+s28+$0x0] =	vst.idx.msk $0xffff, v6  }
0x8f: {  	v6 =	vld.idx.msk [tilespmem:v58+s21+$0x0], $0xffff;
	_ =	sdelay $0x1  }
0x90: {  	v59 =	vor.u32 $0xD, v3  }
0x91: {  	v60 =	vor.u32 $0xE, v2;
	_ =	sdelay $0x1  }
0x92: {  	v6 =	vmul.f32 v6, v5;
	_ =	sdelay $0x1  }
0x93: {  	[tilespmem:v59+s28+$0x0] =	vst.idx.msk $0xffff, v6  }
0x94: {  	v6 =	vld.idx.msk [tilespmem:v60+s21+$0x0], $0xffff;
	_ =	sdelay $0x1  }
0x95: {  	v61 =	vor.u32 $0xE, v3  }
0x96: {  	v62 =	vor.u32 $0xF, v2;
	_ =	sdelay $0x1  }
0x97: {  	v6 =	vmul.f32 v6, v5;
	_ =	sdelay $0x1  }
0x98: {  	[tilespmem:v61+s28+$0x0] =	vst.idx.msk $0xffff, v6  }
0x99: {  	v6 =	vld.idx.msk [tilespmem:v62+s21+$0x0], $0xffff;
	_ =	sdelay $0x1  }
0x9a: {  	v63 =	vor.u32 $0xF, v3  }
0x9b: {  	v12 =	vadd.s32 $0x41, v2  }
0x9c: {  	v9 =	vor.u32 $0x1, v4  }
0x9d: {  	v5 =	vmul.f32 v6, v5;
	_ =	sdelay $0x1  }
0x9e: {  	[tilespmem:v63+s28+$0x0] =	vst.idx.msk $0xffff, v5  }
0x9f: {  	v5 =	vld.idx.msk [tilespmem:v12+s21+$0x0], $0xffff  }
0xa0: {  	v13 =	vld.idx.msk [tilespmem:v9+s22+$0x0], $0xffff;
	_ =	sdelay $0x4  }
0xa1: {  	v5 =	vadd.f32 v13, v5;
	_ =	sdelay $0x1  }
0xa2: {  	v6 =	vmul.f32 $2.000000030e-01, v5  }
0xa3: {  	vm13 =	vgt.f32 v5, $0.0e+00  }
0xa4: {  	v5 =	vsel vm13, v5, v6  }
0xa5: {  	v5 =	vmul.f32 $1.442695020e+00, v5;
	_ =	sdelay $0x1  }
0xa6: {  	(erf) = vpow2.f32 v5;
	_ =	sdelay $0x5  }
0xa7: {  	v14 =	vadd.s32 $0x10, v2;
	_ =	sdelay $0x2  }
0xa8: {  	v15 =	vpop (erf)  }
0xa9: {  	[tilespmem:v9+s26+$0x0] =	vst.idx.msk $0xffff, v15  }
0xaa: {  	v5 =	vld.idx.msk [tilespmem:v14+s21+$0x0], $0xffff;
	_ =	sdelay $0x1  }
0xab: {  	v16 =	vor.u32 $0x10, v3  }
0xac: {  	v17 =	vadd.s32 $0x11, v2;
	_ =	sdelay $0x1  }
0xad: {  	v5 =	vmul.f32 v15, v5;
	_ =	sdelay $0x1  }
0xae: {  	[tilespmem:v16+s28+$0x0] =	vst.idx.msk $0xffff, v5  }
0xaf: {  	v5 =	vld.idx.msk [tilespmem:v17+s21+$0x0], $0xffff;
	_ =	sdelay $0x1  }
0xb0: {  	v18 =	vor.u32 $0x11, v3  }
0xb1: {  	v19 =	vadd.s32 $0x12, v2;
	_ =	sdelay $0x1  }
0xb2: {  	v5 =	vmul.f32 v15, v5;
	_ =	sdelay $0x1  }
0xb3: {  	[tilespmem:v18+s28+$0x0] =	vst.idx.msk $0xffff, v5  }
0xb4: {  	v5 =	vld.idx.msk [tilespmem:v19+s21+$0x0], $0xffff;
	_ =	sdelay $0x1  }
0xb5: {  	v20 =	vor.u32 $0x12, v3  }
0xb6: {  	v21 =	vadd.s32 $0x13, v2;
	_ =	sdelay $0x1  }
0xb7: {  	v5 =	vmul.f32 v5, v15;
	_ =	sdelay $0x1  }
0xb8: {  	[tilespmem:v20+s28+$0x0] =	vst.idx.msk $0xffff, v5  }
0xb9: {  	v5 =	vld.idx.msk [tilespmem:v21+s21+$0x0], $0xffff;
	_ =	sdelay $0x1  }
0xba: {  	v22 =	vor.u32 $0x13, v3  }
0xbb: {  	v23 =	vadd.s32 $0x14, v2;
	_ =	sdelay $0x1  }
0xbc: {  	v5 =	vmul.f32 v5, v15;
	_ =	sdelay $0x1  }
0xbd: {  	[tilespmem:v22+s28+$0x0] =	vst.idx.msk $0xffff, v5  }
0xbe: {  	v5 =	vld.idx.msk [tilespmem:v23+s21+$0x0], $0xffff;
	_ =	sdelay $0x1  }
0xbf: {  	v24 =	vor.u32 $0x14, v3  }
0xc0: {  	v25 =	vadd.s32 $0x15, v2;
	_ =	sdelay $0x1  }
0xc1: {  	v5 =	vmul.f32 v5, v15;
	_ =	sdelay $0x1  }
0xc2: {  	[tilespmem:v24+s28+$0x0] =	vst.idx.msk $0xffff, v5  }
0xc3: {  	v5 =	vld.idx.msk [tilespmem:v25+s21+$0x0], $0xffff;
	_ =	sdelay $0x1  }
0xc4: {  	v26 =	vor.u32 $0x15, v3  }
0xc5: {  	v27 =	vadd.s32 $0x16, v2;
	_ =	sdelay $0x1  }
0xc6: {  	v5 =	vmul.f32 v5, v15;
	_ =	sdelay $0x1  }
0xc7: {  	[tilespmem:v26+s28+$0x0] =	vst.idx.msk $0xffff, v5  }
0xc8: {  	v5 =	vld.idx.msk [tilespmem:v27+s21+$0x0], $0xffff;
	_ =	sdelay $0x1  }
0xc9: {  	v28 =	vor.u32 $0x16, v3  }
0xca: {  	v29 =	vadd.s32 $0x17, v2;
	_ =	sdelay $0x1  }
0xcb: {  	v5 =	vmul.f32 v5, v15;
	_ =	sdelay $0x1  }
0xcc: {  	[tilespmem:v28+s28+$0x0] =	vst.idx.msk $0xffff, v5  }
0xcd: {  	v5 =	vld.idx.msk [tilespmem:v29+s21+$0x0], $0xffff;
	_ =	sdelay $0x1  }
0xce: {  	v30 =	vor.u32 $0x17, v3  }
0xcf: {  	v31 =	vadd.s32 $0x18, v2;
	_ =	sdelay $0x1  }
0xd0: {  	v5 =	vmul.f32 v5, v15;
	_ =	sdelay $0x1  }
0xd1: {  	[tilespmem:v30+s28+$0x0] =	vst.idx.msk $0xffff, v5  }
0xd2: {  	v5 =	vld.idx.msk [tilespmem:v31+s21+$0x0], $0xffff;
	_ =	sdelay $0x1  }
0xd3: {  	v32 =	vor.u32 $0x18, v3  }
0xd4: {  	v33 =	vadd.s32 $0x19, v2;
	_ =	sdelay $0x1  }
0xd5: {  	v5 =	vmul.f32 v5, v15;
	_ =	sdelay $0x1  }
0xd6: {  	[tilespmem:v32+s28+$0x0] =	vst.idx.msk $0xffff, v5  }
0xd7: {  	v5 =	vld.idx.msk [tilespmem:v33+s21+$0x0], $0xffff;
	_ =	sdelay $0x1  }
0xd8: {  	v34 =	vor.u32 $0x19, v3  }
0xd9: {  	v35 =	vadd.s32 $0x1A, v2;
	_ =	sdelay $0x1  }
0xda: {  	v5 =	vmul.f32 v5, v15;
	_ =	sdelay $0x1  }
0xdb: {  	[tilespmem:v34+s28+$0x0] =	vst.idx.msk $0xffff, v5  }
0xdc: {  	v5 =	vld.idx.msk [tilespmem:v35+s21+$0x0], $0xffff;
	_ =	sdelay $0x1  }
0xdd: {  	v36 =	vor.u32 $0x1A, v3  }
0xde: {  	v37 =	vadd.s32 $0x1B, v2;
	_ =	sdelay $0x1  }
0xdf: {  	v5 =	vmul.f32 v5, v15;
	_ =	sdelay $0x1  }
0xe0: {  	[tilespmem:v36+s28+$0x0] =	vst.idx.msk $0xffff, v5  }
0xe1: {  	v5 =	vld.idx.msk [tilespmem:v37+s21+$0x0], $0xffff;
	_ =	sdelay $0x1  }
0xe2: {  	v38 =	vor.u32 $0x1B, v3  }
0xe3: {  	v39 =	vadd.s32 $0x1C, v2;
	_ =	sdelay $0x1  }
0xe4: {  	v5 =	vmul.f32 v5, v15;
	_ =	sdelay $0x1  }
0xe5: {  	[tilespmem:v38+s28+$0x0] =	vst.idx.msk $0xffff, v5  }
0xe6: {  	v5 =	vld.idx.msk [tilespmem:v39+s21+$0x0], $0xffff;
	_ =	sdelay $0x1  }
0xe7: {  	v40 =	vor.u32 $0x1C, v3  }
0xe8: {  	v41 =	vadd.s32 $0x1D, v2;
	_ =	sdelay $0x1  }
0xe9: {  	v5 =	vmul.f32 v5, v15;
	_ =	sdelay $0x1  }
0xea: {  	[tilespmem:v40+s28+$0x0] =	vst.idx.msk $0xffff, v5  }
0xeb: {  	v5 =	vld.idx.msk [tilespmem:v41+s21+$0x0], $0xffff;
	_ =	sdelay $0x1  }
0xec: {  	v42 =	vor.u32 $0x1D, v3  }
0xed: {  	v43 =	vadd.s32 $0x1E, v2;
	_ =	sdelay $0x1  }
0xee: {  	v5 =	vmul.f32 v5, v15;
	_ =	sdelay $0x1  }
0xef: {  	[tilespmem:v42+s28+$0x0] =	vst.idx.msk $0xffff, v5  }
0xf0: {  	v5 =	vld.idx.msk [tilespmem:v43+s21+$0x0], $0xffff;
	_ =	sdelay $0x1  }
0xf1: {  	v44 =	vor.u32 $0x1E, v3  }
0xf2: {  	v45 =	vadd.s32 $0x1F, v2;
	_ =	sdelay $0x1  }
0xf3: {  	v5 =	vmul.f32 v5, v15;
	_ =	sdelay $0x1  }
0xf4: {  	[tilespmem:v44+s28+$0x0] =	vst.idx.msk $0xffff, v5  }
0xf5: {  	v5 =	vld.idx.msk [tilespmem:v45+s21+$0x0], $0xffff;
	_ =	sdelay $0x1  }
0xf6: {  	v46 =	vor.u32 $0x1F, v3  }
0xf7: {  	v47 =	vadd.s32 $0x42, v2  }
0xf8: {  	v48 =	vor.u32 $0x2, v4  }
0xf9: {  	v5 =	vmul.f32 v5, v15;
	_ =	sdelay $0x1  }
0xfa: {  	[tilespmem:v46+s28+$0x0] =	vst.idx.msk $0xffff, v5  }
0xfb: {  	v5 =	vld.idx.msk [tilespmem:v47+s21+$0x0], $0xffff  }
0xfc: {  	v49 =	vld.idx.msk [tilespmem:v48+s22+$0x0], $0xffff;
	_ =	sdelay $0x4  }
0xfd: {  	v5 =	vadd.f32 v49, v5;
	_ =	sdelay $0x1  }
0xfe: {  	v6 =	vmul.f32 $2.000000030e-01, v5  }
0xff: {  	vm14 =	vgt.f32 v5, $0.0e+00  }
0x100: {  	v5 =	vsel vm14, v5, v6  }
0x101: {  	v5 =	vmul.f32 $1.442695020e+00, v5;
	_ =	sdelay $0x1  }
0x102: {  	(erf) = vpow2.f32 v5;
	_ =	sdelay $0x5  }
0x103: {  	v50 =	vadd.s32 $0x20, v2;
	_ =	sdelay $0x2  }
0x104: {  	v51 =	vpop (erf)  }
0x105: {  	[tilespmem:v48+s26+$0x0] =	vst.idx.msk $0xffff, v51  }
0x106: {  	v5 =	vld.idx.msk [tilespmem:v50+s21+$0x0], $0xffff;
	_ =	sdelay $0x1  }
0x107: {  	v52 =	vor.u32 $0x20, v3  }
0x108: {  	v53 =	vadd.s32 $0x21, v2;
	_ =	sdelay $0x1  }
0x109: {  	v5 =	vmul.f32 v51, v5;
	_ =	sdelay $0x1  }
0x10a: {  	[tilespmem:v52+s28+$0x0] =	vst.idx.msk $0xffff, v5  }
0x10b: {  	v5 =	vld.idx.msk [tilespmem:v53+s21+$0x0], $0xffff;
	_ =	sdelay $0x1  }
0x10c: {  	v54 =	vor.u32 $0x21, v3  }
0x10d: {  	v55 =	vadd.s32 $0x22, v2;
	_ =	sdelay $0x1  }
0x10e: {  	v5 =	vmul.f32 v51, v5;
	_ =	sdelay $0x1  }
0x10f: {  	[tilespmem:v54+s28+$0x0] =	vst.idx.msk $0xffff, v5  }
0x110: {  	v5 =	vld.idx.msk [tilespmem:v55+s21+$0x0], $0xffff;
	_ =	sdelay $0x1  }
0x111: {  	v56 =	vor.u32 $0x22, v3  }
0x112: {  	v57 =	vadd.s32 $0x23, v2;
	_ =	sdelay $0x1  }
0x113: {  	v5 =	vmul.f32 v5, v51;
	_ =	sdelay $0x1  }
0x114: {  	[tilespmem:v56+s28+$0x0] =	vst.idx.msk $0xffff, v5  }
0x115: {  	v5 =	vld.idx.msk [tilespmem:v57+s21+$0x0], $0xffff;
	_ =	sdelay $0x1  }
0x116: {  	v58 =	vor.u32 $0x23, v3  }
0x117: {  	v59 =	vadd.s32 $0x24, v2;
	_ =	sdelay $0x1  }
0x118: {  	v5 =	vmul.f32 v5, v51;
	_ =	sdelay $0x1  }
0x119: {  	[tilespmem:v58+s28+$0x0] =	vst.idx.msk $0xffff, v5  }
0x11a: {  	v5 =	vld.idx.msk [tilespmem:v59+s21+$0x0], $0xffff;
	_ =	sdelay $0x1  }
0x11b: {  	v60 =	vor.u32 $0x24, v3  }
0x11c: {  	v61 =	vadd.s32 $0x25, v2;
	_ =	sdelay $0x1  }
0x11d: {  	v5 =	vmul.f32 v5, v51;
	_ =	sdelay $0x1  }
0x11e: {  	[tilespmem:v60+s28+$0x0] =	vst.idx.msk $0xffff, v5  }
0x11f: {  	v5 =	vld.idx.msk [tilespmem:v61+s21+$0x0], $0xffff;
	_ =	sdelay $0x1  }
0x120: {  	v62 =	vor.u32 $0x25, v3  }
0x121: {  	v63 =	vadd.s32 $0x26, v2;
	_ =	sdelay $0x1  }
0x122: {  	v5 =	vmul.f32 v5, v51;
	_ =	sdelay $0x1  }
0x123: {  	[tilespmem:v62+s28+$0x0] =	vst.idx.msk $0xffff, v5  }
0x124: {  	v5 =	vld.idx.msk [tilespmem:v63+s21+$0x0], $0xffff;
	_ =	sdelay $0x1  }
0x125: {  	v12 =	vor.u32 $0x26, v3  }
0x126: {  	v13 =	vadd.s32 $0x27, v2;
	_ =	sdelay $0x1  }
0x127: {  	v5 =	vmul.f32 v5, v51;
	_ =	sdelay $0x1  }
0x128: {  	[tilespmem:v12+s28+$0x0] =	vst.idx.msk $0xffff, v5  }
0x129: {  	v5 =	vld.idx.msk [tilespmem:v13+s21+$0x0], $0xffff;
	_ =	sdelay $0x1  }
0x12a: {  	v14 =	vor.u32 $0x27, v3  }
0x12b: {  	v15 =	vadd.s32 $0x28, v2;
	_ =	sdelay $0x1  }
0x12c: {  	v5 =	vmul.f32 v5, v51;
	_ =	sdelay $0x1  }
0x12d: {  	[tilespmem:v14+s28+$0x0] =	vst.idx.msk $0xffff, v5  }
0x12e: {  	v5 =	vld.idx.msk [tilespmem:v15+s21+$0x0], $0xffff;
	_ =	sdelay $0x1  }
0x12f: {  	v16 =	vor.u32 $0x28, v3  }
0x130: {  	v17 =	vadd.s32 $0x29, v2;
	_ =	sdelay $0x1  }
0x131: {  	v5 =	vmul.f32 v5, v51;
	_ =	sdelay $0x1  }
0x132: {  	[tilespmem:v16+s28+$0x0] =	vst.idx.msk $0xffff, v5  }
0x133: {  	v5 =	vld.idx.msk [tilespmem:v17+s21+$0x0], $0xffff;
	_ =	sdelay $0x1  }
0x134: {  	v18 =	vor.u32 $0x29, v3  }
0x135: {  	v19 =	vadd.s32 $0x2A, v2;
	_ =	sdelay $0x1  }
0x136: {  	v5 =	vmul.f32 v5, v51;
	_ =	sdelay $0x1  }
0x137: {  	[tilespmem:v18+s28+$0x0] =	vst.idx.msk $0xffff, v5  }
0x138: {  	v5 =	vld.idx.msk [tilespmem:v19+s21+$0x0], $0xffff;
	_ =	sdelay $0x1  }
0x139: {  	v20 =	vor.u32 $0x2A, v3  }
0x13a: {  	v21 =	vadd.s32 $0x2B, v2;
	_ =	sdelay $0x1  }
0x13b: {  	v5 =	vmul.f32 v5, v51;
	_ =	sdelay $0x1  }
0x13c: {  	[tilespmem:v20+s28+$0x0] =	vst.idx.msk $0xffff, v5  }
0x13d: {  	v5 =	vld.idx.msk [tilespmem:v21+s21+$0x0], $0xffff;
	_ =	sdelay $0x1  }
0x13e: {  	v22 =	vor.u32 $0x2B, v3  }
0x13f: {  	v23 =	vadd.s32 $0x2C, v2;
	_ =	sdelay $0x1  }
0x140: {  	v5 =	vmul.f32 v5, v51;
	_ =	sdelay $0x1  }
0x141: {  	[tilespmem:v22+s28+$0x0] =	vst.idx.msk $0xffff, v5  }
0x142: {  	v5 =	vld.idx.msk [tilespmem:v23+s21+$0x0], $0xffff;
	_ =	sdelay $0x1  }
0x143: {  	v24 =	vor.u32 $0x2C, v3  }
0x144: {  	v25 =	vadd.s32 $0x2D, v2;
	_ =	sdelay $0x1  }
0x145: {  	v5 =	vmul.f32 v5, v51;
	_ =	sdelay $0x1  }
0x146: {  	[tilespmem:v24+s28+$0x0] =	vst.idx.msk $0xffff, v5  }
0x147: {  	v5 =	vld.idx.msk [tilespmem:v25+s21+$0x0], $0xffff;
	_ =	sdelay $0x1  }
0x148: {  	v26 =	vor.u32 $0x2D, v3  }
0x149: {  	v27 =	vadd.s32 $0x2E, v2;
	_ =	sdelay $0x1  }
0x14a: {  	v5 =	vmul.f32 v5, v51;
	_ =	sdelay $0x1  }
0x14b: {  	[tilespmem:v26+s28+$0x0] =	vst.idx.msk $0xffff, v5  }
0x14c: {  	v5 =	vld.idx.msk [tilespmem:v27+s21+$0x0], $0xffff;
	_ =	sdelay $0x1  }
0x14d: {  	v28 =	vor.u32 $0x2E, v3  }
0x14e: {  	v29 =	vadd.s32 $0x2F, v2;
	_ =	sdelay $0x1  }
0x14f: {  	v5 =	vmul.f32 v5, v51;
	_ =	sdelay $0x1  }
0x150: {  	[tilespmem:v28+s28+$0x0] =	vst.idx.msk $0xffff, v5  }
0x151: {  	v5 =	vld.idx.msk [tilespmem:v29+s21+$0x0], $0xffff;
	_ =	sdelay $0x1  }
0x152: {  	v30 =	vor.u32 $0x2F, v3  }
0x153: {  	v31 =	vadd.s32 $0x43, v2  }
0x154: {  	v4 =	vor.u32 $0x3, v4  }
0x155: {  	v5 =	vmul.f32 v5, v51;
	_ =	sdelay $0x1  }
0x156: {  	[tilespmem:v30+s28+$0x0] =	vst.idx.msk $0xffff, v5  }
0x157: {  	v5 =	vld.idx.msk [tilespmem:v31+s21+$0x0], $0xffff  }
0x158: {  	v32 =	vld.idx.msk [tilespmem:v4+s22+$0x0], $0xffff;
	_ =	sdelay $0x4  }
0x159: {  	v5 =	vadd.f32 v32, v5;
	_ =	sdelay $0x1  }
0x15a: {  	v6 =	vmul.f32 $2.000000030e-01, v5  }
0x15b: {  	vm15 =	vgt.f32 v5, $0.0e+00  }
0x15c: {  	v5 =	vsel vm15, v5, v6  }
0x15d: {  	v5 =	vmul.f32 $1.442695020e+00, v5;
	_ =	sdelay $0x1  }
0x15e: {  	(erf) = vpow2.f32 v5;
	_ =	sdelay $0x5  }
0x15f: {  	v33 =	vadd.s32 $0x30, v2;
	_ =	sdelay $0x2  }
0x160: {  	v34 =	vpop (erf)  }
0x161: {  	[tilespmem:v4+s26+$0x0] =	vst.idx.msk $0xffff, v34  }
0x162: {  	v4 =	vld.idx.msk [tilespmem:v33+s21+$0x0], $0xffff;
	_ =	sdelay $0x1  }
0x163: {  	v35 =	vor.u32 $0x30, v3  }
0x164: {  	v36 =	vadd.s32 $0x31, v2;
	_ =	sdelay $0x1  }
0x165: {  	v4 =	vmul.f32 v34, v4;
	_ =	sdelay $0x1  }
0x166: {  	[tilespmem:v35+s28+$0x0] =	vst.idx.msk $0xffff, v4  }
0x167: {  	v4 =	vld.idx.msk [tilespmem:v36+s21+$0x0], $0xffff;
	_ =	sdelay $0x1  }
0x168: {  	v37 =	vor.u32 $0x31, v3  }
0x169: {  	v38 =	vadd.s32 $0x32, v2;
	_ =	sdelay $0x1  }
0x16a: {  	v4 =	vmul.f32 v34, v4;
	_ =	sdelay $0x1  }
0x16b: {  	[tilespmem:v37+s28+$0x0] =	vst.idx.msk $0xffff, v4  }
0x16c: {  	v4 =	vld.idx.msk [tilespmem:v38+s21+$0x0], $0xffff;
	_ =	sdelay $0x1  }
0x16d: {  	v39 =	vor.u32 $0x32, v3  }
0x16e: {  	v40 =	vadd.s32 $0x33, v2;
	_ =	sdelay $0x1  }
0x16f: {  	v4 =	vmul.f32 v4, v34;
	_ =	sdelay $0x1  }
0x170: {  	[tilespmem:v39+s28+$0x0] =	vst.idx.msk $0xffff, v4  }
0x171: {  	v4 =	vld.idx.msk [tilespmem:v40+s21+$0x0], $0xffff;
	_ =	sdelay $0x1  }
0x172: {  	v41 =	vor.u32 $0x33, v3  }
0x173: {  	v42 =	vadd.s32 $0x34, v2;
	_ =	sdelay $0x1  }
0x174: {  	v4 =	vmul.f32 v4, v34;
	_ =	sdelay $0x1  }
0x175: {  	[tilespmem:v41+s28+$0x0] =	vst.idx.msk $0xffff, v4  }
0x176: {  	v4 =	vld.idx.msk [tilespmem:v42+s21+$0x0], $0xffff;
	_ =	sdelay $0x1  }
0x177: {  	v43 =	vor.u32 $0x34, v3  }
0x178: {  	v44 =	vadd.s32 $0x35, v2;
	_ =	sdelay $0x1  }
0x179: {  	v4 =	vmul.f32 v4, v34;
	_ =	sdelay $0x1  }
0x17a: {  	[tilespmem:v43+s28+$0x0] =	vst.idx.msk $0xffff, v4  }
0x17b: {  	v4 =	vld.idx.msk [tilespmem:v44+s21+$0x0], $0xffff;
	_ =	sdelay $0x1  }
0x17c: {  	v45 =	vor.u32 $0x35, v3  }
0x17d: {  	v46 =	vadd.s32 $0x36, v2;
	_ =	sdelay $0x1  }
0x17e: {  	v4 =	vmul.f32 v4, v34;
	_ =	sdelay $0x1  }
0x17f: {  	[tilespmem:v45+s28+$0x0] =	vst.idx.msk $0xffff, v4  }
0x180: {  	v4 =	vld.idx.msk [tilespmem:v46+s21+$0x0], $0xffff;
	_ =	sdelay $0x1  }
0x181: {  	v47 =	vor.u32 $0x36, v3  }
0x182: {  	v48 =	vadd.s32 $0x37, v2;
	_ =	sdelay $0x1  }
0x183: {  	v4 =	vmul.f32 v4, v34;
	_ =	sdelay $0x1  }
0x184: {  	[tilespmem:v47+s28+$0x0] =	vst.idx.msk $0xffff, v4  }
0x185: {  	v4 =	vld.idx.msk [tilespmem:v48+s21+$0x0], $0xffff;
	_ =	sdelay $0x1  }
0x186: {  	v49 =	vor.u32 $0x37, v3  }
0x187: {  	v50 =	vadd.s32 $0x38, v2;
	_ =	sdelay $0x1  }
0x188: {  	v4 =	vmul.f32 v4, v34;
	_ =	sdelay $0x1  }
0x189: {  	[tilespmem:v49+s28+$0x0] =	vst.idx.msk $0xffff, v4  }
0x18a: {  	v4 =	vld.idx.msk [tilespmem:v50+s21+$0x0], $0xffff;
	_ =	sdelay $0x1  }
0x18b: {  	v51 =	vor.u32 $0x38, v3  }
0x18c: {  	v52 =	vadd.s32 $0x39, v2;
	_ =	sdelay $0x1  }
0x18d: {  	v4 =	vmul.f32 v4, v34;
	_ =	sdelay $0x1  }
0x18e: {  	[tilespmem:v51+s28+$0x0] =	vst.idx.msk $0xffff, v4  }
0x18f: {  	v4 =	vld.idx.msk [tilespmem:v52+s21+$0x0], $0xffff;
	_ =	sdelay $0x1  }
0x190: {  	v53 =	vor.u32 $0x39, v3  }
0x191: {  	v54 =	vadd.s32 $0x3A, v2;
	_ =	sdelay $0x1  }
0x192: {  	v4 =	vmul.f32 v4, v34;
	_ =	sdelay $0x1  }
0x193: {  	[tilespmem:v53+s28+$0x0] =	vst.idx.msk $0xffff, v4  }
0x194: {  	v4 =	vld.idx.msk [tilespmem:v54+s21+$0x0], $0xffff;
	_ =	sdelay $0x1  }
0x195: {  	v55 =	vor.u32 $0x3A, v3  }
0x196: {  	v56 =	vadd.s32 $0x3B, v2;
	_ =	sdelay $0x1  }
0x197: {  	v4 =	vmul.f32 v4, v34;
	_ =	sdelay $0x1  }
0x198: {  	[tilespmem:v55+s28+$0x0] =	vst.idx.msk $0xffff, v4  }
0x199: {  	v4 =	vld.idx.msk [tilespmem:v56+s21+$0x0], $0xffff;
	_ =	sdelay $0x1  }
0x19a: {  	v57 =	vor.u32 $0x3B, v3  }
0x19b: {  	v58 =	vadd.s32 $0x3C, v2;
	_ =	sdelay $0x1  }
0x19c: {  	v4 =	vmul.f32 v4, v34;
	_ =	sdelay $0x1  }
0x19d: {  	[tilespmem:v57+s28+$0x0] =	vst.idx.msk $0xffff, v4  }
0x19e: {  	v4 =	vld.idx.msk [tilespmem:v58+s21+$0x0], $0xffff;
	_ =	sdelay $0x1  }
0x19f: {  	v59 =	vor.u32 $0x3C, v3  }
0x1a0: {  	v60 =	vadd.s32 $0x3D, v2;
	_ =	sdelay $0x1  }
0x1a1: {  	v4 =	vmul.f32 v4, v34;
	_ =	sdelay $0x1  }
0x1a2: {  	[tilespmem:v59+s28+$0x0] =	vst.idx.msk $0xffff, v4  }
0x1a3: {  	v4 =	vld.idx.msk [tilespmem:v60+s21+$0x0], $0xffff;
	_ =	sdelay $0x1  }
0x1a4: {  	v61 =	vor.u32 $0x3D, v3  }
0x1a5: {  	v62 =	vadd.s32 $0x3E, v2;
	_ =	sdelay $0x1  }
0x1a6: {  	v4 =	vmul.f32 v4, v34;
	_ =	sdelay $0x1  }
0x1a7: {  	[tilespmem:v61+s28+$0x0] =	vst.idx.msk $0xffff, v4  }
0x1a8: {  	v4 =	vld.idx.msk [tilespmem:v62+s21+$0x0], $0xffff;
	_ =	sdelay $0x1  }
0x1a9: {  	v63 =	vor.u32 $0x3E, v3  }
0x1aa: {  	v2 =	vadd.s32 $0x3F, v2;
	_ =	sdelay $0x1  }
0x1ab: {  	v4 =	vmul.f32 v4, v34;
	_ =	sdelay $0x1  }
0x1ac: {  	[tilespmem:v63+s28+$0x0] =	vst.idx.msk $0xffff, v4  }
0x1ad: {  	v2 =	vld.idx.msk [tilespmem:v2+s21+$0x0], $0xffff;
	_ =	sdelay $0x1  }
0x1ae: {  	p0 =	sne.s32 s13, $0x70;
	v3 =	vor.u32 $0x3F, v3  }
.Ltmp1:
0x1af: {  	_ = 	snop;
	(pc) =	sbr.rel @p0 .LBB2_6-.Ltmp1, $3  }
0x1b0: {  	_ = 	snop  }
0x1b1: {  	v2 =	vmul.f32 v2, v34;
	_ =	sdelay $0x1  }
0x1b2: {  	s13 =	sadd.s32 $0x10, s13;
	[tilespmem:v3+s28+$0x0] =	vst.idx.msk $0xffff, v2  }
0x1b3: {  	s13 =	sand.u32 $0x3FFFFF00, s11  }
0x1b4: {  	s13 =	sadd.s32 $0x480, s13  }
0x1b5: {  	[spmem:s1] =	stream.indirect.scatter.add.f32 [tilespmem:s28], [sflag:$0x3], $0x40, s13, s20, $0xb8;
	[tilespmem:$0x15900] =	vst v63  }
0x1b6: {  	_ =	swait.ge [sflag:s17], $0x2000  }
0x1b7: {  	[sflag:s17] =	ssyncset.done $0x0  }
0x1b8: {  	[sflag:s17] =	ssyncadd.s32 $0xFFFFE000  }
0x1b9: {  	[spmem:s3] =	stream.indirect.scatter.add.f32 [tilespmem:s26], [sflag:$0x3], $0x10, s13, s20, $0xb8;
	[tilespmem:$0x15900] =	vst v63  }
0x1ba: {  	_ =	swait.ge [sflag:s17], $0x800  }
0x1bb: {  	[sflag:s17] =	ssyncset.done $0x0  }
0x1bc: {  	s13 =	sadd.s32 $0x100, s11;
	[sflag:s17] =	ssyncadd.s32 $0xFFFFF800  }
0x1bd: {  	[tilespmem:s21], [sflag:$0x1] =	stream.indirect.gather [hbm4b:s5+s20], $0x50, s13, s20, $0xb8;
	[tilespmem:$0x15900] =	vst v63  }
0x1be: {  	s13 =	sadd.s32 $0x580, s11  }
0x1bf: {  	[tilespmem:s22], [sflag:$0x1] =	stream.indirect.gather [hbm4b:s6+s20], $0x10, s13, s20, $0xb8;
	[tilespmem:$0x15900] =	vst v63  }
0x1c0: {  	_ =	swait.ge [sflag:s29], $0x2800  }
0x1c1: {  	[sflag:s29] =	ssyncset.done $0x0  }
0x1c2: {  	[sflag:s29] =	ssyncadd.s32 $0xFFFFD800  }
0x1c3: {  	_ =	swait.ge [sflag:s29], $0x800  }
0x1c4: {  	[sflag:s29] =	ssyncset.done $0x0  }
0x1c5: {  	s11 =	simm.s32 $0x0;
	[sflag:s29] =	ssyncadd.s32 $0xFFFFF800  }
.LBB2_8:
0x1c6: {  	v3 =	vor.u32 s11, v1  }
0x1c7: {  	v2 =	vmul.u32 $0x50, v3  }
0x1c8: {  	v4 =	vshll.u32 v3, $0x4  }
0x1c9: {  	v5 =	vadd.s32 $0x40, v2;
	_ =	sdelay $0x3  }
0x1ca: {  	v6 =	vld.idx.msk [tilespmem:v4+s24+$0x0], $0xffff  }
0x1cb: {  	v5 =	vld.idx.msk [tilespmem:v5+s23+$0x0], $0xffff;
	_ =	sdelay $0x4  }
0x1cc: {  	v5 =	vadd.f32 v6, v5;
	_ =	sdelay $0x1  }
0x1cd: {  	v6 =	vmul.f32 $2.000000030e-01, v5  }
0x1ce: {  	vm0 =	vgt.f32 v5, $0.0e+00  }
0x1cf: {  	v5 =	vsel vm0, v5, v6  }
0x1d0: {  	v5 =	vmul.f32 $1.442695020e+00, v5;
	_ =	sdelay $0x1  }
0x1d1: {  	(erf) = vpow2.f32 v5;
	_ =	sdelay $0x8  }
0x1d2: {  	v5 =	vpop (erf)  }
0x1d3: {  	[tilespmem:v4+s26+$0x0] =	vst.idx.msk $0xffff, v5  }
0x1d4: {  	v35 =	vld.idx.msk [tilespmem:v2+s23+$0x0], $0xffff;
	_ =	sdelay $0x1  }
0x1d5: {  	v3 =	vshll.u32 v3, $0x6  }
0x1d6: {  	v7 =	vor.u32 $0x1, v2;
	_ =	sdelay $0x1  }
0x1d7: {  	v6 =	vmul.f32 v5, v35;
	_ =	sdelay $0x1  }
0x1d8: {  	[tilespmem:v3+s28+$0x0] =	vst.idx.msk $0xffff, v6  }
0x1d9: {  	v6 =	vld.idx.msk [tilespmem:v7+s23+$0x0], $0xffff;
	_ =	sdelay $0x1  }
0x1da: {  	v36 =	vor.u32 $0x1, v3  }
0x1db: {  	v8 =	vor.u32 $0x2, v2;
	_ =	sdelay $0x1  }
0x1dc: {  	v6 =	vmul.f32 v5, v6;
	_ =	sdelay $0x1  }
0x1dd: {  	[tilespmem:v36+s28+$0x0] =	vst.idx.msk $0xffff, v6  }
0x1de: {  	v6 =	vld.idx.msk [tilespmem:v8+s23+$0x0], $0xffff;
	_ =	sdelay $0x1  }
0x1df: {  	v37 =	vor.u32 $0x2, v3  }
0x1e0: {  	v38 =	vor.u32 $0x3, v2;
	_ =	sdelay $0x1  }
0x1e1: {  	v6 =	vmul.f32 v6, v5;
	_ =	sdelay $0x1  }
0x1e2: {  	[tilespmem:v37+s28+$0x0] =	vst.idx.msk $0xffff, v6  }
0x1e3: {  	v6 =	vld.idx.msk [tilespmem:v38+s23+$0x0], $0xffff;
	_ =	sdelay $0x1  }
0x1e4: {  	v39 =	vor.u32 $0x3, v3  }
0x1e5: {  	v40 =	vor.u32 $0x4, v2;
	_ =	sdelay $0x1  }
0x1e6: {  	v6 =	vmul.f32 v6, v5;
	_ =	sdelay $0x1  }
0x1e7: {  	[tilespmem:v39+s28+$0x0] =	vst.idx.msk $0xffff, v6  }
0x1e8: {  	v6 =	vld.idx.msk [tilespmem:v40+s23+$0x0], $0xffff;
	_ =	sdelay $0x1  }
0x1e9: {  	v41 =	vor.u32 $0x4, v3  }
0x1ea: {  	v42 =	vor.u32 $0x5, v2;
	_ =	sdelay $0x1  }
0x1eb: {  	v6 =	vmul.f32 v6, v5;
	_ =	sdelay $0x1  }
0x1ec: {  	[tilespmem:v41+s28+$0x0] =	vst.idx.msk $0xffff, v6  }
0x1ed: {  	v6 =	vld.idx.msk [tilespmem:v42+s23+$0x0], $0xffff;
	_ =	sdelay $0x1  }
0x1ee: {  	v43 =	vor.u32 $0x5, v3  }
0x1ef: {  	v44 =	vor.u32 $0x6, v2;
	_ =	sdelay $0x1  }
0x1f0: {  	v6 =	vmul.f32 v6, v5;
	_ =	sdelay $0x1  }
0x1f1: {  	[tilespmem:v43+s28+$0x0] =	vst.idx.msk $0xffff, v6  }
0x1f2: {  	v6 =	vld.idx.msk [tilespmem:v44+s23+$0x0], $0xffff;
	_ =	sdelay $0x1  }
0x1f3: {  	v45 =	vor.u32 $0x6, v3  }
0x1f4: {  	v46 =	vor.u32 $0x7, v2;
	_ =	sdelay $0x1  }
0x1f5: {  	v6 =	vmul.f32 v6, v5;
	_ =	sdelay $0x1  }
0x1f6: {  	[tilespmem:v45+s28+$0x0] =	vst.idx.msk $0xffff, v6  }
0x1f7: {  	v6 =	vld.idx.msk [tilespmem:v46+s23+$0x0], $0xffff;
	_ =	sdelay $0x1  }
0x1f8: {  	v47 =	vor.u32 $0x7, v3  }
0x1f9: {  	v48 =	vor.u32 $0x8, v2;
	_ =	sdelay $0x1  }
0x1fa: {  	v6 =	vmul.f32 v6, v5;
	_ =	sdelay $0x1  }
0x1fb: {  	[tilespmem:v47+s28+$0x0] =	vst.idx.msk $0xffff, v6  }
0x1fc: {  	v6 =	vld.idx.msk [tilespmem:v48+s23+$0x0], $0xffff;
	_ =	sdelay $0x1  }
0x1fd: {  	v49 =	vor.u32 $0x8, v3  }
0x1fe: {  	v50 =	vor.u32 $0x9, v2;
	_ =	sdelay $0x1  }
0x1ff: {  	v6 =	vmul.f32 v6, v5;
	_ =	sdelay $0x1  }
0x200: {  	[tilespmem:v49+s28+$0x0] =	vst.idx.msk $0xffff, v6  }
0x201: {  	v6 =	vld.idx.msk [tilespmem:v50+s23+$0x0], $0xffff;
	_ =	sdelay $0x1  }
0x202: {  	v51 =	vor.u32 $0x9, v3  }
0x203: {  	v52 =	vor.u32 $0xA, v2;
	_ =	sdelay $0x1  }
0x204: {  	v6 =	vmul.f32 v6, v5;
	_ =	sdelay $0x1  }
0x205: {  	[tilespmem:v51+s28+$0x0] =	vst.idx.msk $0xffff, v6  }
0x206: {  	v6 =	vld.idx.msk [tilespmem:v52+s23+$0x0], $0xffff;
	_ =	sdelay $0x1  }
0x207: {  	v53 =	vor.u32 $0xA, v3  }
0x208: {  	v54 =	vor.u32 $0xB, v2;
	_ =	sdelay $0x1  }
0x209: {  	v6 =	vmul.f32 v6, v5;
	_ =	sdelay $0x1  }
0x20a: {  	[tilespmem:v53+s28+$0x0] =	vst.idx.msk $0xffff, v6  }
0x20b: {  	v6 =	vld.idx.msk [tilespmem:v54+s23+$0x0], $0xffff;
	_ =	sdelay $0x1  }
0x20c: {  	v55 =	vor.u32 $0xB, v3  }
0x20d: {  	v56 =	vor.u32 $0xC, v2;
	_ =	sdelay $0x1  }
0x20e: {  	v6 =	vmul.f32 v6, v5;
	_ =	sdelay $0x1  }
0x20f: {  	[tilespmem:v55+s28+$0x0] =	vst.idx.msk $0xffff, v6  }
0x210: {  	v6 =	vld.idx.msk [tilespmem:v56+s23+$0x0], $0xffff;
	_ =	sdelay $0x1  }
0x211: {  	v57 =	vor.u32 $0xC, v3  }
0x212: {  	v58 =	vor.u32 $0xD, v2;
	_ =	sdelay $0x1  }
0x213: {  	v6 =	vmul.f32 v6, v5;
	_ =	sdelay $0x1  }
0x214: {  	[tilespmem:v57+s28+$0x0] =	vst.idx.msk $0xffff, v6  }
0x215: {  	v6 =	vld.idx.msk [tilespmem:v58+s23+$0x0], $0xffff;
	_ =	sdelay $0x1  }
0x216: {  	v59 =	vor.u32 $0xD, v3  }
0x217: {  	v60 =	vor.u32 $0xE, v2;
	_ =	sdelay $0x1  }
0x218: {  	v6 =	vmul.f32 v6, v5;
	_ =	sdelay $0x1  }
0x219: {  	[tilespmem:v59+s28+$0x0] =	vst.idx.msk $0xffff, v6  }
0x21a: {  	v6 =	vld.idx.msk [tilespmem:v60+s23+$0x0], $0xffff;
	_ =	sdelay $0x1  }
0x21b: {  	v61 =	vor.u32 $0xE, v3  }
0x21c: {  	v62 =	vor.u32 $0xF, v2;
	_ =	sdelay $0x1  }
0x21d: {  	v6 =	vmul.f32 v6, v5;
	_ =	sdelay $0x1  }
0x21e: {  	[tilespmem:v61+s28+$0x0] =	vst.idx.msk $0xffff, v6  }
0x21f: {  	v6 =	vld.idx.msk [tilespmem:v62+s23+$0x0], $0xffff;
	_ =	sdelay $0x1  }
0x220: {  	v63 =	vor.u32 $0xF, v3  }
0x221: {  	v12 =	vadd.s32 $0x41, v2  }
0x222: {  	v9 =	vor.u32 $0x1, v4  }
0x223: {  	v5 =	vmul.f32 v6, v5;
	_ =	sdelay $0x1  }
0x224: {  	[tilespmem:v63+s28+$0x0] =	vst.idx.msk $0xffff, v5  }
0x225: {  	v5 =	vld.idx.msk [tilespmem:v12+s23+$0x0], $0xffff  }
0x226: {  	v13 =	vld.idx.msk [tilespmem:v9+s24+$0x0], $0xffff;
	_ =	sdelay $0x4  }
0x227: {  	v5 =	vadd.f32 v13, v5;
	_ =	sdelay $0x1  }
0x228: {  	v6 =	vmul.f32 $2.000000030e-01, v5  }
0x229: {  	vm13 =	vgt.f32 v5, $0.0e+00  }
0x22a: {  	v5 =	vsel vm13, v5, v6  }
0x22b: {  	v5 =	vmul.f32 $1.442695020e+00, v5;
	_ =	sdelay $0x1  }
0x22c: {  	(erf) = vpow2.f32 v5;
	_ =	sdelay $0x5  }
0x22d: {  	v14 =	vadd.s32 $0x10, v2;
	_ =	sdelay $0x2  }
0x22e: {  	v15 =	vpop (erf)  }
0x22f: {  	[tilespmem:v9+s26+$0x0] =	vst.idx.msk $0xffff, v15  }
0x230: {  	v5 =	vld.idx.msk [tilespmem:v14+s23+$0x0], $0xffff;
	_ =	sdelay $0x1  }
0x231: {  	v16 =	vor.u32 $0x10, v3  }
0x232: {  	v17 =	vadd.s32 $0x11, v2;
	_ =	sdelay $0x1  }
0x233: {  	v5 =	vmul.f32 v15, v5;
	_ =	sdelay $0x1  }
0x234: {  	[tilespmem:v16+s28+$0x0] =	vst.idx.msk $0xffff, v5  }
0x235: {  	v5 =	vld.idx.msk [tilespmem:v17+s23+$0x0], $0xffff;
	_ =	sdelay $0x1  }
0x236: {  	v18 =	vor.u32 $0x11, v3  }
0x237: {  	v19 =	vadd.s32 $0x12, v2;
	_ =	sdelay $0x1  }
0x238: {  	v5 =	vmul.f32 v15, v5;
	_ =	sdelay $0x1  }
0x239: {  	[tilespmem:v18+s28+$0x0] =	vst.idx.msk $0xffff, v5  }
0x23a: {  	v5 =	vld.idx.msk [tilespmem:v19+s23+$0x0], $0xffff;
	_ =	sdelay $0x1  }
0x23b: {  	v20 =	vor.u32 $0x12, v3  }
0x23c: {  	v21 =	vadd.s32 $0x13, v2;
	_ =	sdelay $0x1  }
0x23d: {  	v5 =	vmul.f32 v5, v15;
	_ =	sdelay $0x1  }
0x23e: {  	[tilespmem:v20+s28+$0x0] =	vst.idx.msk $0xffff, v5  }
0x23f: {  	v5 =	vld.idx.msk [tilespmem:v21+s23+$0x0], $0xffff;
	_ =	sdelay $0x1  }
0x240: {  	v22 =	vor.u32 $0x13, v3  }
0x241: {  	v23 =	vadd.s32 $0x14, v2;
	_ =	sdelay $0x1  }
0x242: {  	v5 =	vmul.f32 v5, v15;
	_ =	sdelay $0x1  }
0x243: {  	[tilespmem:v22+s28+$0x0] =	vst.idx.msk $0xffff, v5  }
0x244: {  	v5 =	vld.idx.msk [tilespmem:v23+s23+$0x0], $0xffff;
	_ =	sdelay $0x1  }
0x245: {  	v24 =	vor.u32 $0x14, v3  }
0x246: {  	v25 =	vadd.s32 $0x15, v2;
	_ =	sdelay $0x1  }
0x247: {  	v5 =	vmul.f32 v5, v15;
	_ =	sdelay $0x1  }
0x248: {  	[tilespmem:v24+s28+$0x0] =	vst.idx.msk $0xffff, v5  }
0x249: {  	v5 =	vld.idx.msk [tilespmem:v25+s23+$0x0], $0xffff;
	_ =	sdelay $0x1  }
0x24a: {  	v26 =	vor.u32 $0x15, v3  }
0x24b: {  	v27 =	vadd.s32 $0x16, v2;
	_ =	sdelay $0x1  }
0x24c: {  	v5 =	vmul.f32 v5, v15;
	_ =	sdelay $0x1  }
0x24d: {  	[tilespmem:v26+s28+$0x0] =	vst.idx.msk $0xffff, v5  }
0x24e: {  	v5 =	vld.idx.msk [tilespmem:v27+s23+$0x0], $0xffff;
	_ =	sdelay $0x1  }
0x24f: {  	v28 =	vor.u32 $0x16, v3  }
0x250: {  	v29 =	vadd.s32 $0x17, v2;
	_ =	sdelay $0x1  }
0x251: {  	v5 =	vmul.f32 v5, v15;
	_ =	sdelay $0x1  }
0x252: {  	[tilespmem:v28+s28+$0x0] =	vst.idx.msk $0xffff, v5  }
0x253: {  	v5 =	vld.idx.msk [tilespmem:v29+s23+$0x0], $0xffff;
	_ =	sdelay $0x1  }
0x254: {  	v30 =	vor.u32 $0x17, v3  }
0x255: {  	v31 =	vadd.s32 $0x18, v2;
	_ =	sdelay $0x1  }
0x256: {  	v5 =	vmul.f32 v5, v15;
	_ =	sdelay $0x1  }
0x257: {  	[tilespmem:v30+s28+$0x0] =	vst.idx.msk $0xffff, v5  }
0x258: {  	v5 =	vld.idx.msk [tilespmem:v31+s23+$0x0], $0xffff;
	_ =	sdelay $0x1  }
0x259: {  	v32 =	vor.u32 $0x18, v3  }
0x25a: {  	v33 =	vadd.s32 $0x19, v2;
	_ =	sdelay $0x1  }
0x25b: {  	v5 =	vmul.f32 v5, v15;
	_ =	sdelay $0x1  }
0x25c: {  	[tilespmem:v32+s28+$0x0] =	vst.idx.msk $0xffff, v5  }
0x25d: {  	v5 =	vld.idx.msk [tilespmem:v33+s23+$0x0], $0xffff;
	_ =	sdelay $0x1  }
0x25e: {  	v34 =	vor.u32 $0x19, v3  }
0x25f: {  	v35 =	vadd.s32 $0x1A, v2;
	_ =	sdelay $0x1  }
0x260: {  	v5 =	vmul.f32 v5, v15;
	_ =	sdelay $0x1  }
0x261: {  	[tilespmem:v34+s28+$0x0] =	vst.idx.msk $0xffff, v5  }
0x262: {  	v5 =	vld.idx.msk [tilespmem:v35+s23+$0x0], $0xffff;
	_ =	sdelay $0x1  }
0x263: {  	v36 =	vor.u32 $0x1A, v3  }
0x264: {  	v37 =	vadd.s32 $0x1B, v2;
	_ =	sdelay $0x1  }
0x265: {  	v5 =	vmul.f32 v5, v15;
	_ =	sdelay $0x1  }
0x266: {  	[tilespmem:v36+s28+$0x0] =	vst.idx.msk $0xffff, v5  }
0x267: {  	v5 =	vld.idx.msk [tilespmem:v37+s23+$0x0], $0xffff;
	_ =	sdelay $0x1  }
0x268: {  	v38 =	vor.u32 $0x1B, v3  }
0x269: {  	v39 =	vadd.s32 $0x1C, v2;
	_ =	sdelay $0x1  }
0x26a: {  	v5 =	vmul.f32 v5, v15;
	_ =	sdelay $0x1  }
0x26b: {  	[tilespmem:v38+s28+$0x0] =	vst.idx.msk $0xffff, v5  }
0x26c: {  	v5 =	vld.idx.msk [tilespmem:v39+s23+$0x0], $0xffff;
	_ =	sdelay $0x1  }
0x26d: {  	v40 =	vor.u32 $0x1C, v3  }
0x26e: {  	v41 =	vadd.s32 $0x1D, v2;
	_ =	sdelay $0x1  }
0x26f: {  	v5 =	vmul.f32 v5, v15;
	_ =	sdelay $0x1  }
0x270: {  	[tilespmem:v40+s28+$0x0] =	vst.idx.msk $0xffff, v5  }
0x271: {  	v5 =	vld.idx.msk [tilespmem:v41+s23+$0x0], $0xffff;
	_ =	sdelay $0x1  }
0x272: {  	v42 =	vor.u32 $0x1D, v3  }
0x273: {  	v43 =	vadd.s32 $0x1E, v2;
	_ =	sdelay $0x1  }
0x274: {  	v5 =	vmul.f32 v5, v15;
	_ =	sdelay $0x1  }
0x275: {  	[tilespmem:v42+s28+$0x0] =	vst.idx.msk $0xffff, v5  }
0x276: {  	v5 =	vld.idx.msk [tilespmem:v43+s23+$0x0], $0xffff;
	_ =	sdelay $0x1  }
0x277: {  	v44 =	vor.u32 $0x1E, v3  }
0x278: {  	v45 =	vadd.s32 $0x1F, v2;
	_ =	sdelay $0x1  }
0x279: {  	v5 =	vmul.f32 v5, v15;
	_ =	sdelay $0x1  }
0x27a: {  	[tilespmem:v44+s28+$0x0] =	vst.idx.msk $0xffff, v5  }
0x27b: {  	v5 =	vld.idx.msk [tilespmem:v45+s23+$0x0], $0xffff;
	_ =	sdelay $0x1  }
0x27c: {  	v46 =	vor.u32 $0x1F, v3  }
0x27d: {  	v47 =	vadd.s32 $0x42, v2  }
0x27e: {  	v48 =	vor.u32 $0x2, v4  }
0x27f: {  	v5 =	vmul.f32 v5, v15;
	_ =	sdelay $0x1  }
0x280: {  	[tilespmem:v46+s28+$0x0] =	vst.idx.msk $0xffff, v5  }
0x281: {  	v5 =	vld.idx.msk [tilespmem:v47+s23+$0x0], $0xffff  }
0x282: {  	v49 =	vld.idx.msk [tilespmem:v48+s24+$0x0], $0xffff;
	_ =	sdelay $0x4  }
0x283: {  	v5 =	vadd.f32 v49, v5;
	_ =	sdelay $0x1  }
0x284: {  	v6 =	vmul.f32 $2.000000030e-01, v5  }
0x285: {  	vm14 =	vgt.f32 v5, $0.0e+00  }
0x286: {  	v5 =	vsel vm14, v5, v6  }
0x287: {  	v5 =	vmul.f32 $1.442695020e+00, v5;
	_ =	sdelay $0x1  }
0x288: {  	(erf) = vpow2.f32 v5;
	_ =	sdelay $0x5  }
0x289: {  	v50 =	vadd.s32 $0x20, v2;
	_ =	sdelay $0x2  }
0x28a: {  	v51 =	vpop (erf)  }
0x28b: {  	[tilespmem:v48+s26+$0x0] =	vst.idx.msk $0xffff, v51  }
0x28c: {  	v5 =	vld.idx.msk [tilespmem:v50+s23+$0x0], $0xffff;
	_ =	sdelay $0x1  }
0x28d: {  	v52 =	vor.u32 $0x20, v3  }
0x28e: {  	v53 =	vadd.s32 $0x21, v2;
	_ =	sdelay $0x1  }
0x28f: {  	v5 =	vmul.f32 v51, v5;
	_ =	sdelay $0x1  }
0x290: {  	[tilespmem:v52+s28+$0x0] =	vst.idx.msk $0xffff, v5  }
0x291: {  	v5 =	vld.idx.msk [tilespmem:v53+s23+$0x0], $0xffff;
	_ =	sdelay $0x1  }
0x292: {  	v54 =	vor.u32 $0x21, v3  }
0x293: {  	v55 =	vadd.s32 $0x22, v2;
	_ =	sdelay $0x1  }
0x294: {  	v5 =	vmul.f32 v51, v5;
	_ =	sdelay $0x1  }
0x295: {  	[tilespmem:v54+s28+$0x0] =	vst.idx.msk $0xffff, v5  }
0x296: {  	v5 =	vld.idx.msk [tilespmem:v55+s23+$0x0], $0xffff;
	_ =	sdelay $0x1  }
0x297: {  	v56 =	vor.u32 $0x22, v3  }
0x298: {  	v57 =	vadd.s32 $0x23, v2;
	_ =	sdelay $0x1  }
0x299: {  	v5 =	vmul.f32 v5, v51;
	_ =	sdelay $0x1  }
0x29a: {  	[tilespmem:v56+s28+$0x0] =	vst.idx.msk $0xffff, v5  }
0x29b: {  	v5 =	vld.idx.msk [tilespmem:v57+s23+$0x0], $0xffff;
	_ =	sdelay $0x1  }
0x29c: {  	v58 =	vor.u32 $0x23, v3  }
0x29d: {  	v59 =	vadd.s32 $0x24, v2;
	_ =	sdelay $0x1  }
0x29e: {  	v5 =	vmul.f32 v5, v51;
	_ =	sdelay $0x1  }
0x29f: {  	[tilespmem:v58+s28+$0x0] =	vst.idx.msk $0xffff, v5  }
0x2a0: {  	v5 =	vld.idx.msk [tilespmem:v59+s23+$0x0], $0xffff;
	_ =	sdelay $0x1  }
0x2a1: {  	v60 =	vor.u32 $0x24, v3  }
0x2a2: {  	v61 =	vadd.s32 $0x25, v2;
	_ =	sdelay $0x1  }
0x2a3: {  	v5 =	vmul.f32 v5, v51;
	_ =	sdelay $0x1  }
0x2a4: {  	[tilespmem:v60+s28+$0x0] =	vst.idx.msk $0xffff, v5  }
0x2a5: {  	v5 =	vld.idx.msk [tilespmem:v61+s23+$0x0], $0xffff;
	_ =	sdelay $0x1  }
0x2a6: {  	v62 =	vor.u32 $0x25, v3  }
0x2a7: {  	v63 =	vadd.s32 $0x26, v2;
	_ =	sdelay $0x1  }
0x2a8: {  	v5 =	vmul.f32 v5, v51;
	_ =	sdelay $0x1  }
0x2a9: {  	[tilespmem:v62+s28+$0x0] =	vst.idx.msk $0xffff, v5  }
0x2aa: {  	v5 =	vld.idx.msk [tilespmem:v63+s23+$0x0], $0xffff;
	_ =	sdelay $0x1  }
0x2ab: {  	v12 =	vor.u32 $0x26, v3  }
0x2ac: {  	v13 =	vadd.s32 $0x27, v2;
	_ =	sdelay $0x1  }
0x2ad: {  	v5 =	vmul.f32 v5, v51;
	_ =	sdelay $0x1  }
0x2ae: {  	[tilespmem:v12+s28+$0x0] =	vst.idx.msk $0xffff, v5  }
0x2af: {  	v5 =	vld.idx.msk [tilespmem:v13+s23+$0x0], $0xffff;
	_ =	sdelay $0x1  }
0x2b0: {  	v14 =	vor.u32 $0x27, v3  }
0x2b1: {  	v15 =	vadd.s32 $0x28, v2;
	_ =	sdelay $0x1  }
0x2b2: {  	v5 =	vmul.f32 v5, v51;
	_ =	sdelay $0x1  }
0x2b3: {  	[tilespmem:v14+s28+$0x0] =	vst.idx.msk $0xffff, v5  }
0x2b4: {  	v5 =	vld.idx.msk [tilespmem:v15+s23+$0x0], $0xffff;
	_ =	sdelay $0x1  }
0x2b5: {  	v16 =	vor.u32 $0x28, v3  }
0x2b6: {  	v17 =	vadd.s32 $0x29, v2;
	_ =	sdelay $0x1  }
0x2b7: {  	v5 =	vmul.f32 v5, v51;
	_ =	sdelay $0x1  }
0x2b8: {  	[tilespmem:v16+s28+$0x0] =	vst.idx.msk $0xffff, v5  }
0x2b9: {  	v5 =	vld.idx.msk [tilespmem:v17+s23+$0x0], $0xffff;
	_ =	sdelay $0x1  }
0x2ba: {  	v18 =	vor.u32 $0x29, v3  }
0x2bb: {  	v19 =	vadd.s32 $0x2A, v2;
	_ =	sdelay $0x1  }
0x2bc: {  	v5 =	vmul.f32 v5, v51;
	_ =	sdelay $0x1  }
0x2bd: {  	[tilespmem:v18+s28+$0x0] =	vst.idx.msk $0xffff, v5  }
0x2be: {  	v5 =	vld.idx.msk [tilespmem:v19+s23+$0x0], $0xffff;
	_ =	sdelay $0x1  }
0x2bf: {  	v20 =	vor.u32 $0x2A, v3  }
0x2c0: {  	v21 =	vadd.s32 $0x2B, v2;
	_ =	sdelay $0x1  }
0x2c1: {  	v5 =	vmul.f32 v5, v51;
	_ =	sdelay $0x1  }
0x2c2: {  	[tilespmem:v20+s28+$0x0] =	vst.idx.msk $0xffff, v5  }
0x2c3: {  	v5 =	vld.idx.msk [tilespmem:v21+s23+$0x0], $0xffff;
	_ =	sdelay $0x1  }
0x2c4: {  	v22 =	vor.u32 $0x2B, v3  }
0x2c5: {  	v23 =	vadd.s32 $0x2C, v2;
	_ =	sdelay $0x1  }
0x2c6: {  	v5 =	vmul.f32 v5, v51;
	_ =	sdelay $0x1  }
0x2c7: {  	[tilespmem:v22+s28+$0x0] =	vst.idx.msk $0xffff, v5  }
0x2c8: {  	v5 =	vld.idx.msk [tilespmem:v23+s23+$0x0], $0xffff;
	_ =	sdelay $0x1  }
0x2c9: {  	v24 =	vor.u32 $0x2C, v3  }
0x2ca: {  	v25 =	vadd.s32 $0x2D, v2;
	_ =	sdelay $0x1  }
0x2cb: {  	v5 =	vmul.f32 v5, v51;
	_ =	sdelay $0x1  }
0x2cc: {  	[tilespmem:v24+s28+$0x0] =	vst.idx.msk $0xffff, v5  }
0x2cd: {  	v5 =	vld.idx.msk [tilespmem:v25+s23+$0x0], $0xffff;
	_ =	sdelay $0x1  }
0x2ce: {  	v26 =	vor.u32 $0x2D, v3  }
0x2cf: {  	v27 =	vadd.s32 $0x2E, v2;
	_ =	sdelay $0x1  }
0x2d0: {  	v5 =	vmul.f32 v5, v51;
	_ =	sdelay $0x1  }
0x2d1: {  	[tilespmem:v26+s28+$0x0] =	vst.idx.msk $0xffff, v5  }
0x2d2: {  	v5 =	vld.idx.msk [tilespmem:v27+s23+$0x0], $0xffff;
	_ =	sdelay $0x1  }
0x2d3: {  	v28 =	vor.u32 $0x2E, v3  }
0x2d4: {  	v29 =	vadd.s32 $0x2F, v2;
	_ =	sdelay $0x1  }
0x2d5: {  	v5 =	vmul.f32 v5, v51;
	_ =	sdelay $0x1  }
0x2d6: {  	[tilespmem:v28+s28+$0x0] =	vst.idx.msk $0xffff, v5  }
0x2d7: {  	v5 =	vld.idx.msk [tilespmem:v29+s23+$0x0], $0xffff;
	_ =	sdelay $0x1  }
0x2d8: {  	v30 =	vor.u32 $0x2F, v3  }
0x2d9: {  	v31 =	vadd.s32 $0x43, v2  }
0x2da: {  	v4 =	vor.u32 $0x3, v4  }
0x2db: {  	v5 =	vmul.f32 v5, v51;
	_ =	sdelay $0x1  }
0x2dc: {  	[tilespmem:v30+s28+$0x0] =	vst.idx.msk $0xffff, v5  }
0x2dd: {  	v5 =	vld.idx.msk [tilespmem:v31+s23+$0x0], $0xffff  }
0x2de: {  	v32 =	vld.idx.msk [tilespmem:v4+s24+$0x0], $0xffff;
	_ =	sdelay $0x4  }
0x2df: {  	v5 =	vadd.f32 v32, v5;
	_ =	sdelay $0x1  }
0x2e0: {  	v6 =	vmul.f32 $2.000000030e-01, v5  }
0x2e1: {  	vm15 =	vgt.f32 v5, $0.0e+00  }
0x2e2: {  	v5 =	vsel vm15, v5, v6  }
0x2e3: {  	v5 =	vmul.f32 $1.442695020e+00, v5;
	_ =	sdelay $0x1  }
0x2e4: {  	(erf) = vpow2.f32 v5;
	_ =	sdelay $0x5  }
0x2e5: {  	v33 =	vadd.s32 $0x30, v2;
	_ =	sdelay $0x2  }
0x2e6: {  	v34 =	vpop (erf)  }
0x2e7: {  	[tilespmem:v4+s26+$0x0] =	vst.idx.msk $0xffff, v34  }
0x2e8: {  	v4 =	vld.idx.msk [tilespmem:v33+s23+$0x0], $0xffff;
	_ =	sdelay $0x1  }
0x2e9: {  	v35 =	vor.u32 $0x30, v3  }
0x2ea: {  	v36 =	vadd.s32 $0x31, v2;
	_ =	sdelay $0x1  }
0x2eb: {  	v4 =	vmul.f32 v34, v4;
	_ =	sdelay $0x1  }
0x2ec: {  	[tilespmem:v35+s28+$0x0] =	vst.idx.msk $0xffff, v4  }
0x2ed: {  	v4 =	vld.idx.msk [tilespmem:v36+s23+$0x0], $0xffff;
	_ =	sdelay $0x1  }
0x2ee: {  	v37 =	vor.u32 $0x31, v3  }
0x2ef: {  	v38 =	vadd.s32 $0x32, v2;
	_ =	sdelay $0x1  }
0x2f0: {  	v4 =	vmul.f32 v34, v4;
	_ =	sdelay $0x1  }
0x2f1: {  	[tilespmem:v37+s28+$0x0] =	vst.idx.msk $0xffff, v4  }
0x2f2: {  	v4 =	vld.idx.msk [tilespmem:v38+s23+$0x0], $0xffff;
	_ =	sdelay $0x1  }
0x2f3: {  	v39 =	vor.u32 $0x32, v3  }
0x2f4: {  	v40 =	vadd.s32 $0x33, v2;
	_ =	sdelay $0x1  }
0x2f5: {  	v4 =	vmul.f32 v4, v34;
	_ =	sdelay $0x1  }
0x2f6: {  	[tilespmem:v39+s28+$0x0] =	vst.idx.msk $0xffff, v4  }
0x2f7: {  	v4 =	vld.idx.msk [tilespmem:v40+s23+$0x0], $0xffff;
	_ =	sdelay $0x1  }
0x2f8: {  	v41 =	vor.u32 $0x33, v3  }
0x2f9: {  	v42 =	vadd.s32 $0x34, v2;
	_ =	sdelay $0x1  }
0x2fa: {  	v4 =	vmul.f32 v4, v34;
	_ =	sdelay $0x1  }
0x2fb: {  	[tilespmem:v41+s28+$0x0] =	vst.idx.msk $0xffff, v4  }
0x2fc: {  	v4 =	vld.idx.msk [tilespmem:v42+s23+$0x0], $0xffff;
	_ =	sdelay $0x1  }
0x2fd: {  	v43 =	vor.u32 $0x34, v3  }
0x2fe: {  	v44 =	vadd.s32 $0x35, v2;
	_ =	sdelay $0x1  }
0x2ff: {  	v4 =	vmul.f32 v4, v34;
	_ =	sdelay $0x1  }
0x300: {  	[tilespmem:v43+s28+$0x0] =	vst.idx.msk $0xffff, v4  }
0x301: {  	v4 =	vld.idx.msk [tilespmem:v44+s23+$0x0], $0xffff;
	_ =	sdelay $0x1  }
0x302: {  	v45 =	vor.u32 $0x35, v3  }
0x303: {  	v46 =	vadd.s32 $0x36, v2;
	_ =	sdelay $0x1  }
0x304: {  	v4 =	vmul.f32 v4, v34;
	_ =	sdelay $0x1  }
0x305: {  	[tilespmem:v45+s28+$0x0] =	vst.idx.msk $0xffff, v4  }
0x306: {  	v4 =	vld.idx.msk [tilespmem:v46+s23+$0x0], $0xffff;
	_ =	sdelay $0x1  }
0x307: {  	v47 =	vor.u32 $0x36, v3  }
0x308: {  	v48 =	vadd.s32 $0x37, v2;
	_ =	sdelay $0x1  }
0x309: {  	v4 =	vmul.f32 v4, v34;
	_ =	sdelay $0x1  }
0x30a: {  	[tilespmem:v47+s28+$0x0] =	vst.idx.msk $0xffff, v4  }
0x30b: {  	v4 =	vld.idx.msk [tilespmem:v48+s23+$0x0], $0xffff;
	_ =	sdelay $0x1  }
0x30c: {  	v49 =	vor.u32 $0x37, v3  }
0x30d: {  	v50 =	vadd.s32 $0x38, v2;
	_ =	sdelay $0x1  }
0x30e: {  	v4 =	vmul.f32 v4, v34;
	_ =	sdelay $0x1  }
0x30f: {  	[tilespmem:v49+s28+$0x0] =	vst.idx.msk $0xffff, v4  }
0x310: {  	v4 =	vld.idx.msk [tilespmem:v50+s23+$0x0], $0xffff;
	_ =	sdelay $0x1  }
0x311: {  	v51 =	vor.u32 $0x38, v3  }
0x312: {  	v52 =	vadd.s32 $0x39, v2;
	_ =	sdelay $0x1  }
0x313: {  	v4 =	vmul.f32 v4, v34;
	_ =	sdelay $0x1  }
0x314: {  	[tilespmem:v51+s28+$0x0] =	vst.idx.msk $0xffff, v4  }
0x315: {  	v4 =	vld.idx.msk [tilespmem:v52+s23+$0x0], $0xffff;
	_ =	sdelay $0x1  }
0x316: {  	v53 =	vor.u32 $0x39, v3  }
0x317: {  	v54 =	vadd.s32 $0x3A, v2;
	_ =	sdelay $0x1  }
0x318: {  	v4 =	vmul.f32 v4, v34;
	_ =	sdelay $0x1  }
0x319: {  	[tilespmem:v53+s28+$0x0] =	vst.idx.msk $0xffff, v4  }
0x31a: {  	v4 =	vld.idx.msk [tilespmem:v54+s23+$0x0], $0xffff;
	_ =	sdelay $0x1  }
0x31b: {  	v55 =	vor.u32 $0x3A, v3  }
0x31c: {  	v56 =	vadd.s32 $0x3B, v2;
	_ =	sdelay $0x1  }
0x31d: {  	v4 =	vmul.f32 v4, v34;
	_ =	sdelay $0x1  }
0x31e: {  	[tilespmem:v55+s28+$0x0] =	vst.idx.msk $0xffff, v4  }
0x31f: {  	v4 =	vld.idx.msk [tilespmem:v56+s23+$0x0], $0xffff;
	_ =	sdelay $0x1  }
0x320: {  	v57 =	vor.u32 $0x3B, v3  }
0x321: {  	v58 =	vadd.s32 $0x3C, v2;
	_ =	sdelay $0x1  }
0x322: {  	v4 =	vmul.f32 v4, v34;
	_ =	sdelay $0x1  }
0x323: {  	[tilespmem:v57+s28+$0x0] =	vst.idx.msk $0xffff, v4  }
0x324: {  	v4 =	vld.idx.msk [tilespmem:v58+s23+$0x0], $0xffff;
	_ =	sdelay $0x1  }
0x325: {  	v59 =	vor.u32 $0x3C, v3  }
0x326: {  	v60 =	vadd.s32 $0x3D, v2;
	_ =	sdelay $0x1  }
0x327: {  	v4 =	vmul.f32 v4, v34;
	_ =	sdelay $0x1  }
0x328: {  	[tilespmem:v59+s28+$0x0] =	vst.idx.msk $0xffff, v4  }
0x329: {  	v4 =	vld.idx.msk [tilespmem:v60+s23+$0x0], $0xffff;
	_ =	sdelay $0x1  }
0x32a: {  	v61 =	vor.u32 $0x3D, v3  }
0x32b: {  	v62 =	vadd.s32 $0x3E, v2;
	_ =	sdelay $0x1  }
0x32c: {  	v4 =	vmul.f32 v4, v34;
	_ =	sdelay $0x1  }
0x32d: {  	[tilespmem:v61+s28+$0x0] =	vst.idx.msk $0xffff, v4  }
0x32e: {  	v4 =	vld.idx.msk [tilespmem:v62+s23+$0x0], $0xffff;
	_ =	sdelay $0x1  }
0x32f: {  	v63 =	vor.u32 $0x3E, v3  }
0x330: {  	v2 =	vadd.s32 $0x3F, v2;
	_ =	sdelay $0x1  }
0x331: {  	v4 =	vmul.f32 v4, v34;
	_ =	sdelay $0x1  }
0x332: {  	[tilespmem:v63+s28+$0x0] =	vst.idx.msk $0xffff, v4  }
0x333: {  	v2 =	vld.idx.msk [tilespmem:v2+s23+$0x0], $0xffff;
	_ =	sdelay $0x1  }
0x334: {  	p0 =	sne.s32 s11, $0x70;
	v3 =	vor.u32 $0x3F, v3  }
.Ltmp2:
0x335: {  	_ = 	snop;
	(pc) =	sbr.rel @p0 .LBB2_8-.Ltmp2, $3  }
0x336: {  	_ = 	snop  }
0x337: {  	v2 =	vmul.f32 v2, v34;
	_ =	sdelay $0x1  }
0x338: {  	s11 =	sadd.s32 $0x10, s11;
	[tilespmem:v3+s28+$0x0] =	vst.idx.msk $0xffff, v2  }
0x339: {  	[spmem:s1] =	stream.indirect.scatter.add.f32 [tilespmem:s28], [sflag:$0x3], $0x40, s9, s20, $0xb8;
	[tilespmem:$0x15900] =	vst v63  }
0x33a: {  	s2 =	sadd.s32 $0x1, s2;
	_ =	swait.ge [sflag:s17], $0x2000  }
0x33b: {  	p0 =	sne.s32 s2, $0x4;
	[sflag:s17] =	ssyncset.done $0x0  }
.Ltmp3:
0x33c: {  	[sflag:s17] =	ssyncadd.s32 $0xFFFFE000;
	(pc) =	sbr.rel @p0 .LBB2_5-.Ltmp3, $4  }
0x33d: {  	[spmem:s3] =	stream.indirect.scatter.add.f32 [tilespmem:s26], [sflag:$0x3], $0x10, s9, s20, $0xb8;
	[tilespmem:$0x15900] =	vst v63  }
0x33e: {  	_ =	swait.ge [sflag:s17], $0x800  }
0x33f: {  	[sflag:s17] =	ssyncset.done $0x0  }
0x340: {  	[sflag:s17] =	ssyncadd.s32 $0xFFFFF800  }
0x341: {  	_ =	swait.ge [sflag:s25], $0x2800  }
0x342: {  	[sflag:s25] =	ssyncset.done $0x0  }
0x343: {  	[sflag:s25] =	ssyncadd.s32 $0xFFFFD800  }
0x344: {  	_ =	swait.ge [sflag:s25], $0x800  }
0x345: {  	[sflag:s25] =	ssyncset.done $0x0  }
0x346: {  	s2 =	simm.s32 $0x0;
	[sflag:s25] =	ssyncadd.s32 $0xFFFFF800  }
.LBB2_11:
0x347: {  	v3 =	vor.u32 s2, v1  }
0x348: {  	v2 =	vmul.u32 $0x50, v3  }
0x349: {  	v4 =	vshll.u32 v3, $0x4  }
0x34a: {  	v5 =	vadd.s32 $0x40, v2;
	_ =	sdelay $0x3  }
0x34b: {  	v6 =	vld.idx.msk [tilespmem:v4+s22+$0x0], $0xffff  }
0x34c: {  	v5 =	vld.idx.msk [tilespmem:v5+s21+$0x0], $0xffff;
	_ =	sdelay $0x4  }
0x34d: {  	v5 =	vadd.f32 v6, v5;
	_ =	sdelay $0x1  }
0x34e: {  	v6 =	vmul.f32 $2.000000030e-01, v5  }
0x34f: {  	vm0 =	vgt.f32 v5, $0.0e+00  }
0x350: {  	v5 =	vsel vm0, v5, v6  }
0x351: {  	v5 =	vmul.f32 $1.442695020e+00, v5;
	_ =	sdelay $0x1  }
0x352: {  	(erf) = vpow2.f32 v5;
	_ =	sdelay $0x8  }
0x353: {  	v5 =	vpop (erf)  }
0x354: {  	[tilespmem:v4+s26+$0x0] =	vst.idx.msk $0xffff, v5  }
0x355: {  	v35 =	vld.idx.msk [tilespmem:v2+s21+$0x0], $0xffff;
	_ =	sdelay $0x1  }
0x356: {  	v3 =	vshll.u32 v3, $0x6  }
0x357: {  	v7 =	vor.u32 $0x1, v2;
	_ =	sdelay $0x1  }
0x358: {  	v6 =	vmul.f32 v5, v35;
	_ =	sdelay $0x1  }
0x359: {  	[tilespmem:v3+s28+$0x0] =	vst.idx.msk $0xffff, v6  }
0x35a: {  	v6 =	vld.idx.msk [tilespmem:v7+s21+$0x0], $0xffff;
	_ =	sdelay $0x1  }
0x35b: {  	v36 =	vor.u32 $0x1, v3  }
0x35c: {  	v8 =	vor.u32 $0x2, v2;
	_ =	sdelay $0x1  }
0x35d: {  	v6 =	vmul.f32 v5, v6;
	_ =	sdelay $0x1  }
0x35e: {  	[tilespmem:v36+s28+$0x0] =	vst.idx.msk $0xffff, v6  }
0x35f: {  	v6 =	vld.idx.msk [tilespmem:v8+s21+$0x0], $0xffff;
	_ =	sdelay $0x1  }
0x360: {  	v37 =	vor.u32 $0x2, v3  }
0x361: {  	v38 =	vor.u32 $0x3, v2;
	_ =	sdelay $0x1  }
0x362: {  	v6 =	vmul.f32 v6, v5;
	_ =	sdelay $0x1  }
0x363: {  	[tilespmem:v37+s28+$0x0] =	vst.idx.msk $0xffff, v6  }
0x364: {  	v6 =	vld.idx.msk [tilespmem:v38+s21+$0x0], $0xffff;
	_ =	sdelay $0x1  }
0x365: {  	v39 =	vor.u32 $0x3, v3  }
0x366: {  	v40 =	vor.u32 $0x4, v2;
	_ =	sdelay $0x1  }
0x367: {  	v6 =	vmul.f32 v6, v5;
	_ =	sdelay $0x1  }
0x368: {  	[tilespmem:v39+s28+$0x0] =	vst.idx.msk $0xffff, v6  }
0x369: {  	v6 =	vld.idx.msk [tilespmem:v40+s21+$0x0], $0xffff;
	_ =	sdelay $0x1  }
0x36a: {  	v41 =	vor.u32 $0x4, v3  }
0x36b: {  	v42 =	vor.u32 $0x5, v2;
	_ =	sdelay $0x1  }
0x36c: {  	v6 =	vmul.f32 v6, v5;
	_ =	sdelay $0x1  }
0x36d: {  	[tilespmem:v41+s28+$0x0] =	vst.idx.msk $0xffff, v6  }
0x36e: {  	v6 =	vld.idx.msk [tilespmem:v42+s21+$0x0], $0xffff;
	_ =	sdelay $0x1  }
0x36f: {  	v43 =	vor.u32 $0x5, v3  }
0x370: {  	v44 =	vor.u32 $0x6, v2;
	_ =	sdelay $0x1  }
0x371: {  	v6 =	vmul.f32 v6, v5;
	_ =	sdelay $0x1  }
0x372: {  	[tilespmem:v43+s28+$0x0] =	vst.idx.msk $0xffff, v6  }
0x373: {  	v6 =	vld.idx.msk [tilespmem:v44+s21+$0x0], $0xffff;
	_ =	sdelay $0x1  }
0x374: {  	v45 =	vor.u32 $0x6, v3  }
0x375: {  	v46 =	vor.u32 $0x7, v2;
	_ =	sdelay $0x1  }
0x376: {  	v6 =	vmul.f32 v6, v5;
	_ =	sdelay $0x1  }
0x377: {  	[tilespmem:v45+s28+$0x0] =	vst.idx.msk $0xffff, v6  }
0x378: {  	v6 =	vld.idx.msk [tilespmem:v46+s21+$0x0], $0xffff;
	_ =	sdelay $0x1  }
0x379: {  	v47 =	vor.u32 $0x7, v3  }
0x37a: {  	v48 =	vor.u32 $0x8, v2;
	_ =	sdelay $0x1  }
0x37b: {  	v6 =	vmul.f32 v6, v5;
	_ =	sdelay $0x1  }
0x37c: {  	[tilespmem:v47+s28+$0x0] =	vst.idx.msk $0xffff, v6  }
0x37d: {  	v6 =	vld.idx.msk [tilespmem:v48+s21+$0x0], $0xffff;
	_ =	sdelay $0x1  }
0x37e: {  	v49 =	vor.u32 $0x8, v3  }
0x37f: {  	v50 =	vor.u32 $0x9, v2;
	_ =	sdelay $0x1  }
0x380: {  	v6 =	vmul.f32 v6, v5;
	_ =	sdelay $0x1  }
0x381: {  	[tilespmem:v49+s28+$0x0] =	vst.idx.msk $0xffff, v6  }
0x382: {  	v6 =	vld.idx.msk [tilespmem:v50+s21+$0x0], $0xffff;
	_ =	sdelay $0x1  }
0x383: {  	v51 =	vor.u32 $0x9, v3  }
0x384: {  	v52 =	vor.u32 $0xA, v2;
	_ =	sdelay $0x1  }
0x385: {  	v6 =	vmul.f32 v6, v5;
	_ =	sdelay $0x1  }
0x386: {  	[tilespmem:v51+s28+$0x0] =	vst.idx.msk $0xffff, v6  }
0x387: {  	v6 =	vld.idx.msk [tilespmem:v52+s21+$0x0], $0xffff;
	_ =	sdelay $0x1  }
0x388: {  	v53 =	vor.u32 $0xA, v3  }
0x389: {  	v54 =	vor.u32 $0xB, v2;
	_ =	sdelay $0x1  }
0x38a: {  	v6 =	vmul.f32 v6, v5;
	_ =	sdelay $0x1  }
0x38b: {  	[tilespmem:v53+s28+$0x0] =	vst.idx.msk $0xffff, v6  }
0x38c: {  	v6 =	vld.idx.msk [tilespmem:v54+s21+$0x0], $0xffff;
	_ =	sdelay $0x1  }
0x38d: {  	v55 =	vor.u32 $0xB, v3  }
0x38e: {  	v56 =	vor.u32 $0xC, v2;
	_ =	sdelay $0x1  }
0x38f: {  	v6 =	vmul.f32 v6, v5;
	_ =	sdelay $0x1  }
0x390: {  	[tilespmem:v55+s28+$0x0] =	vst.idx.msk $0xffff, v6  }
0x391: {  	v6 =	vld.idx.msk [tilespmem:v56+s21+$0x0], $0xffff;
	_ =	sdelay $0x1  }
0x392: {  	v57 =	vor.u32 $0xC, v3  }
0x393: {  	v58 =	vor.u32 $0xD, v2;
	_ =	sdelay $0x1  }
0x394: {  	v6 =	vmul.f32 v6, v5;
	_ =	sdelay $0x1  }
0x395: {  	[tilespmem:v57+s28+$0x0] =	vst.idx.msk $0xffff, v6  }
0x396: {  	v6 =	vld.idx.msk [tilespmem:v58+s21+$0x0], $0xffff;
	_ =	sdelay $0x1  }
0x397: {  	v59 =	vor.u32 $0xD, v3  }
0x398: {  	v60 =	vor.u32 $0xE, v2;
	_ =	sdelay $0x1  }
0x399: {  	v6 =	vmul.f32 v6, v5;
	_ =	sdelay $0x1  }
0x39a: {  	[tilespmem:v59+s28+$0x0] =	vst.idx.msk $0xffff, v6  }
0x39b: {  	v6 =	vld.idx.msk [tilespmem:v60+s21+$0x0], $0xffff;
	_ =	sdelay $0x1  }
0x39c: {  	v61 =	vor.u32 $0xE, v3  }
0x39d: {  	v62 =	vor.u32 $0xF, v2;
	_ =	sdelay $0x1  }
0x39e: {  	v6 =	vmul.f32 v6, v5;
	_ =	sdelay $0x1  }
0x39f: {  	[tilespmem:v61+s28+$0x0] =	vst.idx.msk $0xffff, v6  }
0x3a0: {  	v6 =	vld.idx.msk [tilespmem:v62+s21+$0x0], $0xffff;
	_ =	sdelay $0x1  }
0x3a1: {  	v63 =	vor.u32 $0xF, v3  }
0x3a2: {  	v12 =	vadd.s32 $0x41, v2  }
0x3a3: {  	v9 =	vor.u32 $0x1, v4  }
0x3a4: {  	v5 =	vmul.f32 v6, v5;
	_ =	sdelay $0x1  }
0x3a5: {  	[tilespmem:v63+s28+$0x0] =	vst.idx.msk $0xffff, v5  }
0x3a6: {  	v5 =	vld.idx.msk [tilespmem:v12+s21+$0x0], $0xffff  }
0x3a7: {  	v13 =	vld.idx.msk [tilespmem:v9+s22+$0x0], $0xffff;
	_ =	sdelay $0x4  }
0x3a8: {  	v5 =	vadd.f32 v13, v5;
	_ =	sdelay $0x1  }
0x3a9: {  	v6 =	vmul.f32 $2.000000030e-01, v5  }
0x3aa: {  	vm13 =	vgt.f32 v5, $0.0e+00  }
0x3ab: {  	v5 =	vsel vm13, v5, v6  }
0x3ac: {  	v5 =	vmul.f32 $1.442695020e+00, v5;
	_ =	sdelay $0x1  }
0x3ad: {  	(erf) = vpow2.f32 v5;
	_ =	sdelay $0x5  }
0x3ae: {  	v14 =	vadd.s32 $0x10, v2;
	_ =	sdelay $0x2  }
0x3af: {  	v15 =	vpop (erf)  }
0x3b0: {  	[tilespmem:v9+s26+$0x0] =	vst.idx.msk $0xffff, v15  }
0x3b1: {  	v5 =	vld.idx.msk [tilespmem:v14+s21+$0x0], $0xffff;
	_ =	sdelay $0x1  }
0x3b2: {  	v16 =	vor.u32 $0x10, v3  }
0x3b3: {  	v17 =	vadd.s32 $0x11, v2;
	_ =	sdelay $0x1  }
0x3b4: {  	v5 =	vmul.f32 v15, v5;
	_ =	sdelay $0x1  }
0x3b5: {  	[tilespmem:v16+s28+$0x0] =	vst.idx.msk $0xffff, v5  }
0x3b6: {  	v5 =	vld.idx.msk [tilespmem:v17+s21+$0x0], $0xffff;
	_ =	sdelay $0x1  }
0x3b7: {  	v18 =	vor.u32 $0x11, v3  }
0x3b8: {  	v19 =	vadd.s32 $0x12, v2;
	_ =	sdelay $0x1  }
0x3b9: {  	v5 =	vmul.f32 v15, v5;
	_ =	sdelay $0x1  }
0x3ba: {  	[tilespmem:v18+s28+$0x0] =	vst.idx.msk $0xffff, v5  }
0x3bb: {  	v5 =	vld.idx.msk [tilespmem:v19+s21+$0x0], $0xffff;
	_ =	sdelay $0x1  }
0x3bc: {  	v20 =	vor.u32 $0x12, v3  }
0x3bd: {  	v21 =	vadd.s32 $0x13, v2;
	_ =	sdelay $0x1  }
0x3be: {  	v5 =	vmul.f32 v5, v15;
	_ =	sdelay $0x1  }
0x3bf: {  	[tilespmem:v20+s28+$0x0] =	vst.idx.msk $0xffff, v5  }
0x3c0: {  	v5 =	vld.idx.msk [tilespmem:v21+s21+$0x0], $0xffff;
	_ =	sdelay $0x1  }
0x3c1: {  	v22 =	vor.u32 $0x13, v3  }
0x3c2: {  	v23 =	vadd.s32 $0x14, v2;
	_ =	sdelay $0x1  }
0x3c3: {  	v5 =	vmul.f32 v5, v15;
	_ =	sdelay $0x1  }
0x3c4: {  	[tilespmem:v22+s28+$0x0] =	vst.idx.msk $0xffff, v5  }
0x3c5: {  	v5 =	vld.idx.msk [tilespmem:v23+s21+$0x0], $0xffff;
	_ =	sdelay $0x1  }
0x3c6: {  	v24 =	vor.u32 $0x14, v3  }
0x3c7: {  	v25 =	vadd.s32 $0x15, v2;
	_ =	sdelay $0x1  }
0x3c8: {  	v5 =	vmul.f32 v5, v15;
	_ =	sdelay $0x1  }
0x3c9: {  	[tilespmem:v24+s28+$0x0] =	vst.idx.msk $0xffff, v5  }
0x3ca: {  	v5 =	vld.idx.msk [tilespmem:v25+s21+$0x0], $0xffff;
	_ =	sdelay $0x1  }
0x3cb: {  	v26 =	vor.u32 $0x15, v3  }
0x3cc: {  	v27 =	vadd.s32 $0x16, v2;
	_ =	sdelay $0x1  }
0x3cd: {  	v5 =	vmul.f32 v5, v15;
	_ =	sdelay $0x1  }
0x3ce: {  	[tilespmem:v26+s28+$0x0] =	vst.idx.msk $0xffff, v5  }
0x3cf: {  	v5 =	vld.idx.msk [tilespmem:v27+s21+$0x0], $0xffff;
	_ =	sdelay $0x1  }
0x3d0: {  	v28 =	vor.u32 $0x16, v3  }
0x3d1: {  	v29 =	vadd.s32 $0x17, v2;
	_ =	sdelay $0x1  }
0x3d2: {  	v5 =	vmul.f32 v5, v15;
	_ =	sdelay $0x1  }
0x3d3: {  	[tilespmem:v28+s28+$0x0] =	vst.idx.msk $0xffff, v5  }
0x3d4: {  	v5 =	vld.idx.msk [tilespmem:v29+s21+$0x0], $0xffff;
	_ =	sdelay $0x1  }
0x3d5: {  	v30 =	vor.u32 $0x17, v3  }
0x3d6: {  	v31 =	vadd.s32 $0x18, v2;
	_ =	sdelay $0x1  }
0x3d7: {  	v5 =	vmul.f32 v5, v15;
	_ =	sdelay $0x1  }
0x3d8: {  	[tilespmem:v30+s28+$0x0] =	vst.idx.msk $0xffff, v5  }
0x3d9: {  	v5 =	vld.idx.msk [tilespmem:v31+s21+$0x0], $0xffff;
	_ =	sdelay $0x1  }
0x3da: {  	v32 =	vor.u32 $0x18, v3  }
0x3db: {  	v33 =	vadd.s32 $0x19, v2;
	_ =	sdelay $0x1  }
0x3dc: {  	v5 =	vmul.f32 v5, v15;
	_ =	sdelay $0x1  }
0x3dd: {  	[tilespmem:v32+s28+$0x0] =	vst.idx.msk $0xffff, v5  }
0x3de: {  	v5 =	vld.idx.msk [tilespmem:v33+s21+$0x0], $0xffff;
	_ =	sdelay $0x1  }
0x3df: {  	v34 =	vor.u32 $0x19, v3  }
0x3e0: {  	v35 =	vadd.s32 $0x1A, v2;
	_ =	sdelay $0x1  }
0x3e1: {  	v5 =	vmul.f32 v5, v15;
	_ =	sdelay $0x1  }
0x3e2: {  	[tilespmem:v34+s28+$0x0] =	vst.idx.msk $0xffff, v5  }
0x3e3: {  	v5 =	vld.idx.msk [tilespmem:v35+s21+$0x0], $0xffff;
	_ =	sdelay $0x1  }
0x3e4: {  	v36 =	vor.u32 $0x1A, v3  }
0x3e5: {  	v37 =	vadd.s32 $0x1B, v2;
	_ =	sdelay $0x1  }
0x3e6: {  	v5 =	vmul.f32 v5, v15;
	_ =	sdelay $0x1  }
0x3e7: {  	[tilespmem:v36+s28+$0x0] =	vst.idx.msk $0xffff, v5  }
0x3e8: {  	v5 =	vld.idx.msk [tilespmem:v37+s21+$0x0], $0xffff;
	_ =	sdelay $0x1  }
0x3e9: {  	v38 =	vor.u32 $0x1B, v3  }
0x3ea: {  	v39 =	vadd.s32 $0x1C, v2;
	_ =	sdelay $0x1  }
0x3eb: {  	v5 =	vmul.f32 v5, v15;
	_ =	sdelay $0x1  }
0x3ec: {  	[tilespmem:v38+s28+$0x0] =	vst.idx.msk $0xffff, v5  }
0x3ed: {  	v5 =	vld.idx.msk [tilespmem:v39+s21+$0x0], $0xffff;
	_ =	sdelay $0x1  }
0x3ee: {  	v40 =	vor.u32 $0x1C, v3  }
0x3ef: {  	v41 =	vadd.s32 $0x1D, v2;
	_ =	sdelay $0x1  }
0x3f0: {  	v5 =	vmul.f32 v5, v15;
	_ =	sdelay $0x1  }
0x3f1: {  	[tilespmem:v40+s28+$0x0] =	vst.idx.msk $0xffff, v5  }
0x3f2: {  	v5 =	vld.idx.msk [tilespmem:v41+s21+$0x0], $0xffff;
	_ =	sdelay $0x1  }
0x3f3: {  	v42 =	vor.u32 $0x1D, v3  }
0x3f4: {  	v43 =	vadd.s32 $0x1E, v2;
	_ =	sdelay $0x1  }
0x3f5: {  	v5 =	vmul.f32 v5, v15;
	_ =	sdelay $0x1  }
0x3f6: {  	[tilespmem:v42+s28+$0x0] =	vst.idx.msk $0xffff, v5  }
0x3f7: {  	v5 =	vld.idx.msk [tilespmem:v43+s21+$0x0], $0xffff;
	_ =	sdelay $0x1  }
0x3f8: {  	v44 =	vor.u32 $0x1E, v3  }
0x3f9: {  	v45 =	vadd.s32 $0x1F, v2;
	_ =	sdelay $0x1  }
0x3fa: {  	v5 =	vmul.f32 v5, v15;
	_ =	sdelay $0x1  }
0x3fb: {  	[tilespmem:v44+s28+$0x0] =	vst.idx.msk $0xffff, v5  }
0x3fc: {  	v5 =	vld.idx.msk [tilespmem:v45+s21+$0x0], $0xffff;
	_ =	sdelay $0x1  }
0x3fd: {  	v46 =	vor.u32 $0x1F, v3  }
0x3fe: {  	v47 =	vadd.s32 $0x42, v2  }
0x3ff: {  	v48 =	vor.u32 $0x2, v4  }
0x400: {  	v5 =	vmul.f32 v5, v15;
	_ =	sdelay $0x1  }
0x401: {  	[tilespmem:v46+s28+$0x0] =	vst.idx.msk $0xffff, v5  }
0x402: {  	v5 =	vld.idx.msk [tilespmem:v47+s21+$0x0], $0xffff  }
0x403: {  	v49 =	vld.idx.msk [tilespmem:v48+s22+$0x0], $0xffff;
	_ =	sdelay $0x4  }
0x404: {  	v5 =	vadd.f32 v49, v5;
	_ =	sdelay $0x1  }
0x405: {  	v6 =	vmul.f32 $2.000000030e-01, v5  }
0x406: {  	vm14 =	vgt.f32 v5, $0.0e+00  }
0x407: {  	v5 =	vsel vm14, v5, v6  }
0x408: {  	v5 =	vmul.f32 $1.442695020e+00, v5;
	_ =	sdelay $0x1  }
0x409: {  	(erf) = vpow2.f32 v5;
	_ =	sdelay $0x5  }
0x40a: {  	v50 =	vadd.s32 $0x20, v2;
	_ =	sdelay $0x2  }
0x40b: {  	v51 =	vpop (erf)  }
0x40c: {  	[tilespmem:v48+s26+$0x0] =	vst.idx.msk $0xffff, v51  }
0x40d: {  	v5 =	vld.idx.msk [tilespmem:v50+s21+$0x0], $0xffff;
	_ =	sdelay $0x1  }
0x40e: {  	v52 =	vor.u32 $0x20, v3  }
0x40f: {  	v53 =	vadd.s32 $0x21, v2;
	_ =	sdelay $0x1  }
0x410: {  	v5 =	vmul.f32 v51, v5;
	_ =	sdelay $0x1  }
0x411: {  	[tilespmem:v52+s28+$0x0] =	vst.idx.msk $0xffff, v5  }
0x412: {  	v5 =	vld.idx.msk [tilespmem:v53+s21+$0x0], $0xffff;
	_ =	sdelay $0x1  }
0x413: {  	v54 =	vor.u32 $0x21, v3  }
0x414: {  	v55 =	vadd.s32 $0x22, v2;
	_ =	sdelay $0x1  }
0x415: {  	v5 =	vmul.f32 v51, v5;
	_ =	sdelay $0x1  }
0x416: {  	[tilespmem:v54+s28+$0x0] =	vst.idx.msk $0xffff, v5  }
0x417: {  	v5 =	vld.idx.msk [tilespmem:v55+s21+$0x0], $0xffff;
	_ =	sdelay $0x1  }
0x418: {  	v56 =	vor.u32 $0x22, v3  }
0x419: {  	v57 =	vadd.s32 $0x23, v2;
	_ =	sdelay $0x1  }
0x41a: {  	v5 =	vmul.f32 v5, v51;
	_ =	sdelay $0x1  }
0x41b: {  	[tilespmem:v56+s28+$0x0] =	vst.idx.msk $0xffff, v5  }
0x41c: {  	v5 =	vld.idx.msk [tilespmem:v57+s21+$0x0], $0xffff;
	_ =	sdelay $0x1  }
0x41d: {  	v58 =	vor.u32 $0x23, v3  }
0x41e: {  	v59 =	vadd.s32 $0x24, v2;
	_ =	sdelay $0x1  }
0x41f: {  	v5 =	vmul.f32 v5, v51;
	_ =	sdelay $0x1  }
0x420: {  	[tilespmem:v58+s28+$0x0] =	vst.idx.msk $0xffff, v5  }
0x421: {  	v5 =	vld.idx.msk [tilespmem:v59+s21+$0x0], $0xffff;
	_ =	sdelay $0x1  }
0x422: {  	v60 =	vor.u32 $0x24, v3  }
0x423: {  	v61 =	vadd.s32 $0x25, v2;
	_ =	sdelay $0x1  }
0x424: {  	v5 =	vmul.f32 v5, v51;
	_ =	sdelay $0x1  }
0x425: {  	[tilespmem:v60+s28+$0x0] =	vst.idx.msk $0xffff, v5  }
0x426: {  	v5 =	vld.idx.msk [tilespmem:v61+s21+$0x0], $0xffff;
	_ =	sdelay $0x1  }
0x427: {  	v62 =	vor.u32 $0x25, v3  }
0x428: {  	v63 =	vadd.s32 $0x26, v2;
	_ =	sdelay $0x1  }
0x429: {  	v5 =	vmul.f32 v5, v51;
	_ =	sdelay $0x1  }
0x42a: {  	[tilespmem:v62+s28+$0x0] =	vst.idx.msk $0xffff, v5  }
0x42b: {  	v5 =	vld.idx.msk [tilespmem:v63+s21+$0x0], $0xffff;
	_ =	sdelay $0x1  }
0x42c: {  	v12 =	vor.u32 $0x26, v3  }
0x42d: {  	v13 =	vadd.s32 $0x27, v2;
	_ =	sdelay $0x1  }
0x42e: {  	v5 =	vmul.f32 v5, v51;
	_ =	sdelay $0x1  }
0x42f: {  	[tilespmem:v12+s28+$0x0] =	vst.idx.msk $0xffff, v5  }
0x430: {  	v5 =	vld.idx.msk [tilespmem:v13+s21+$0x0], $0xffff;
	_ =	sdelay $0x1  }
0x431: {  	v14 =	vor.u32 $0x27, v3  }
0x432: {  	v15 =	vadd.s32 $0x28, v2;
	_ =	sdelay $0x1  }
0x433: {  	v5 =	vmul.f32 v5, v51;
	_ =	sdelay $0x1  }
0x434: {  	[tilespmem:v14+s28+$0x0] =	vst.idx.msk $0xffff, v5  }
0x435: {  	v5 =	vld.idx.msk [tilespmem:v15+s21+$0x0], $0xffff;
	_ =	sdelay $0x1  }
0x436: {  	v16 =	vor.u32 $0x28, v3  }
0x437: {  	v17 =	vadd.s32 $0x29, v2;
	_ =	sdelay $0x1  }
0x438: {  	v5 =	vmul.f32 v5, v51;
	_ =	sdelay $0x1  }
0x439: {  	[tilespmem:v16+s28+$0x0] =	vst.idx.msk $0xffff, v5  }
0x43a: {  	v5 =	vld.idx.msk [tilespmem:v17+s21+$0x0], $0xffff;
	_ =	sdelay $0x1  }
0x43b: {  	v18 =	vor.u32 $0x29, v3  }
0x43c: {  	v19 =	vadd.s32 $0x2A, v2;
	_ =	sdelay $0x1  }
0x43d: {  	v5 =	vmul.f32 v5, v51;
	_ =	sdelay $0x1  }
0x43e: {  	[tilespmem:v18+s28+$0x0] =	vst.idx.msk $0xffff, v5  }
0x43f: {  	v5 =	vld.idx.msk [tilespmem:v19+s21+$0x0], $0xffff;
	_ =	sdelay $0x1  }
0x440: {  	v20 =	vor.u32 $0x2A, v3  }
0x441: {  	v21 =	vadd.s32 $0x2B, v2;
	_ =	sdelay $0x1  }
0x442: {  	v5 =	vmul.f32 v5, v51;
	_ =	sdelay $0x1  }
0x443: {  	[tilespmem:v20+s28+$0x0] =	vst.idx.msk $0xffff, v5  }
0x444: {  	v5 =	vld.idx.msk [tilespmem:v21+s21+$0x0], $0xffff;
	_ =	sdelay $0x1  }
0x445: {  	v22 =	vor.u32 $0x2B, v3  }
0x446: {  	v23 =	vadd.s32 $0x2C, v2;
	_ =	sdelay $0x1  }
0x447: {  	v5 =	vmul.f32 v5, v51;
	_ =	sdelay $0x1  }
0x448: {  	[tilespmem:v22+s28+$0x0] =	vst.idx.msk $0xffff, v5  }
0x449: {  	v5 =	vld.idx.msk [tilespmem:v23+s21+$0x0], $0xffff;
	_ =	sdelay $0x1  }
0x44a: {  	v24 =	vor.u32 $0x2C, v3  }
0x44b: {  	v25 =	vadd.s32 $0x2D, v2;
	_ =	sdelay $0x1  }
0x44c: {  	v5 =	vmul.f32 v5, v51;
	_ =	sdelay $0x1  }
0x44d: {  	[tilespmem:v24+s28+$0x0] =	vst.idx.msk $0xffff, v5  }
0x44e: {  	v5 =	vld.idx.msk [tilespmem:v25+s21+$0x0], $0xffff;
	_ =	sdelay $0x1  }
0x44f: {  	v26 =	vor.u32 $0x2D, v3  }
0x450: {  	v27 =	vadd.s32 $0x2E, v2;
	_ =	sdelay $0x1  }
0x451: {  	v5 =	vmul.f32 v5, v51;
	_ =	sdelay $0x1  }
0x452: {  	[tilespmem:v26+s28+$0x0] =	vst.idx.msk $0xffff, v5  }
0x453: {  	v5 =	vld.idx.msk [tilespmem:v27+s21+$0x0], $0xffff;
	_ =	sdelay $0x1  }
0x454: {  	v28 =	vor.u32 $0x2E, v3  }
0x455: {  	v29 =	vadd.s32 $0x2F, v2;
	_ =	sdelay $0x1  }
0x456: {  	v5 =	vmul.f32 v5, v51;
	_ =	sdelay $0x1  }
0x457: {  	[tilespmem:v28+s28+$0x0] =	vst.idx.msk $0xffff, v5  }
0x458: {  	v5 =	vld.idx.msk [tilespmem:v29+s21+$0x0], $0xffff;
	_ =	sdelay $0x1  }
0x459: {  	v30 =	vor.u32 $0x2F, v3  }
0x45a: {  	v31 =	vadd.s32 $0x43, v2  }
0x45b: {  	v4 =	vor.u32 $0x3, v4  }
0x45c: {  	v5 =	vmul.f32 v5, v51;
	_ =	sdelay $0x1  }
0x45d: {  	[tilespmem:v30+s28+$0x0] =	vst.idx.msk $0xffff, v5  }
0x45e: {  	v5 =	vld.idx.msk [tilespmem:v31+s21+$0x0], $0xffff  }
0x45f: {  	v32 =	vld.idx.msk [tilespmem:v4+s22+$0x0], $0xffff;
	_ =	sdelay $0x4  }
0x460: {  	v5 =	vadd.f32 v32, v5;
	_ =	sdelay $0x1  }
0x461: {  	v6 =	vmul.f32 $2.000000030e-01, v5  }
0x462: {  	vm15 =	vgt.f32 v5, $0.0e+00  }
0x463: {  	v5 =	vsel vm15, v5, v6  }
0x464: {  	v5 =	vmul.f32 $1.442695020e+00, v5;
	_ =	sdelay $0x1  }
0x465: {  	(erf) = vpow2.f32 v5;
	_ =	sdelay $0x5  }
0x466: {  	v33 =	vadd.s32 $0x30, v2;
	_ =	sdelay $0x2  }
0x467: {  	v34 =	vpop (erf)  }
0x468: {  	[tilespmem:v4+s26+$0x0] =	vst.idx.msk $0xffff, v34  }
0x469: {  	v4 =	vld.idx.msk [tilespmem:v33+s21+$0x0], $0xffff;
	_ =	sdelay $0x1  }
0x46a: {  	v35 =	vor.u32 $0x30, v3  }
0x46b: {  	v36 =	vadd.s32 $0x31, v2;
	_ =	sdelay $0x1  }
0x46c: {  	v4 =	vmul.f32 v34, v4;
	_ =	sdelay $0x1  }
0x46d: {  	[tilespmem:v35+s28+$0x0] =	vst.idx.msk $0xffff, v4  }
0x46e: {  	v4 =	vld.idx.msk [tilespmem:v36+s21+$0x0], $0xffff;
	_ =	sdelay $0x1  }
0x46f: {  	v37 =	vor.u32 $0x31, v3  }
0x470: {  	v38 =	vadd.s32 $0x32, v2;
	_ =	sdelay $0x1  }
0x471: {  	v4 =	vmul.f32 v34, v4;
	_ =	sdelay $0x1  }
0x472: {  	[tilespmem:v37+s28+$0x0] =	vst.idx.msk $0xffff, v4  }
0x473: {  	v4 =	vld.idx.msk [tilespmem:v38+s21+$0x0], $0xffff;
	_ =	sdelay $0x1  }
0x474: {  	v39 =	vor.u32 $0x32, v3  }
0x475: {  	v40 =	vadd.s32 $0x33, v2;
	_ =	sdelay $0x1  }
0x476: {  	v4 =	vmul.f32 v4, v34;
	_ =	sdelay $0x1  }
0x477: {  	[tilespmem:v39+s28+$0x0] =	vst.idx.msk $0xffff, v4  }
0x478: {  	v4 =	vld.idx.msk [tilespmem:v40+s21+$0x0], $0xffff;
	_ =	sdelay $0x1  }
0x479: {  	v41 =	vor.u32 $0x33, v3  }
0x47a: {  	v42 =	vadd.s32 $0x34, v2;
	_ =	sdelay $0x1  }
0x47b: {  	v4 =	vmul.f32 v4, v34;
	_ =	sdelay $0x1  }
0x47c: {  	[tilespmem:v41+s28+$0x0] =	vst.idx.msk $0xffff, v4  }
0x47d: {  	v4 =	vld.idx.msk [tilespmem:v42+s21+$0x0], $0xffff;
	_ =	sdelay $0x1  }
0x47e: {  	v43 =	vor.u32 $0x34, v3  }
0x47f: {  	v44 =	vadd.s32 $0x35, v2;
	_ =	sdelay $0x1  }
0x480: {  	v4 =	vmul.f32 v4, v34;
	_ =	sdelay $0x1  }
0x481: {  	[tilespmem:v43+s28+$0x0] =	vst.idx.msk $0xffff, v4  }
0x482: {  	v4 =	vld.idx.msk [tilespmem:v44+s21+$0x0], $0xffff;
	_ =	sdelay $0x1  }
0x483: {  	v45 =	vor.u32 $0x35, v3  }
0x484: {  	v46 =	vadd.s32 $0x36, v2;
	_ =	sdelay $0x1  }
0x485: {  	v4 =	vmul.f32 v4, v34;
	_ =	sdelay $0x1  }
0x486: {  	[tilespmem:v45+s28+$0x0] =	vst.idx.msk $0xffff, v4  }
0x487: {  	v4 =	vld.idx.msk [tilespmem:v46+s21+$0x0], $0xffff;
	_ =	sdelay $0x1  }
0x488: {  	v47 =	vor.u32 $0x36, v3  }
0x489: {  	v48 =	vadd.s32 $0x37, v2;
	_ =	sdelay $0x1  }
0x48a: {  	v4 =	vmul.f32 v4, v34;
	_ =	sdelay $0x1  }
0x48b: {  	[tilespmem:v47+s28+$0x0] =	vst.idx.msk $0xffff, v4  }
0x48c: {  	v4 =	vld.idx.msk [tilespmem:v48+s21+$0x0], $0xffff;
	_ =	sdelay $0x1  }
0x48d: {  	v49 =	vor.u32 $0x37, v3  }
0x48e: {  	v50 =	vadd.s32 $0x38, v2;
	_ =	sdelay $0x1  }
0x48f: {  	v4 =	vmul.f32 v4, v34;
	_ =	sdelay $0x1  }
0x490: {  	[tilespmem:v49+s28+$0x0] =	vst.idx.msk $0xffff, v4  }
0x491: {  	v4 =	vld.idx.msk [tilespmem:v50+s21+$0x0], $0xffff;
	_ =	sdelay $0x1  }
0x492: {  	v51 =	vor.u32 $0x38, v3  }
0x493: {  	v52 =	vadd.s32 $0x39, v2;
	_ =	sdelay $0x1  }
0x494: {  	v4 =	vmul.f32 v4, v34;
	_ =	sdelay $0x1  }
0x495: {  	[tilespmem:v51+s28+$0x0] =	vst.idx.msk $0xffff, v4  }
0x496: {  	v4 =	vld.idx.msk [tilespmem:v52+s21+$0x0], $0xffff;
	_ =	sdelay $0x1  }
0x497: {  	v53 =	vor.u32 $0x39, v3  }
0x498: {  	v54 =	vadd.s32 $0x3A, v2;
	_ =	sdelay $0x1  }
0x499: {  	v4 =	vmul.f32 v4, v34;
	_ =	sdelay $0x1  }
0x49a: {  	[tilespmem:v53+s28+$0x0] =	vst.idx.msk $0xffff, v4  }
0x49b: {  	v4 =	vld.idx.msk [tilespmem:v54+s21+$0x0], $0xffff;
	_ =	sdelay $0x1  }
0x49c: {  	v55 =	vor.u32 $0x3A, v3  }
0x49d: {  	v56 =	vadd.s32 $0x3B, v2;
	_ =	sdelay $0x1  }
0x49e: {  	v4 =	vmul.f32 v4, v34;
	_ =	sdelay $0x1  }
0x49f: {  	[tilespmem:v55+s28+$0x0] =	vst.idx.msk $0xffff, v4  }
0x4a0: {  	v4 =	vld.idx.msk [tilespmem:v56+s21+$0x0], $0xffff;
	_ =	sdelay $0x1  }
0x4a1: {  	v57 =	vor.u32 $0x3B, v3  }
0x4a2: {  	v58 =	vadd.s32 $0x3C, v2;
	_ =	sdelay $0x1  }
0x4a3: {  	v4 =	vmul.f32 v4, v34;
	_ =	sdelay $0x1  }
0x4a4: {  	[tilespmem:v57+s28+$0x0] =	vst.idx.msk $0xffff, v4  }
0x4a5: {  	v4 =	vld.idx.msk [tilespmem:v58+s21+$0x0], $0xffff;
	_ =	sdelay $0x1  }
0x4a6: {  	v59 =	vor.u32 $0x3C, v3  }
0x4a7: {  	v60 =	vadd.s32 $0x3D, v2;
	_ =	sdelay $0x1  }
0x4a8: {  	v4 =	vmul.f32 v4, v34;
	_ =	sdelay $0x1  }
0x4a9: {  	[tilespmem:v59+s28+$0x0] =	vst.idx.msk $0xffff, v4  }
0x4aa: {  	v4 =	vld.idx.msk [tilespmem:v60+s21+$0x0], $0xffff;
	_ =	sdelay $0x1  }
0x4ab: {  	v61 =	vor.u32 $0x3D, v3  }
0x4ac: {  	v62 =	vadd.s32 $0x3E, v2;
	_ =	sdelay $0x1  }
0x4ad: {  	v4 =	vmul.f32 v4, v34;
	_ =	sdelay $0x1  }
0x4ae: {  	[tilespmem:v61+s28+$0x0] =	vst.idx.msk $0xffff, v4  }
0x4af: {  	v4 =	vld.idx.msk [tilespmem:v62+s21+$0x0], $0xffff;
	_ =	sdelay $0x1  }
0x4b0: {  	v63 =	vor.u32 $0x3E, v3  }
0x4b1: {  	v2 =	vadd.s32 $0x3F, v2;
	_ =	sdelay $0x1  }
0x4b2: {  	v4 =	vmul.f32 v4, v34;
	_ =	sdelay $0x1  }
0x4b3: {  	[tilespmem:v63+s28+$0x0] =	vst.idx.msk $0xffff, v4  }
0x4b4: {  	v2 =	vld.idx.msk [tilespmem:v2+s21+$0x0], $0xffff;
	_ =	sdelay $0x1  }
0x4b5: {  	p0 =	sne.s32 s2, $0x70;
	v3 =	vor.u32 $0x3F, v3  }
.Ltmp4:
0x4b6: {  	_ = 	snop;
	(pc) =	sbr.rel @p0 .LBB2_11-.Ltmp4, $3  }
0x4b7: {  	_ = 	snop  }
0x4b8: {  	v2 =	vmul.f32 v2, v34;
	_ =	sdelay $0x1  }
0x4b9: {  	s2 =	sadd.s32 $0x10, s2;
	[tilespmem:v3+s28+$0x0] =	vst.idx.msk $0xffff, v2  }
0x4ba: {  	[spmem:s1] =	stream.indirect.scatter.add.f32 [tilespmem:s28], [sflag:$0x3], $0x40, s30, s20, $0xb8;
	[tilespmem:$0x15900] =	vst v63  }
0x4bb: {  	s0 =	sadd.s32 $0x1, s0;
	_ =	swait.ge [sflag:s17], $0x2000  }
0x4bc: {  	p0 =	sne.s32 s0, $0x9;
	[sflag:s17] =	ssyncset.done $0x0  }
.Ltmp5:
0x4bd: {  	[sflag:s17] =	ssyncadd.s32 $0xFFFFE000;
	(pc) =	sbr.rel @p0 .LBB2_4-.Ltmp5, $4  }
0x4be: {  	[spmem:s3] =	stream.indirect.scatter.add.f32 [tilespmem:s26], [sflag:$0x3], $0x10, s30, s20, $0xb8;
	[tilespmem:$0x15900] =	vst v63  }
0x4bf: {  	_ =	swait.ge [sflag:s17], $0x800  }
0x4c0: {  	[sflag:s17] =	ssyncset.done $0x0  }
0x4c1: {  	[sflag:s17] =	ssyncadd.s32 $0xFFFFF800  }
0x4c2: {  	[bflag:$0x0] =	sbarrier.arrive $0xFFFF  }
0x4c3: {  	s0 =	rddreg [dreg:$0x6]  }
0x4c4: {  	[hbm:s0], [sflag:s10] =	dma.local [spmem:s16], $0x1400  }
0x4c5: {  	s4 =	sadd.s32 $0x1, s4;
	_ =	swait.ge [sflag:s17], $0x1400  }
0x4c6: {  	p0 =	sne.s32 s4, s15;
	[sflag:s17] =	ssyncset.done $0x0  }
.Ltmp6:
0x4c7: {  	[sflag:s17] =	ssyncadd.s32 $0xFFFFEC00;
	(pc) =	sbr.rel @p0 .LBB2_1-.Ltmp6, $4  }
0x4c8: {  	[hbm:s14], [sflag:s10] =	dma.local [spmem:s18], $0x500  }
0x4c9: {  	_ =	swait.ge [sflag:s17], $0x500  }
0x4ca: {  	[sflag:s17] =	ssyncset.done $0x0  }
0x4cb: {  	[sflag:s17] =	ssyncadd.s32 $0xFFFFFB00  }
0x4cc: {  	_ =	sfence.sel $0x180000  }
0x4cd: {  	[bflag:$0x0] =	sbarrier.arrive $0xFFFF  }
0x4ce: {  	_ =	strace $0x90000047  }
0x4cf: {  	s0 =	stileid.u32;
	[bflag:$0x2] =	sbarrier.arrive $0xFFFF  }
0x4d0: {  	p0 =	sne.s32 s0, $0x0;
	s0 =	rddreg [dreg:$0x3]  }
0x4d1: {  	s0 =	sadd.s32 @!p0 $0x100000, s0  }
0x4d2: {  	[sflag:s0] =	ssyncadd.tile.s32 @!p0 $0x1;
	_ =	shalt  }
.Lfunc_end2:
_tile_overlayer_lowered:
.L_overlay_start_2:
0x4d3: {  	(tag) =	ssettag $0x2  }
0x4d4: {  	s0 =	rddreg [dreg:$0x0];
	s2 =	stileid.u32  }
0x4d5: {  	s1 =	rddreg [dreg:$0x1];
	p0 =	sne.s32 s2, $0x0  }
0x4d6: {  	s3 =	rddreg [dreg:$0x2];
	[bflag:$0x3] =	sbarrier.arrive $0xFFFF;
	s2 =	simm.s32 @!p0 $0x1C03  }
0x4d7: {  	[timem:s3], [sflag:s2] =	dma.local @!p0 [hbm:s0], s1  }
0x4d8: {  	s0 =	simm.s32 @!p0 $0x3  }
0x4d9: {  	_ =	swait.ge @!p0 [sflag:s0], s1  }
0x4da: {  	s1 =	ssub.s32 @!p0 $0x0, s1;
	[sflag:s0] =	ssyncset.done @!p0 $0x0  }
0x4db: {  	[sflag:s0] =	ssyncadd.s32 @!p0 s1  }
0x4dc: {  	[bflag:$0x3] =	sbarrier.arrive $0xFFFF  }
0x4dd: {  	_ =	shalt  }

</sc_bundles>
